<compile_context>
chip_gen: v7x
topology: tpu7x:2x2x1
jax: 0.10.2.dev20260603
libtpu: 0.0.44.dev20260713+nightly
codegen_flags: <defaults>
</compile_context>

<pallas_src>
import functools

import jax
import jax.numpy as jnp
from jax import lax
from jax.experimental import pallas as pl
from jax.experimental.pallas import tpu as pltpu

N = 10000
NP = 10240
E = 320000
K = 5000
CH = 16


def _tc_mm1(xp, W1r):
    def body(x_ref, w_ref, o_ref):
        o_ref[...] = jnp.dot(x_ref[...], w_ref[0],
                             preferred_element_type=jnp.float32)

    return pl.pallas_call(
        body,
        grid=(2, 40),
        in_specs=[
            pl.BlockSpec((256, 128), lambda c, m: (m, 0)),
            pl.BlockSpec((1, 128, 128), lambda c, m: (c, 0, 0)),
        ],
        out_specs=pl.BlockSpec((256, 128), lambda c, m: (c * 40 + m, 0)),
        out_shape=jax.ShapeDtypeStruct((2 * NP, 128), jnp.float32),
    )(xp, W1r)


def _tc_h(acc1, hlin3, sn3, b1r):
    def body(a_ref, h_ref, n_ref, b_ref, o_ref):
        hh = a_ref[0] + h_ref[0] * n_ref[0]
        o_ref[...] = jnp.maximum(hh + b_ref[0], 0.0)

    return pl.pallas_call(
        body,
        grid=(2, 40),
        in_specs=[
            pl.BlockSpec((1, 256, 128), lambda c, m: (c, m, 0)),
            pl.BlockSpec((1, 256, 128), lambda c, m: (c, m, 0)),
            pl.BlockSpec((1, 256, 1), lambda c, m: (0, m, 0)),
            pl.BlockSpec((1, 1, 128), lambda c, m: (c, 0, 0)),
        ],
        out_specs=pl.BlockSpec((256, 128), lambda c, m: (c * 40 + m, 0)),
        out_shape=jax.ShapeDtypeStruct((2 * NP, 128), jnp.float32),
    )(acc1, hlin3, sn3, b1r)


def _tc_score(agg3, h3, Wgrel, Wgroot, bgv):
    def body(a_ref, h_ref, wr_ref, wo_ref, bg_ref, s_ref, k_ref):
        m = pl.program_id(0)
        a = jnp.concatenate([a_ref[0], a_ref[1]], axis=1)
        h = jnp.concatenate([h_ref[0], h_ref[1]], axis=1)
        pre = (jnp.dot(a, wr_ref[...], preferred_element_type=jnp.float32)
               + jnp.dot(h, wo_ref[...], preferred_element_type=jnp.float32)
               + bg_ref[0, 0])
        sc = jnp.tanh(pre)
        sc = jnp.where(sc == 0.0, 0.0, sc)
        fi = m * 1024 + lax.broadcasted_iota(jnp.int32, (1024, 1), 0)
        sc = jnp.where(fi < N, sc, -jnp.inf)
        s_ref[...] = sc
        bits = lax.bitcast_convert_type(sc, jnp.int32)
        k_ref[...] = jnp.where(bits < 0, bits ^ jnp.int32(0x7FFFFFFF), bits)

    return pl.pallas_call(
        body,
        grid=(10,),
        in_specs=[
            pl.BlockSpec((2, 1024, 128), lambda m: (0, m, 0)),
            pl.BlockSpec((2, 1024, 128), lambda m: (0, m, 0)),
            pl.BlockSpec((256, 1), lambda m: (0, 0)),
            pl.BlockSpec((256, 1), lambda m: (0, 0)),
            pl.BlockSpec((1, 1), lambda m: (0, 0)),
        ],
        out_specs=[
            pl.BlockSpec((1024, 1), lambda m: (m, 0)),
            pl.BlockSpec((1024, 1), lambda m: (m, 0)),
        ],
        out_shape=[
            jax.ShapeDtypeStruct((NP, 1), jnp.float32),
            jax.ShapeDtypeStruct((NP, 1), jnp.int32),
        ],
    )(agg3, h3, Wgrel, Wgroot, bgv)


def _tc_rank(kcol, krow):
    def body(kc_ref, kr_ref, o_ref):
        m = pl.program_id(0)
        ki = kc_ref[...]
        fi = m * 1024 + lax.broadcasted_iota(jnp.int32, (1024, 1), 0)
        acc = jnp.zeros((1024, 128), jnp.int32)
        for jr in range(80):
            kj = kr_ref[jr, :].reshape(1, 128)
            fj = jr * 128 + lax.broadcasted_iota(jnp.int32, (1, 128), 1)
            gt = kj > ki
            tie = (kj == ki) & (fj < fi)
            acc = acc + (gt | tie).astype(jnp.int32)
        o_ref[...] = jnp.sum(acc, axis=1, keepdims=True)

    return pl.pallas_call(
        body,
        grid=(10,),
        in_specs=[
            pl.BlockSpec((1024, 1), lambda m: (m, 0)),
            pl.BlockSpec((80, 128), lambda m: (0, 0)),
        ],
        out_specs=pl.BlockSpec((1024, 1), lambda m: (m, 0)),
        out_shape=jax.ShapeDtypeStruct((NP, 1), jnp.int32),
    )(kcol, krow)



def _ordered_scatter(table, src, dst, scale):
    D = table.shape[1]
    s2 = src.reshape(-1, CH)
    d2 = dst.reshape(-1, CH)
    w2 = scale.reshape(-1, CH) if scale is not None else None

    def body(acc, xs):
        if w2 is None:
            s, d = xs
            for j in range(CH):
                acc = acc.at[d[j]].add(table[s[j]])
        else:
            s, d, w = xs
            for j in range(CH):
                acc = acc.at[d[j]].add(table[s[j]] * w[j])
        return acc, None

    xs = (s2, d2) if w2 is None else (s2, d2, w2)
    acc, _ = lax.scan(body, jnp.zeros((N, D), jnp.float32), xs)
    return acc


def kernel(x, edge_index, W1, b1, W2, b2, Wg_rel, Wg_root, bg):
    f32 = jnp.float32
    src = edge_index[0].astype(jnp.int32)
    dst = edge_index[1].astype(jnp.int32)
    xp = jnp.concatenate([x, jnp.zeros((NP - N, 128), f32)], axis=0)
    W1r = jnp.moveaxis(W1.reshape(128, 2, 128), 1, 0)
    b1r = b1.reshape(2, 1, 128)
    bgv = bg.reshape(1, 1)

    deg = jnp.zeros((N,), f32).at[dst].add(1.0) + 1.0
    dinv = jnp.where(deg > 0, 1.0 / jnp.sqrt(jnp.where(deg > 0, deg, 1.0)), 0.0)
    norm = dinv[src] * dinv[dst]

    hlin = _tc_mm1(xp, W1r)
    hlin_n = jnp.concatenate([hlin[:N], hlin[NP:NP + N]], axis=1)
    acc1 = _ordered_scatter(hlin_n, src, dst, norm)
    acc1p = jnp.concatenate([acc1, jnp.zeros((NP - N, 256), f32)], 0)
    acc13 = jnp.moveaxis(acc1p.reshape(NP, 2, 128), 1, 0)
    sn3 = jnp.pad(dinv * dinv, (0, NP - N)).reshape(1, NP, 1)
    h = _tc_h(acc13, hlin.reshape(2, NP, 128), sn3, b1r)
    h3 = h.reshape(2, NP, 128)
    h_n = jnp.concatenate([h[:N], h[NP:NP + N]], axis=1)
    agg = _ordered_scatter(h_n, src, dst, None)
    aggp = jnp.concatenate([agg, jnp.zeros((NP - N, 256), f32)], 0)
    agg3 = jnp.moveaxis(aggp.reshape(NP, 2, 128), 1, 0)
    score_col, key_col = _tc_score(agg3, h3, Wg_rel, Wg_root, bgv)
    rank_col = _tc_rank(key_col, key_col.reshape(80, 128))
    rank = rank_col[:N, 0]
    S = score_col[:N, 0]
    keep = rank < K
    emask = keep[src] & keep[dst]
    s2 = jnp.where(emask, rank[src], 0)
    d2 = jnp.where(emask, rank[dst], 0)
    ew2 = emask.astype(f32)
    deg2 = jnp.zeros((N,), f32).at[dst].add(ew2) + 1.0
    dinv2 = jnp.where(deg2 > 0,
                      1.0 / jnp.sqrt(jnp.where(deg2 > 0, deg2, 1.0)), 0.0)
    h2s = ((h_n * S[:, None]) @ W2) * (keep.astype(f32) * dinv2)[:, None]
    acc2 = jnp.zeros((N, 256), f32).at[dst].add(h2s[src])
    z = jax.nn.relu(dinv2[:, None] * (acc2 + h2s) + b2)
    rc = jnp.minimum(rank, K)
    out = jnp.zeros((K + 1, 256), f32).at[rc].set(z)[:K]
    return out, jnp.stack([s2, d2]), emask

# --- scband reference (transcript-rebuilt; emitter-appended) ---
"""Pipeline reference for scband-graph-encoder-13211319403266 (READ-ONLY COPY).

The authoritative reference and input builder live on the scoring server;
editing this copy changes nothing except your own understanding.
"""

import jax, jax.numpy as jnp
import numpy as np
import math

N = 10000
E = 320000
D_IN = 128
D_H = 256
RATIO = 0.5
K = int(math.ceil(RATIO * N))  # 5000


def setup_inputs(seed: int = 0) -> dict:
    key = jax.random.key(seed)
    ks = jax.random.split(key, 8)
    x = jax.random.normal(ks[0], (N, D_IN), dtype=jnp.float32)
    edge_index = jax.random.randint(ks[1], (2, E), 0, N, dtype=jnp.int32).astype(jnp.int64)
    W1 = jax.random.normal(ks[2], (D_IN, D_H), dtype=jnp.float32) * (1.0 / np.sqrt(D_IN))
    b1 = jnp.zeros((D_H,), dtype=jnp.float32)
    W2 = jax.random.normal(ks[3], (D_H, D_H), dtype=jnp.float32) * (1.0 / np.sqrt(D_H))
    b2 = jnp.zeros((D_H,), dtype=jnp.float32)
    Wg_rel = jax.random.normal(ks[4], (D_H, 1), dtype=jnp.float32) * (1.0 / np.sqrt(D_H))
    Wg_root = jax.random.normal(ks[5], (D_H, 1), dtype=jnp.float32) * (1.0 / np.sqrt(D_H))
    bg = jnp.zeros((1,), dtype=jnp.float32)
    return {"x": x, "edge_index": edge_index, "W1": W1, "b1": b1, "W2": W2, "b2": b2, "Wg_rel": Wg_rel, "Wg_root": Wg_root, "bg": bg}


def gcn_conv(x, src, dst, ew, W, b, n):
    # PyG GCNConv: add self-loops, symmetric normalization, weighted scatter-add
    loop = jnp.arange(n, dtype=src.dtype)
    s = jnp.concatenate([src, loop])
    d = jnp.concatenate([dst, loop])
    w = jnp.concatenate([ew, jnp.ones((n,), dtype=x.dtype)])
    deg = jnp.zeros((n,), dtype=x.dtype).at[d].add(w)
    dinv = jnp.where(deg > 0, 1.0 / jnp.sqrt(jnp.where(deg > 0, deg, 1.0)), 0.0)
    norm = dinv[s] * dinv[d] * w
    h = x @ W
    out = jnp.zeros((n, W.shape[1]), dtype=x.dtype).at[d].add(h[s] * norm[:, None])
    return out + b


def graph_conv(x, src, dst, Wrel, Wroot, b, n):
    # PyG GraphConv (default GNN used by SAGPooling): sum-aggregated neighbors + root transform
    agg = jnp.zeros((n, x.shape[1]), dtype=x.dtype).at[dst].add(x[src])
    return agg @ Wrel + x @ Wroot + b


def reference(x, edge_index, W1, b1, W2, b2, Wg_rel, Wg_root, bg):
    src = edge_index[0]
    dst = edge_index[1]
    ew = jnp.ones((E,), dtype=x.dtype)
    # conv1 + relu
    h = jax.nn.relu(gcn_conv(x, src, dst, ew, W1, b1, N))
    # SAGPooling(ratio=0.5): score via GraphConv(out=1), tanh nonlinearity, top-k selection
    score = jnp.tanh(graph_conv(h, src, dst, Wg_rel, Wg_root, bg, N).reshape(-1))
    vals, perm = jax.lax.top_k(score, K)
    xp = h[perm] * vals[:, None]
    # filter_adj: keep only edges whose endpoints both survive; relabel.
    # Static-shape formulation: dropped edges become weight-0 self-edges at node 0.
    keep = jnp.zeros((N,), dtype=bool).at[perm].set(True)
    new_idx = jnp.zeros((N,), dtype=jnp.int32).at[perm].set(jnp.arange(K, dtype=jnp.int32))
    emask = keep[src] & keep[dst]
    s2 = jnp.where(emask, new_idx[src], 0)
    d2 = jnp.where(emask, new_idx[dst], 0)
    ew2 = emask.astype(x.dtype)
    # conv2 + relu on pooled graph
    out = jax.nn.relu(gcn_conv(xp, s2, d2, ew2, W2, b2, K))
    return out, jnp.stack([s2, d2]), emask

if __name__ == "__main__":
    import jax
    _d = setup_inputs()
    print(jax.jit(kernel)(*tuple(_d.values())))

</pallas_src>

<mosaic_0001>
module attributes {stable_mosaic.version = 14 : i64} {
  func.func @body(%arg0: i32, %arg1: i32, %arg2: memref<256x128xf32, #tpu.memory_space<vmem>>, %arg3: memref<1x128x128xf32, #tpu.memory_space<vmem>>, %arg4: memref<256x128xf32, #tpu.memory_space<vmem>>) attributes {dimension_semantics = [#tpu.dimension_semantics<arbitrary>, #tpu.dimension_semantics<arbitrary>], iteration_bounds = array<i64: 2, 40>, scalar_prefetch = 0 : i64, scratch_operands = 0 : i64, tpu.core_type = #tpu.core_type<tc>, window_params = [{transform_indices = @transform_0, window_bounds = array<i64: 256, 128>}, {transform_indices = @transform_1, window_bounds = array<i64: 1, 128, 128>}, {transform_indices = @transform_2, window_bounds = array<i64: 256, 128>}]} {
    %get3A = arith.constant 0 : index
    %get3A_0 = arith.constant 0 : index
    %get3A_1 = vector.load %arg2[%get3A, %get3A_0] : memref<256x128xf32, #tpu.memory_space<vmem>>, vector<256x128xf32>
    %get3A_2 = arith.constant 0 : index
    %get3A_3 = arith.constant 0 : index
    %get3A_4 = arith.constant 0 : index
    %get3A_5 = vector.load %arg3[%get3A_2, %get3A_3, %get3A_4] : memref<1x128x128xf32, #tpu.memory_space<vmem>>, vector<1x128x128xf32>
    %get3A_6 = vector.shape_cast %get3A_5 : vector<1x128x128xf32> to vector<128x128xf32>
    %dot_general3A = arith.constant dense<0.000000e+00> : vector<256x128xf32>
    %dot_general3A_7 = tpu.matmul %get3A_1, %get3A_6, %dot_general3A {dimension_numbers = #tpu.dot_dimension_numbers<[1], [0], [0], [1], [0, 0, 1, 1], [], []>, transpose_lhs_hint = false} : vector<256x128xf32>, vector<128x128xf32>, vector<256x128xf32> -> vector<256x128xf32>
    %swap3A = arith.constant 0 : index
    %swap3A_8 = arith.constant 0 : index
    %swap3A_9 = vector.load %arg4[%swap3A, %swap3A_8] : memref<256x128xf32, #tpu.memory_space<vmem>>, vector<256x128xf32>
    tpu.vector_store %arg4[%swap3A, %swap3A_8], %dot_general3A_7 {strides = array<i32>} : memref<256x128xf32, #tpu.memory_space<vmem>>, vector<256x128xf32>,
    return
  }
  func.func @transform_0(%arg0: i32, %arg1: i32) -> (i32, i32) {
    %c0_i32 = arith.constant 0 : i32
    %c0_i32_0 = arith.constant 0 : i32
    return %arg1, %c0_i32 : i32, i32
  }
  func.func @transform_1(%arg0: i32, %arg1: i32) -> (i32, i32, i32) {
    %c0_i32 = arith.constant 0 : i32
    %c0_i32_0 = arith.constant 0 : i32
    %c0_i32_1 = arith.constant 0 : i32
    return %arg0, %c0_i32, %c0_i32_0 : i32, i32, i32
  }
  func.func @transform_2(%arg0: i32, %arg1: i32) -> (i32, i32) {
    %mul3A = arith.constant 40 : i32
    %mul3A_0 = arith.muli %arg0, %mul3A : i32
    %add3A = arith.addi %mul3A_0, %arg1 : i32
    %c0_i32 = arith.constant 0 : i32
    %c0_i32_1 = arith.constant 0 : i32
    return %add3A, %c0_i32 : i32, i32
  }
}

module attributes {stable_mosaic.version = 14 : i64} {
  func.func @body(%arg0: i32, %arg1: i32, %arg2: memref<1x256x128xf32, #tpu.memory_space<vmem>>, %arg3: memref<1x256x128xf32, #tpu.memory_space<vmem>>, %arg4: memref<1x256x1xf32, #tpu.memory_space<vmem>>, %arg5: memref<1x1x128xf32, #tpu.memory_space<vmem>>, %arg6: memref<256x128xf32, #tpu.memory_space<vmem>>) attributes {dimension_semantics = [#tpu.dimension_semantics<arbitrary>, #tpu.dimension_semantics<arbitrary>], iteration_bounds = array<i64: 2, 40>, scalar_prefetch = 0 : i64, scratch_operands = 0 : i64, tpu.core_type = #tpu.core_type<tc>, window_params = [{transform_indices = @transform_0, window_bounds = array<i64: 1, 256, 128>}, {transform_indices = @transform_1, window_bounds = array<i64: 1, 256, 128>}, {transform_indices = @transform_2, window_bounds = array<i64: 1, 256, 1>}, {transform_indices = @transform_3, window_bounds = array<i64: 1, 1, 128>}, {transform_indices = @transform_4, window_bounds = array<i64: 256, 128>}]} {
    %get3A = arith.constant 0 : index
    %get3A_0 = arith.constant 0 : index
    %get3A_1 = arith.constant 0 : index
    %get3A_2 = vector.load %arg2[%get3A, %get3A_0, %get3A_1] : memref<1x256x128xf32, #tpu.memory_space<vmem>>, vector<1x256x128xf32>
    %get3A_3 = vector.shape_cast %get3A_2 : vector<1x256x128xf32> to vector<256x128xf32>
    %get3A_4 = arith.constant 0 : index
    %get3A_5 = arith.constant 0 : index
    %get3A_6 = arith.constant 0 : index
    %get3A_7 = vector.load %arg3[%get3A_4, %get3A_5, %get3A_6] : memref<1x256x128xf32, #tpu.memory_space<vmem>>, vector<1x256x128xf32>
    %get3A_8 = vector.shape_cast %get3A_7 : vector<1x256x128xf32> to vector<256x128xf32>
    %get3A_9 = arith.constant 0 : index
    %get3A_10 = arith.constant 0 : index
    %get3A_11 = arith.constant 0 : index
    %get3A_12 = vector.load %arg4[%get3A_9, %get3A_10, %get3A_11] : memref<1x256x1xf32, #tpu.memory_space<vmem>>, vector<1x256x1xf32>
    %get3A_13 = vector.shape_cast %get3A_12 : vector<1x256x1xf32> to vector<256x1xf32>
    %mul3A = vector.broadcast %get3A_13 : vector<256x1xf32> to vector<256x128xf32>
    %mul3A_14 = arith.mulf %get3A_8, %mul3A : vector<256x128xf32>
    %add3A = arith.addf %get3A_3, %mul3A_14 : vector<256x128xf32>
    %get3A_15 = arith.constant 0 : index
    %get3A_16 = arith.constant 0 : index
    %get3A_17 = arith.constant 0 : index
    %get3A_18 = vector.load %arg5[%get3A_15, %get3A_16, %get3A_17] : memref<1x1x128xf32, #tpu.memory_space<vmem>>, vector<1x1x128xf32>
    %get3A_19 = vector.shape_cast %get3A_18 : vector<1x1x128xf32> to vector<1x128xf32>
    %add3A_20 = vector.broadcast %get3A_19 : vector<1x128xf32> to vector<256x128xf32>
    %add3A_21 = arith.addf %add3A, %add3A_20 : vector<256x128xf32>
    %max3A = arith.constant 0.000000e+00 : f32
    %max3A_22 = vector.broadcast %max3A : f32 to vector<256x128xf32>
    %max3A_23 = arith.maximumf %add3A_21, %max3A_22 : vector<256x128xf32>
    %swap3A = arith.constant 0 : index
    %swap3A_24 = arith.constant 0 : index
    %swap3A_25 = vector.load %arg6[%swap3A, %swap3A_24] : memref<256x128xf32, #tpu.memory_space<vmem>>, vector<256x128xf32>
    tpu.vector_store %arg6[%swap3A, %swap3A_24], %max3A_23 {strides = array<i32>} : memref<256x128xf32, #tpu.memory_space<vmem>>, vector<256x128xf32>,
    return
  }
  func.func @transform_0(%arg0: i32, %arg1: i32) -> (i32, i32, i32) {
    %c0_i32 = arith.constant 0 : i32
    %c0_i32_0 = arith.constant 0 : i32
    return %arg0, %arg1, %c0_i32 : i32, i32, i32
  }
  func.func @transform_1(%arg0: i32, %arg1: i32) -> (i32, i32, i32) {
    %c0_i32 = arith.constant 0 : i32
    %c0_i32_0 = arith.constant 0 : i32
    return %arg0, %arg1, %c0_i32 : i32, i32, i32
  }
  func.func @transform_2(%arg0: i32, %arg1: i32) -> (i32, i32, i32) {
    %c0_i32 = arith.constant 0 : i32
    %c0_i32_0 = arith.constant 0 : i32
    %c0_i32_1 = arith.constant 0 : i32
    return %c0_i32, %arg1, %c0_i32_0 : i32, i32, i32
  }
  func.func @transform_3(%arg0: i32, %arg1: i32) -> (i32, i32, i32) {
    %c0_i32 = arith.constant 0 : i32
    %c0_i32_0 = arith.constant 0 : i32
    %c0_i32_1 = arith.constant 0 : i32
    return %arg0, %c0_i32, %c0_i32_0 : i32, i32, i32
  }
  func.func @transform_4(%arg0: i32, %arg1: i32) -> (i32, i32) {
    %mul3A = arith.constant 40 : i32
    %mul3A_0 = arith.muli %arg0, %mul3A : i32
    %add3A = arith.addi %mul3A_0, %arg1 : i32
    %c0_i32 = arith.constant 0 : i32
    %c0_i32_1 = arith.constant 0 : i32
    return %add3A, %c0_i32 : i32, i32
  }
}

module attributes {stable_mosaic.version = 14 : i64} {
  func.func @body(%arg0: i32, %arg1: memref<2x1024x128xf32, #tpu.memory_space<vmem>>, %arg2: memref<2x1024x128xf32, #tpu.memory_space<vmem>>, %arg3: memref<256x1xf32, #tpu.memory_space<vmem>>, %arg4: memref<256x1xf32, #tpu.memory_space<vmem>>, %arg5: memref<1x1xf32, #tpu.memory_space<vmem>>, %arg6: memref<1024x1xf32, #tpu.memory_space<vmem>>, %arg7: memref<1024x1xi32, #tpu.memory_space<vmem>>) attributes {dimension_semantics = [#tpu.dimension_semantics<arbitrary>], iteration_bounds = array<i64: 10>, scalar_prefetch = 0 : i64, scratch_operands = 0 : i64, tpu.core_type = #tpu.core_type<tc>, window_params = [{transform_indices = @transform_0, window_bounds = array<i64: 2, 1024, 128>}, {transform_indices = @transform_1, window_bounds = array<i64: 2, 1024, 128>}, {pipeline_mode = #tpu.pipeline_mode<synchronous>, transform_indices = @transform_2, window_bounds = array<i64: 256, 1>}, {pipeline_mode = #tpu.pipeline_mode<synchronous>, transform_indices = @transform_3, window_bounds = array<i64: 256, 1>}, {pipeline_mode = #tpu.pipeline_mode<synchronous>, transform_indices = @transform_4, window_bounds = array<i64: 1, 1>}, {transform_indices = @transform_5, window_bounds = array<i64: 1024, 1>}, {transform_indices = @transform_6, window_bounds = array<i64: 1024, 1>}]} {
    %get3A = arith.constant 0 : index
    %get3A_0 = arith.constant 0 : index
    %get3A_1 = arith.constant 0 : index
    %get3A_2 = vector.load %arg1[%get3A, %get3A_0, %get3A_1] : memref<2x1024x128xf32, #tpu.memory_space<vmem>>, vector<1x1024x128xf32>
    %get3A_3 = vector.shape_cast %get3A_2 : vector<1x1024x128xf32> to vector<1024x128xf32>
    %get3A_4 = arith.constant 1 : index
    %get3A_5 = arith.constant 0 : index
    %get3A_6 = arith.constant 0 : index
    %get3A_7 = vector.load %arg1[%get3A_4, %get3A_5, %get3A_6] : memref<2x1024x128xf32, #tpu.memory_space<vmem>>, vector<1x1024x128xf32>
    %get3A_8 = vector.shape_cast %get3A_7 : vector<1x1024x128xf32> to vector<1024x128xf32>
    %concatenate3A = tpu.concatenate %get3A_3, %get3A_8 in 1 : vector<1024x128xf32>, vector<1024x128xf32> -> vector<1024x256xf32>
    %get3A_9 = arith.constant 0 : index
    %get3A_10 = arith.constant 0 : index
    %get3A_11 = arith.constant 0 : index
    %get3A_12 = vector.load %arg2[%get3A_9, %get3A_10, %get3A_11] : memref<2x1024x128xf32, #tpu.memory_space<vmem>>, vector<1x1024x128xf32>
    %get3A_13 = vector.shape_cast %get3A_12 : vector<1x1024x128xf32> to vector<1024x128xf32>
    %get3A_14 = arith.constant 1 : index
    %get3A_15 = arith.constant 0 : index
    %get3A_16 = arith.constant 0 : index
    %get3A_17 = vector.load %arg2[%get3A_14, %get3A_15, %get3A_16] : memref<2x1024x128xf32, #tpu.memory_space<vmem>>, vector<1x1024x128xf32>
    %get3A_18 = vector.shape_cast %get3A_17 : vector<1x1024x128xf32> to vector<1024x128xf32>
    %concatenate3A_19 = tpu.concatenate %get3A_13, %get3A_18 in 1 : vector<1024x128xf32>, vector<1024x128xf32> -> vector<1024x256xf32>
    %get3A_20 = arith.constant 0 : index
    %get3A_21 = arith.constant 0 : index
    %get3A_22 = vector.load %arg3[%get3A_20, %get3A_21] : memref<256x1xf32, #tpu.memory_space<vmem>>, vector<256x1xf32>
    %dot_general3A = arith.constant dense<0.000000e+00> : vector<1024x1xf32>
    %dot_general3A_23 = tpu.matmul %concatenate3A, %get3A_22, %dot_general3A {dimension_numbers = #tpu.dot_dimension_numbers<[1], [0], [0], [1], [0, 0, 1, 1], [], []>, transpose_lhs_hint = false} : vector<1024x256xf32>, vector<256x1xf32>, vector<1024x1xf32> -> vector<1024x1xf32>
    %get3A_24 = arith.constant 0 : index
    %get3A_25 = arith.constant 0 : index
    %get3A_26 = vector.load %arg4[%get3A_24, %get3A_25] : memref<256x1xf32, #tpu.memory_space<vmem>>, vector<256x1xf32>
    %dot_general3A_27 = arith.constant dense<0.000000e+00> : vector<1024x1xf32>
    %dot_general3A_28 = tpu.matmul %concatenate3A_19, %get3A_26, %dot_general3A_27 {dimension_numbers = #tpu.dot_dimension_numbers<[1], [0], [0], [1], [0, 0, 1, 1], [], []>, transpose_lhs_hint = false} : vector<1024x256xf32>, vector<256x1xf32>, vector<1024x1xf32> -> vector<1024x1xf32>
    %add3A = arith.addf %dot_general3A_23, %dot_general3A_28 : vector<1024x1xf32>
    %get3A_29 = arith.constant 0 : index
    %get3A_30 = arith.constant 0 : index
    %get3A_31 = vector.load %arg5[%get3A_29, %get3A_30] : memref<1x1xf32, #tpu.memory_space<vmem>>, vector<1x1xf32>
    %get3A_32 = vector.extract %get3A_31[0, 0] : f32 from vector<1x1xf32>
    %add3A_33 = vector.broadcast %get3A_32 : f32 to vector<1024x1xf32>
    %add3A_34 = arith.addf %add3A, %add3A_33 : vector<1024x1xf32>
    %tanh3A = math.tanh %add3A_34 : vector<1024x1xf32>
    %eq3A = arith.constant 0.000000e+00 : f32
    %eq3A_35 = vector.broadcast %eq3A : f32 to vector<1024x1xf32>
    %eq3A_36 = arith.cmpf oeq, %tanh3A, %eq3A_35 : vector<1024x1xf32>
    %jit3A = arith.constant 0.000000e+00 : f32
    %broadcast_in_dim3A = vector.broadcast %jit3A : f32 to vector<1024x1xf32>
    %select_n3A = arith.select %eq3A_36, %broadcast_in_dim3A, %tanh3A : vector<1024x1xi1>, vector<1024x1xf32>
    %mul3A = arith.constant 1024 : i32
    %mul3A_37 = arith.muli %arg0, %mul3A : i32
    %iota3A = tpu.iota {dimensions = array<i32: 0>} : vector<1024x1xi32>
    %add3A_38 = vector.broadcast %mul3A_37 : i32 to vector<1024x1xi32>
    %add3A_39 = arith.addi %add3A_38, %iota3A : vector<1024x1xi32>
    %lt3A = arith.constant 10000 : i32
    %lt3A_40 = vector.broadcast %lt3A : i32 to vector<1024x1xi32>
    %lt3A_41 = arith.cmpi slt, %add3A_39, %lt3A_40 : vector<1024x1xi32>
    %jit3A_42 = arith.constant 0xFF800000 : f32
    %broadcast_in_dim3A_43 = vector.broadcast %jit3A_42 : f32 to vector<1024x1xf32>
    %select_n3A_44 = arith.select %lt3A_41, %select_n3A, %broadcast_in_dim3A_43 : vector<1024x1xi1>, vector<1024x1xf32>
    %swap3A = arith.constant 0 : index
    %swap3A_45 = arith.constant 0 : index
    %swap3A_46 = vector.load %arg6[%swap3A, %swap3A_45] : memref<1024x1xf32, #tpu.memory_space<vmem>>, vector<1024x1xf32>
    tpu.vector_store %arg6[%swap3A, %swap3A_45], %select_n3A_44 {strides = array<i32>} : memref<1024x1xf32, #tpu.memory_space<vmem>>, vector<1024x1xf32>,
    %bitcast_convert_type3A = tpu.bitcast %select_n3A_44 : vector<1024x1xf32> -> vector<1024x1xi32>
    %lt3A_47 = arith.constant 0 : i32
    %lt3A_48 = vector.broadcast %lt3A_47 : i32 to vector<1024x1xi32>
    %lt3A_49 = arith.cmpi slt, %bitcast_convert_type3A, %lt3A_48 : vector<1024x1xi32>
    %xor3A = arith.constant 2147483647 : i32
    %xor3A_50 = vector.broadcast %xor3A : i32 to vector<1024x1xi32>
    %xor3A_51 = arith.xori %bitcast_convert_type3A, %xor3A_50 : vector<1024x1xi32>
    %select_n3A_52 = arith.select %lt3A_49, %xor3A_51, %bitcast_convert_type3A : vector<1024x1xi1>, vector<1024x1xi32>
    %swap3A_53 = arith.constant 0 : index
    %swap3A_54 = arith.constant 0 : index
    %swap3A_55 = vector.load %arg7[%swap3A_53, %swap3A_54] : memref<1024x1xi32, #tpu.memory_space<vmem>>, vector<1024x1xi32>
    tpu.vector_store %arg7[%swap3A_53, %swap3A_54], %select_n3A_52 {strides = array<i32>} : memref<1024x1xi32, #tpu.memory_space<vmem>>, vector<1024x1xi32>,
    return
  }
  func.func @transform_0(%arg0: i32) -> (i32, i32, i32) {
    %c0_i32 = arith.constant 0 : i32
    %c0_i32_0 = arith.constant 0 : i32
    %c0_i32_1 = arith.constant 0 : i32
    return %c0_i32, %arg0, %c0_i32_0 : i32, i32, i32
  }
  func.func @transform_1(%arg0: i32) -> (i32, i32, i32) {
    %c0_i32 = arith.constant 0 : i32
    %c0_i32_0 = arith.constant 0 : i32
    %c0_i32_1 = arith.constant 0 : i32
    return %c0_i32, %arg0, %c0_i32_0 : i32, i32, i32
  }
  func.func @transform_2(%arg0: i32) -> (i32, i32) {
    %c0_i32 = arith.constant 0 : i32
    %c0_i32_0 = arith.constant 0 : i32
    %c0_i32_1 = arith.constant 0 : i32
    return %c0_i32, %c0_i32_0 : i32, i32
  }
  func.func @transform_3(%arg0: i32) -> (i32, i32) {
    %c0_i32 = arith.constant 0 : i32
    %c0_i32_0 = arith.constant 0 : i32
    %c0_i32_1 = arith.constant 0 : i32
    return %c0_i32, %c0_i32_0 : i32, i32
  }
  func.func @transform_4(%arg0: i32) -> (i32, i32) {
    %c0_i32 = arith.constant 0 : i32
    %c0_i32_0 = arith.constant 0 : i32
    %c0_i32_1 = arith.constant 0 : i32
    return %c0_i32, %c0_i32_0 : i32, i32
  }
  func.func @transform_5(%arg0: i32) -> (i32, i32) {
    %c0_i32 = arith.constant 0 : i32
    %c0_i32_0 = arith.constant 0 : i32
    return %arg0, %c0_i32 : i32, i32
  }
  func.func @transform_6(%arg0: i32) -> (i32, i32) {
    %c0_i32 = arith.constant 0 : i32
    %c0_i32_0 = arith.constant 0 : i32
    return %arg0, %c0_i32 : i32, i32
  }
}

module attributes {stable_mosaic.version = 14 : i64} {
  func.func @body(%arg0: i32, %arg1: memref<1024x1xi32, #tpu.memory_space<vmem>>, %arg2: memref<80x128xi32, #tpu.memory_space<vmem>>, %arg3: memref<1024x1xi32, #tpu.memory_space<vmem>>) attributes {dimension_semantics = [#tpu.dimension_semantics<arbitrary>], iteration_bounds = array<i64: 10>, scalar_prefetch = 0 : i64, scratch_operands = 0 : i64, tpu.core_type = #tpu.core_type<tc>, window_params = [{transform_indices = @transform_0, window_bounds = array<i64: 1024, 1>}, {pipeline_mode = #tpu.pipeline_mode<synchronous>, transform_indices = @transform_1, window_bounds = array<i64: 80, 128>}, {transform_indices = @transform_2, window_bounds = array<i64: 1024, 1>}]} {
    %get3A = arith.constant 0 : index
    %get3A_0 = arith.constant 0 : index
    %get3A_1 = vector.load %arg1[%get3A, %get3A_0] : memref<1024x1xi32, #tpu.memory_space<vmem>>, vector<1024x1xi32>
    %mul3A = arith.constant 1024 : i32
    %mul3A_2 = arith.muli %arg0, %mul3A : i32
    %iota3A = tpu.iota {dimensions = array<i32: 0>} : vector<1024x1xi32>
    %add3A = vector.broadcast %mul3A_2 : i32 to vector<1024x1xi32>
    %add3A_3 = arith.addi %add3A, %iota3A : vector<1024x1xi32>
    %broadcast_in_dim3A = arith.constant 0 : i32
    %broadcast_in_dim3A_4 = vector.broadcast %broadcast_in_dim3A : i32 to vector<1024x128xi32>
    %get3A_5 = arith.constant 0 : index
    %get3A_6 = arith.constant 0 : index
    %get3A_7 = vector.load %arg2[%get3A_5, %get3A_6] : memref<80x128xi32, #tpu.memory_space<vmem>>, vector<1x128xi32>
    %get3A_8 = vector.shape_cast %get3A_7 : vector<1x128xi32> to vector<128xi32>
    %reshape3A = vector.shape_cast %get3A_8 : vector<128xi32> to vector<1x128xi32>
    %iota3A_9 = tpu.iota {dimensions = array<i32: 1>} : vector<1x128xi32>
    %add3A_10 = arith.constant 0 : i32
    %add3A_11 = vector.broadcast %add3A_10 : i32 to vector<1x128xi32>
    %add3A_12 = arith.addi %add3A_11, %iota3A_9 : vector<1x128xi32>
    %gt3A = vector.broadcast %reshape3A : vector<1x128xi32> to vector<1024x128xi32>
    %gt3A_13 = vector.broadcast %get3A_1 : vector<1024x1xi32> to vector<1024x128xi32>
    %gt3A_14 = arith.cmpi sgt, %gt3A, %gt3A_13 : vector<1024x128xi32>
    %eq3A = vector.broadcast %reshape3A : vector<1x128xi32> to vector<1024x128xi32>
    %eq3A_15 = vector.broadcast %get3A_1 : vector<1024x1xi32> to vector<1024x128xi32>
    %eq3A_16 = arith.cmpi eq, %eq3A, %eq3A_15 : vector<1024x128xi32>
    %lt3A = vector.broadcast %add3A_12 : vector<1x128xi32> to vector<1024x128xi32>
    %lt3A_17 = vector.broadcast %add3A_3 : vector<1024x1xi32> to vector<1024x128xi32>
    %lt3A_18 = arith.cmpi slt, %lt3A, %lt3A_17 : vector<1024x128xi32>
    %and3A = arith.andi %eq3A_16, %lt3A_18 : vector<1024x128xi1>
    %or3A = arith.ori %gt3A_14, %and3A : vector<1024x128xi1>
    %convert_element_type3A = arith.extui %or3A : vector<1024x128xi1> to vector<1024x128xi32>
    %add3A_19 = arith.addi %broadcast_in_dim3A_4, %convert_element_type3A : vector<1024x128xi32>
    %get3A_20 = arith.constant 1 : index
    %get3A_21 = arith.constant 0 : index
    %get3A_22 = vector.load %arg2[%get3A_20, %get3A_21] : memref<80x128xi32, #tpu.memory_space<vmem>>, vector<1x128xi32>
    %get3A_23 = vector.shape_cast %get3A_22 : vector<1x128xi32> to vector<128xi32>
    %reshape3A_24 = vector.shape_cast %get3A_23 : vector<128xi32> to vector<1x128xi32>
    %iota3A_25 = tpu.iota {dimensions = array<i32: 1>} : vector<1x128xi32>
    %add3A_26 = arith.constant 128 : i32
    %add3A_27 = vector.broadcast %add3A_26 : i32 to vector<1x128xi32>
    %add3A_28 = arith.addi %add3A_27, %iota3A_25 : vector<1x128xi32>
    %gt3A_29 = vector.broadcast %reshape3A_24 : vector<1x128xi32> to vector<1024x128xi32>
    %gt3A_30 = vector.broadcast %get3A_1 : vector<1024x1xi32> to vector<1024x128xi32>
    %gt3A_31 = arith.cmpi sgt, %gt3A_29, %gt3A_30 : vector<1024x128xi32>
    %eq3A_32 = vector.broadcast %reshape3A_24 : vector<1x128xi32> to vector<1024x128xi32>
    %eq3A_33 = vector.broadcast %get3A_1 : vector<1024x1xi32> to vector<1024x128xi32>
    %eq3A_34 = arith.cmpi eq, %eq3A_32, %eq3A_33 : vector<1024x128xi32>
    %lt3A_35 = vector.broadcast %add3A_28 : vector<1x128xi32> to vector<1024x128xi32>
    %lt3A_36 = vector.broadcast %add3A_3 : vector<1024x1xi32> to vector<1024x128xi32>
    %lt3A_37 = arith.cmpi slt, %lt3A_35, %lt3A_36 : vector<1024x128xi32>
    %and3A_38 = arith.andi %eq3A_34, %lt3A_37 : vector<1024x128xi1>
    %or3A_39 = arith.ori %gt3A_31, %and3A_38 : vector<1024x128xi1>
    %convert_element_type3A_40 = arith.extui %or3A_39 : vector<1024x128xi1> to vector<1024x128xi32>
    %add3A_41 = arith.addi %add3A_19, %convert_element_type3A_40 : vector<1024x128xi32>
    %get3A_42 = arith.constant 2 : index
    %get3A_43 = arith.constant 0 : index
    %get3A_44 = vector.load %arg2[%get3A_42, %get3A_43] : memref<80x128xi32, #tpu.memory_space<vmem>>, vector<1x128xi32>
    %get3A_45 = vector.shape_cast %get3A_44 : vector<1x128xi32> to vector<128xi32>
    %reshape3A_46 = vector.shape_cast %get3A_45 : vector<128xi32> to vector<1x128xi32>
    %iota3A_47 = tpu.iota {dimensions = array<i32: 1>} : vector<1x128xi32>
    %add3A_48 = arith.constant 256 : i32
    %add3A_49 = vector.broadcast %add3A_48 : i32 to vector<1x128xi32>
    %add3A_50 = arith.addi %add3A_49, %iota3A_47 : vector<1x128xi32>
    %gt3A_51 = vector.broadcast %reshape3A_46 : vector<1x128xi32> to vector<1024x128xi32>
    %gt3A_52 = vector.broadcast %get3A_1 : vector<1024x1xi32> to vector<1024x128xi32>
    %gt3A_53 = arith.cmpi sgt, %gt3A_51, %gt3A_52 : vector<1024x128xi32>
    %eq3A_54 = vector.broadcast %reshape3A_46 : vector<1x128xi32> to vector<1024x128xi32>
    %eq3A_55 = vector.broadcast %get3A_1 : vector<1024x1xi32> to vector<1024x128xi32>
    %eq3A_56 = arith.cmpi eq, %eq3A_54, %eq3A_55 : vector<1024x128xi32>
    %lt3A_57 = vector.broadcast %add3A_50 : vector<1x128xi32> to vector<1024x128xi32>
    %lt3A_58 = vector.broadcast %add3A_3 : vector<1024x1xi32> to vector<1024x128xi32>
    %lt3A_59 = arith.cmpi slt, %lt3A_57, %lt3A_58 : vector<1024x128xi32>
    %and3A_60 = arith.andi %eq3A_56, %lt3A_59 : vector<1024x128xi1>
    %or3A_61 = arith.ori %gt3A_53, %and3A_60 : vector<1024x128xi1>
    %convert_element_type3A_62 = arith.extui %or3A_61 : vector<1024x128xi1> to vector<1024x128xi32>
    %add3A_63 = arith.addi %add3A_41, %convert_element_type3A_62 : vector<1024x128xi32>
    %get3A_64 = arith.constant 3 : index
    %get3A_65 = arith.constant 0 : index
    %get3A_66 = vector.load %arg2[%get3A_64, %get3A_65] : memref<80x128xi32, #tpu.memory_space<vmem>>, vector<1x128xi32>
    %get3A_67 = vector.shape_cast %get3A_66 : vector<1x128xi32> to vector<128xi32>
    %reshape3A_68 = vector.shape_cast %get3A_67 : vector<128xi32> to vector<1x128xi32>
    %iota3A_69 = tpu.iota {dimensions = array<i32: 1>} : vector<1x128xi32>
    %add3A_70 = arith.constant 384 : i32
    %add3A_71 = vector.broadcast %add3A_70 : i32 to vector<1x128xi32>
    %add3A_72 = arith.addi %add3A_71, %iota3A_69 : vector<1x128xi32>
    %gt3A_73 = vector.broadcast %reshape3A_68 : vector<1x128xi32> to vector<1024x128xi32>
    %gt3A_74 = vector.broadcast %get3A_1 : vector<1024x1xi32> to vector<1024x128xi32>
    %gt3A_75 = arith.cmpi sgt, %gt3A_73, %gt3A_74 : vector<1024x128xi32>
    %eq3A_76 = vector.broadcast %reshape3A_68 : vector<1x128xi32> to vector<1024x128xi32>
    %eq3A_77 = vector.broadcast %get3A_1 : vector<1024x1xi32> to vector<1024x128xi32>
    %eq3A_78 = arith.cmpi eq, %eq3A_76, %eq3A_77 : vector<1024x128xi32>
    %lt3A_79 = vector.broadcast %add3A_72 : vector<1x128xi32> to vector<1024x128xi32>
    %lt3A_80 = vector.broadcast %add3A_3 : vector<1024x1xi32> to vector<1024x128xi32>
    %lt3A_81 = arith.cmpi slt, %lt3A_79, %lt3A_80 : vector<1024x128xi32>
    %and3A_82 = arith.andi %eq3A_78, %lt3A_81 : vector<1024x128xi1>
    %or3A_83 = arith.ori %gt3A_75, %and3A_82 : vector<1024x128xi1>
    %convert_element_type3A_84 = arith.extui %or3A_83 : vector<1024x128xi1> to vector<1024x128xi32>
    %add3A_85 = arith.addi %add3A_63, %convert_element_type3A_84 : vector<1024x128xi32>
    %get3A_86 = arith.constant 4 : index
    %get3A_87 = arith.constant 0 : index
    %get3A_88 = vector.load %arg2[%get3A_86, %get3A_87] : memref<80x128xi32, #tpu.memory_space<vmem>>, vector<1x128xi32>
    %get3A_89 = vector.shape_cast %get3A_88 : vector<1x128xi32> to vector<128xi32>
    %reshape3A_90 = vector.shape_cast %get3A_89 : vector<128xi32> to vector<1x128xi32>
    %iota3A_91 = tpu.iota {dimensions = array<i32: 1>} : vector<1x128xi32>
    %add3A_92 = arith.constant 512 : i32
    %add3A_93 = vector.broadcast %add3A_92 : i32 to vector<1x128xi32>
    %add3A_94 = arith.addi %add3A_93, %iota3A_91 : vector<1x128xi32>
    %gt3A_95 = vector.broadcast %reshape3A_90 : vector<1x128xi32> to vector<1024x128xi32>
    %gt3A_96 = vector.broadcast %get3A_1 : vector<1024x1xi32> to vector<1024x128xi32>
    %gt3A_97 = arith.cmpi sgt, %gt3A_95, %gt3A_96 : vector<1024x128xi32>
    %eq3A_98 = vector.broadcast %reshape3A_90 : vector<1x128xi32> to vector<1024x128xi32>
    %eq3A_99 = vector.broadcast %get3A_1 : vector<1024x1xi32> to vector<1024x128xi32>
    %eq3A_100 = arith.cmpi eq, %eq3A_98, %eq3A_99 : vector<1024x128xi32>
    %lt3A_101 = vector.broadcast %add3A_94 : vector<1x128xi32> to vector<1024x128xi32>
    %lt3A_102 = vector.broadcast %add3A_3 : vector<1024x1xi32> to vector<1024x128xi32>
    %lt3A_103 = arith.cmpi slt, %lt3A_101, %lt3A_102 : vector<1024x128xi32>
    %and3A_104 = arith.andi %eq3A_100, %lt3A_103 : vector<1024x128xi1>
    %or3A_105 = arith.ori %gt3A_97, %and3A_104 : vector<1024x128xi1>
    %convert_element_type3A_106 = arith.extui %or3A_105 : vector<1024x128xi1> to vector<1024x128xi32>
    %add3A_107 = arith.addi %add3A_85, %convert_element_type3A_106 : vector<1024x128xi32>
    %get3A_108 = arith.constant 5 : index
    %get3A_109 = arith.constant 0 : index
    %get3A_110 = vector.load %arg2[%get3A_108, %get3A_109] : memref<80x128xi32, #tpu.memory_space<vmem>>, vector<1x128xi32>
    %get3A_111 = vector.shape_cast %get3A_110 : vector<1x128xi32> to vector<128xi32>
    %reshape3A_112 = vector.shape_cast %get3A_111 : vector<128xi32> to vector<1x128xi32>
    %iota3A_113 = tpu.iota {dimensions = array<i32: 1>} : vector<1x128xi32>
    %add3A_114 = arith.constant 640 : i32
    %add3A_115 = vector.broadcast %add3A_114 : i32 to vector<1x128xi32>
    %add3A_116 = arith.addi %add3A_115, %iota3A_113 : vector<1x128xi32>
    %gt3A_117 = vector.broadcast %reshape3A_112 : vector<1x128xi32> to vector<1024x128xi32>
    %gt3A_118 = vector.broadcast %get3A_1 : vector<1024x1xi32> to vector<1024x128xi32>
    %gt3A_119 = arith.cmpi sgt, %gt3A_117, %gt3A_118 : vector<1024x128xi32>
    %eq3A_120 = vector.broadcast %reshape3A_112 : vector<1x128xi32> to vector<1024x128xi32>
    %eq3A_121 = vector.broadcast %get3A_1 : vector<1024x1xi32> to vector<1024x128xi32>
    %eq3A_122 = arith.cmpi eq, %eq3A_120, %eq3A_121 : vector<1024x128xi32>
    %lt3A_123 = vector.broadcast %add3A_116 : vector<1x128xi32> to vector<1024x128xi32>
    %lt3A_124 = vector.broadcast %add3A_3 : vector<1024x1xi32> to vector<1024x128xi32>
    %lt3A_125 = arith.cmpi slt, %lt3A_123, %lt3A_124 : vector<1024x128xi32>
    %and3A_126 = arith.andi %eq3A_122, %lt3A_125 : vector<1024x128xi1>
    %or3A_127 = arith.ori %gt3A_119, %and3A_126 : vector<1024x128xi1>
    %convert_element_type3A_128 = arith.extui %or3A_127 : vector<1024x128xi1> to vector<1024x128xi32>
    %add3A_129 = arith.addi %add3A_107, %convert_element_type3A_128 : vector<1024x128xi32>
    %get3A_130 = arith.constant 6 : index
    %get3A_131 = arith.constant 0 : index
    %get3A_132 = vector.load %arg2[%get3A_130, %get3A_131] : memref<80x128xi32, #tpu.memory_space<vmem>>, vector<1x128xi32>
    %get3A_133 = vector.shape_cast %get3A_132 : vector<1x128xi32> to vector<128xi32>
    %reshape3A_134 = vector.shape_cast %get3A_133 : vector<128xi32> to vector<1x128xi32>
    %iota3A_135 = tpu.iota {dimensions = array<i32: 1>} : vector<1x128xi32>
    %add3A_136 = arith.constant 768 : i32
    %add3A_137 = vector.broadcast %add3A_136 : i32 to vector<1x128xi32>
    %add3A_138 = arith.addi %add3A_137, %iota3A_135 : vector<1x128xi32>
    %gt3A_139 = vector.broadcast %reshape3A_134 : vector<1x128xi32> to vector<1024x128xi32>
    %gt3A_140 = vector.broadcast %get3A_1 : vector<1024x1xi32> to vector<1024x128xi32>
    %gt3A_141 = arith.cmpi sgt, %gt3A_139, %gt3A_140 : vector<1024x128xi32>
    %eq3A_142 = vector.broadcast %reshape3A_134 : vector<1x128xi32> to vector<1024x128xi32>
    %eq3A_143 = vector.broadcast %get3A_1 : vector<1024x1xi32> to vector<1024x128xi32>
    %eq3A_144 = arith.cmpi eq, %eq3A_142, %eq3A_143 : vector<1024x128xi32>
    %lt3A_145 = vector.broadcast %add3A_138 : vector<1x128xi32> to vector<1024x128xi32>
    %lt3A_146 = vector.broadcast %add3A_3 : vector<1024x1xi32> to vector<1024x128xi32>
    %lt3A_147 = arith.cmpi slt, %lt3A_145, %lt3A_146 : vector<1024x128xi32>
    %and3A_148 = arith.andi %eq3A_144, %lt3A_147 : vector<1024x128xi1>
    %or3A_149 = arith.ori %gt3A_141, %and3A_148 : vector<1024x128xi1>
    %convert_element_type3A_150 = arith.extui %or3A_149 : vector<1024x128xi1> to vector<1024x128xi32>
    %add3A_151 = arith.addi %add3A_129, %convert_element_type3A_150 : vector<1024x128xi32>
    %get3A_152 = arith.constant 7 : index
    %get3A_153 = arith.constant 0 : index
    %get3A_154 = vector.load %arg2[%get3A_152, %get3A_153] : memref<80x128xi32, #tpu.memory_space<vmem>>, vector<1x128xi32>
    %get3A_155 = vector.shape_cast %get3A_154 : vector<1x128xi32> to vector<128xi32>
    %reshape3A_156 = vector.shape_cast %get3A_155 : vector<128xi32> to vector<1x128xi32>
    %iota3A_157 = tpu.iota {dimensions = array<i32: 1>} : vector<1x128xi32>
    %add3A_158 = arith.constant 896 : i32
    %add3A_159 = vector.broadcast %add3A_158 : i32 to vector<1x128xi32>
    %add3A_160 = arith.addi %add3A_159, %iota3A_157 : vector<1x128xi32>
    %gt3A_161 = vector.broadcast %reshape3A_156 : vector<1x128xi32> to vector<1024x128xi32>
    %gt3A_162 = vector.broadcast %get3A_1 : vector<1024x1xi32> to vector<1024x128xi32>
    %gt3A_163 = arith.cmpi sgt, %gt3A_161, %gt3A_162 : vector<1024x128xi32>
    %eq3A_164 = vector.broadcast %reshape3A_156 : vector<1x128xi32> to vector<1024x128xi32>
    %eq3A_165 = vector.broadcast %get3A_1 : vector<1024x1xi32> to vector<1024x128xi32>
    %eq3A_166 = arith.cmpi eq, %eq3A_164, %eq3A_165 : vector<1024x128xi32>
    %lt3A_167 = vector.broadcast %add3A_160 : vector<1x128xi32> to vector<1024x128xi32>
    %lt3A_168 = vector.broadcast %add3A_3 : vector<1024x1xi32> to vector<1024x128xi32>
    %lt3A_169 = arith.cmpi slt, %lt3A_167, %lt3A_168 : vector<1024x128xi32>
    %and3A_170 = arith.andi %eq3A_166, %lt3A_169 : vector<1024x128xi1>
    %or3A_171 = arith.ori %gt3A_163, %and3A_170 : vector<1024x128xi1>
    %convert_element_type3A_172 = arith.extui %or3A_171 : vector<1024x128xi1> to vector<1024x128xi32>
    %add3A_173 = arith.addi %add3A_151, %convert_element_type3A_172 : vector<1024x128xi32>
    %get3A_174 = arith.constant 8 : index
    %get3A_175 = arith.constant 0 : index
    %get3A_176 = vector.load %arg2[%get3A_174, %get3A_175] : memref<80x128xi32, #tpu.memory_space<vmem>>, vector<1x128xi32>
    %get3A_177 = vector.shape_cast %get3A_176 : vector<1x128xi32> to vector<128xi32>
    %reshape3A_178 = vector.shape_cast %get3A_177 : vector<128xi32> to vector<1x128xi32>
    %iota3A_179 = tpu.iota {dimensions = array<i32: 1>} : vector<1x128xi32>
    %add3A_180 = arith.constant 1024 : i32
    %add3A_181 = vector.broadcast %add3A_180 : i32 to vector<1x128xi32>
    %add3A_182 = arith.addi %add3A_181, %iota3A_179 : vector<1x128xi32>
    %gt3A_183 = vector.broadcast %reshape3A_178 : vector<1x128xi32> to vector<1024x128xi32>
    %gt3A_184 = vector.broadcast %get3A_1 : vector<1024x1xi32> to vector<1024x128xi32>
    %gt3A_185 = arith.cmpi sgt, %gt3A_183, %gt3A_184 : vector<1024x128xi32>
    %eq3A_186 = vector.broadcast %reshape3A_178 : vector<1x128xi32> to vector<1024x128xi32>
    %eq3A_187 = vector.broadcast %get3A_1 : vector<1024x1xi32> to vector<1024x128xi32>
    %eq3A_188 = arith.cmpi eq, %eq3A_186, %eq3A_187 : vector<1024x128xi32>
    %lt3A_189 = vector.broadcast %add3A_182 : vector<1x128xi32> to vector<1024x128xi32>
    %lt3A_190 = vector.broadcast %add3A_3 : vector<1024x1xi32> to vector<1024x128xi32>
    %lt3A_191 = arith.cmpi slt, %lt3A_189, %lt3A_190 : vector<1024x128xi32>
    %and3A_192 = arith.andi %eq3A_188, %lt3A_191 : vector<1024x128xi1>
    %or3A_193 = arith.ori %gt3A_185, %and3A_192 : vector<1024x128xi1>
    %convert_element_type3A_194 = arith.extui %or3A_193 : vector<1024x128xi1> to vector<1024x128xi32>
    %add3A_195 = arith.addi %add3A_173, %convert_element_type3A_194 : vector<1024x128xi32>
    %get3A_196 = arith.constant 9 : index
    %get3A_197 = arith.constant 0 : index
    %get3A_198 = vector.load %arg2[%get3A_196, %get3A_197] : memref<80x128xi32, #tpu.memory_space<vmem>>, vector<1x128xi32>
    %get3A_199 = vector.shape_cast %get3A_198 : vector<1x128xi32> to vector<128xi32>
    %reshape3A_200 = vector.shape_cast %get3A_199 : vector<128xi32> to vector<1x128xi32>
    %iota3A_201 = tpu.iota {dimensions = array<i32: 1>} : vector<1x128xi32>
    %add3A_202 = arith.constant 1152 : i32
    %add3A_203 = vector.broadcast %add3A_202 : i32 to vector<1x128xi32>
    %add3A_204 = arith.addi %add3A_203, %iota3A_201 : vector<1x128xi32>
    %gt3A_205 = vector.broadcast %reshape3A_200 : vector<1x128xi32> to vector<1024x128xi32>
    %gt3A_206 = vector.broadcast %get3A_1 : vector<1024x1xi32> to vector<1024x128xi32>
    %gt3A_207 = arith.cmpi sgt, %gt3A_205, %gt3A_206 : vector<1024x128xi32>
    %eq3A_208 = vector.broadcast %reshape3A_200 : vector<1x128xi32> to vector<1024x128xi32>
    %eq3A_209 = vector.broadcast %get3A_1 : vector<1024x1xi32> to vector<1024x128xi32>
    %eq3A_210 = arith.cmpi eq, %eq3A_208, %eq3A_209 : vector<1024x128xi32>
    %lt3A_211 = vector.broadcast %add3A_204 : vector<1x128xi32> to vector<1024x128xi32>
    %lt3A_212 = vector.broadcast %add3A_3 : vector<1024x1xi32> to vector<1024x128xi32>
    %lt3A_213 = arith.cmpi slt, %lt3A_211, %lt3A_212 : vector<1024x128xi32>
    %and3A_214 = arith.andi %eq3A_210, %lt3A_213 : vector<1024x128xi1>
    %or3A_215 = arith.ori %gt3A_207, %and3A_214 : vector<1024x128xi1>
    %convert_element_type3A_216 = arith.extui %or3A_215 : vector<1024x128xi1> to vector<1024x128xi32>
    %add3A_217 = arith.addi %add3A_195, %convert_element_type3A_216 : vector<1024x128xi32>
    %get3A_218 = arith.constant 10 : index
    %get3A_219 = arith.constant 0 : index
    %get3A_220 = vector.load %arg2[%get3A_218, %get3A_219] : memref<80x128xi32, #tpu.memory_space<vmem>>, vector<1x128xi32>
    %get3A_221 = vector.shape_cast %get3A_220 : vector<1x128xi32> to vector<128xi32>
    %reshape3A_222 = vector.shape_cast %get3A_221 : vector<128xi32> to vector<1x128xi32>
    %iota3A_223 = tpu.iota {dimensions = array<i32: 1>} : vector<1x128xi32>
    %add3A_224 = arith.constant 1280 : i32
    %add3A_225 = vector.broadcast %add3A_224 : i32 to vector<1x128xi32>
    %add3A_226 = arith.addi %add3A_225, %iota3A_223 : vector<1x128xi32>
    %gt3A_227 = vector.broadcast %reshape3A_222 : vector<1x128xi32> to vector<1024x128xi32>
    %gt3A_228 = vector.broadcast %get3A_1 : vector<1024x1xi32> to vector<1024x128xi32>
    %gt3A_229 = arith.cmpi sgt, %gt3A_227, %gt3A_228 : vector<1024x128xi32>
    %eq3A_230 = vector.broadcast %reshape3A_222 : vector<1x128xi32> to vector<1024x128xi32>
    %eq3A_231 = vector.broadcast %get3A_1 : vector<1024x1xi32> to vector<1024x128xi32>
    %eq3A_232 = arith.cmpi eq, %eq3A_230, %eq3A_231 : vector<1024x128xi32>
    %lt3A_233 = vector.broadcast %add3A_226 : vector<1x128xi32> to vector<1024x128xi32>
    %lt3A_234 = vector.broadcast %add3A_3 : vector<1024x1xi32> to vector<1024x128xi32>
    %lt3A_235 = arith.cmpi slt, %lt3A_233, %lt3A_234 : vector<1024x128xi32>
    %and3A_236 = arith.andi %eq3A_232, %lt3A_235 : vector<1024x128xi1>
    %or3A_237 = arith.ori %gt3A_229, %and3A_236 : vector<1024x128xi1>
    %convert_element_type3A_238 = arith.extui %or3A_237 : vector<1024x128xi1> to vector<1024x128xi32>
    %add3A_239 = arith.addi %add3A_217, %convert_element_type3A_238 : vector<1024x128xi32>
    %get3A_240 = arith.constant 11 : index
    %get3A_241 = arith.constant 0 : index
    %get3A_242 = vector.load %arg2[%get3A_240, %get3A_241] : memref<80x128xi32, #tpu.memory_space<vmem>>, vector<1x128xi32>
    %get3A_243 = vector.shape_cast %get3A_242 : vector<1x128xi32> to vector<128xi32>
    %reshape3A_244 = vector.shape_cast %get3A_243 : vector<128xi32> to vector<1x128xi32>
    %iota3A_245 = tpu.iota {dimensions = array<i32: 1>} : vector<1x128xi32>
    %add3A_246 = arith.constant 1408 : i32
    %add3A_247 = vector.broadcast %add3A_246 : i32 to vector<1x128xi32>
    %add3A_248 = arith.addi %add3A_247, %iota3A_245 : vector<1x128xi32>
    %gt3A_249 = vector.broadcast %reshape3A_244 : vector<1x128xi32> to vector<1024x128xi32>
    %gt3A_250 = vector.broadcast %get3A_1 : vector<1024x1xi32> to vector<1024x128xi32>
    %gt3A_251 = arith.cmpi sgt, %gt3A_249, %gt3A_250 : vector<1024x128xi32>
    %eq3A_252 = vector.broadcast %reshape3A_244 : vector<1x128xi32> to vector<1024x128xi32>
    %eq3A_253 = vector.broadcast %get3A_1 : vector<1024x1xi32> to vector<1024x128xi32>
    %eq3A_254 = arith.cmpi eq, %eq3A_252, %eq3A_253 : vector<1024x128xi32>
    %lt3A_255 = vector.broadcast %add3A_248 : vector<1x128xi32> to vector<1024x128xi32>
    %lt3A_256 = vector.broadcast %add3A_3 : vector<1024x1xi32> to vector<1024x128xi32>
    %lt3A_257 = arith.cmpi slt, %lt3A_255, %lt3A_256 : vector<1024x128xi32>
    %and3A_258 = arith.andi %eq3A_254, %lt3A_257 : vector<1024x128xi1>
    %or3A_259 = arith.ori %gt3A_251, %and3A_258 : vector<1024x128xi1>
    %convert_element_type3A_260 = arith.extui %or3A_259 : vector<1024x128xi1> to vector<1024x128xi32>
    %add3A_261 = arith.addi %add3A_239, %convert_element_type3A_260 : vector<1024x128xi32>
    %get3A_262 = arith.constant 12 : index
    %get3A_263 = arith.constant 0 : index
    %get3A_264 = vector.load %arg2[%get3A_262, %get3A_263] : memref<80x128xi32, #tpu.memory_space<vmem>>, vector<1x128xi32>
    %get3A_265 = vector.shape_cast %get3A_264 : vector<1x128xi32> to vector<128xi32>
    %reshape3A_266 = vector.shape_cast %get3A_265 : vector<128xi32> to vector<1x128xi32>
    %iota3A_267 = tpu.iota {dimensions = array<i32: 1>} : vector<1x128xi32>
    %add3A_268 = arith.constant 1536 : i32
    %add3A_269 = vector.broadcast %add3A_268 : i32 to vector<1x128xi32>
    %add3A_270 = arith.addi %add3A_269, %iota3A_267 : vector<1x128xi32>
    %gt3A_271 = vector.broadcast %reshape3A_266 : vector<1x128xi32> to vector<1024x128xi32>
    %gt3A_272 = vector.broadcast %get3A_1 : vector<1024x1xi32> to vector<1024x128xi32>
    %gt3A_273 = arith.cmpi sgt, %gt3A_271, %gt3A_272 : vector<1024x128xi32>
    %eq3A_274 = vector.broadcast %reshape3A_266 : vector<1x128xi32> to vector<1024x128xi32>
    %eq3A_275 = vector.broadcast %get3A_1 : vector<1024x1xi32> to vector<1024x128xi32>
    %eq3A_276 = arith.cmpi eq, %eq3A_274, %eq3A_275 : vector<1024x128xi32>
    %lt3A_277 = vector.broadcast %add3A_270 : vector<1x128xi32> to vector<1024x128xi32>
    %lt3A_278 = vector.broadcast %add3A_3 : vector<1024x1xi32> to vector<1024x128xi32>
    %lt3A_279 = arith.cmpi slt, %lt3A_277, %lt3A_278 : vector<1024x128xi32>
    %and3A_280 = arith.andi %eq3A_276, %lt3A_279 : vector<1024x128xi1>
    %or3A_281 = arith.ori %gt3A_273, %and3A_280 : vector<1024x128xi1>
    %convert_element_type3A_282 = arith.extui %or3A_281 : vector<1024x128xi1> to vector<1024x128xi32>
    %add3A_283 = arith.addi %add3A_261, %convert_element_type3A_282 : vector<1024x128xi32>
    %get3A_284 = arith.constant 13 : index
    %get3A_285 = arith.constant 0 : index
    %get3A_286 = vector.load %arg2[%get3A_284, %get3A_285] : memref<80x128xi32, #tpu.memory_space<vmem>>, vector<1x128xi32>
    %get3A_287 = vector.shape_cast %get3A_286 : vector<1x128xi32> to vector<128xi32>
    %reshape3A_288 = vector.shape_cast %get3A_287 : vector<128xi32> to vector<1x128xi32>
    %iota3A_289 = tpu.iota {dimensions = array<i32: 1>} : vector<1x128xi32>
    %add3A_290 = arith.constant 1664 : i32
    %add3A_291 = vector.broadcast %add3A_290 : i32 to vector<1x128xi32>
    %add3A_292 = arith.addi %add3A_291, %iota3A_289 : vector<1x128xi32>
    %gt3A_293 = vector.broadcast %reshape3A_288 : vector<1x128xi32> to vector<1024x128xi32>
    %gt3A_294 = vector.broadcast %get3A_1 : vector<1024x1xi32> to vector<1024x128xi32>
    %gt3A_295 = arith.cmpi sgt, %gt3A_293, %gt3A_294 : vector<1024x128xi32>
    %eq3A_296 = vector.broadcast %reshape3A_288 : vector<1x128xi32> to vector<1024x128xi32>
    %eq3A_297 = vector.broadcast %get3A_1 : vector<1024x1xi32> to vector<1024x128xi32>
    %eq3A_298 = arith.cmpi eq, %eq3A_296, %eq3A_297 : vector<1024x128xi32>
    %lt3A_299 = vector.broadcast %add3A_292 : vector<1x128xi32> to vector<1024x128xi32>
    %lt3A_300 = vector.broadcast %add3A_3 : vector<1024x1xi32> to vector<1024x128xi32>
    %lt3A_301 = arith.cmpi slt, %lt3A_299, %lt3A_300 : vector<1024x128xi32>
    %and3A_302 = arith.andi %eq3A_298, %lt3A_301 : vector<1024x128xi1>
    %or3A_303 = arith.ori %gt3A_295, %and3A_302 : vector<1024x128xi1>
    %convert_element_type3A_304 = arith.extui %or3A_303 : vector<1024x128xi1> to vector<1024x128xi32>
    %add3A_305 = arith.addi %add3A_283, %convert_element_type3A_304 : vector<1024x128xi32>
    %get3A_306 = arith.constant 14 : index
    %get3A_307 = arith.constant 0 : index
    %get3A_308 = vector.load %arg2[%get3A_306, %get3A_307] : memref<80x128xi32, #tpu.memory_space<vmem>>, vector<1x128xi32>
    %get3A_309 = vector.shape_cast %get3A_308 : vector<1x128xi32> to vector<128xi32>
    %reshape3A_310 = vector.shape_cast %get3A_309 : vector<128xi32> to vector<1x128xi32>
    %iota3A_311 = tpu.iota {dimensions = array<i32: 1>} : vector<1x128xi32>
    %add3A_312 = arith.constant 1792 : i32
    %add3A_313 = vector.broadcast %add3A_312 : i32 to vector<1x128xi32>
    %add3A_314 = arith.addi %add3A_313, %iota3A_311 : vector<1x128xi32>
    %gt3A_315 = vector.broadcast %reshape3A_310 : vector<1x128xi32> to vector<1024x128xi32>
    %gt3A_316 = vector.broadcast %get3A_1 : vector<1024x1xi32> to vector<1024x128xi32>
    %gt3A_317 = arith.cmpi sgt, %gt3A_315, %gt3A_316 : vector<1024x128xi32>
    %eq3A_318 = vector.broadcast %reshape3A_310 : vector<1x128xi32> to vector<1024x128xi32>
    %eq3A_319 = vector.broadcast %get3A_1 : vector<1024x1xi32> to vector<1024x128xi32>
    %eq3A_320 = arith.cmpi eq, %eq3A_318, %eq3A_319 : vector<1024x128xi32>
    %lt3A_321 = vector.broadcast %add3A_314 : vector<1x128xi32> to vector<1024x128xi32>
    %lt3A_322 = vector.broadcast %add3A_3 : vector<1024x1xi32> to vector<1024x128xi32>
    %lt3A_323 = arith.cmpi slt, %lt3A_321, %lt3A_322 : vector<1024x128xi32>
    %and3A_324 = arith.andi %eq3A_320, %lt3A_323 : vector<1024x128xi1>
    %or3A_325 = arith.ori %gt3A_317, %and3A_324 : vector<1024x128xi1>
    %convert_element_type3A_326 = arith.extui %or3A_325 : vector<1024x128xi1> to vector<1024x128xi32>
    %add3A_327 = arith.addi %add3A_305, %convert_element_type3A_326 : vector<1024x128xi32>
    %get3A_328 = arith.constant 15 : index
    %get3A_329 = arith.constant 0 : index
    %get3A_330 = vector.load %arg2[%get3A_328, %get3A_329] : memref<80x128xi32, #tpu.memory_space<vmem>>, vector<1x128xi32>
    %get3A_331 = vector.shape_cast %get3A_330 : vector<1x128xi32> to vector<128xi32>
    %reshape3A_332 = vector.shape_cast %get3A_331 : vector<128xi32> to vector<1x128xi32>
    %iota3A_333 = tpu.iota {dimensions = array<i32: 1>} : vector<1x128xi32>
    %add3A_334 = arith.constant 1920 : i32
    %add3A_335 = vector.broadcast %add3A_334 : i32 to vector<1x128xi32>
    %add3A_336 = arith.addi %add3A_335, %iota3A_333 : vector<1x128xi32>
    %gt3A_337 = vector.broadcast %reshape3A_332 : vector<1x128xi32> to vector<1024x128xi32>
    %gt3A_338 = vector.broadcast %get3A_1 : vector<1024x1xi32> to vector<1024x128xi32>
    %gt3A_339 = arith.cmpi sgt, %gt3A_337, %gt3A_338 : vector<1024x128xi32>
    %eq3A_340 = vector.broadcast %reshape3A_332 : vector<1x128xi32> to vector<1024x128xi32>
    %eq3A_341 = vector.broadcast %get3A_1 : vector<1024x1xi32> to vector<1024x128xi32>
    %eq3A_342 = arith.cmpi eq, %eq3A_340, %eq3A_341 : vector<1024x128xi32>
    %lt3A_343 = vector.broadcast %add3A_336 : vector<1x128xi32> to vector<1024x128xi32>
    %lt3A_344 = vector.broadcast %add3A_3 : vector<1024x1xi32> to vector<1024x128xi32>
    %lt3A_345 = arith.cmpi slt, %lt3A_343, %lt3A_344 : vector<1024x128xi32>
    %and3A_346 = arith.andi %eq3A_342, %lt3A_345 : vector<1024x128xi1>
    %or3A_347 = arith.ori %gt3A_339, %and3A_346 : vector<1024x128xi1>
    %convert_element_type3A_348 = arith.extui %or3A_347 : vector<1024x128xi1> to vector<1024x128xi32>
    %add3A_349 = arith.addi %add3A_327, %convert_element_type3A_348 : vector<1024x128xi32>
    %get3A_350 = arith.constant 16 : index
    %get3A_351 = arith.constant 0 : index
    %get3A_352 = vector.load %arg2[%get3A_350, %get3A_351] : memref<80x128xi32, #tpu.memory_space<vmem>>, vector<1x128xi32>
    %get3A_353 = vector.shape_cast %get3A_352 : vector<1x128xi32> to vector<128xi32>
    %reshape3A_354 = vector.shape_cast %get3A_353 : vector<128xi32> to vector<1x128xi32>
    %iota3A_355 = tpu.iota {dimensions = array<i32: 1>} : vector<1x128xi32>
    %add3A_356 = arith.constant 2048 : i32
    %add3A_357 = vector.broadcast %add3A_356 : i32 to vector<1x128xi32>
    %add3A_358 = arith.addi %add3A_357, %iota3A_355 : vector<1x128xi32>
    %gt3A_359 = vector.broadcast %reshape3A_354 : vector<1x128xi32> to vector<1024x128xi32>
    %gt3A_360 = vector.broadcast %get3A_1 : vector<1024x1xi32> to vector<1024x128xi32>
    %gt3A_361 = arith.cmpi sgt, %gt3A_359, %gt3A_360 : vector<1024x128xi32>
    %eq3A_362 = vector.broadcast %reshape3A_354 : vector<1x128xi32> to vector<1024x128xi32>
    %eq3A_363 = vector.broadcast %get3A_1 : vector<1024x1xi32> to vector<1024x128xi32>
    %eq3A_364 = arith.cmpi eq, %eq3A_362, %eq3A_363 : vector<1024x128xi32>
    %lt3A_365 = vector.broadcast %add3A_358 : vector<1x128xi32> to vector<1024x128xi32>
    %lt3A_366 = vector.broadcast %add3A_3 : vector<1024x1xi32> to vector<1024x128xi32>
    %lt3A_367 = arith.cmpi slt, %lt3A_365, %lt3A_366 : vector<1024x128xi32>
    %and3A_368 = arith.andi %eq3A_364, %lt3A_367 : vector<1024x128xi1>
    %or3A_369 = arith.ori %gt3A_361, %and3A_368 : vector<1024x128xi1>
    %convert_element_type3A_370 = arith.extui %or3A_369 : vector<1024x128xi1> to vector<1024x128xi32>
    %add3A_371 = arith.addi %add3A_349, %convert_element_type3A_370 : vector<1024x128xi32>
    %get3A_372 = arith.constant 17 : index
    %get3A_373 = arith.constant 0 : index
    %get3A_374 = vector.load %arg2[%get3A_372, %get3A_373] : memref<80x128xi32, #tpu.memory_space<vmem>>, vector<1x128xi32>
    %get3A_375 = vector.shape_cast %get3A_374 : vector<1x128xi32> to vector<128xi32>
    %reshape3A_376 = vector.shape_cast %get3A_375 : vector<128xi32> to vector<1x128xi32>
    %iota3A_377 = tpu.iota {dimensions = array<i32: 1>} : vector<1x128xi32>
    %add3A_378 = arith.constant 2176 : i32
    %add3A_379 = vector.broadcast %add3A_378 : i32 to vector<1x128xi32>
    %add3A_380 = arith.addi %add3A_379, %iota3A_377 : vector<1x128xi32>
    %gt3A_381 = vector.broadcast %reshape3A_376 : vector<1x128xi32> to vector<1024x128xi32>
    %gt3A_382 = vector.broadcast %get3A_1 : vector<1024x1xi32> to vector<1024x128xi32>
    %gt3A_383 = arith.cmpi sgt, %gt3A_381, %gt3A_382 : vector<1024x128xi32>
    %eq3A_384 = vector.broadcast %reshape3A_376 : vector<1x128xi32> to vector<1024x128xi32>
    %eq3A_385 = vector.broadcast %get3A_1 : vector<1024x1xi32> to vector<1024x128xi32>
    %eq3A_386 = arith.cmpi eq, %eq3A_384, %eq3A_385 : vector<1024x128xi32>
    %lt3A_387 = vector.broadcast %add3A_380 : vector<1x128xi32> to vector<1024x128xi32>
    %lt3A_388 = vector.broadcast %add3A_3 : vector<1024x1xi32> to vector<1024x128xi32>
    %lt3A_389 = arith.cmpi slt, %lt3A_387, %lt3A_388 : vector<1024x128xi32>
    %and3A_390 = arith.andi %eq3A_386, %lt3A_389 : vector<1024x128xi1>
    %or3A_391 = arith.ori %gt3A_383, %and3A_390 : vector<1024x128xi1>
    %convert_element_type3A_392 = arith.extui %or3A_391 : vector<1024x128xi1> to vector<1024x128xi32>
    %add3A_393 = arith.addi %add3A_371, %convert_element_type3A_392 : vector<1024x128xi32>
    %get3A_394 = arith.constant 18 : index
    %get3A_395 = arith.constant 0 : index
    %get3A_396 = vector.load %arg2[%get3A_394, %get3A_395] : memref<80x128xi32, #tpu.memory_space<vmem>>, vector<1x128xi32>
    %get3A_397 = vector.shape_cast %get3A_396 : vector<1x128xi32> to vector<128xi32>
    %reshape3A_398 = vector.shape_cast %get3A_397 : vector<128xi32> to vector<1x128xi32>
    %iota3A_399 = tpu.iota {dimensions = array<i32: 1>} : vector<1x128xi32>
    %add3A_400 = arith.constant 2304 : i32
    %add3A_401 = vector.broadcast %add3A_400 : i32 to vector<1x128xi32>
    %add3A_402 = arith.addi %add3A_401, %iota3A_399 : vector<1x128xi32>
    %gt3A_403 = vector.broadcast %reshape3A_398 : vector<1x128xi32> to vector<1024x128xi32>
    %gt3A_404 = vector.broadcast %get3A_1 : vector<1024x1xi32> to vector<1024x128xi32>
    %gt3A_405 = arith.cmpi sgt, %gt3A_403, %gt3A_404 : vector<1024x128xi32>
    %eq3A_406 = vector.broadcast %reshape3A_398 : vector<1x128xi32> to vector<1024x128xi32>
    %eq3A_407 = vector.broadcast %get3A_1 : vector<1024x1xi32> to vector<1024x128xi32>
    %eq3A_408 = arith.cmpi eq, %eq3A_406, %eq3A_407 : vector<1024x128xi32>
    %lt3A_409 = vector.broadcast %add3A_402 : vector<1x128xi32> to vector<1024x128xi32>
    %lt3A_410 = vector.broadcast %add3A_3 : vector<1024x1xi32> to vector<1024x128xi32>
    %lt3A_411 = arith.cmpi slt, %lt3A_409, %lt3A_410 : vector<1024x128xi32>
    %and3A_412 = arith.andi %eq3A_408, %lt3A_411 : vector<1024x128xi1>
    %or3A_413 = arith.ori %gt3A_405, %and3A_412 : vector<1024x128xi1>
    %convert_element_type3A_414 = arith.extui %or3A_413 : vector<1024x128xi1> to vector<1024x128xi32>
    %add3A_415 = arith.addi %add3A_393, %convert_element_type3A_414 : vector<1024x128xi32>
    %get3A_416 = arith.constant 19 : index
    %get3A_417 = arith.constant 0 : index
    %get3A_418 = vector.load %arg2[%get3A_416, %get3A_417] : memref<80x128xi32, #tpu.memory_space<vmem>>, vector<1x128xi32>
    %get3A_419 = vector.shape_cast %get3A_418 : vector<1x128xi32> to vector<128xi32>
    %reshape3A_420 = vector.shape_cast %get3A_419 : vector<128xi32> to vector<1x128xi32>
    %iota3A_421 = tpu.iota {dimensions = array<i32: 1>} : vector<1x128xi32>
    %add3A_422 = arith.constant 2432 : i32
    %add3A_423 = vector.broadcast %add3A_422 : i32 to vector<1x128xi32>
    %add3A_424 = arith.addi %add3A_423, %iota3A_421 : vector<1x128xi32>
    %gt3A_425 = vector.broadcast %reshape3A_420 : vector<1x128xi32> to vector<1024x128xi32>
    %gt3A_426 = vector.broadcast %get3A_1 : vector<1024x1xi32> to vector<1024x128xi32>
    %gt3A_427 = arith.cmpi sgt, %gt3A_425, %gt3A_426 : vector<1024x128xi32>
    %eq3A_428 = vector.broadcast %reshape3A_420 : vector<1x128xi32> to vector<1024x128xi32>
    %eq3A_429 = vector.broadcast %get3A_1 : vector<1024x1xi32> to vector<1024x128xi32>
    %eq3A_430 = arith.cmpi eq, %eq3A_428, %eq3A_429 : vector<1024x128xi32>
    %lt3A_431 = vector.broadcast %add3A_424 : vector<1x128xi32> to vector<1024x128xi32>
    %lt3A_432 = vector.broadcast %add3A_3 : vector<1024x1xi32> to vector<1024x128xi32>
    %lt3A_433 = arith.cmpi slt, %lt3A_431, %lt3A_432 : vector<1024x128xi32>
    %and3A_434 = arith.andi %eq3A_430, %lt3A_433 : vector<1024x128xi1>
    %or3A_435 = arith.ori %gt3A_427, %and3A_434 : vector<1024x128xi1>
    %convert_element_type3A_436 = arith.extui %or3A_435 : vector<1024x128xi1> to vector<1024x128xi32>
    %add3A_437 = arith.addi %add3A_415, %convert_element_type3A_436 : vector<1024x128xi32>
    %get3A_438 = arith.constant 20 : index
    %get3A_439 = arith.constant 0 : index
    %get3A_440 = vector.load %arg2[%get3A_438, %get3A_439] : memref<80x128xi32, #tpu.memory_space<vmem>>, vector<1x128xi32>
    %get3A_441 = vector.shape_cast %get3A_440 : vector<1x128xi32> to vector<128xi32>
    %reshape3A_442 = vector.shape_cast %get3A_441 : vector<128xi32> to vector<1x128xi32>
    %iota3A_443 = tpu.iota {dimensions = array<i32: 1>} : vector<1x128xi32>
    %add3A_444 = arith.constant 2560 : i32
    %add3A_445 = vector.broadcast %add3A_444 : i32 to vector<1x128xi32>
    %add3A_446 = arith.addi %add3A_445, %iota3A_443 : vector<1x128xi32>
    %gt3A_447 = vector.broadcast %reshape3A_442 : vector<1x128xi32> to vector<1024x128xi32>
    %gt3A_448 = vector.broadcast %get3A_1 : vector<1024x1xi32> to vector<1024x128xi32>
    %gt3A_449 = arith.cmpi sgt, %gt3A_447, %gt3A_448 : vector<1024x128xi32>
    %eq3A_450 = vector.broadcast %reshape3A_442 : vector<1x128xi32> to vector<1024x128xi32>
    %eq3A_451 = vector.broadcast %get3A_1 : vector<1024x1xi32> to vector<1024x128xi32>
    %eq3A_452 = arith.cmpi eq, %eq3A_450, %eq3A_451 : vector<1024x128xi32>
    %lt3A_453 = vector.broadcast %add3A_446 : vector<1x128xi32> to vector<1024x128xi32>
    %lt3A_454 = vector.broadcast %add3A_3 : vector<1024x1xi32> to vector<1024x128xi32>
    %lt3A_455 = arith.cmpi slt, %lt3A_453, %lt3A_454 : vector<1024x128xi32>
    %and3A_456 = arith.andi %eq3A_452, %lt3A_455 : vector<1024x128xi1>
    %or3A_457 = arith.ori %gt3A_449, %and3A_456 : vector<1024x128xi1>
    %convert_element_type3A_458 = arith.extui %or3A_457 : vector<1024x128xi1> to vector<1024x128xi32>
    %add3A_459 = arith.addi %add3A_437, %convert_element_type3A_458 : vector<1024x128xi32>
    %get3A_460 = arith.constant 21 : index
    %get3A_461 = arith.constant 0 : index
    %get3A_462 = vector.load %arg2[%get3A_460, %get3A_461] : memref<80x128xi32, #tpu.memory_space<vmem>>, vector<1x128xi32>
    %get3A_463 = vector.shape_cast %get3A_462 : vector<1x128xi32> to vector<128xi32>
    %reshape3A_464 = vector.shape_cast %get3A_463 : vector<128xi32> to vector<1x128xi32>
    %iota3A_465 = tpu.iota {dimensions = array<i32: 1>} : vector<1x128xi32>
    %add3A_466 = arith.constant 2688 : i32
    %add3A_467 = vector.broadcast %add3A_466 : i32 to vector<1x128xi32>
    %add3A_468 = arith.addi %add3A_467, %iota3A_465 : vector<1x128xi32>
    %gt3A_469 = vector.broadcast %reshape3A_464 : vector<1x128xi32> to vector<1024x128xi32>
    %gt3A_470 = vector.broadcast %get3A_1 : vector<1024x1xi32> to vector<1024x128xi32>
    %gt3A_471 = arith.cmpi sgt, %gt3A_469, %gt3A_470 : vector<1024x128xi32>
    %eq3A_472 = vector.broadcast %reshape3A_464 : vector<1x128xi32> to vector<1024x128xi32>
    %eq3A_473 = vector.broadcast %get3A_1 : vector<1024x1xi32> to vector<1024x128xi32>
    %eq3A_474 = arith.cmpi eq, %eq3A_472, %eq3A_473 : vector<1024x128xi32>
    %lt3A_475 = vector.broadcast %add3A_468 : vector<1x128xi32> to vector<1024x128xi32>
    %lt3A_476 = vector.broadcast %add3A_3 : vector<1024x1xi32> to vector<1024x128xi32>
    %lt3A_477 = arith.cmpi slt, %lt3A_475, %lt3A_476 : vector<1024x128xi32>
    %and3A_478 = arith.andi %eq3A_474, %lt3A_477 : vector<1024x128xi1>
    %or3A_479 = arith.ori %gt3A_471, %and3A_478 : vector<1024x128xi1>
    %convert_element_type3A_480 = arith.extui %or3A_479 : vector<1024x128xi1> to vector<1024x128xi32>
    %add3A_481 = arith.addi %add3A_459, %convert_element_type3A_480 : vector<1024x128xi32>
    %get3A_482 = arith.constant 22 : index
    %get3A_483 = arith.constant 0 : index
    %get3A_484 = vector.load %arg2[%get3A_482, %get3A_483] : memref<80x128xi32, #tpu.memory_space<vmem>>, vector<1x128xi32>
    %get3A_485 = vector.shape_cast %get3A_484 : vector<1x128xi32> to vector<128xi32>
    %reshape3A_486 = vector.shape_cast %get3A_485 : vector<128xi32> to vector<1x128xi32>
    %iota3A_487 = tpu.iota {dimensions = array<i32: 1>} : vector<1x128xi32>
    %add3A_488 = arith.constant 2816 : i32
    %add3A_489 = vector.broadcast %add3A_488 : i32 to vector<1x128xi32>
    %add3A_490 = arith.addi %add3A_489, %iota3A_487 : vector<1x128xi32>
    %gt3A_491 = vector.broadcast %reshape3A_486 : vector<1x128xi32> to vector<1024x128xi32>
    %gt3A_492 = vector.broadcast %get3A_1 : vector<1024x1xi32> to vector<1024x128xi32>
    %gt3A_493 = arith.cmpi sgt, %gt3A_491, %gt3A_492 : vector<1024x128xi32>
    %eq3A_494 = vector.broadcast %reshape3A_486 : vector<1x128xi32> to vector<1024x128xi32>
    %eq3A_495 = vector.broadcast %get3A_1 : vector<1024x1xi32> to vector<1024x128xi32>
    %eq3A_496 = arith.cmpi eq, %eq3A_494, %eq3A_495 : vector<1024x128xi32>
    %lt3A_497 = vector.broadcast %add3A_490 : vector<1x128xi32> to vector<1024x128xi32>
    %lt3A_498 = vector.broadcast %add3A_3 : vector<1024x1xi32> to vector<1024x128xi32>
    %lt3A_499 = arith.cmpi slt, %lt3A_497, %lt3A_498 : vector<1024x128xi32>
    %and3A_500 = arith.andi %eq3A_496, %lt3A_499 : vector<1024x128xi1>
    %or3A_501 = arith.ori %gt3A_493, %and3A_500 : vector<1024x128xi1>
    %convert_element_type3A_502 = arith.extui %or3A_501 : vector<1024x128xi1> to vector<1024x128xi32>
    %add3A_503 = arith.addi %add3A_481, %convert_element_type3A_502 : vector<1024x128xi32>
    %get3A_504 = arith.constant 23 : index
    %get3A_505 = arith.constant 0 : index
    %get3A_506 = vector.load %arg2[%get3A_504, %get3A_505] : memref<80x128xi32, #tpu.memory_space<vmem>>, vector<1x128xi32>
    %get3A_507 = vector.shape_cast %get3A_506 : vector<1x128xi32> to vector<128xi32>
    %reshape3A_508 = vector.shape_cast %get3A_507 : vector<128xi32> to vector<1x128xi32>
    %iota3A_509 = tpu.iota {dimensions = array<i32: 1>} : vector<1x128xi32>
    %add3A_510 = arith.constant 2944 : i32
    %add3A_511 = vector.broadcast %add3A_510 : i32 to vector<1x128xi32>
    %add3A_512 = arith.addi %add3A_511, %iota3A_509 : vector<1x128xi32>
    %gt3A_513 = vector.broadcast %reshape3A_508 : vector<1x128xi32> to vector<1024x128xi32>
    %gt3A_514 = vector.broadcast %get3A_1 : vector<1024x1xi32> to vector<1024x128xi32>
    %gt3A_515 = arith.cmpi sgt, %gt3A_513, %gt3A_514 : vector<1024x128xi32>
    %eq3A_516 = vector.broadcast %reshape3A_508 : vector<1x128xi32> to vector<1024x128xi32>
    %eq3A_517 = vector.broadcast %get3A_1 : vector<1024x1xi32> to vector<1024x128xi32>
    %eq3A_518 = arith.cmpi eq, %eq3A_516, %eq3A_517 : vector<1024x128xi32>
    %lt3A_519 = vector.broadcast %add3A_512 : vector<1x128xi32> to vector<1024x128xi32>
    %lt3A_520 = vector.broadcast %add3A_3 : vector<1024x1xi32> to vector<1024x128xi32>
    %lt3A_521 = arith.cmpi slt, %lt3A_519, %lt3A_520 : vector<1024x128xi32>
    %and3A_522 = arith.andi %eq3A_518, %lt3A_521 : vector<1024x128xi1>
    %or3A_523 = arith.ori %gt3A_515, %and3A_522 : vector<1024x128xi1>
    %convert_element_type3A_524 = arith.extui %or3A_523 : vector<1024x128xi1> to vector<1024x128xi32>
    %add3A_525 = arith.addi %add3A_503, %convert_element_type3A_524 : vector<1024x128xi32>
    %get3A_526 = arith.constant 24 : index
    %get3A_527 = arith.constant 0 : index
    %get3A_528 = vector.load %arg2[%get3A_526, %get3A_527] : memref<80x128xi32, #tpu.memory_space<vmem>>, vector<1x128xi32>
    %get3A_529 = vector.shape_cast %get3A_528 : vector<1x128xi32> to vector<128xi32>
    %reshape3A_530 = vector.shape_cast %get3A_529 : vector<128xi32> to vector<1x128xi32>
    %iota3A_531 = tpu.iota {dimensions = array<i32: 1>} : vector<1x128xi32>
    %add3A_532 = arith.constant 3072 : i32
    %add3A_533 = vector.broadcast %add3A_532 : i32 to vector<1x128xi32>
    %add3A_534 = arith.addi %add3A_533, %iota3A_531 : vector<1x128xi32>
    %gt3A_535 = vector.broadcast %reshape3A_530 : vector<1x128xi32> to vector<1024x128xi32>
    %gt3A_536 = vector.broadcast %get3A_1 : vector<1024x1xi32> to vector<1024x128xi32>
    %gt3A_537 = arith.cmpi sgt, %gt3A_535, %gt3A_536 : vector<1024x128xi32>
    %eq3A_538 = vector.broadcast %reshape3A_530 : vector<1x128xi32> to vector<1024x128xi32>
    %eq3A_539 = vector.broadcast %get3A_1 : vector<1024x1xi32> to vector<1024x128xi32>
    %eq3A_540 = arith.cmpi eq, %eq3A_538, %eq3A_539 : vector<1024x128xi32>
    %lt3A_541 = vector.broadcast %add3A_534 : vector<1x128xi32> to vector<1024x128xi32>
    %lt3A_542 = vector.broadcast %add3A_3 : vector<1024x1xi32> to vector<1024x128xi32>
    %lt3A_543 = arith.cmpi slt, %lt3A_541, %lt3A_542 : vector<1024x128xi32>
    %and3A_544 = arith.andi %eq3A_540, %lt3A_543 : vector<1024x128xi1>
    %or3A_545 = arith.ori %gt3A_537, %and3A_544 : vector<1024x128xi1>
    %convert_element_type3A_546 = arith.extui %or3A_545 : vector<1024x128xi1> to vector<1024x128xi32>
    %add3A_547 = arith.addi %add3A_525, %convert_element_type3A_546 : vector<1024x128xi32>
    %get3A_548 = arith.constant 25 : index
    %get3A_549 = arith.constant 0 : index
    %get3A_550 = vector.load %arg2[%get3A_548, %get3A_549] : memref<80x128xi32, #tpu.memory_space<vmem>>, vector<1x128xi32>
    %get3A_551 = vector.shape_cast %get3A_550 : vector<1x128xi32> to vector<128xi32>
    %reshape3A_552 = vector.shape_cast %get3A_551 : vector<128xi32> to vector<1x128xi32>
    %iota3A_553 = tpu.iota {dimensions = array<i32: 1>} : vector<1x128xi32>
    %add3A_554 = arith.constant 3200 : i32
    %add3A_555 = vector.broadcast %add3A_554 : i32 to vector<1x128xi32>
    %add3A_556 = arith.addi %add3A_555, %iota3A_553 : vector<1x128xi32>
    %gt3A_557 = vector.broadcast %reshape3A_552 : vector<1x128xi32> to vector<1024x128xi32>
    %gt3A_558 = vector.broadcast %get3A_1 : vector<1024x1xi32> to vector<1024x128xi32>
    %gt3A_559 = arith.cmpi sgt, %gt3A_557, %gt3A_558 : vector<1024x128xi32>
    %eq3A_560 = vector.broadcast %reshape3A_552 : vector<1x128xi32> to vector<1024x128xi32>
    %eq3A_561 = vector.broadcast %get3A_1 : vector<1024x1xi32> to vector<1024x128xi32>
    %eq3A_562 = arith.cmpi eq, %eq3A_560, %eq3A_561 : vector<1024x128xi32>
    %lt3A_563 = vector.broadcast %add3A_556 : vector<1x128xi32> to vector<1024x128xi32>
    %lt3A_564 = vector.broadcast %add3A_3 : vector<1024x1xi32> to vector<1024x128xi32>
    %lt3A_565 = arith.cmpi slt, %lt3A_563, %lt3A_564 : vector<1024x128xi32>
    %and3A_566 = arith.andi %eq3A_562, %lt3A_565 : vector<1024x128xi1>
    %or3A_567 = arith.ori %gt3A_559, %and3A_566 : vector<1024x128xi1>
    %convert_element_type3A_568 = arith.extui %or3A_567 : vector<1024x128xi1> to vector<1024x128xi32>
    %add3A_569 = arith.addi %add3A_547, %convert_element_type3A_568 : vector<1024x128xi32>
    %get3A_570 = arith.constant 26 : index
    %get3A_571 = arith.constant 0 : index
    %get3A_572 = vector.load %arg2[%get3A_570, %get3A_571] : memref<80x128xi32, #tpu.memory_space<vmem>>, vector<1x128xi32>
    %get3A_573 = vector.shape_cast %get3A_572 : vector<1x128xi32> to vector<128xi32>
    %reshape3A_574 = vector.shape_cast %get3A_573 : vector<128xi32> to vector<1x128xi32>
    %iota3A_575 = tpu.iota {dimensions = array<i32: 1>} : vector<1x128xi32>
    %add3A_576 = arith.constant 3328 : i32
    %add3A_577 = vector.broadcast %add3A_576 : i32 to vector<1x128xi32>
    %add3A_578 = arith.addi %add3A_577, %iota3A_575 : vector<1x128xi32>
    %gt3A_579 = vector.broadcast %reshape3A_574 : vector<1x128xi32> to vector<1024x128xi32>
    %gt3A_580 = vector.broadcast %get3A_1 : vector<1024x1xi32> to vector<1024x128xi32>
    %gt3A_581 = arith.cmpi sgt, %gt3A_579, %gt3A_580 : vector<1024x128xi32>
    %eq3A_582 = vector.broadcast %reshape3A_574 : vector<1x128xi32> to vector<1024x128xi32>
    %eq3A_583 = vector.broadcast %get3A_1 : vector<1024x1xi32> to vector<1024x128xi32>
    %eq3A_584 = arith.cmpi eq, %eq3A_582, %eq3A_583 : vector<1024x128xi32>
    %lt3A_585 = vector.broadcast %add3A_578 : vector<1x128xi32> to vector<1024x128xi32>
    %lt3A_586 = vector.broadcast %add3A_3 : vector<1024x1xi32> to vector<1024x128xi32>
    %lt3A_587 = arith.cmpi slt, %lt3A_585, %lt3A_586 : vector<1024x128xi32>
    %and3A_588 = arith.andi %eq3A_584, %lt3A_587 : vector<1024x128xi1>
    %or3A_589 = arith.ori %gt3A_581, %and3A_588 : vector<1024x128xi1>
    %convert_element_type3A_590 = arith.extui %or3A_589 : vector<1024x128xi1> to vector<1024x128xi32>
    %add3A_591 = arith.addi %add3A_569, %convert_element_type3A_590 : vector<1024x128xi32>
    %get3A_592 = arith.constant 27 : index
    %get3A_593 = arith.constant 0 : index
    %get3A_594 = vector.load %arg2[%get3A_592, %get3A_593] : memref<80x128xi32, #tpu.memory_space<vmem>>, vector<1x128xi32>
    %get3A_595 = vector.shape_cast %get3A_594 : vector<1x128xi32> to vector<128xi32>
    %reshape3A_596 = vector.shape_cast %get3A_595 : vector<128xi32> to vector<1x128xi32>
    %iota3A_597 = tpu.iota {dimensions = array<i32: 1>} : vector<1x128xi32>
    %add3A_598 = arith.constant 3456 : i32
    %add3A_599 = vector.broadcast %add3A_598 : i32 to vector<1x128xi32>
    %add3A_600 = arith.addi %add3A_599, %iota3A_597 : vector<1x128xi32>
    %gt3A_601 = vector.broadcast %reshape3A_596 : vector<1x128xi32> to vector<1024x128xi32>
    %gt3A_602 = vector.broadcast %get3A_1 : vector<1024x1xi32> to vector<1024x128xi32>
    %gt3A_603 = arith.cmpi sgt, %gt3A_601, %gt3A_602 : vector<1024x128xi32>
    %eq3A_604 = vector.broadcast %reshape3A_596 : vector<1x128xi32> to vector<1024x128xi32>
    %eq3A_605 = vector.broadcast %get3A_1 : vector<1024x1xi32> to vector<1024x128xi32>
    %eq3A_606 = arith.cmpi eq, %eq3A_604, %eq3A_605 : vector<1024x128xi32>
    %lt3A_607 = vector.broadcast %add3A_600 : vector<1x128xi32> to vector<1024x128xi32>
    %lt3A_608 = vector.broadcast %add3A_3 : vector<1024x1xi32> to vector<1024x128xi32>
    %lt3A_609 = arith.cmpi slt, %lt3A_607, %lt3A_608 : vector<1024x128xi32>
    %and3A_610 = arith.andi %eq3A_606, %lt3A_609 : vector<1024x128xi1>
    %or3A_611 = arith.ori %gt3A_603, %and3A_610 : vector<1024x128xi1>
    %convert_element_type3A_612 = arith.extui %or3A_611 : vector<1024x128xi1> to vector<1024x128xi32>
    %add3A_613 = arith.addi %add3A_591, %convert_element_type3A_612 : vector<1024x128xi32>
    %get3A_614 = arith.constant 28 : index
    %get3A_615 = arith.constant 0 : index
    %get3A_616 = vector.load %arg2[%get3A_614, %get3A_615] : memref<80x128xi32, #tpu.memory_space<vmem>>, vector<1x128xi32>
    %get3A_617 = vector.shape_cast %get3A_616 : vector<1x128xi32> to vector<128xi32>
    %reshape3A_618 = vector.shape_cast %get3A_617 : vector<128xi32> to vector<1x128xi32>
    %iota3A_619 = tpu.iota {dimensions = array<i32: 1>} : vector<1x128xi32>
    %add3A_620 = arith.constant 3584 : i32
    %add3A_621 = vector.broadcast %add3A_620 : i32 to vector<1x128xi32>
    %add3A_622 = arith.addi %add3A_621, %iota3A_619 : vector<1x128xi32>
    %gt3A_623 = vector.broadcast %reshape3A_618 : vector<1x128xi32> to vector<1024x128xi32>
    %gt3A_624 = vector.broadcast %get3A_1 : vector<1024x1xi32> to vector<1024x128xi32>
    %gt3A_625 = arith.cmpi sgt, %gt3A_623, %gt3A_624 : vector<1024x128xi32>
    %eq3A_626 = vector.broadcast %reshape3A_618 : vector<1x128xi32> to vector<1024x128xi32>
    %eq3A_627 = vector.broadcast %get3A_1 : vector<1024x1xi32> to vector<1024x128xi32>
    %eq3A_628 = arith.cmpi eq, %eq3A_626, %eq3A_627 : vector<1024x128xi32>
    %lt3A_629 = vector.broadcast %add3A_622 : vector<1x128xi32> to vector<1024x128xi32>
    %lt3A_630 = vector.broadcast %add3A_3 : vector<1024x1xi32> to vector<1024x128xi32>
    %lt3A_631 = arith.cmpi slt, %lt3A_629, %lt3A_630 : vector<1024x128xi32>
    %and3A_632 = arith.andi %eq3A_628, %lt3A_631 : vector<1024x128xi1>
    %or3A_633 = arith.ori %gt3A_625, %and3A_632 : vector<1024x128xi1>
    %convert_element_type3A_634 = arith.extui %or3A_633 : vector<1024x128xi1> to vector<1024x128xi32>
    %add3A_635 = arith.addi %add3A_613, %convert_element_type3A_634 : vector<1024x128xi32>
    %get3A_636 = arith.constant 29 : index
    %get3A_637 = arith.constant 0 : index
    %get3A_638 = vector.load %arg2[%get3A_636, %get3A_637] : memref<80x128xi32, #tpu.memory_space<vmem>>, vector<1x128xi32>
    %get3A_639 = vector.shape_cast %get3A_638 : vector<1x128xi32> to vector<128xi32>
    %reshape3A_640 = vector.shape_cast %get3A_639 : vector<128xi32> to vector<1x128xi32>
    %iota3A_641 = tpu.iota {dimensions = array<i32: 1>} : vector<1x128xi32>
    %add3A_642 = arith.constant 3712 : i32
    %add3A_643 = vector.broadcast %add3A_642 : i32 to vector<1x128xi32>
    %add3A_644 = arith.addi %add3A_643, %iota3A_641 : vector<1x128xi32>
    %gt3A_645 = vector.broadcast %reshape3A_640 : vector<1x128xi32> to vector<1024x128xi32>
    %gt3A_646 = vector.broadcast %get3A_1 : vector<1024x1xi32> to vector<1024x128xi32>
    %gt3A_647 = arith.cmpi sgt, %gt3A_645, %gt3A_646 : vector<1024x128xi32>
    %eq3A_648 = vector.broadcast %reshape3A_640 : vector<1x128xi32> to vector<1024x128xi32>
    %eq3A_649 = vector.broadcast %get3A_1 : vector<1024x1xi32> to vector<1024x128xi32>
    %eq3A_650 = arith.cmpi eq, %eq3A_648, %eq3A_649 : vector<1024x128xi32>
    %lt3A_651 = vector.broadcast %add3A_644 : vector<1x128xi32> to vector<1024x128xi32>
    %lt3A_652 = vector.broadcast %add3A_3 : vector<1024x1xi32> to vector<1024x128xi32>
    %lt3A_653 = arith.cmpi slt, %lt3A_651, %lt3A_652 : vector<1024x128xi32>
    %and3A_654 = arith.andi %eq3A_650, %lt3A_653 : vector<1024x128xi1>
    %or3A_655 = arith.ori %gt3A_647, %and3A_654 : vector<1024x128xi1>
    %convert_element_type3A_656 = arith.extui %or3A_655 : vector<1024x128xi1> to vector<1024x128xi32>
    %add3A_657 = arith.addi %add3A_635, %convert_element_type3A_656 : vector<1024x128xi32>
    %get3A_658 = arith.constant 30 : index
    %get3A_659 = arith.constant 0 : index
    %get3A_660 = vector.load %arg2[%get3A_658, %get3A_659] : memref<80x128xi32, #tpu.memory_space<vmem>>, vector<1x128xi32>
    %get3A_661 = vector.shape_cast %get3A_660 : vector<1x128xi32> to vector<128xi32>
    %reshape3A_662 = vector.shape_cast %get3A_661 : vector<128xi32> to vector<1x128xi32>
    %iota3A_663 = tpu.iota {dimensions = array<i32: 1>} : vector<1x128xi32>
    %add3A_664 = arith.constant 3840 : i32
    %add3A_665 = vector.broadcast %add3A_664 : i32 to vector<1x128xi32>
    %add3A_666 = arith.addi %add3A_665, %iota3A_663 : vector<1x128xi32>
    %gt3A_667 = vector.broadcast %reshape3A_662 : vector<1x128xi32> to vector<1024x128xi32>
    %gt3A_668 = vector.broadcast %get3A_1 : vector<1024x1xi32> to vector<1024x128xi32>
    %gt3A_669 = arith.cmpi sgt, %gt3A_667, %gt3A_668 : vector<1024x128xi32>
    %eq3A_670 = vector.broadcast %reshape3A_662 : vector<1x128xi32> to vector<1024x128xi32>
    %eq3A_671 = vector.broadcast %get3A_1 : vector<1024x1xi32> to vector<1024x128xi32>
    %eq3A_672 = arith.cmpi eq, %eq3A_670, %eq3A_671 : vector<1024x128xi32>
    %lt3A_673 = vector.broadcast %add3A_666 : vector<1x128xi32> to vector<1024x128xi32>
    %lt3A_674 = vector.broadcast %add3A_3 : vector<1024x1xi32> to vector<1024x128xi32>
    %lt3A_675 = arith.cmpi slt, %lt3A_673, %lt3A_674 : vector<1024x128xi32>
    %and3A_676 = arith.andi %eq3A_672, %lt3A_675 : vector<1024x128xi1>
    %or3A_677 = arith.ori %gt3A_669, %and3A_676 : vector<1024x128xi1>
    %convert_element_type3A_678 = arith.extui %or3A_677 : vector<1024x128xi1> to vector<1024x128xi32>
    %add3A_679 = arith.addi %add3A_657, %convert_element_type3A_678 : vector<1024x128xi32>
    %get3A_680 = arith.constant 31 : index
    %get3A_681 = arith.constant 0 : index
    %get3A_682 = vector.load %arg2[%get3A_680, %get3A_681] : memref<80x128xi32, #tpu.memory_space<vmem>>, vector<1x128xi32>
    %get3A_683 = vector.shape_cast %get3A_682 : vector<1x128xi32> to vector<128xi32>
    %reshape3A_684 = vector.shape_cast %get3A_683 : vector<128xi32> to vector<1x128xi32>
    %iota3A_685 = tpu.iota {dimensions = array<i32: 1>} : vector<1x128xi32>
    %add3A_686 = arith.constant 3968 : i32
    %add3A_687 = vector.broadcast %add3A_686 : i32 to vector<1x128xi32>
    %add3A_688 = arith.addi %add3A_687, %iota3A_685 : vector<1x128xi32>
    %gt3A_689 = vector.broadcast %reshape3A_684 : vector<1x128xi32> to vector<1024x128xi32>
    %gt3A_690 = vector.broadcast %get3A_1 : vector<1024x1xi32> to vector<1024x128xi32>
    %gt3A_691 = arith.cmpi sgt, %gt3A_689, %gt3A_690 : vector<1024x128xi32>
    %eq3A_692 = vector.broadcast %reshape3A_684 : vector<1x128xi32> to vector<1024x128xi32>
    %eq3A_693 = vector.broadcast %get3A_1 : vector<1024x1xi32> to vector<1024x128xi32>
    %eq3A_694 = arith.cmpi eq, %eq3A_692, %eq3A_693 : vector<1024x128xi32>
    %lt3A_695 = vector.broadcast %add3A_688 : vector<1x128xi32> to vector<1024x128xi32>
    %lt3A_696 = vector.broadcast %add3A_3 : vector<1024x1xi32> to vector<1024x128xi32>
    %lt3A_697 = arith.cmpi slt, %lt3A_695, %lt3A_696 : vector<1024x128xi32>
    %and3A_698 = arith.andi %eq3A_694, %lt3A_697 : vector<1024x128xi1>
    %or3A_699 = arith.ori %gt3A_691, %and3A_698 : vector<1024x128xi1>
    %convert_element_type3A_700 = arith.extui %or3A_699 : vector<1024x128xi1> to vector<1024x128xi32>
    %add3A_701 = arith.addi %add3A_679, %convert_element_type3A_700 : vector<1024x128xi32>
    %get3A_702 = arith.constant 32 : index
    %get3A_703 = arith.constant 0 : index
    %get3A_704 = vector.load %arg2[%get3A_702, %get3A_703] : memref<80x128xi32, #tpu.memory_space<vmem>>, vector<1x128xi32>
    %get3A_705 = vector.shape_cast %get3A_704 : vector<1x128xi32> to vector<128xi32>
    %reshape3A_706 = vector.shape_cast %get3A_705 : vector<128xi32> to vector<1x128xi32>
    %iota3A_707 = tpu.iota {dimensions = array<i32: 1>} : vector<1x128xi32>
    %add3A_708 = arith.constant 4096 : i32
    %add3A_709 = vector.broadcast %add3A_708 : i32 to vector<1x128xi32>
    %add3A_710 = arith.addi %add3A_709, %iota3A_707 : vector<1x128xi32>
    %gt3A_711 = vector.broadcast %reshape3A_706 : vector<1x128xi32> to vector<1024x128xi32>
    %gt3A_712 = vector.broadcast %get3A_1 : vector<1024x1xi32> to vector<1024x128xi32>
    %gt3A_713 = arith.cmpi sgt, %gt3A_711, %gt3A_712 : vector<1024x128xi32>
    %eq3A_714 = vector.broadcast %reshape3A_706 : vector<1x128xi32> to vector<1024x128xi32>
    %eq3A_715 = vector.broadcast %get3A_1 : vector<1024x1xi32> to vector<1024x128xi32>
    %eq3A_716 = arith.cmpi eq, %eq3A_714, %eq3A_715 : vector<1024x128xi32>
    %lt3A_717 = vector.broadcast %add3A_710 : vector<1x128xi32> to vector<1024x128xi32>
    %lt3A_718 = vector.broadcast %add3A_3 : vector<1024x1xi32> to vector<1024x128xi32>
    %lt3A_719 = arith.cmpi slt, %lt3A_717, %lt3A_718 : vector<1024x128xi32>
    %and3A_720 = arith.andi %eq3A_716, %lt3A_719 : vector<1024x128xi1>
    %or3A_721 = arith.ori %gt3A_713, %and3A_720 : vector<1024x128xi1>
    %convert_element_type3A_722 = arith.extui %or3A_721 : vector<1024x128xi1> to vector<1024x128xi32>
    %add3A_723 = arith.addi %add3A_701, %convert_element_type3A_722 : vector<1024x128xi32>
    %get3A_724 = arith.constant 33 : index
    %get3A_725 = arith.constant 0 : index
    %get3A_726 = vector.load %arg2[%get3A_724, %get3A_725] : memref<80x128xi32, #tpu.memory_space<vmem>>, vector<1x128xi32>
    %get3A_727 = vector.shape_cast %get3A_726 : vector<1x128xi32> to vector<128xi32>
    %reshape3A_728 = vector.shape_cast %get3A_727 : vector<128xi32> to vector<1x128xi32>
    %iota3A_729 = tpu.iota {dimensions = array<i32: 1>} : vector<1x128xi32>
    %add3A_730 = arith.constant 4224 : i32
    %add3A_731 = vector.broadcast %add3A_730 : i32 to vector<1x128xi32>
    %add3A_732 = arith.addi %add3A_731, %iota3A_729 : vector<1x128xi32>
    %gt3A_733 = vector.broadcast %reshape3A_728 : vector<1x128xi32> to vector<1024x128xi32>
    %gt3A_734 = vector.broadcast %get3A_1 : vector<1024x1xi32> to vector<1024x128xi32>
    %gt3A_735 = arith.cmpi sgt, %gt3A_733, %gt3A_734 : vector<1024x128xi32>
    %eq3A_736 = vector.broadcast %reshape3A_728 : vector<1x128xi32> to vector<1024x128xi32>
    %eq3A_737 = vector.broadcast %get3A_1 : vector<1024x1xi32> to vector<1024x128xi32>
    %eq3A_738 = arith.cmpi eq, %eq3A_736, %eq3A_737 : vector<1024x128xi32>
    %lt3A_739 = vector.broadcast %add3A_732 : vector<1x128xi32> to vector<1024x128xi32>
    %lt3A_740 = vector.broadcast %add3A_3 : vector<1024x1xi32> to vector<1024x128xi32>
    %lt3A_741 = arith.cmpi slt, %lt3A_739, %lt3A_740 : vector<1024x128xi32>
    %and3A_742 = arith.andi %eq3A_738, %lt3A_741 : vector<1024x128xi1>
    %or3A_743 = arith.ori %gt3A_735, %and3A_742 : vector<1024x128xi1>
    %convert_element_type3A_744 = arith.extui %or3A_743 : vector<1024x128xi1> to vector<1024x128xi32>
    %add3A_745 = arith.addi %add3A_723, %convert_element_type3A_744 : vector<1024x128xi32>
    %get3A_746 = arith.constant 34 : index
    %get3A_747 = arith.constant 0 : index
    %get3A_748 = vector.load %arg2[%get3A_746, %get3A_747] : memref<80x128xi32, #tpu.memory_space<vmem>>, vector<1x128xi32>
    %get3A_749 = vector.shape_cast %get3A_748 : vector<1x128xi32> to vector<128xi32>
    %reshape3A_750 = vector.shape_cast %get3A_749 : vector<128xi32> to vector<1x128xi32>
    %iota3A_751 = tpu.iota {dimensions = array<i32: 1>} : vector<1x128xi32>
    %add3A_752 = arith.constant 4352 : i32
    %add3A_753 = vector.broadcast %add3A_752 : i32 to vector<1x128xi32>
    %add3A_754 = arith.addi %add3A_753, %iota3A_751 : vector<1x128xi32>
    %gt3A_755 = vector.broadcast %reshape3A_750 : vector<1x128xi32> to vector<1024x128xi32>
    %gt3A_756 = vector.broadcast %get3A_1 : vector<1024x1xi32> to vector<1024x128xi32>
    %gt3A_757 = arith.cmpi sgt, %gt3A_755, %gt3A_756 : vector<1024x128xi32>
    %eq3A_758 = vector.broadcast %reshape3A_750 : vector<1x128xi32> to vector<1024x128xi32>
    %eq3A_759 = vector.broadcast %get3A_1 : vector<1024x1xi32> to vector<1024x128xi32>
    %eq3A_760 = arith.cmpi eq, %eq3A_758, %eq3A_759 : vector<1024x128xi32>
    %lt3A_761 = vector.broadcast %add3A_754 : vector<1x128xi32> to vector<1024x128xi32>
    %lt3A_762 = vector.broadcast %add3A_3 : vector<1024x1xi32> to vector<1024x128xi32>
    %lt3A_763 = arith.cmpi slt, %lt3A_761, %lt3A_762 : vector<1024x128xi32>
    %and3A_764 = arith.andi %eq3A_760, %lt3A_763 : vector<1024x128xi1>
    %or3A_765 = arith.ori %gt3A_757, %and3A_764 : vector<1024x128xi1>
    %convert_element_type3A_766 = arith.extui %or3A_765 : vector<1024x128xi1> to vector<1024x128xi32>
    %add3A_767 = arith.addi %add3A_745, %convert_element_type3A_766 : vector<1024x128xi32>
    %get3A_768 = arith.constant 35 : index
    %get3A_769 = arith.constant 0 : index
    %get3A_770 = vector.load %arg2[%get3A_768, %get3A_769] : memref<80x128xi32, #tpu.memory_space<vmem>>, vector<1x128xi32>
    %get3A_771 = vector.shape_cast %get3A_770 : vector<1x128xi32> to vector<128xi32>
    %reshape3A_772 = vector.shape_cast %get3A_771 : vector<128xi32> to vector<1x128xi32>
    %iota3A_773 = tpu.iota {dimensions = array<i32: 1>} : vector<1x128xi32>
    %add3A_774 = arith.constant 4480 : i32
    %add3A_775 = vector.broadcast %add3A_774 : i32 to vector<1x128xi32>
    %add3A_776 = arith.addi %add3A_775, %iota3A_773 : vector<1x128xi32>
    %gt3A_777 = vector.broadcast %reshape3A_772 : vector<1x128xi32> to vector<1024x128xi32>
    %gt3A_778 = vector.broadcast %get3A_1 : vector<1024x1xi32> to vector<1024x128xi32>
    %gt3A_779 = arith.cmpi sgt, %gt3A_777, %gt3A_778 : vector<1024x128xi32>
    %eq3A_780 = vector.broadcast %reshape3A_772 : vector<1x128xi32> to vector<1024x128xi32>
    %eq3A_781 = vector.broadcast %get3A_1 : vector<1024x1xi32> to vector<1024x128xi32>
    %eq3A_782 = arith.cmpi eq, %eq3A_780, %eq3A_781 : vector<1024x128xi32>
    %lt3A_783 = vector.broadcast %add3A_776 : vector<1x128xi32> to vector<1024x128xi32>
    %lt3A_784 = vector.broadcast %add3A_3 : vector<1024x1xi32> to vector<1024x128xi32>
    %lt3A_785 = arith.cmpi slt, %lt3A_783, %lt3A_784 : vector<1024x128xi32>
    %and3A_786 = arith.andi %eq3A_782, %lt3A_785 : vector<1024x128xi1>
    %or3A_787 = arith.ori %gt3A_779, %and3A_786 : vector<1024x128xi1>
    %convert_element_type3A_788 = arith.extui %or3A_787 : vector<1024x128xi1> to vector<1024x128xi32>
    %add3A_789 = arith.addi %add3A_767, %convert_element_type3A_788 : vector<1024x128xi32>
    %get3A_790 = arith.constant 36 : index
    %get3A_791 = arith.constant 0 : index
    %get3A_792 = vector.load %arg2[%get3A_790, %get3A_791] : memref<80x128xi32, #tpu.memory_space<vmem>>, vector<1x128xi32>
    %get3A_793 = vector.shape_cast %get3A_792 : vector<1x128xi32> to vector<128xi32>
    %reshape3A_794 = vector.shape_cast %get3A_793 : vector<128xi32> to vector<1x128xi32>
    %iota3A_795 = tpu.iota {dimensions = array<i32: 1>} : vector<1x128xi32>
    %add3A_796 = arith.constant 4608 : i32
    %add3A_797 = vector.broadcast %add3A_796 : i32 to vector<1x128xi32>
    %add3A_798 = arith.addi %add3A_797, %iota3A_795 : vector<1x128xi32>
    %gt3A_799 = vector.broadcast %reshape3A_794 : vector<1x128xi32> to vector<1024x128xi32>
    %gt3A_800 = vector.broadcast %get3A_1 : vector<1024x1xi32> to vector<1024x128xi32>
    %gt3A_801 = arith.cmpi sgt, %gt3A_799, %gt3A_800 : vector<1024x128xi32>
    %eq3A_802 = vector.broadcast %reshape3A_794 : vector<1x128xi32> to vector<1024x128xi32>
    %eq3A_803 = vector.broadcast %get3A_1 : vector<1024x1xi32> to vector<1024x128xi32>
    %eq3A_804 = arith.cmpi eq, %eq3A_802, %eq3A_803 : vector<1024x128xi32>
    %lt3A_805 = vector.broadcast %add3A_798 : vector<1x128xi32> to vector<1024x128xi32>
    %lt3A_806 = vector.broadcast %add3A_3 : vector<1024x1xi32> to vector<1024x128xi32>
    %lt3A_807 = arith.cmpi slt, %lt3A_805, %lt3A_806 : vector<1024x128xi32>
    %and3A_808 = arith.andi %eq3A_804, %lt3A_807 : vector<1024x128xi1>
    %or3A_809 = arith.ori %gt3A_801, %and3A_808 : vector<1024x128xi1>
    %convert_element_type3A_810 = arith.extui %or3A_809 : vector<1024x128xi1> to vector<1024x128xi32>
    %add3A_811 = arith.addi %add3A_789, %convert_element_type3A_810 : vector<1024x128xi32>
    %get3A_812 = arith.constant 37 : index
    %get3A_813 = arith.constant 0 : index
    %get3A_814 = vector.load %arg2[%get3A_812, %get3A_813] : memref<80x128xi32, #tpu.memory_space<vmem>>, vector<1x128xi32>
    %get3A_815 = vector.shape_cast %get3A_814 : vector<1x128xi32> to vector<128xi32>
    %reshape3A_816 = vector.shape_cast %get3A_815 : vector<128xi32> to vector<1x128xi32>
    %iota3A_817 = tpu.iota {dimensions = array<i32: 1>} : vector<1x128xi32>
    %add3A_818 = arith.constant 4736 : i32
    %add3A_819 = vector.broadcast %add3A_818 : i32 to vector<1x128xi32>
    %add3A_820 = arith.addi %add3A_819, %iota3A_817 : vector<1x128xi32>
    %gt3A_821 = vector.broadcast %reshape3A_816 : vector<1x128xi32> to vector<1024x128xi32>
    %gt3A_822 = vector.broadcast %get3A_1 : vector<1024x1xi32> to vector<1024x128xi32>
    %gt3A_823 = arith.cmpi sgt, %gt3A_821, %gt3A_822 : vector<1024x128xi32>
    %eq3A_824 = vector.broadcast %reshape3A_816 : vector<1x128xi32> to vector<1024x128xi32>
    %eq3A_825 = vector.broadcast %get3A_1 : vector<1024x1xi32> to vector<1024x128xi32>
    %eq3A_826 = arith.cmpi eq, %eq3A_824, %eq3A_825 : vector<1024x128xi32>
    %lt3A_827 = vector.broadcast %add3A_820 : vector<1x128xi32> to vector<1024x128xi32>
    %lt3A_828 = vector.broadcast %add3A_3 : vector<1024x1xi32> to vector<1024x128xi32>
    %lt3A_829 = arith.cmpi slt, %lt3A_827, %lt3A_828 : vector<1024x128xi32>
    %and3A_830 = arith.andi %eq3A_826, %lt3A_829 : vector<1024x128xi1>
    %or3A_831 = arith.ori %gt3A_823, %and3A_830 : vector<1024x128xi1>
    %convert_element_type3A_832 = arith.extui %or3A_831 : vector<1024x128xi1> to vector<1024x128xi32>
    %add3A_833 = arith.addi %add3A_811, %convert_element_type3A_832 : vector<1024x128xi32>
    %get3A_834 = arith.constant 38 : index
    %get3A_835 = arith.constant 0 : index
    %get3A_836 = vector.load %arg2[%get3A_834, %get3A_835] : memref<80x128xi32, #tpu.memory_space<vmem>>, vector<1x128xi32>
    %get3A_837 = vector.shape_cast %get3A_836 : vector<1x128xi32> to vector<128xi32>
    %reshape3A_838 = vector.shape_cast %get3A_837 : vector<128xi32> to vector<1x128xi32>
    %iota3A_839 = tpu.iota {dimensions = array<i32: 1>} : vector<1x128xi32>
    %add3A_840 = arith.constant 4864 : i32
    %add3A_841 = vector.broadcast %add3A_840 : i32 to vector<1x128xi32>
    %add3A_842 = arith.addi %add3A_841, %iota3A_839 : vector<1x128xi32>
    %gt3A_843 = vector.broadcast %reshape3A_838 : vector<1x128xi32> to vector<1024x128xi32>
    %gt3A_844 = vector.broadcast %get3A_1 : vector<1024x1xi32> to vector<1024x128xi32>
    %gt3A_845 = arith.cmpi sgt, %gt3A_843, %gt3A_844 : vector<1024x128xi32>
    %eq3A_846 = vector.broadcast %reshape3A_838 : vector<1x128xi32> to vector<1024x128xi32>
    %eq3A_847 = vector.broadcast %get3A_1 : vector<1024x1xi32> to vector<1024x128xi32>
    %eq3A_848 = arith.cmpi eq, %eq3A_846, %eq3A_847 : vector<1024x128xi32>
    %lt3A_849 = vector.broadcast %add3A_842 : vector<1x128xi32> to vector<1024x128xi32>
    %lt3A_850 = vector.broadcast %add3A_3 : vector<1024x1xi32> to vector<1024x128xi32>
    %lt3A_851 = arith.cmpi slt, %lt3A_849, %lt3A_850 : vector<1024x128xi32>
    %and3A_852 = arith.andi %eq3A_848, %lt3A_851 : vector<1024x128xi1>
    %or3A_853 = arith.ori %gt3A_845, %and3A_852 : vector<1024x128xi1>
    %convert_element_type3A_854 = arith.extui %or3A_853 : vector<1024x128xi1> to vector<1024x128xi32>
    %add3A_855 = arith.addi %add3A_833, %convert_element_type3A_854 : vector<1024x128xi32>
    %get3A_856 = arith.constant 39 : index
    %get3A_857 = arith.constant 0 : index
    %get3A_858 = vector.load %arg2[%get3A_856, %get3A_857] : memref<80x128xi32, #tpu.memory_space<vmem>>, vector<1x128xi32>
    %get3A_859 = vector.shape_cast %get3A_858 : vector<1x128xi32> to vector<128xi32>
    %reshape3A_860 = vector.shape_cast %get3A_859 : vector<128xi32> to vector<1x128xi32>
    %iota3A_861 = tpu.iota {dimensions = array<i32: 1>} : vector<1x128xi32>
    %add3A_862 = arith.constant 4992 : i32
    %add3A_863 = vector.broadcast %add3A_862 : i32 to vector<1x128xi32>
    %add3A_864 = arith.addi %add3A_863, %iota3A_861 : vector<1x128xi32>
    %gt3A_865 = vector.broadcast %reshape3A_860 : vector<1x128xi32> to vector<1024x128xi32>
    %gt3A_866 = vector.broadcast %get3A_1 : vector<1024x1xi32> to vector<1024x128xi32>
    %gt3A_867 = arith.cmpi sgt, %gt3A_865, %gt3A_866 : vector<1024x128xi32>
    %eq3A_868 = vector.broadcast %reshape3A_860 : vector<1x128xi32> to vector<1024x128xi32>
    %eq3A_869 = vector.broadcast %get3A_1 : vector<1024x1xi32> to vector<1024x128xi32>
    %eq3A_870 = arith.cmpi eq, %eq3A_868, %eq3A_869 : vector<1024x128xi32>
    %lt3A_871 = vector.broadcast %add3A_864 : vector<1x128xi32> to vector<1024x128xi32>
    %lt3A_872 = vector.broadcast %add3A_3 : vector<1024x1xi32> to vector<1024x128xi32>
    %lt3A_873 = arith.cmpi slt, %lt3A_871, %lt3A_872 : vector<1024x128xi32>
    %and3A_874 = arith.andi %eq3A_870, %lt3A_873 : vector<1024x128xi1>
    %or3A_875 = arith.ori %gt3A_867, %and3A_874 : vector<1024x128xi1>
    %convert_element_type3A_876 = arith.extui %or3A_875 : vector<1024x128xi1> to vector<1024x128xi32>
    %add3A_877 = arith.addi %add3A_855, %convert_element_type3A_876 : vector<1024x128xi32>
    %get3A_878 = arith.constant 40 : index
    %get3A_879 = arith.constant 0 : index
    %get3A_880 = vector.load %arg2[%get3A_878, %get3A_879] : memref<80x128xi32, #tpu.memory_space<vmem>>, vector<1x128xi32>
    %get3A_881 = vector.shape_cast %get3A_880 : vector<1x128xi32> to vector<128xi32>
    %reshape3A_882 = vector.shape_cast %get3A_881 : vector<128xi32> to vector<1x128xi32>
    %iota3A_883 = tpu.iota {dimensions = array<i32: 1>} : vector<1x128xi32>
    %add3A_884 = arith.constant 5120 : i32
    %add3A_885 = vector.broadcast %add3A_884 : i32 to vector<1x128xi32>
    %add3A_886 = arith.addi %add3A_885, %iota3A_883 : vector<1x128xi32>
    %gt3A_887 = vector.broadcast %reshape3A_882 : vector<1x128xi32> to vector<1024x128xi32>
    %gt3A_888 = vector.broadcast %get3A_1 : vector<1024x1xi32> to vector<1024x128xi32>
    %gt3A_889 = arith.cmpi sgt, %gt3A_887, %gt3A_888 : vector<1024x128xi32>
    %eq3A_890 = vector.broadcast %reshape3A_882 : vector<1x128xi32> to vector<1024x128xi32>
    %eq3A_891 = vector.broadcast %get3A_1 : vector<1024x1xi32> to vector<1024x128xi32>
    %eq3A_892 = arith.cmpi eq, %eq3A_890, %eq3A_891 : vector<1024x128xi32>
    %lt3A_893 = vector.broadcast %add3A_886 : vector<1x128xi32> to vector<1024x128xi32>
    %lt3A_894 = vector.broadcast %add3A_3 : vector<1024x1xi32> to vector<1024x128xi32>
    %lt3A_895 = arith.cmpi slt, %lt3A_893, %lt3A_894 : vector<1024x128xi32>
    %and3A_896 = arith.andi %eq3A_892, %lt3A_895 : vector<1024x128xi1>
    %or3A_897 = arith.ori %gt3A_889, %and3A_896 : vector<1024x128xi1>
    %convert_element_type3A_898 = arith.extui %or3A_897 : vector<1024x128xi1> to vector<1024x128xi32>
    %add3A_899 = arith.addi %add3A_877, %convert_element_type3A_898 : vector<1024x128xi32>
    %get3A_900 = arith.constant 41 : index
    %get3A_901 = arith.constant 0 : index
    %get3A_902 = vector.load %arg2[%get3A_900, %get3A_901] : memref<80x128xi32, #tpu.memory_space<vmem>>, vector<1x128xi32>
    %get3A_903 = vector.shape_cast %get3A_902 : vector<1x128xi32> to vector<128xi32>
    %reshape3A_904 = vector.shape_cast %get3A_903 : vector<128xi32> to vector<1x128xi32>
    %iota3A_905 = tpu.iota {dimensions = array<i32: 1>} : vector<1x128xi32>
    %add3A_906 = arith.constant 5248 : i32
    %add3A_907 = vector.broadcast %add3A_906 : i32 to vector<1x128xi32>
    %add3A_908 = arith.addi %add3A_907, %iota3A_905 : vector<1x128xi32>
    %gt3A_909 = vector.broadcast %reshape3A_904 : vector<1x128xi32> to vector<1024x128xi32>
    %gt3A_910 = vector.broadcast %get3A_1 : vector<1024x1xi32> to vector<1024x128xi32>
    %gt3A_911 = arith.cmpi sgt, %gt3A_909, %gt3A_910 : vector<1024x128xi32>
    %eq3A_912 = vector.broadcast %reshape3A_904 : vector<1x128xi32> to vector<1024x128xi32>
    %eq3A_913 = vector.broadcast %get3A_1 : vector<1024x1xi32> to vector<1024x128xi32>
    %eq3A_914 = arith.cmpi eq, %eq3A_912, %eq3A_913 : vector<1024x128xi32>
    %lt3A_915 = vector.broadcast %add3A_908 : vector<1x128xi32> to vector<1024x128xi32>
    %lt3A_916 = vector.broadcast %add3A_3 : vector<1024x1xi32> to vector<1024x128xi32>
    %lt3A_917 = arith.cmpi slt, %lt3A_915, %lt3A_916 : vector<1024x128xi32>
    %and3A_918 = arith.andi %eq3A_914, %lt3A_917 : vector<1024x128xi1>
    %or3A_919 = arith.ori %gt3A_911, %and3A_918 : vector<1024x128xi1>
    %convert_element_type3A_920 = arith.extui %or3A_919 : vector<1024x128xi1> to vector<1024x128xi32>
    %add3A_921 = arith.addi %add3A_899, %convert_element_type3A_920 : vector<1024x128xi32>
    %get3A_922 = arith.constant 42 : index
    %get3A_923 = arith.constant 0 : index
    %get3A_924 = vector.load %arg2[%get3A_922, %get3A_923] : memref<80x128xi32, #tpu.memory_space<vmem>>, vector<1x128xi32>
    %get3A_925 = vector.shape_cast %get3A_924 : vector<1x128xi32> to vector<128xi32>
    %reshape3A_926 = vector.shape_cast %get3A_925 : vector<128xi32> to vector<1x128xi32>
    %iota3A_927 = tpu.iota {dimensions = array<i32: 1>} : vector<1x128xi32>
    %add3A_928 = arith.constant 5376 : i32
    %add3A_929 = vector.broadcast %add3A_928 : i32 to vector<1x128xi32>
    %add3A_930 = arith.addi %add3A_929, %iota3A_927 : vector<1x128xi32>
    %gt3A_931 = vector.broadcast %reshape3A_926 : vector<1x128xi32> to vector<1024x128xi32>
    %gt3A_932 = vector.broadcast %get3A_1 : vector<1024x1xi32> to vector<1024x128xi32>
    %gt3A_933 = arith.cmpi sgt, %gt3A_931, %gt3A_932 : vector<1024x128xi32>
    %eq3A_934 = vector.broadcast %reshape3A_926 : vector<1x128xi32> to vector<1024x128xi32>
    %eq3A_935 = vector.broadcast %get3A_1 : vector<1024x1xi32> to vector<1024x128xi32>
    %eq3A_936 = arith.cmpi eq, %eq3A_934, %eq3A_935 : vector<1024x128xi32>
    %lt3A_937 = vector.broadcast %add3A_930 : vector<1x128xi32> to vector<1024x128xi32>
    %lt3A_938 = vector.broadcast %add3A_3 : vector<1024x1xi32> to vector<1024x128xi32>
    %lt3A_939 = arith.cmpi slt, %lt3A_937, %lt3A_938 : vector<1024x128xi32>
    %and3A_940 = arith.andi %eq3A_936, %lt3A_939 : vector<1024x128xi1>
    %or3A_941 = arith.ori %gt3A_933, %and3A_940 : vector<1024x128xi1>
    %convert_element_type3A_942 = arith.extui %or3A_941 : vector<1024x128xi1> to vector<1024x128xi32>
    %add3A_943 = arith.addi %add3A_921, %convert_element_type3A_942 : vector<1024x128xi32>
    %get3A_944 = arith.constant 43 : index
    %get3A_945 = arith.constant 0 : index
    %get3A_946 = vector.load %arg2[%get3A_944, %get3A_945] : memref<80x128xi32, #tpu.memory_space<vmem>>, vector<1x128xi32>
    %get3A_947 = vector.shape_cast %get3A_946 : vector<1x128xi32> to vector<128xi32>
    %reshape3A_948 = vector.shape_cast %get3A_947 : vector<128xi32> to vector<1x128xi32>
    %iota3A_949 = tpu.iota {dimensions = array<i32: 1>} : vector<1x128xi32>
    %add3A_950 = arith.constant 5504 : i32
    %add3A_951 = vector.broadcast %add3A_950 : i32 to vector<1x128xi32>
    %add3A_952 = arith.addi %add3A_951, %iota3A_949 : vector<1x128xi32>
    %gt3A_953 = vector.broadcast %reshape3A_948 : vector<1x128xi32> to vector<1024x128xi32>
    %gt3A_954 = vector.broadcast %get3A_1 : vector<1024x1xi32> to vector<1024x128xi32>
    %gt3A_955 = arith.cmpi sgt, %gt3A_953, %gt3A_954 : vector<1024x128xi32>
    %eq3A_956 = vector.broadcast %reshape3A_948 : vector<1x128xi32> to vector<1024x128xi32>
    %eq3A_957 = vector.broadcast %get3A_1 : vector<1024x1xi32> to vector<1024x128xi32>
    %eq3A_958 = arith.cmpi eq, %eq3A_956, %eq3A_957 : vector<1024x128xi32>
    %lt3A_959 = vector.broadcast %add3A_952 : vector<1x128xi32> to vector<1024x128xi32>
    %lt3A_960 = vector.broadcast %add3A_3 : vector<1024x1xi32> to vector<1024x128xi32>
    %lt3A_961 = arith.cmpi slt, %lt3A_959, %lt3A_960 : vector<1024x128xi32>
    %and3A_962 = arith.andi %eq3A_958, %lt3A_961 : vector<1024x128xi1>
    %or3A_963 = arith.ori %gt3A_955, %and3A_962 : vector<1024x128xi1>
    %convert_element_type3A_964 = arith.extui %or3A_963 : vector<1024x128xi1> to vector<1024x128xi32>
    %add3A_965 = arith.addi %add3A_943, %convert_element_type3A_964 : vector<1024x128xi32>
    %get3A_966 = arith.constant 44 : index
    %get3A_967 = arith.constant 0 : index
    %get3A_968 = vector.load %arg2[%get3A_966, %get3A_967] : memref<80x128xi32, #tpu.memory_space<vmem>>, vector<1x128xi32>
    %get3A_969 = vector.shape_cast %get3A_968 : vector<1x128xi32> to vector<128xi32>
    %reshape3A_970 = vector.shape_cast %get3A_969 : vector<128xi32> to vector<1x128xi32>
    %iota3A_971 = tpu.iota {dimensions = array<i32: 1>} : vector<1x128xi32>
    %add3A_972 = arith.constant 5632 : i32
    %add3A_973 = vector.broadcast %add3A_972 : i32 to vector<1x128xi32>
    %add3A_974 = arith.addi %add3A_973, %iota3A_971 : vector<1x128xi32>
    %gt3A_975 = vector.broadcast %reshape3A_970 : vector<1x128xi32> to vector<1024x128xi32>
    %gt3A_976 = vector.broadcast %get3A_1 : vector<1024x1xi32> to vector<1024x128xi32>
    %gt3A_977 = arith.cmpi sgt, %gt3A_975, %gt3A_976 : vector<1024x128xi32>
    %eq3A_978 = vector.broadcast %reshape3A_970 : vector<1x128xi32> to vector<1024x128xi32>
    %eq3A_979 = vector.broadcast %get3A_1 : vector<1024x1xi32> to vector<1024x128xi32>
    %eq3A_980 = arith.cmpi eq, %eq3A_978, %eq3A_979 : vector<1024x128xi32>
    %lt3A_981 = vector.broadcast %add3A_974 : vector<1x128xi32> to vector<1024x128xi32>
    %lt3A_982 = vector.broadcast %add3A_3 : vector<1024x1xi32> to vector<1024x128xi32>
    %lt3A_983 = arith.cmpi slt, %lt3A_981, %lt3A_982 : vector<1024x128xi32>
    %and3A_984 = arith.andi %eq3A_980, %lt3A_983 : vector<1024x128xi1>
    %or3A_985 = arith.ori %gt3A_977, %and3A_984 : vector<1024x128xi1>
    %convert_element_type3A_986 = arith.extui %or3A_985 : vector<1024x128xi1> to vector<1024x128xi32>
    %add3A_987 = arith.addi %add3A_965, %convert_element_type3A_986 : vector<1024x128xi32>
    %get3A_988 = arith.constant 45 : index
    %get3A_989 = arith.constant 0 : index
    %get3A_990 = vector.load %arg2[%get3A_988, %get3A_989] : memref<80x128xi32, #tpu.memory_space<vmem>>, vector<1x128xi32>
    %get3A_991 = vector.shape_cast %get3A_990 : vector<1x128xi32> to vector<128xi32>
    %reshape3A_992 = vector.shape_cast %get3A_991 : vector<128xi32> to vector<1x128xi32>
    %iota3A_993 = tpu.iota {dimensions = array<i32: 1>} : vector<1x128xi32>
    %add3A_994 = arith.constant 5760 : i32
    %add3A_995 = vector.broadcast %add3A_994 : i32 to vector<1x128xi32>
    %add3A_996 = arith.addi %add3A_995, %iota3A_993 : vector<1x128xi32>
    %gt3A_997 = vector.broadcast %reshape3A_992 : vector<1x128xi32> to vector<1024x128xi32>
    %gt3A_998 = vector.broadcast %get3A_1 : vector<1024x1xi32> to vector<1024x128xi32>
    %gt3A_999 = arith.cmpi sgt, %gt3A_997, %gt3A_998 : vector<1024x128xi32>
    %eq3A_1000 = vector.broadcast %reshape3A_992 : vector<1x128xi32> to vector<1024x128xi32>
    %eq3A_1001 = vector.broadcast %get3A_1 : vector<1024x1xi32> to vector<1024x128xi32>
    %eq3A_1002 = arith.cmpi eq, %eq3A_1000, %eq3A_1001 : vector<1024x128xi32>
    %lt3A_1003 = vector.broadcast %add3A_996 : vector<1x128xi32> to vector<1024x128xi32>
    %lt3A_1004 = vector.broadcast %add3A_3 : vector<1024x1xi32> to vector<1024x128xi32>
    %lt3A_1005 = arith.cmpi slt, %lt3A_1003, %lt3A_1004 : vector<1024x128xi32>
    %and3A_1006 = arith.andi %eq3A_1002, %lt3A_1005 : vector<1024x128xi1>
    %or3A_1007 = arith.ori %gt3A_999, %and3A_1006 : vector<1024x128xi1>
    %convert_element_type3A_1008 = arith.extui %or3A_1007 : vector<1024x128xi1> to vector<1024x128xi32>
    %add3A_1009 = arith.addi %add3A_987, %convert_element_type3A_1008 : vector<1024x128xi32>
    %get3A_1010 = arith.constant 46 : index
    %get3A_1011 = arith.constant 0 : index
    %get3A_1012 = vector.load %arg2[%get3A_1010, %get3A_1011] : memref<80x128xi32, #tpu.memory_space<vmem>>, vector<1x128xi32>
    %get3A_1013 = vector.shape_cast %get3A_1012 : vector<1x128xi32> to vector<128xi32>
    %reshape3A_1014 = vector.shape_cast %get3A_1013 : vector<128xi32> to vector<1x128xi32>
    %iota3A_1015 = tpu.iota {dimensions = array<i32: 1>} : vector<1x128xi32>
    %add3A_1016 = arith.constant 5888 : i32
    %add3A_1017 = vector.broadcast %add3A_1016 : i32 to vector<1x128xi32>
    %add3A_1018 = arith.addi %add3A_1017, %iota3A_1015 : vector<1x128xi32>
    %gt3A_1019 = vector.broadcast %reshape3A_1014 : vector<1x128xi32> to vector<1024x128xi32>
    %gt3A_1020 = vector.broadcast %get3A_1 : vector<1024x1xi32> to vector<1024x128xi32>
    %gt3A_1021 = arith.cmpi sgt, %gt3A_1019, %gt3A_1020 : vector<1024x128xi32>
    %eq3A_1022 = vector.broadcast %reshape3A_1014 : vector<1x128xi32> to vector<1024x128xi32>
    %eq3A_1023 = vector.broadcast %get3A_1 : vector<1024x1xi32> to vector<1024x128xi32>
    %eq3A_1024 = arith.cmpi eq, %eq3A_1022, %eq3A_1023 : vector<1024x128xi32>
    %lt3A_1025 = vector.broadcast %add3A_1018 : vector<1x128xi32> to vector<1024x128xi32>
    %lt3A_1026 = vector.broadcast %add3A_3 : vector<1024x1xi32> to vector<1024x128xi32>
    %lt3A_1027 = arith.cmpi slt, %lt3A_1025, %lt3A_1026 : vector<1024x128xi32>
    %and3A_1028 = arith.andi %eq3A_1024, %lt3A_1027 : vector<1024x128xi1>
    %or3A_1029 = arith.ori %gt3A_1021, %and3A_1028 : vector<1024x128xi1>
    %convert_element_type3A_1030 = arith.extui %or3A_1029 : vector<1024x128xi1> to vector<1024x128xi32>
    %add3A_1031 = arith.addi %add3A_1009, %convert_element_type3A_1030 : vector<1024x128xi32>
    %get3A_1032 = arith.constant 47 : index
    %get3A_1033 = arith.constant 0 : index
    %get3A_1034 = vector.load %arg2[%get3A_1032, %get3A_1033] : memref<80x128xi32, #tpu.memory_space<vmem>>, vector<1x128xi32>
    %get3A_1035 = vector.shape_cast %get3A_1034 : vector<1x128xi32> to vector<128xi32>
    %reshape3A_1036 = vector.shape_cast %get3A_1035 : vector<128xi32> to vector<1x128xi32>
    %iota3A_1037 = tpu.iota {dimensions = array<i32: 1>} : vector<1x128xi32>
    %add3A_1038 = arith.constant 6016 : i32
    %add3A_1039 = vector.broadcast %add3A_1038 : i32 to vector<1x128xi32>
    %add3A_1040 = arith.addi %add3A_1039, %iota3A_1037 : vector<1x128xi32>
    %gt3A_1041 = vector.broadcast %reshape3A_1036 : vector<1x128xi32> to vector<1024x128xi32>
    %gt3A_1042 = vector.broadcast %get3A_1 : vector<1024x1xi32> to vector<1024x128xi32>
    %gt3A_1043 = arith.cmpi sgt, %gt3A_1041, %gt3A_1042 : vector<1024x128xi32>
    %eq3A_1044 = vector.broadcast %reshape3A_1036 : vector<1x128xi32> to vector<1024x128xi32>
    %eq3A_1045 = vector.broadcast %get3A_1 : vector<1024x1xi32> to vector<1024x128xi32>
    %eq3A_1046 = arith.cmpi eq, %eq3A_1044, %eq3A_1045 : vector<1024x128xi32>
    %lt3A_1047 = vector.broadcast %add3A_1040 : vector<1x128xi32> to vector<1024x128xi32>
    %lt3A_1048 = vector.broadcast %add3A_3 : vector<1024x1xi32> to vector<1024x128xi32>
    %lt3A_1049 = arith.cmpi slt, %lt3A_1047, %lt3A_1048 : vector<1024x128xi32>
    %and3A_1050 = arith.andi %eq3A_1046, %lt3A_1049 : vector<1024x128xi1>
    %or3A_1051 = arith.ori %gt3A_1043, %and3A_1050 : vector<1024x128xi1>
    %convert_element_type3A_1052 = arith.extui %or3A_1051 : vector<1024x128xi1> to vector<1024x128xi32>
    %add3A_1053 = arith.addi %add3A_1031, %convert_element_type3A_1052 : vector<1024x128xi32>
    %get3A_1054 = arith.constant 48 : index
    %get3A_1055 = arith.constant 0 : index
    %get3A_1056 = vector.load %arg2[%get3A_1054, %get3A_1055] : memref<80x128xi32, #tpu.memory_space<vmem>>, vector<1x128xi32>
    %get3A_1057 = vector.shape_cast %get3A_1056 : vector<1x128xi32> to vector<128xi32>
    %reshape3A_1058 = vector.shape_cast %get3A_1057 : vector<128xi32> to vector<1x128xi32>
    %iota3A_1059 = tpu.iota {dimensions = array<i32: 1>} : vector<1x128xi32>
    %add3A_1060 = arith.constant 6144 : i32
    %add3A_1061 = vector.broadcast %add3A_1060 : i32 to vector<1x128xi32>
    %add3A_1062 = arith.addi %add3A_1061, %iota3A_1059 : vector<1x128xi32>
    %gt3A_1063 = vector.broadcast %reshape3A_1058 : vector<1x128xi32> to vector<1024x128xi32>
    %gt3A_1064 = vector.broadcast %get3A_1 : vector<1024x1xi32> to vector<1024x128xi32>
    %gt3A_1065 = arith.cmpi sgt, %gt3A_1063, %gt3A_1064 : vector<1024x128xi32>
    %eq3A_1066 = vector.broadcast %reshape3A_1058 : vector<1x128xi32> to vector<1024x128xi32>
    %eq3A_1067 = vector.broadcast %get3A_1 : vector<1024x1xi32> to vector<1024x128xi32>
    %eq3A_1068 = arith.cmpi eq, %eq3A_1066, %eq3A_1067 : vector<1024x128xi32>
    %lt3A_1069 = vector.broadcast %add3A_1062 : vector<1x128xi32> to vector<1024x128xi32>
    %lt3A_1070 = vector.broadcast %add3A_3 : vector<1024x1xi32> to vector<1024x128xi32>
    %lt3A_1071 = arith.cmpi slt, %lt3A_1069, %lt3A_1070 : vector<1024x128xi32>
    %and3A_1072 = arith.andi %eq3A_1068, %lt3A_1071 : vector<1024x128xi1>
    %or3A_1073 = arith.ori %gt3A_1065, %and3A_1072 : vector<1024x128xi1>
    %convert_element_type3A_1074 = arith.extui %or3A_1073 : vector<1024x128xi1> to vector<1024x128xi32>
    %add3A_1075 = arith.addi %add3A_1053, %convert_element_type3A_1074 : vector<1024x128xi32>
    %get3A_1076 = arith.constant 49 : index
    %get3A_1077 = arith.constant 0 : index
    %get3A_1078 = vector.load %arg2[%get3A_1076, %get3A_1077] : memref<80x128xi32, #tpu.memory_space<vmem>>, vector<1x128xi32>
    %get3A_1079 = vector.shape_cast %get3A_1078 : vector<1x128xi32> to vector<128xi32>
    %reshape3A_1080 = vector.shape_cast %get3A_1079 : vector<128xi32> to vector<1x128xi32>
    %iota3A_1081 = tpu.iota {dimensions = array<i32: 1>} : vector<1x128xi32>
    %add3A_1082 = arith.constant 6272 : i32
    %add3A_1083 = vector.broadcast %add3A_1082 : i32 to vector<1x128xi32>
    %add3A_1084 = arith.addi %add3A_1083, %iota3A_1081 : vector<1x128xi32>
    %gt3A_1085 = vector.broadcast %reshape3A_1080 : vector<1x128xi32> to vector<1024x128xi32>
    %gt3A_1086 = vector.broadcast %get3A_1 : vector<1024x1xi32> to vector<1024x128xi32>
    %gt3A_1087 = arith.cmpi sgt, %gt3A_1085, %gt3A_1086 : vector<1024x128xi32>
    %eq3A_1088 = vector.broadcast %reshape3A_1080 : vector<1x128xi32> to vector<1024x128xi32>
    %eq3A_1089 = vector.broadcast %get3A_1 : vector<1024x1xi32> to vector<1024x128xi32>
    %eq3A_1090 = arith.cmpi eq, %eq3A_1088, %eq3A_1089 : vector<1024x128xi32>
    %lt3A_1091 = vector.broadcast %add3A_1084 : vector<1x128xi32> to vector<1024x128xi32>
    %lt3A_1092 = vector.broadcast %add3A_3 : vector<1024x1xi32> to vector<1024x128xi32>
    %lt3A_1093 = arith.cmpi slt, %lt3A_1091, %lt3A_1092 : vector<1024x128xi32>
    %and3A_1094 = arith.andi %eq3A_1090, %lt3A_1093 : vector<1024x128xi1>
    %or3A_1095 = arith.ori %gt3A_1087, %and3A_1094 : vector<1024x128xi1>
    %convert_element_type3A_1096 = arith.extui %or3A_1095 : vector<1024x128xi1> to vector<1024x128xi32>
    %add3A_1097 = arith.addi %add3A_1075, %convert_element_type3A_1096 : vector<1024x128xi32>
    %get3A_1098 = arith.constant 50 : index
    %get3A_1099 = arith.constant 0 : index
    %get3A_1100 = vector.load %arg2[%get3A_1098, %get3A_1099] : memref<80x128xi32, #tpu.memory_space<vmem>>, vector<1x128xi32>
    %get3A_1101 = vector.shape_cast %get3A_1100 : vector<1x128xi32> to vector<128xi32>
    %reshape3A_1102 = vector.shape_cast %get3A_1101 : vector<128xi32> to vector<1x128xi32>
    %iota3A_1103 = tpu.iota {dimensions = array<i32: 1>} : vector<1x128xi32>
    %add3A_1104 = arith.constant 6400 : i32
    %add3A_1105 = vector.broadcast %add3A_1104 : i32 to vector<1x128xi32>
    %add3A_1106 = arith.addi %add3A_1105, %iota3A_1103 : vector<1x128xi32>
    %gt3A_1107 = vector.broadcast %reshape3A_1102 : vector<1x128xi32> to vector<1024x128xi32>
    %gt3A_1108 = vector.broadcast %get3A_1 : vector<1024x1xi32> to vector<1024x128xi32>
    %gt3A_1109 = arith.cmpi sgt, %gt3A_1107, %gt3A_1108 : vector<1024x128xi32>
    %eq3A_1110 = vector.broadcast %reshape3A_1102 : vector<1x128xi32> to vector<1024x128xi32>
    %eq3A_1111 = vector.broadcast %get3A_1 : vector<1024x1xi32> to vector<1024x128xi32>
    %eq3A_1112 = arith.cmpi eq, %eq3A_1110, %eq3A_1111 : vector<1024x128xi32>
    %lt3A_1113 = vector.broadcast %add3A_1106 : vector<1x128xi32> to vector<1024x128xi32>
    %lt3A_1114 = vector.broadcast %add3A_3 : vector<1024x1xi32> to vector<1024x128xi32>
    %lt3A_1115 = arith.cmpi slt, %lt3A_1113, %lt3A_1114 : vector<1024x128xi32>
    %and3A_1116 = arith.andi %eq3A_1112, %lt3A_1115 : vector<1024x128xi1>
    %or3A_1117 = arith.ori %gt3A_1109, %and3A_1116 : vector<1024x128xi1>
    %convert_element_type3A_1118 = arith.extui %or3A_1117 : vector<1024x128xi1> to vector<1024x128xi32>
    %add3A_1119 = arith.addi %add3A_1097, %convert_element_type3A_1118 : vector<1024x128xi32>
    %get3A_1120 = arith.constant 51 : index
    %get3A_1121 = arith.constant 0 : index
    %get3A_1122 = vector.load %arg2[%get3A_1120, %get3A_1121] : memref<80x128xi32, #tpu.memory_space<vmem>>, vector<1x128xi32>
    %get3A_1123 = vector.shape_cast %get3A_1122 : vector<1x128xi32> to vector<128xi32>
    %reshape3A_1124 = vector.shape_cast %get3A_1123 : vector<128xi32> to vector<1x128xi32>
    %iota3A_1125 = tpu.iota {dimensions = array<i32: 1>} : vector<1x128xi32>
    %add3A_1126 = arith.constant 6528 : i32
    %add3A_1127 = vector.broadcast %add3A_1126 : i32 to vector<1x128xi32>
    %add3A_1128 = arith.addi %add3A_1127, %iota3A_1125 : vector<1x128xi32>
    %gt3A_1129 = vector.broadcast %reshape3A_1124 : vector<1x128xi32> to vector<1024x128xi32>
    %gt3A_1130 = vector.broadcast %get3A_1 : vector<1024x1xi32> to vector<1024x128xi32>
    %gt3A_1131 = arith.cmpi sgt, %gt3A_1129, %gt3A_1130 : vector<1024x128xi32>
    %eq3A_1132 = vector.broadcast %reshape3A_1124 : vector<1x128xi32> to vector<1024x128xi32>
    %eq3A_1133 = vector.broadcast %get3A_1 : vector<1024x1xi32> to vector<1024x128xi32>
    %eq3A_1134 = arith.cmpi eq, %eq3A_1132, %eq3A_1133 : vector<1024x128xi32>
    %lt3A_1135 = vector.broadcast %add3A_1128 : vector<1x128xi32> to vector<1024x128xi32>
    %lt3A_1136 = vector.broadcast %add3A_3 : vector<1024x1xi32> to vector<1024x128xi32>
    %lt3A_1137 = arith.cmpi slt, %lt3A_1135, %lt3A_1136 : vector<1024x128xi32>
    %and3A_1138 = arith.andi %eq3A_1134, %lt3A_1137 : vector<1024x128xi1>
    %or3A_1139 = arith.ori %gt3A_1131, %and3A_1138 : vector<1024x128xi1>
    %convert_element_type3A_1140 = arith.extui %or3A_1139 : vector<1024x128xi1> to vector<1024x128xi32>
    %add3A_1141 = arith.addi %add3A_1119, %convert_element_type3A_1140 : vector<1024x128xi32>
    %get3A_1142 = arith.constant 52 : index
    %get3A_1143 = arith.constant 0 : index
    %get3A_1144 = vector.load %arg2[%get3A_1142, %get3A_1143] : memref<80x128xi32, #tpu.memory_space<vmem>>, vector<1x128xi32>
    %get3A_1145 = vector.shape_cast %get3A_1144 : vector<1x128xi32> to vector<128xi32>
    %reshape3A_1146 = vector.shape_cast %get3A_1145 : vector<128xi32> to vector<1x128xi32>
    %iota3A_1147 = tpu.iota {dimensions = array<i32: 1>} : vector<1x128xi32>
    %add3A_1148 = arith.constant 6656 : i32
    %add3A_1149 = vector.broadcast %add3A_1148 : i32 to vector<1x128xi32>
    %add3A_1150 = arith.addi %add3A_1149, %iota3A_1147 : vector<1x128xi32>
    %gt3A_1151 = vector.broadcast %reshape3A_1146 : vector<1x128xi32> to vector<1024x128xi32>
    %gt3A_1152 = vector.broadcast %get3A_1 : vector<1024x1xi32> to vector<1024x128xi32>
    %gt3A_1153 = arith.cmpi sgt, %gt3A_1151, %gt3A_1152 : vector<1024x128xi32>
    %eq3A_1154 = vector.broadcast %reshape3A_1146 : vector<1x128xi32> to vector<1024x128xi32>
    %eq3A_1155 = vector.broadcast %get3A_1 : vector<1024x1xi32> to vector<1024x128xi32>
    %eq3A_1156 = arith.cmpi eq, %eq3A_1154, %eq3A_1155 : vector<1024x128xi32>
    %lt3A_1157 = vector.broadcast %add3A_1150 : vector<1x128xi32> to vector<1024x128xi32>
    %lt3A_1158 = vector.broadcast %add3A_3 : vector<1024x1xi32> to vector<1024x128xi32>
    %lt3A_1159 = arith.cmpi slt, %lt3A_1157, %lt3A_1158 : vector<1024x128xi32>
    %and3A_1160 = arith.andi %eq3A_1156, %lt3A_1159 : vector<1024x128xi1>
    %or3A_1161 = arith.ori %gt3A_1153, %and3A_1160 : vector<1024x128xi1>
    %convert_element_type3A_1162 = arith.extui %or3A_1161 : vector<1024x128xi1> to vector<1024x128xi32>
    %add3A_1163 = arith.addi %add3A_1141, %convert_element_type3A_1162 : vector<1024x128xi32>
    %get3A_1164 = arith.constant 53 : index
    %get3A_1165 = arith.constant 0 : index
    %get3A_1166 = vector.load %arg2[%get3A_1164, %get3A_1165] : memref<80x128xi32, #tpu.memory_space<vmem>>, vector<1x128xi32>
    %get3A_1167 = vector.shape_cast %get3A_1166 : vector<1x128xi32> to vector<128xi32>
    %reshape3A_1168 = vector.shape_cast %get3A_1167 : vector<128xi32> to vector<1x128xi32>
    %iota3A_1169 = tpu.iota {dimensions = array<i32: 1>} : vector<1x128xi32>
    %add3A_1170 = arith.constant 6784 : i32
    %add3A_1171 = vector.broadcast %add3A_1170 : i32 to vector<1x128xi32>
    %add3A_1172 = arith.addi %add3A_1171, %iota3A_1169 : vector<1x128xi32>
    %gt3A_1173 = vector.broadcast %reshape3A_1168 : vector<1x128xi32> to vector<1024x128xi32>
    %gt3A_1174 = vector.broadcast %get3A_1 : vector<1024x1xi32> to vector<1024x128xi32>
    %gt3A_1175 = arith.cmpi sgt, %gt3A_1173, %gt3A_1174 : vector<1024x128xi32>
    %eq3A_1176 = vector.broadcast %reshape3A_1168 : vector<1x128xi32> to vector<1024x128xi32>
    %eq3A_1177 = vector.broadcast %get3A_1 : vector<1024x1xi32> to vector<1024x128xi32>
    %eq3A_1178 = arith.cmpi eq, %eq3A_1176, %eq3A_1177 : vector<1024x128xi32>
    %lt3A_1179 = vector.broadcast %add3A_1172 : vector<1x128xi32> to vector<1024x128xi32>
    %lt3A_1180 = vector.broadcast %add3A_3 : vector<1024x1xi32> to vector<1024x128xi32>
    %lt3A_1181 = arith.cmpi slt, %lt3A_1179, %lt3A_1180 : vector<1024x128xi32>
    %and3A_1182 = arith.andi %eq3A_1178, %lt3A_1181 : vector<1024x128xi1>
    %or3A_1183 = arith.ori %gt3A_1175, %and3A_1182 : vector<1024x128xi1>
    %convert_element_type3A_1184 = arith.extui %or3A_1183 : vector<1024x128xi1> to vector<1024x128xi32>
    %add3A_1185 = arith.addi %add3A_1163, %convert_element_type3A_1184 : vector<1024x128xi32>
    %get3A_1186 = arith.constant 54 : index
    %get3A_1187 = arith.constant 0 : index
    %get3A_1188 = vector.load %arg2[%get3A_1186, %get3A_1187] : memref<80x128xi32, #tpu.memory_space<vmem>>, vector<1x128xi32>
    %get3A_1189 = vector.shape_cast %get3A_1188 : vector<1x128xi32> to vector<128xi32>
    %reshape3A_1190 = vector.shape_cast %get3A_1189 : vector<128xi32> to vector<1x128xi32>
    %iota3A_1191 = tpu.iota {dimensions = array<i32: 1>} : vector<1x128xi32>
    %add3A_1192 = arith.constant 6912 : i32
    %add3A_1193 = vector.broadcast %add3A_1192 : i32 to vector<1x128xi32>
    %add3A_1194 = arith.addi %add3A_1193, %iota3A_1191 : vector<1x128xi32>
    %gt3A_1195 = vector.broadcast %reshape3A_1190 : vector<1x128xi32> to vector<1024x128xi32>
    %gt3A_1196 = vector.broadcast %get3A_1 : vector<1024x1xi32> to vector<1024x128xi32>
    %gt3A_1197 = arith.cmpi sgt, %gt3A_1195, %gt3A_1196 : vector<1024x128xi32>
    %eq3A_1198 = vector.broadcast %reshape3A_1190 : vector<1x128xi32> to vector<1024x128xi32>
    %eq3A_1199 = vector.broadcast %get3A_1 : vector<1024x1xi32> to vector<1024x128xi32>
    %eq3A_1200 = arith.cmpi eq, %eq3A_1198, %eq3A_1199 : vector<1024x128xi32>
    %lt3A_1201 = vector.broadcast %add3A_1194 : vector<1x128xi32> to vector<1024x128xi32>
    %lt3A_1202 = vector.broadcast %add3A_3 : vector<1024x1xi32> to vector<1024x128xi32>
    %lt3A_1203 = arith.cmpi slt, %lt3A_1201, %lt3A_1202 : vector<1024x128xi32>
    %and3A_1204 = arith.andi %eq3A_1200, %lt3A_1203 : vector<1024x128xi1>
    %or3A_1205 = arith.ori %gt3A_1197, %and3A_1204 : vector<1024x128xi1>
    %convert_element_type3A_1206 = arith.extui %or3A_1205 : vector<1024x128xi1> to vector<1024x128xi32>
    %add3A_1207 = arith.addi %add3A_1185, %convert_element_type3A_1206 : vector<1024x128xi32>
    %get3A_1208 = arith.constant 55 : index
    %get3A_1209 = arith.constant 0 : index
    %get3A_1210 = vector.load %arg2[%get3A_1208, %get3A_1209] : memref<80x128xi32, #tpu.memory_space<vmem>>, vector<1x128xi32>
    %get3A_1211 = vector.shape_cast %get3A_1210 : vector<1x128xi32> to vector<128xi32>
    %reshape3A_1212 = vector.shape_cast %get3A_1211 : vector<128xi32> to vector<1x128xi32>
    %iota3A_1213 = tpu.iota {dimensions = array<i32: 1>} : vector<1x128xi32>
    %add3A_1214 = arith.constant 7040 : i32
    %add3A_1215 = vector.broadcast %add3A_1214 : i32 to vector<1x128xi32>
    %add3A_1216 = arith.addi %add3A_1215, %iota3A_1213 : vector<1x128xi32>
    %gt3A_1217 = vector.broadcast %reshape3A_1212 : vector<1x128xi32> to vector<1024x128xi32>
    %gt3A_1218 = vector.broadcast %get3A_1 : vector<1024x1xi32> to vector<1024x128xi32>
    %gt3A_1219 = arith.cmpi sgt, %gt3A_1217, %gt3A_1218 : vector<1024x128xi32>
    %eq3A_1220 = vector.broadcast %reshape3A_1212 : vector<1x128xi32> to vector<1024x128xi32>
    %eq3A_1221 = vector.broadcast %get3A_1 : vector<1024x1xi32> to vector<1024x128xi32>
    %eq3A_1222 = arith.cmpi eq, %eq3A_1220, %eq3A_1221 : vector<1024x128xi32>
    %lt3A_1223 = vector.broadcast %add3A_1216 : vector<1x128xi32> to vector<1024x128xi32>
    %lt3A_1224 = vector.broadcast %add3A_3 : vector<1024x1xi32> to vector<1024x128xi32>
    %lt3A_1225 = arith.cmpi slt, %lt3A_1223, %lt3A_1224 : vector<1024x128xi32>
    %and3A_1226 = arith.andi %eq3A_1222, %lt3A_1225 : vector<1024x128xi1>
    %or3A_1227 = arith.ori %gt3A_1219, %and3A_1226 : vector<1024x128xi1>
    %convert_element_type3A_1228 = arith.extui %or3A_1227 : vector<1024x128xi1> to vector<1024x128xi32>
    %add3A_1229 = arith.addi %add3A_1207, %convert_element_type3A_1228 : vector<1024x128xi32>
    %get3A_1230 = arith.constant 56 : index
    %get3A_1231 = arith.constant 0 : index
    %get3A_1232 = vector.load %arg2[%get3A_1230, %get3A_1231] : memref<80x128xi32, #tpu.memory_space<vmem>>, vector<1x128xi32>
    %get3A_1233 = vector.shape_cast %get3A_1232 : vector<1x128xi32> to vector<128xi32>
    %reshape3A_1234 = vector.shape_cast %get3A_1233 : vector<128xi32> to vector<1x128xi32>
    %iota3A_1235 = tpu.iota {dimensions = array<i32: 1>} : vector<1x128xi32>
    %add3A_1236 = arith.constant 7168 : i32
    %add3A_1237 = vector.broadcast %add3A_1236 : i32 to vector<1x128xi32>
    %add3A_1238 = arith.addi %add3A_1237, %iota3A_1235 : vector<1x128xi32>
    %gt3A_1239 = vector.broadcast %reshape3A_1234 : vector<1x128xi32> to vector<1024x128xi32>
    %gt3A_1240 = vector.broadcast %get3A_1 : vector<1024x1xi32> to vector<1024x128xi32>
    %gt3A_1241 = arith.cmpi sgt, %gt3A_1239, %gt3A_1240 : vector<1024x128xi32>
    %eq3A_1242 = vector.broadcast %reshape3A_1234 : vector<1x128xi32> to vector<1024x128xi32>
    %eq3A_1243 = vector.broadcast %get3A_1 : vector<1024x1xi32> to vector<1024x128xi32>
    %eq3A_1244 = arith.cmpi eq, %eq3A_1242, %eq3A_1243 : vector<1024x128xi32>
    %lt3A_1245 = vector.broadcast %add3A_1238 : vector<1x128xi32> to vector<1024x128xi32>
    %lt3A_1246 = vector.broadcast %add3A_3 : vector<1024x1xi32> to vector<1024x128xi32>
    %lt3A_1247 = arith.cmpi slt, %lt3A_1245, %lt3A_1246 : vector<1024x128xi32>
    %and3A_1248 = arith.andi %eq3A_1244, %lt3A_1247 : vector<1024x128xi1>
    %or3A_1249 = arith.ori %gt3A_1241, %and3A_1248 : vector<1024x128xi1>
    %convert_element_type3A_1250 = arith.extui %or3A_1249 : vector<1024x128xi1> to vector<1024x128xi32>
    %add3A_1251 = arith.addi %add3A_1229, %convert_element_type3A_1250 : vector<1024x128xi32>
    %get3A_1252 = arith.constant 57 : index
    %get3A_1253 = arith.constant 0 : index
    %get3A_1254 = vector.load %arg2[%get3A_1252, %get3A_1253] : memref<80x128xi32, #tpu.memory_space<vmem>>, vector<1x128xi32>
    %get3A_1255 = vector.shape_cast %get3A_1254 : vector<1x128xi32> to vector<128xi32>
    %reshape3A_1256 = vector.shape_cast %get3A_1255 : vector<128xi32> to vector<1x128xi32>
    %iota3A_1257 = tpu.iota {dimensions = array<i32: 1>} : vector<1x128xi32>
    %add3A_1258 = arith.constant 7296 : i32
    %add3A_1259 = vector.broadcast %add3A_1258 : i32 to vector<1x128xi32>
    %add3A_1260 = arith.addi %add3A_1259, %iota3A_1257 : vector<1x128xi32>
    %gt3A_1261 = vector.broadcast %reshape3A_1256 : vector<1x128xi32> to vector<1024x128xi32>
    %gt3A_1262 = vector.broadcast %get3A_1 : vector<1024x1xi32> to vector<1024x128xi32>
    %gt3A_1263 = arith.cmpi sgt, %gt3A_1261, %gt3A_1262 : vector<1024x128xi32>
    %eq3A_1264 = vector.broadcast %reshape3A_1256 : vector<1x128xi32> to vector<1024x128xi32>
    %eq3A_1265 = vector.broadcast %get3A_1 : vector<1024x1xi32> to vector<1024x128xi32>
    %eq3A_1266 = arith.cmpi eq, %eq3A_1264, %eq3A_1265 : vector<1024x128xi32>
    %lt3A_1267 = vector.broadcast %add3A_1260 : vector<1x128xi32> to vector<1024x128xi32>
    %lt3A_1268 = vector.broadcast %add3A_3 : vector<1024x1xi32> to vector<1024x128xi32>
    %lt3A_1269 = arith.cmpi slt, %lt3A_1267, %lt3A_1268 : vector<1024x128xi32>
    %and3A_1270 = arith.andi %eq3A_1266, %lt3A_1269 : vector<1024x128xi1>
    %or3A_1271 = arith.ori %gt3A_1263, %and3A_1270 : vector<1024x128xi1>
    %convert_element_type3A_1272 = arith.extui %or3A_1271 : vector<1024x128xi1> to vector<1024x128xi32>
    %add3A_1273 = arith.addi %add3A_1251, %convert_element_type3A_1272 : vector<1024x128xi32>
    %get3A_1274 = arith.constant 58 : index
    %get3A_1275 = arith.constant 0 : index
    %get3A_1276 = vector.load %arg2[%get3A_1274, %get3A_1275] : memref<80x128xi32, #tpu.memory_space<vmem>>, vector<1x128xi32>
    %get3A_1277 = vector.shape_cast %get3A_1276 : vector<1x128xi32> to vector<128xi32>
    %reshape3A_1278 = vector.shape_cast %get3A_1277 : vector<128xi32> to vector<1x128xi32>
    %iota3A_1279 = tpu.iota {dimensions = array<i32: 1>} : vector<1x128xi32>
    %add3A_1280 = arith.constant 7424 : i32
    %add3A_1281 = vector.broadcast %add3A_1280 : i32 to vector<1x128xi32>
    %add3A_1282 = arith.addi %add3A_1281, %iota3A_1279 : vector<1x128xi32>
    %gt3A_1283 = vector.broadcast %reshape3A_1278 : vector<1x128xi32> to vector<1024x128xi32>
    %gt3A_1284 = vector.broadcast %get3A_1 : vector<1024x1xi32> to vector<1024x128xi32>
    %gt3A_1285 = arith.cmpi sgt, %gt3A_1283, %gt3A_1284 : vector<1024x128xi32>
    %eq3A_1286 = vector.broadcast %reshape3A_1278 : vector<1x128xi32> to vector<1024x128xi32>
    %eq3A_1287 = vector.broadcast %get3A_1 : vector<1024x1xi32> to vector<1024x128xi32>
    %eq3A_1288 = arith.cmpi eq, %eq3A_1286, %eq3A_1287 : vector<1024x128xi32>
    %lt3A_1289 = vector.broadcast %add3A_1282 : vector<1x128xi32> to vector<1024x128xi32>
    %lt3A_1290 = vector.broadcast %add3A_3 : vector<1024x1xi32> to vector<1024x128xi32>
    %lt3A_1291 = arith.cmpi slt, %lt3A_1289, %lt3A_1290 : vector<1024x128xi32>
    %and3A_1292 = arith.andi %eq3A_1288, %lt3A_1291 : vector<1024x128xi1>
    %or3A_1293 = arith.ori %gt3A_1285, %and3A_1292 : vector<1024x128xi1>
    %convert_element_type3A_1294 = arith.extui %or3A_1293 : vector<1024x128xi1> to vector<1024x128xi32>
    %add3A_1295 = arith.addi %add3A_1273, %convert_element_type3A_1294 : vector<1024x128xi32>
    %get3A_1296 = arith.constant 59 : index
    %get3A_1297 = arith.constant 0 : index
    %get3A_1298 = vector.load %arg2[%get3A_1296, %get3A_1297] : memref<80x128xi32, #tpu.memory_space<vmem>>, vector<1x128xi32>
    %get3A_1299 = vector.shape_cast %get3A_1298 : vector<1x128xi32> to vector<128xi32>
    %reshape3A_1300 = vector.shape_cast %get3A_1299 : vector<128xi32> to vector<1x128xi32>
    %iota3A_1301 = tpu.iota {dimensions = array<i32: 1>} : vector<1x128xi32>
    %add3A_1302 = arith.constant 7552 : i32
    %add3A_1303 = vector.broadcast %add3A_1302 : i32 to vector<1x128xi32>
    %add3A_1304 = arith.addi %add3A_1303, %iota3A_1301 : vector<1x128xi32>
    %gt3A_1305 = vector.broadcast %reshape3A_1300 : vector<1x128xi32> to vector<1024x128xi32>
    %gt3A_1306 = vector.broadcast %get3A_1 : vector<1024x1xi32> to vector<1024x128xi32>
    %gt3A_1307 = arith.cmpi sgt, %gt3A_1305, %gt3A_1306 : vector<1024x128xi32>
    %eq3A_1308 = vector.broadcast %reshape3A_1300 : vector<1x128xi32> to vector<1024x128xi32>
    %eq3A_1309 = vector.broadcast %get3A_1 : vector<1024x1xi32> to vector<1024x128xi32>
    %eq3A_1310 = arith.cmpi eq, %eq3A_1308, %eq3A_1309 : vector<1024x128xi32>
    %lt3A_1311 = vector.broadcast %add3A_1304 : vector<1x128xi32> to vector<1024x128xi32>
    %lt3A_1312 = vector.broadcast %add3A_3 : vector<1024x1xi32> to vector<1024x128xi32>
    %lt3A_1313 = arith.cmpi slt, %lt3A_1311, %lt3A_1312 : vector<1024x128xi32>
    %and3A_1314 = arith.andi %eq3A_1310, %lt3A_1313 : vector<1024x128xi1>
    %or3A_1315 = arith.ori %gt3A_1307, %and3A_1314 : vector<1024x128xi1>
    %convert_element_type3A_1316 = arith.extui %or3A_1315 : vector<1024x128xi1> to vector<1024x128xi32>
    %add3A_1317 = arith.addi %add3A_1295, %convert_element_type3A_1316 : vector<1024x128xi32>
    %get3A_1318 = arith.constant 60 : index
    %get3A_1319 = arith.constant 0 : index
    %get3A_1320 = vector.load %arg2[%get3A_1318, %get3A_1319] : memref<80x128xi32, #tpu.memory_space<vmem>>, vector<1x128xi32>
    %get3A_1321 = vector.shape_cast %get3A_1320 : vector<1x128xi32> to vector<128xi32>
    %reshape3A_1322 = vector.shape_cast %get3A_1321 : vector<128xi32> to vector<1x128xi32>
    %iota3A_1323 = tpu.iota {dimensions = array<i32: 1>} : vector<1x128xi32>
    %add3A_1324 = arith.constant 7680 : i32
    %add3A_1325 = vector.broadcast %add3A_1324 : i32 to vector<1x128xi32>
    %add3A_1326 = arith.addi %add3A_1325, %iota3A_1323 : vector<1x128xi32>
    %gt3A_1327 = vector.broadcast %reshape3A_1322 : vector<1x128xi32> to vector<1024x128xi32>
    %gt3A_1328 = vector.broadcast %get3A_1 : vector<1024x1xi32> to vector<1024x128xi32>
    %gt3A_1329 = arith.cmpi sgt, %gt3A_1327, %gt3A_1328 : vector<1024x128xi32>
    %eq3A_1330 = vector.broadcast %reshape3A_1322 : vector<1x128xi32> to vector<1024x128xi32>
    %eq3A_1331 = vector.broadcast %get3A_1 : vector<1024x1xi32> to vector<1024x128xi32>
    %eq3A_1332 = arith.cmpi eq, %eq3A_1330, %eq3A_1331 : vector<1024x128xi32>
    %lt3A_1333 = vector.broadcast %add3A_1326 : vector<1x128xi32> to vector<1024x128xi32>
    %lt3A_1334 = vector.broadcast %add3A_3 : vector<1024x1xi32> to vector<1024x128xi32>
    %lt3A_1335 = arith.cmpi slt, %lt3A_1333, %lt3A_1334 : vector<1024x128xi32>
    %and3A_1336 = arith.andi %eq3A_1332, %lt3A_1335 : vector<1024x128xi1>
    %or3A_1337 = arith.ori %gt3A_1329, %and3A_1336 : vector<1024x128xi1>
    %convert_element_type3A_1338 = arith.extui %or3A_1337 : vector<1024x128xi1> to vector<1024x128xi32>
    %add3A_1339 = arith.addi %add3A_1317, %convert_element_type3A_1338 : vector<1024x128xi32>
    %get3A_1340 = arith.constant 61 : index
    %get3A_1341 = arith.constant 0 : index
    %get3A_1342 = vector.load %arg2[%get3A_1340, %get3A_1341] : memref<80x128xi32, #tpu.memory_space<vmem>>, vector<1x128xi32>
    %get3A_1343 = vector.shape_cast %get3A_1342 : vector<1x128xi32> to vector<128xi32>
    %reshape3A_1344 = vector.shape_cast %get3A_1343 : vector<128xi32> to vector<1x128xi32>
    %iota3A_1345 = tpu.iota {dimensions = array<i32: 1>} : vector<1x128xi32>
    %add3A_1346 = arith.constant 7808 : i32
    %add3A_1347 = vector.broadcast %add3A_1346 : i32 to vector<1x128xi32>
    %add3A_1348 = arith.addi %add3A_1347, %iota3A_1345 : vector<1x128xi32>
    %gt3A_1349 = vector.broadcast %reshape3A_1344 : vector<1x128xi32> to vector<1024x128xi32>
    %gt3A_1350 = vector.broadcast %get3A_1 : vector<1024x1xi32> to vector<1024x128xi32>
    %gt3A_1351 = arith.cmpi sgt, %gt3A_1349, %gt3A_1350 : vector<1024x128xi32>
    %eq3A_1352 = vector.broadcast %reshape3A_1344 : vector<1x128xi32> to vector<1024x128xi32>
    %eq3A_1353 = vector.broadcast %get3A_1 : vector<1024x1xi32> to vector<1024x128xi32>
    %eq3A_1354 = arith.cmpi eq, %eq3A_1352, %eq3A_1353 : vector<1024x128xi32>
    %lt3A_1355 = vector.broadcast %add3A_1348 : vector<1x128xi32> to vector<1024x128xi32>
    %lt3A_1356 = vector.broadcast %add3A_3 : vector<1024x1xi32> to vector<1024x128xi32>
    %lt3A_1357 = arith.cmpi slt, %lt3A_1355, %lt3A_1356 : vector<1024x128xi32>
    %and3A_1358 = arith.andi %eq3A_1354, %lt3A_1357 : vector<1024x128xi1>
    %or3A_1359 = arith.ori %gt3A_1351, %and3A_1358 : vector<1024x128xi1>
    %convert_element_type3A_1360 = arith.extui %or3A_1359 : vector<1024x128xi1> to vector<1024x128xi32>
    %add3A_1361 = arith.addi %add3A_1339, %convert_element_type3A_1360 : vector<1024x128xi32>
    %get3A_1362 = arith.constant 62 : index
    %get3A_1363 = arith.constant 0 : index
    %get3A_1364 = vector.load %arg2[%get3A_1362, %get3A_1363] : memref<80x128xi32, #tpu.memory_space<vmem>>, vector<1x128xi32>
    %get3A_1365 = vector.shape_cast %get3A_1364 : vector<1x128xi32> to vector<128xi32>
    %reshape3A_1366 = vector.shape_cast %get3A_1365 : vector<128xi32> to vector<1x128xi32>
    %iota3A_1367 = tpu.iota {dimensions = array<i32: 1>} : vector<1x128xi32>
    %add3A_1368 = arith.constant 7936 : i32
    %add3A_1369 = vector.broadcast %add3A_1368 : i32 to vector<1x128xi32>
    %add3A_1370 = arith.addi %add3A_1369, %iota3A_1367 : vector<1x128xi32>
    %gt3A_1371 = vector.broadcast %reshape3A_1366 : vector<1x128xi32> to vector<1024x128xi32>
    %gt3A_1372 = vector.broadcast %get3A_1 : vector<1024x1xi32> to vector<1024x128xi32>
    %gt3A_1373 = arith.cmpi sgt, %gt3A_1371, %gt3A_1372 : vector<1024x128xi32>
    %eq3A_1374 = vector.broadcast %reshape3A_1366 : vector<1x128xi32> to vector<1024x128xi32>
    %eq3A_1375 = vector.broadcast %get3A_1 : vector<1024x1xi32> to vector<1024x128xi32>
    %eq3A_1376 = arith.cmpi eq, %eq3A_1374, %eq3A_1375 : vector<1024x128xi32>
    %lt3A_1377 = vector.broadcast %add3A_1370 : vector<1x128xi32> to vector<1024x128xi32>
    %lt3A_1378 = vector.broadcast %add3A_3 : vector<1024x1xi32> to vector<1024x128xi32>
    %lt3A_1379 = arith.cmpi slt, %lt3A_1377, %lt3A_1378 : vector<1024x128xi32>
    %and3A_1380 = arith.andi %eq3A_1376, %lt3A_1379 : vector<1024x128xi1>
    %or3A_1381 = arith.ori %gt3A_1373, %and3A_1380 : vector<1024x128xi1>
    %convert_element_type3A_1382 = arith.extui %or3A_1381 : vector<1024x128xi1> to vector<1024x128xi32>
    %add3A_1383 = arith.addi %add3A_1361, %convert_element_type3A_1382 : vector<1024x128xi32>
    %get3A_1384 = arith.constant 63 : index
    %get3A_1385 = arith.constant 0 : index
    %get3A_1386 = vector.load %arg2[%get3A_1384, %get3A_1385] : memref<80x128xi32, #tpu.memory_space<vmem>>, vector<1x128xi32>
    %get3A_1387 = vector.shape_cast %get3A_1386 : vector<1x128xi32> to vector<128xi32>
    %reshape3A_1388 = vector.shape_cast %get3A_1387 : vector<128xi32> to vector<1x128xi32>
    %iota3A_1389 = tpu.iota {dimensions = array<i32: 1>} : vector<1x128xi32>
    %add3A_1390 = arith.constant 8064 : i32
    %add3A_1391 = vector.broadcast %add3A_1390 : i32 to vector<1x128xi32>
    %add3A_1392 = arith.addi %add3A_1391, %iota3A_1389 : vector<1x128xi32>
    %gt3A_1393 = vector.broadcast %reshape3A_1388 : vector<1x128xi32> to vector<1024x128xi32>
    %gt3A_1394 = vector.broadcast %get3A_1 : vector<1024x1xi32> to vector<1024x128xi32>
    %gt3A_1395 = arith.cmpi sgt, %gt3A_1393, %gt3A_1394 : vector<1024x128xi32>
    %eq3A_1396 = vector.broadcast %reshape3A_1388 : vector<1x128xi32> to vector<1024x128xi32>
    %eq3A_1397 = vector.broadcast %get3A_1 : vector<1024x1xi32> to vector<1024x128xi32>
    %eq3A_1398 = arith.cmpi eq, %eq3A_1396, %eq3A_1397 : vector<1024x128xi32>
    %lt3A_1399 = vector.broadcast %add3A_1392 : vector<1x128xi32> to vector<1024x128xi32>
    %lt3A_1400 = vector.broadcast %add3A_3 : vector<1024x1xi32> to vector<1024x128xi32>
    %lt3A_1401 = arith.cmpi slt, %lt3A_1399, %lt3A_1400 : vector<1024x128xi32>
    %and3A_1402 = arith.andi %eq3A_1398, %lt3A_1401 : vector<1024x128xi1>
    %or3A_1403 = arith.ori %gt3A_1395, %and3A_1402 : vector<1024x128xi1>
    %convert_element_type3A_1404 = arith.extui %or3A_1403 : vector<1024x128xi1> to vector<1024x128xi32>
    %add3A_1405 = arith.addi %add3A_1383, %convert_element_type3A_1404 : vector<1024x128xi32>
    %get3A_1406 = arith.constant 64 : index
    %get3A_1407 = arith.constant 0 : index
    %get3A_1408 = vector.load %arg2[%get3A_1406, %get3A_1407] : memref<80x128xi32, #tpu.memory_space<vmem>>, vector<1x128xi32>
    %get3A_1409 = vector.shape_cast %get3A_1408 : vector<1x128xi32> to vector<128xi32>
    %reshape3A_1410 = vector.shape_cast %get3A_1409 : vector<128xi32> to vector<1x128xi32>
    %iota3A_1411 = tpu.iota {dimensions = array<i32: 1>} : vector<1x128xi32>
    %add3A_1412 = arith.constant 8192 : i32
    %add3A_1413 = vector.broadcast %add3A_1412 : i32 to vector<1x128xi32>
    %add3A_1414 = arith.addi %add3A_1413, %iota3A_1411 : vector<1x128xi32>
    %gt3A_1415 = vector.broadcast %reshape3A_1410 : vector<1x128xi32> to vector<1024x128xi32>
    %gt3A_1416 = vector.broadcast %get3A_1 : vector<1024x1xi32> to vector<1024x128xi32>
    %gt3A_1417 = arith.cmpi sgt, %gt3A_1415, %gt3A_1416 : vector<1024x128xi32>
    %eq3A_1418 = vector.broadcast %reshape3A_1410 : vector<1x128xi32> to vector<1024x128xi32>
    %eq3A_1419 = vector.broadcast %get3A_1 : vector<1024x1xi32> to vector<1024x128xi32>
    %eq3A_1420 = arith.cmpi eq, %eq3A_1418, %eq3A_1419 : vector<1024x128xi32>
    %lt3A_1421 = vector.broadcast %add3A_1414 : vector<1x128xi32> to vector<1024x128xi32>
    %lt3A_1422 = vector.broadcast %add3A_3 : vector<1024x1xi32> to vector<1024x128xi32>
    %lt3A_1423 = arith.cmpi slt, %lt3A_1421, %lt3A_1422 : vector<1024x128xi32>
    %and3A_1424 = arith.andi %eq3A_1420, %lt3A_1423 : vector<1024x128xi1>
    %or3A_1425 = arith.ori %gt3A_1417, %and3A_1424 : vector<1024x128xi1>
    %convert_element_type3A_1426 = arith.extui %or3A_1425 : vector<1024x128xi1> to vector<1024x128xi32>
    %add3A_1427 = arith.addi %add3A_1405, %convert_element_type3A_1426 : vector<1024x128xi32>
    %get3A_1428 = arith.constant 65 : index
    %get3A_1429 = arith.constant 0 : index
    %get3A_1430 = vector.load %arg2[%get3A_1428, %get3A_1429] : memref<80x128xi32, #tpu.memory_space<vmem>>, vector<1x128xi32>
    %get3A_1431 = vector.shape_cast %get3A_1430 : vector<1x128xi32> to vector<128xi32>
    %reshape3A_1432 = vector.shape_cast %get3A_1431 : vector<128xi32> to vector<1x128xi32>
    %iota3A_1433 = tpu.iota {dimensions = array<i32: 1>} : vector<1x128xi32>
    %add3A_1434 = arith.constant 8320 : i32
    %add3A_1435 = vector.broadcast %add3A_1434 : i32 to vector<1x128xi32>
    %add3A_1436 = arith.addi %add3A_1435, %iota3A_1433 : vector<1x128xi32>
    %gt3A_1437 = vector.broadcast %reshape3A_1432 : vector<1x128xi32> to vector<1024x128xi32>
    %gt3A_1438 = vector.broadcast %get3A_1 : vector<1024x1xi32> to vector<1024x128xi32>
    %gt3A_1439 = arith.cmpi sgt, %gt3A_1437, %gt3A_1438 : vector<1024x128xi32>
    %eq3A_1440 = vector.broadcast %reshape3A_1432 : vector<1x128xi32> to vector<1024x128xi32>
    %eq3A_1441 = vector.broadcast %get3A_1 : vector<1024x1xi32> to vector<1024x128xi32>
    %eq3A_1442 = arith.cmpi eq, %eq3A_1440, %eq3A_1441 : vector<1024x128xi32>
    %lt3A_1443 = vector.broadcast %add3A_1436 : vector<1x128xi32> to vector<1024x128xi32>
    %lt3A_1444 = vector.broadcast %add3A_3 : vector<1024x1xi32> to vector<1024x128xi32>
    %lt3A_1445 = arith.cmpi slt, %lt3A_1443, %lt3A_1444 : vector<1024x128xi32>
    %and3A_1446 = arith.andi %eq3A_1442, %lt3A_1445 : vector<1024x128xi1>
    %or3A_1447 = arith.ori %gt3A_1439, %and3A_1446 : vector<1024x128xi1>
    %convert_element_type3A_1448 = arith.extui %or3A_1447 : vector<1024x128xi1> to vector<1024x128xi32>
    %add3A_1449 = arith.addi %add3A_1427, %convert_element_type3A_1448 : vector<1024x128xi32>
    %get3A_1450 = arith.constant 66 : index
    %get3A_1451 = arith.constant 0 : index
    %get3A_1452 = vector.load %arg2[%get3A_1450, %get3A_1451] : memref<80x128xi32, #tpu.memory_space<vmem>>, vector<1x128xi32>
    %get3A_1453 = vector.shape_cast %get3A_1452 : vector<1x128xi32> to vector<128xi32>
    %reshape3A_1454 = vector.shape_cast %get3A_1453 : vector<128xi32> to vector<1x128xi32>
    %iota3A_1455 = tpu.iota {dimensions = array<i32: 1>} : vector<1x128xi32>
    %add3A_1456 = arith.constant 8448 : i32
    %add3A_1457 = vector.broadcast %add3A_1456 : i32 to vector<1x128xi32>
    %add3A_1458 = arith.addi %add3A_1457, %iota3A_1455 : vector<1x128xi32>
    %gt3A_1459 = vector.broadcast %reshape3A_1454 : vector<1x128xi32> to vector<1024x128xi32>
    %gt3A_1460 = vector.broadcast %get3A_1 : vector<1024x1xi32> to vector<1024x128xi32>
    %gt3A_1461 = arith.cmpi sgt, %gt3A_1459, %gt3A_1460 : vector<1024x128xi32>
    %eq3A_1462 = vector.broadcast %reshape3A_1454 : vector<1x128xi32> to vector<1024x128xi32>
    %eq3A_1463 = vector.broadcast %get3A_1 : vector<1024x1xi32> to vector<1024x128xi32>
    %eq3A_1464 = arith.cmpi eq, %eq3A_1462, %eq3A_1463 : vector<1024x128xi32>
    %lt3A_1465 = vector.broadcast %add3A_1458 : vector<1x128xi32> to vector<1024x128xi32>
    %lt3A_1466 = vector.broadcast %add3A_3 : vector<1024x1xi32> to vector<1024x128xi32>
    %lt3A_1467 = arith.cmpi slt, %lt3A_1465, %lt3A_1466 : vector<1024x128xi32>
    %and3A_1468 = arith.andi %eq3A_1464, %lt3A_1467 : vector<1024x128xi1>
    %or3A_1469 = arith.ori %gt3A_1461, %and3A_1468 : vector<1024x128xi1>
    %convert_element_type3A_1470 = arith.extui %or3A_1469 : vector<1024x128xi1> to vector<1024x128xi32>
    %add3A_1471 = arith.addi %add3A_1449, %convert_element_type3A_1470 : vector<1024x128xi32>
    %get3A_1472 = arith.constant 67 : index
    %get3A_1473 = arith.constant 0 : index
    %get3A_1474 = vector.load %arg2[%get3A_1472, %get3A_1473] : memref<80x128xi32, #tpu.memory_space<vmem>>, vector<1x128xi32>
    %get3A_1475 = vector.shape_cast %get3A_1474 : vector<1x128xi32> to vector<128xi32>
    %reshape3A_1476 = vector.shape_cast %get3A_1475 : vector<128xi32> to vector<1x128xi32>
    %iota3A_1477 = tpu.iota {dimensions = array<i32: 1>} : vector<1x128xi32>
    %add3A_1478 = arith.constant 8576 : i32
    %add3A_1479 = vector.broadcast %add3A_1478 : i32 to vector<1x128xi32>
    %add3A_1480 = arith.addi %add3A_1479, %iota3A_1477 : vector<1x128xi32>
    %gt3A_1481 = vector.broadcast %reshape3A_1476 : vector<1x128xi32> to vector<1024x128xi32>
    %gt3A_1482 = vector.broadcast %get3A_1 : vector<1024x1xi32> to vector<1024x128xi32>
    %gt3A_1483 = arith.cmpi sgt, %gt3A_1481, %gt3A_1482 : vector<1024x128xi32>
    %eq3A_1484 = vector.broadcast %reshape3A_1476 : vector<1x128xi32> to vector<1024x128xi32>
    %eq3A_1485 = vector.broadcast %get3A_1 : vector<1024x1xi32> to vector<1024x128xi32>
    %eq3A_1486 = arith.cmpi eq, %eq3A_1484, %eq3A_1485 : vector<1024x128xi32>
    %lt3A_1487 = vector.broadcast %add3A_1480 : vector<1x128xi32> to vector<1024x128xi32>
    %lt3A_1488 = vector.broadcast %add3A_3 : vector<1024x1xi32> to vector<1024x128xi32>
    %lt3A_1489 = arith.cmpi slt, %lt3A_1487, %lt3A_1488 : vector<1024x128xi32>
    %and3A_1490 = arith.andi %eq3A_1486, %lt3A_1489 : vector<1024x128xi1>
    %or3A_1491 = arith.ori %gt3A_1483, %and3A_1490 : vector<1024x128xi1>
    %convert_element_type3A_1492 = arith.extui %or3A_1491 : vector<1024x128xi1> to vector<1024x128xi32>
    %add3A_1493 = arith.addi %add3A_1471, %convert_element_type3A_1492 : vector<1024x128xi32>
    %get3A_1494 = arith.constant 68 : index
    %get3A_1495 = arith.constant 0 : index
    %get3A_1496 = vector.load %arg2[%get3A_1494, %get3A_1495] : memref<80x128xi32, #tpu.memory_space<vmem>>, vector<1x128xi32>
    %get3A_1497 = vector.shape_cast %get3A_1496 : vector<1x128xi32> to vector<128xi32>
    %reshape3A_1498 = vector.shape_cast %get3A_1497 : vector<128xi32> to vector<1x128xi32>
    %iota3A_1499 = tpu.iota {dimensions = array<i32: 1>} : vector<1x128xi32>
    %add3A_1500 = arith.constant 8704 : i32
    %add3A_1501 = vector.broadcast %add3A_1500 : i32 to vector<1x128xi32>
    %add3A_1502 = arith.addi %add3A_1501, %iota3A_1499 : vector<1x128xi32>
    %gt3A_1503 = vector.broadcast %reshape3A_1498 : vector<1x128xi32> to vector<1024x128xi32>
    %gt3A_1504 = vector.broadcast %get3A_1 : vector<1024x1xi32> to vector<1024x128xi32>
    %gt3A_1505 = arith.cmpi sgt, %gt3A_1503, %gt3A_1504 : vector<1024x128xi32>
    %eq3A_1506 = vector.broadcast %reshape3A_1498 : vector<1x128xi32> to vector<1024x128xi32>
    %eq3A_1507 = vector.broadcast %get3A_1 : vector<1024x1xi32> to vector<1024x128xi32>
    %eq3A_1508 = arith.cmpi eq, %eq3A_1506, %eq3A_1507 : vector<1024x128xi32>
    %lt3A_1509 = vector.broadcast %add3A_1502 : vector<1x128xi32> to vector<1024x128xi32>
    %lt3A_1510 = vector.broadcast %add3A_3 : vector<1024x1xi32> to vector<1024x128xi32>
    %lt3A_1511 = arith.cmpi slt, %lt3A_1509, %lt3A_1510 : vector<1024x128xi32>
    %and3A_1512 = arith.andi %eq3A_1508, %lt3A_1511 : vector<1024x128xi1>
    %or3A_1513 = arith.ori %gt3A_1505, %and3A_1512 : vector<1024x128xi1>
    %convert_element_type3A_1514 = arith.extui %or3A_1513 : vector<1024x128xi1> to vector<1024x128xi32>
    %add3A_1515 = arith.addi %add3A_1493, %convert_element_type3A_1514 : vector<1024x128xi32>
    %get3A_1516 = arith.constant 69 : index
    %get3A_1517 = arith.constant 0 : index
    %get3A_1518 = vector.load %arg2[%get3A_1516, %get3A_1517] : memref<80x128xi32, #tpu.memory_space<vmem>>, vector<1x128xi32>
    %get3A_1519 = vector.shape_cast %get3A_1518 : vector<1x128xi32> to vector<128xi32>
    %reshape3A_1520 = vector.shape_cast %get3A_1519 : vector<128xi32> to vector<1x128xi32>
    %iota3A_1521 = tpu.iota {dimensions = array<i32: 1>} : vector<1x128xi32>
    %add3A_1522 = arith.constant 8832 : i32
    %add3A_1523 = vector.broadcast %add3A_1522 : i32 to vector<1x128xi32>
    %add3A_1524 = arith.addi %add3A_1523, %iota3A_1521 : vector<1x128xi32>
    %gt3A_1525 = vector.broadcast %reshape3A_1520 : vector<1x128xi32> to vector<1024x128xi32>
    %gt3A_1526 = vector.broadcast %get3A_1 : vector<1024x1xi32> to vector<1024x128xi32>
    %gt3A_1527 = arith.cmpi sgt, %gt3A_1525, %gt3A_1526 : vector<1024x128xi32>
    %eq3A_1528 = vector.broadcast %reshape3A_1520 : vector<1x128xi32> to vector<1024x128xi32>
    %eq3A_1529 = vector.broadcast %get3A_1 : vector<1024x1xi32> to vector<1024x128xi32>
    %eq3A_1530 = arith.cmpi eq, %eq3A_1528, %eq3A_1529 : vector<1024x128xi32>
    %lt3A_1531 = vector.broadcast %add3A_1524 : vector<1x128xi32> to vector<1024x128xi32>
    %lt3A_1532 = vector.broadcast %add3A_3 : vector<1024x1xi32> to vector<1024x128xi32>
    %lt3A_1533 = arith.cmpi slt, %lt3A_1531, %lt3A_1532 : vector<1024x128xi32>
    %and3A_1534 = arith.andi %eq3A_1530, %lt3A_1533 : vector<1024x128xi1>
    %or3A_1535 = arith.ori %gt3A_1527, %and3A_1534 : vector<1024x128xi1>
    %convert_element_type3A_1536 = arith.extui %or3A_1535 : vector<1024x128xi1> to vector<1024x128xi32>
    %add3A_1537 = arith.addi %add3A_1515, %convert_element_type3A_1536 : vector<1024x128xi32>
    %get3A_1538 = arith.constant 70 : index
    %get3A_1539 = arith.constant 0 : index
    %get3A_1540 = vector.load %arg2[%get3A_1538, %get3A_1539] : memref<80x128xi32, #tpu.memory_space<vmem>>, vector<1x128xi32>
    %get3A_1541 = vector.shape_cast %get3A_1540 : vector<1x128xi32> to vector<128xi32>
    %reshape3A_1542 = vector.shape_cast %get3A_1541 : vector<128xi32> to vector<1x128xi32>
    %iota3A_1543 = tpu.iota {dimensions = array<i32: 1>} : vector<1x128xi32>
    %add3A_1544 = arith.constant 8960 : i32
    %add3A_1545 = vector.broadcast %add3A_1544 : i32 to vector<1x128xi32>
    %add3A_1546 = arith.addi %add3A_1545, %iota3A_1543 : vector<1x128xi32>
    %gt3A_1547 = vector.broadcast %reshape3A_1542 : vector<1x128xi32> to vector<1024x128xi32>
    %gt3A_1548 = vector.broadcast %get3A_1 : vector<1024x1xi32> to vector<1024x128xi32>
    %gt3A_1549 = arith.cmpi sgt, %gt3A_1547, %gt3A_1548 : vector<1024x128xi32>
    %eq3A_1550 = vector.broadcast %reshape3A_1542 : vector<1x128xi32> to vector<1024x128xi32>
    %eq3A_1551 = vector.broadcast %get3A_1 : vector<1024x1xi32> to vector<1024x128xi32>
    %eq3A_1552 = arith.cmpi eq, %eq3A_1550, %eq3A_1551 : vector<1024x128xi32>
    %lt3A_1553 = vector.broadcast %add3A_1546 : vector<1x128xi32> to vector<1024x128xi32>
    %lt3A_1554 = vector.broadcast %add3A_3 : vector<1024x1xi32> to vector<1024x128xi32>
    %lt3A_1555 = arith.cmpi slt, %lt3A_1553, %lt3A_1554 : vector<1024x128xi32>
    %and3A_1556 = arith.andi %eq3A_1552, %lt3A_1555 : vector<1024x128xi1>
    %or3A_1557 = arith.ori %gt3A_1549, %and3A_1556 : vector<1024x128xi1>
    %convert_element_type3A_1558 = arith.extui %or3A_1557 : vector<1024x128xi1> to vector<1024x128xi32>
    %add3A_1559 = arith.addi %add3A_1537, %convert_element_type3A_1558 : vector<1024x128xi32>
    %get3A_1560 = arith.constant 71 : index
    %get3A_1561 = arith.constant 0 : index
    %get3A_1562 = vector.load %arg2[%get3A_1560, %get3A_1561] : memref<80x128xi32, #tpu.memory_space<vmem>>, vector<1x128xi32>
    %get3A_1563 = vector.shape_cast %get3A_1562 : vector<1x128xi32> to vector<128xi32>
    %reshape3A_1564 = vector.shape_cast %get3A_1563 : vector<128xi32> to vector<1x128xi32>
    %iota3A_1565 = tpu.iota {dimensions = array<i32: 1>} : vector<1x128xi32>
    %add3A_1566 = arith.constant 9088 : i32
    %add3A_1567 = vector.broadcast %add3A_1566 : i32 to vector<1x128xi32>
    %add3A_1568 = arith.addi %add3A_1567, %iota3A_1565 : vector<1x128xi32>
    %gt3A_1569 = vector.broadcast %reshape3A_1564 : vector<1x128xi32> to vector<1024x128xi32>
    %gt3A_1570 = vector.broadcast %get3A_1 : vector<1024x1xi32> to vector<1024x128xi32>
    %gt3A_1571 = arith.cmpi sgt, %gt3A_1569, %gt3A_1570 : vector<1024x128xi32>
    %eq3A_1572 = vector.broadcast %reshape3A_1564 : vector<1x128xi32> to vector<1024x128xi32>
    %eq3A_1573 = vector.broadcast %get3A_1 : vector<1024x1xi32> to vector<1024x128xi32>
    %eq3A_1574 = arith.cmpi eq, %eq3A_1572, %eq3A_1573 : vector<1024x128xi32>
    %lt3A_1575 = vector.broadcast %add3A_1568 : vector<1x128xi32> to vector<1024x128xi32>
    %lt3A_1576 = vector.broadcast %add3A_3 : vector<1024x1xi32> to vector<1024x128xi32>
    %lt3A_1577 = arith.cmpi slt, %lt3A_1575, %lt3A_1576 : vector<1024x128xi32>
    %and3A_1578 = arith.andi %eq3A_1574, %lt3A_1577 : vector<1024x128xi1>
    %or3A_1579 = arith.ori %gt3A_1571, %and3A_1578 : vector<1024x128xi1>
    %convert_element_type3A_1580 = arith.extui %or3A_1579 : vector<1024x128xi1> to vector<1024x128xi32>
    %add3A_1581 = arith.addi %add3A_1559, %convert_element_type3A_1580 : vector<1024x128xi32>
    %get3A_1582 = arith.constant 72 : index
    %get3A_1583 = arith.constant 0 : index
    %get3A_1584 = vector.load %arg2[%get3A_1582, %get3A_1583] : memref<80x128xi32, #tpu.memory_space<vmem>>, vector<1x128xi32>
    %get3A_1585 = vector.shape_cast %get3A_1584 : vector<1x128xi32> to vector<128xi32>
    %reshape3A_1586 = vector.shape_cast %get3A_1585 : vector<128xi32> to vector<1x128xi32>
    %iota3A_1587 = tpu.iota {dimensions = array<i32: 1>} : vector<1x128xi32>
    %add3A_1588 = arith.constant 9216 : i32
    %add3A_1589 = vector.broadcast %add3A_1588 : i32 to vector<1x128xi32>
    %add3A_1590 = arith.addi %add3A_1589, %iota3A_1587 : vector<1x128xi32>
    %gt3A_1591 = vector.broadcast %reshape3A_1586 : vector<1x128xi32> to vector<1024x128xi32>
    %gt3A_1592 = vector.broadcast %get3A_1 : vector<1024x1xi32> to vector<1024x128xi32>
    %gt3A_1593 = arith.cmpi sgt, %gt3A_1591, %gt3A_1592 : vector<1024x128xi32>
    %eq3A_1594 = vector.broadcast %reshape3A_1586 : vector<1x128xi32> to vector<1024x128xi32>
    %eq3A_1595 = vector.broadcast %get3A_1 : vector<1024x1xi32> to vector<1024x128xi32>
    %eq3A_1596 = arith.cmpi eq, %eq3A_1594, %eq3A_1595 : vector<1024x128xi32>
    %lt3A_1597 = vector.broadcast %add3A_1590 : vector<1x128xi32> to vector<1024x128xi32>
    %lt3A_1598 = vector.broadcast %add3A_3 : vector<1024x1xi32> to vector<1024x128xi32>
    %lt3A_1599 = arith.cmpi slt, %lt3A_1597, %lt3A_1598 : vector<1024x128xi32>
    %and3A_1600 = arith.andi %eq3A_1596, %lt3A_1599 : vector<1024x128xi1>
    %or3A_1601 = arith.ori %gt3A_1593, %and3A_1600 : vector<1024x128xi1>
    %convert_element_type3A_1602 = arith.extui %or3A_1601 : vector<1024x128xi1> to vector<1024x128xi32>
    %add3A_1603 = arith.addi %add3A_1581, %convert_element_type3A_1602 : vector<1024x128xi32>
    %get3A_1604 = arith.constant 73 : index
    %get3A_1605 = arith.constant 0 : index
    %get3A_1606 = vector.load %arg2[%get3A_1604, %get3A_1605] : memref<80x128xi32, #tpu.memory_space<vmem>>, vector<1x128xi32>
    %get3A_1607 = vector.shape_cast %get3A_1606 : vector<1x128xi32> to vector<128xi32>
    %reshape3A_1608 = vector.shape_cast %get3A_1607 : vector<128xi32> to vector<1x128xi32>
    %iota3A_1609 = tpu.iota {dimensions = array<i32: 1>} : vector<1x128xi32>
    %add3A_1610 = arith.constant 9344 : i32
    %add3A_1611 = vector.broadcast %add3A_1610 : i32 to vector<1x128xi32>
    %add3A_1612 = arith.addi %add3A_1611, %iota3A_1609 : vector<1x128xi32>
    %gt3A_1613 = vector.broadcast %reshape3A_1608 : vector<1x128xi32> to vector<1024x128xi32>
    %gt3A_1614 = vector.broadcast %get3A_1 : vector<1024x1xi32> to vector<1024x128xi32>
    %gt3A_1615 = arith.cmpi sgt, %gt3A_1613, %gt3A_1614 : vector<1024x128xi32>
    %eq3A_1616 = vector.broadcast %reshape3A_1608 : vector<1x128xi32> to vector<1024x128xi32>
    %eq3A_1617 = vector.broadcast %get3A_1 : vector<1024x1xi32> to vector<1024x128xi32>
    %eq3A_1618 = arith.cmpi eq, %eq3A_1616, %eq3A_1617 : vector<1024x128xi32>
    %lt3A_1619 = vector.broadcast %add3A_1612 : vector<1x128xi32> to vector<1024x128xi32>
    %lt3A_1620 = vector.broadcast %add3A_3 : vector<1024x1xi32> to vector<1024x128xi32>
    %lt3A_1621 = arith.cmpi slt, %lt3A_1619, %lt3A_1620 : vector<1024x128xi32>
    %and3A_1622 = arith.andi %eq3A_1618, %lt3A_1621 : vector<1024x128xi1>
    %or3A_1623 = arith.ori %gt3A_1615, %and3A_1622 : vector<1024x128xi1>
    %convert_element_type3A_1624 = arith.extui %or3A_1623 : vector<1024x128xi1> to vector<1024x128xi32>
    %add3A_1625 = arith.addi %add3A_1603, %convert_element_type3A_1624 : vector<1024x128xi32>
    %get3A_1626 = arith.constant 74 : index
    %get3A_1627 = arith.constant 0 : index
    %get3A_1628 = vector.load %arg2[%get3A_1626, %get3A_1627] : memref<80x128xi32, #tpu.memory_space<vmem>>, vector<1x128xi32>
    %get3A_1629 = vector.shape_cast %get3A_1628 : vector<1x128xi32> to vector<128xi32>
    %reshape3A_1630 = vector.shape_cast %get3A_1629 : vector<128xi32> to vector<1x128xi32>
    %iota3A_1631 = tpu.iota {dimensions = array<i32: 1>} : vector<1x128xi32>
    %add3A_1632 = arith.constant 9472 : i32
    %add3A_1633 = vector.broadcast %add3A_1632 : i32 to vector<1x128xi32>
    %add3A_1634 = arith.addi %add3A_1633, %iota3A_1631 : vector<1x128xi32>
    %gt3A_1635 = vector.broadcast %reshape3A_1630 : vector<1x128xi32> to vector<1024x128xi32>
    %gt3A_1636 = vector.broadcast %get3A_1 : vector<1024x1xi32> to vector<1024x128xi32>
    %gt3A_1637 = arith.cmpi sgt, %gt3A_1635, %gt3A_1636 : vector<1024x128xi32>
    %eq3A_1638 = vector.broadcast %reshape3A_1630 : vector<1x128xi32> to vector<1024x128xi32>
    %eq3A_1639 = vector.broadcast %get3A_1 : vector<1024x1xi32> to vector<1024x128xi32>
    %eq3A_1640 = arith.cmpi eq, %eq3A_1638, %eq3A_1639 : vector<1024x128xi32>
    %lt3A_1641 = vector.broadcast %add3A_1634 : vector<1x128xi32> to vector<1024x128xi32>
    %lt3A_1642 = vector.broadcast %add3A_3 : vector<1024x1xi32> to vector<1024x128xi32>
    %lt3A_1643 = arith.cmpi slt, %lt3A_1641, %lt3A_1642 : vector<1024x128xi32>
    %and3A_1644 = arith.andi %eq3A_1640, %lt3A_1643 : vector<1024x128xi1>
    %or3A_1645 = arith.ori %gt3A_1637, %and3A_1644 : vector<1024x128xi1>
    %convert_element_type3A_1646 = arith.extui %or3A_1645 : vector<1024x128xi1> to vector<1024x128xi32>
    %add3A_1647 = arith.addi %add3A_1625, %convert_element_type3A_1646 : vector<1024x128xi32>
    %get3A_1648 = arith.constant 75 : index
    %get3A_1649 = arith.constant 0 : index
    %get3A_1650 = vector.load %arg2[%get3A_1648, %get3A_1649] : memref<80x128xi32, #tpu.memory_space<vmem>>, vector<1x128xi32>
    %get3A_1651 = vector.shape_cast %get3A_1650 : vector<1x128xi32> to vector<128xi32>
    %reshape3A_1652 = vector.shape_cast %get3A_1651 : vector<128xi32> to vector<1x128xi32>
    %iota3A_1653 = tpu.iota {dimensions = array<i32: 1>} : vector<1x128xi32>
    %add3A_1654 = arith.constant 9600 : i32
    %add3A_1655 = vector.broadcast %add3A_1654 : i32 to vector<1x128xi32>
    %add3A_1656 = arith.addi %add3A_1655, %iota3A_1653 : vector<1x128xi32>
    %gt3A_1657 = vector.broadcast %reshape3A_1652 : vector<1x128xi32> to vector<1024x128xi32>
    %gt3A_1658 = vector.broadcast %get3A_1 : vector<1024x1xi32> to vector<1024x128xi32>
    %gt3A_1659 = arith.cmpi sgt, %gt3A_1657, %gt3A_1658 : vector<1024x128xi32>
    %eq3A_1660 = vector.broadcast %reshape3A_1652 : vector<1x128xi32> to vector<1024x128xi32>
    %eq3A_1661 = vector.broadcast %get3A_1 : vector<1024x1xi32> to vector<1024x128xi32>
    %eq3A_1662 = arith.cmpi eq, %eq3A_1660, %eq3A_1661 : vector<1024x128xi32>
    %lt3A_1663 = vector.broadcast %add3A_1656 : vector<1x128xi32> to vector<1024x128xi32>
    %lt3A_1664 = vector.broadcast %add3A_3 : vector<1024x1xi32> to vector<1024x128xi32>
    %lt3A_1665 = arith.cmpi slt, %lt3A_1663, %lt3A_1664 : vector<1024x128xi32>
    %and3A_1666 = arith.andi %eq3A_1662, %lt3A_1665 : vector<1024x128xi1>
    %or3A_1667 = arith.ori %gt3A_1659, %and3A_1666 : vector<1024x128xi1>
    %convert_element_type3A_1668 = arith.extui %or3A_1667 : vector<1024x128xi1> to vector<1024x128xi32>
    %add3A_1669 = arith.addi %add3A_1647, %convert_element_type3A_1668 : vector<1024x128xi32>
    %get3A_1670 = arith.constant 76 : index
    %get3A_1671 = arith.constant 0 : index
    %get3A_1672 = vector.load %arg2[%get3A_1670, %get3A_1671] : memref<80x128xi32, #tpu.memory_space<vmem>>, vector<1x128xi32>
    %get3A_1673 = vector.shape_cast %get3A_1672 : vector<1x128xi32> to vector<128xi32>
    %reshape3A_1674 = vector.shape_cast %get3A_1673 : vector<128xi32> to vector<1x128xi32>
    %iota3A_1675 = tpu.iota {dimensions = array<i32: 1>} : vector<1x128xi32>
    %add3A_1676 = arith.constant 9728 : i32
    %add3A_1677 = vector.broadcast %add3A_1676 : i32 to vector<1x128xi32>
    %add3A_1678 = arith.addi %add3A_1677, %iota3A_1675 : vector<1x128xi32>
    %gt3A_1679 = vector.broadcast %reshape3A_1674 : vector<1x128xi32> to vector<1024x128xi32>
    %gt3A_1680 = vector.broadcast %get3A_1 : vector<1024x1xi32> to vector<1024x128xi32>
    %gt3A_1681 = arith.cmpi sgt, %gt3A_1679, %gt3A_1680 : vector<1024x128xi32>
    %eq3A_1682 = vector.broadcast %reshape3A_1674 : vector<1x128xi32> to vector<1024x128xi32>
    %eq3A_1683 = vector.broadcast %get3A_1 : vector<1024x1xi32> to vector<1024x128xi32>
    %eq3A_1684 = arith.cmpi eq, %eq3A_1682, %eq3A_1683 : vector<1024x128xi32>
    %lt3A_1685 = vector.broadcast %add3A_1678 : vector<1x128xi32> to vector<1024x128xi32>
    %lt3A_1686 = vector.broadcast %add3A_3 : vector<1024x1xi32> to vector<1024x128xi32>
    %lt3A_1687 = arith.cmpi slt, %lt3A_1685, %lt3A_1686 : vector<1024x128xi32>
    %and3A_1688 = arith.andi %eq3A_1684, %lt3A_1687 : vector<1024x128xi1>
    %or3A_1689 = arith.ori %gt3A_1681, %and3A_1688 : vector<1024x128xi1>
    %convert_element_type3A_1690 = arith.extui %or3A_1689 : vector<1024x128xi1> to vector<1024x128xi32>
    %add3A_1691 = arith.addi %add3A_1669, %convert_element_type3A_1690 : vector<1024x128xi32>
    %get3A_1692 = arith.constant 77 : index
    %get3A_1693 = arith.constant 0 : index
    %get3A_1694 = vector.load %arg2[%get3A_1692, %get3A_1693] : memref<80x128xi32, #tpu.memory_space<vmem>>, vector<1x128xi32>
    %get3A_1695 = vector.shape_cast %get3A_1694 : vector<1x128xi32> to vector<128xi32>
    %reshape3A_1696 = vector.shape_cast %get3A_1695 : vector<128xi32> to vector<1x128xi32>
    %iota3A_1697 = tpu.iota {dimensions = array<i32: 1>} : vector<1x128xi32>
    %add3A_1698 = arith.constant 9856 : i32
    %add3A_1699 = vector.broadcast %add3A_1698 : i32 to vector<1x128xi32>
    %add3A_1700 = arith.addi %add3A_1699, %iota3A_1697 : vector<1x128xi32>
    %gt3A_1701 = vector.broadcast %reshape3A_1696 : vector<1x128xi32> to vector<1024x128xi32>
    %gt3A_1702 = vector.broadcast %get3A_1 : vector<1024x1xi32> to vector<1024x128xi32>
    %gt3A_1703 = arith.cmpi sgt, %gt3A_1701, %gt3A_1702 : vector<1024x128xi32>
    %eq3A_1704 = vector.broadcast %reshape3A_1696 : vector<1x128xi32> to vector<1024x128xi32>
    %eq3A_1705 = vector.broadcast %get3A_1 : vector<1024x1xi32> to vector<1024x128xi32>
    %eq3A_1706 = arith.cmpi eq, %eq3A_1704, %eq3A_1705 : vector<1024x128xi32>
    %lt3A_1707 = vector.broadcast %add3A_1700 : vector<1x128xi32> to vector<1024x128xi32>
    %lt3A_1708 = vector.broadcast %add3A_3 : vector<1024x1xi32> to vector<1024x128xi32>
    %lt3A_1709 = arith.cmpi slt, %lt3A_1707, %lt3A_1708 : vector<1024x128xi32>
    %and3A_1710 = arith.andi %eq3A_1706, %lt3A_1709 : vector<1024x128xi1>
    %or3A_1711 = arith.ori %gt3A_1703, %and3A_1710 : vector<1024x128xi1>
    %convert_element_type3A_1712 = arith.extui %or3A_1711 : vector<1024x128xi1> to vector<1024x128xi32>
    %add3A_1713 = arith.addi %add3A_1691, %convert_element_type3A_1712 : vector<1024x128xi32>
    %get3A_1714 = arith.constant 78 : index
    %get3A_1715 = arith.constant 0 : index
    %get3A_1716 = vector.load %arg2[%get3A_1714, %get3A_1715] : memref<80x128xi32, #tpu.memory_space<vmem>>, vector<1x128xi32>
    %get3A_1717 = vector.shape_cast %get3A_1716 : vector<1x128xi32> to vector<128xi32>
    %reshape3A_1718 = vector.shape_cast %get3A_1717 : vector<128xi32> to vector<1x128xi32>
    %iota3A_1719 = tpu.iota {dimensions = array<i32: 1>} : vector<1x128xi32>
    %add3A_1720 = arith.constant 9984 : i32
    %add3A_1721 = vector.broadcast %add3A_1720 : i32 to vector<1x128xi32>
    %add3A_1722 = arith.addi %add3A_1721, %iota3A_1719 : vector<1x128xi32>
    %gt3A_1723 = vector.broadcast %reshape3A_1718 : vector<1x128xi32> to vector<1024x128xi32>
    %gt3A_1724 = vector.broadcast %get3A_1 : vector<1024x1xi32> to vector<1024x128xi32>
    %gt3A_1725 = arith.cmpi sgt, %gt3A_1723, %gt3A_1724 : vector<1024x128xi32>
    %eq3A_1726 = vector.broadcast %reshape3A_1718 : vector<1x128xi32> to vector<1024x128xi32>
    %eq3A_1727 = vector.broadcast %get3A_1 : vector<1024x1xi32> to vector<1024x128xi32>
    %eq3A_1728 = arith.cmpi eq, %eq3A_1726, %eq3A_1727 : vector<1024x128xi32>
    %lt3A_1729 = vector.broadcast %add3A_1722 : vector<1x128xi32> to vector<1024x128xi32>
    %lt3A_1730 = vector.broadcast %add3A_3 : vector<1024x1xi32> to vector<1024x128xi32>
    %lt3A_1731 = arith.cmpi slt, %lt3A_1729, %lt3A_1730 : vector<1024x128xi32>
    %and3A_1732 = arith.andi %eq3A_1728, %lt3A_1731 : vector<1024x128xi1>
    %or3A_1733 = arith.ori %gt3A_1725, %and3A_1732 : vector<1024x128xi1>
    %convert_element_type3A_1734 = arith.extui %or3A_1733 : vector<1024x128xi1> to vector<1024x128xi32>
    %add3A_1735 = arith.addi %add3A_1713, %convert_element_type3A_1734 : vector<1024x128xi32>
    %get3A_1736 = arith.constant 79 : index
    %get3A_1737 = arith.constant 0 : index
    %get3A_1738 = vector.load %arg2[%get3A_1736, %get3A_1737] : memref<80x128xi32, #tpu.memory_space<vmem>>, vector<1x128xi32>
    %get3A_1739 = vector.shape_cast %get3A_1738 : vector<1x128xi32> to vector<128xi32>
    %reshape3A_1740 = vector.shape_cast %get3A_1739 : vector<128xi32> to vector<1x128xi32>
    %iota3A_1741 = tpu.iota {dimensions = array<i32: 1>} : vector<1x128xi32>
    %add3A_1742 = arith.constant 10112 : i32
    %add3A_1743 = vector.broadcast %add3A_1742 : i32 to vector<1x128xi32>
    %add3A_1744 = arith.addi %add3A_1743, %iota3A_1741 : vector<1x128xi32>
    %gt3A_1745 = vector.broadcast %reshape3A_1740 : vector<1x128xi32> to vector<1024x128xi32>
    %gt3A_1746 = vector.broadcast %get3A_1 : vector<1024x1xi32> to vector<1024x128xi32>
    %gt3A_1747 = arith.cmpi sgt, %gt3A_1745, %gt3A_1746 : vector<1024x128xi32>
    %eq3A_1748 = vector.broadcast %reshape3A_1740 : vector<1x128xi32> to vector<1024x128xi32>
    %eq3A_1749 = vector.broadcast %get3A_1 : vector<1024x1xi32> to vector<1024x128xi32>
    %eq3A_1750 = arith.cmpi eq, %eq3A_1748, %eq3A_1749 : vector<1024x128xi32>
    %lt3A_1751 = vector.broadcast %add3A_1744 : vector<1x128xi32> to vector<1024x128xi32>
    %lt3A_1752 = vector.broadcast %add3A_3 : vector<1024x1xi32> to vector<1024x128xi32>
    %lt3A_1753 = arith.cmpi slt, %lt3A_1751, %lt3A_1752 : vector<1024x128xi32>
    %and3A_1754 = arith.andi %eq3A_1750, %lt3A_1753 : vector<1024x128xi1>
    %or3A_1755 = arith.ori %gt3A_1747, %and3A_1754 : vector<1024x128xi1>
    %convert_element_type3A_1756 = arith.extui %or3A_1755 : vector<1024x128xi1> to vector<1024x128xi32>
    %add3A_1757 = arith.addi %add3A_1735, %convert_element_type3A_1756 : vector<1024x128xi32>
    %reduce_sum3A = arith.constant dense<0> : vector<1024xi32>
    %reduce_sum3A_1758 = vector.multi_reduction <add>, %add3A_1757, %reduce_sum3A [1] : vector<1024x128xi32> to vector<1024xi32>
    %broadcast_in_dim3A_1759 = vector.shape_cast %reduce_sum3A_1758 : vector<1024xi32> to vector<1024x1xi32>
    %swap3A = arith.constant 0 : index
    %swap3A_1760 = arith.constant 0 : index
    %swap3A_1761 = vector.load %arg3[%swap3A, %swap3A_1760] : memref<1024x1xi32, #tpu.memory_space<vmem>>, vector<1024x1xi32>
    tpu.vector_store %arg3[%swap3A, %swap3A_1760], %broadcast_in_dim3A_1759 {strides = array<i32>} : memref<1024x1xi32, #tpu.memory_space<vmem>>, vector<1024x1xi32>,
    return
  }
  func.func @transform_0(%arg0: i32) -> (i32, i32) {
    %c0_i32 = arith.constant 0 : i32
    %c0_i32_0 = arith.constant 0 : i32
    return %arg0, %c0_i32 : i32, i32
  }
  func.func @transform_1(%arg0: i32) -> (i32, i32) {
    %c0_i32 = arith.constant 0 : i32
    %c0_i32_0 = arith.constant 0 : i32
    %c0_i32_1 = arith.constant 0 : i32
    return %c0_i32, %c0_i32_0 : i32, i32
  }
  func.func @transform_2(%arg0: i32) -> (i32, i32) {
    %c0_i32 = arith.constant 0 : i32
    %c0_i32_0 = arith.constant 0 : i32
    return %arg0, %c0_i32 : i32, i32
  }
}

</mosaic_0001>

<sc_bundles>
// kernel: scatter_offload_async_start.1
scs
__scs_entry_jumppad:
0x0: {  	(pc) =	sbr.rel $0x88, $3  }
0x1: {  	(tag) =	ssettag $0x0;
	lr =	simm.s32 $0x1  }
0x2: {  	[smem:$0x3F98] =	sst lr;
	_ =	strace $0xD0000000  }
0x3: {  	_ = 	snop  }
0x4: {  	_ = 	snop  }
0x5: {  	_ = 	snop  }
0x6: {  	_ = 	snop  }
0x7: {  	_ = 	snop  }
__scs_overlays_trampoline_lowered:
0x8: {  	[smem:$0x3FA7] =	sst s0  }
0x9: {  	[smem:$0x3FA8] =	sst s1  }
0xa: {  	[smem:$0x3FA9] =	sst s2  }
0xb: {  	[smem:$0x3FAA] =	sst s3  }
0xc: {  	[smem:$0x3FAB] =	sst s4  }
0xd: {  	[smem:$0x3FAC] =	sst s5  }
0xe: {  	[smem:$0x3FAD] =	sst s6  }
0xf: {  	[smem:$0x3FAE] =	sst s7  }
0x10: {  	[smem:$0x3FAF] =	sst s8  }
0x11: {  	[smem:$0x3FB0] =	sst s9;
	s0 =	simm.s32 @!p0 $0x0  }
0x12: {  	s1 =	sld [smem:$0x3F96];
	s0 =	simm.s32 @p0 $0x1  }
0x13: {  	[smem:$0x3FB1] =	sst s0;
	s0 =	simm.s32 @!p1 $0x0  }
0x14: {  	s2 =	sld [smem:$0x3F95];
	s0 =	simm.s32 @p1 $0x1  }
0x15: {  	[smem:$0x3FB2] =	sst s0;
	s0 =	simm.s32 @!p2 $0x0  }
0x16: {  	s3 =	sld [smem:$0x3FDB];
	s0 =	simm.s32 @p2 $0x1  }
0x17: {  	s4 =	simm.s32 $0x1BF5;
	[smem:$0x3FB4] =	sst s0  }
0x18: {  	s0 =	sld [smem:$0x3F97];
	_ =	swait.ge [sflag:s4], $0x0  }
0x19: {  	s7 =	sld [smem:$0x3F98]  }
0x1a: {  	s8 =	sadd.s32 $0xFFFFE003, lr  }
0x1b: {  	s9 =	sadd.s32 $0xFFFFFEF7, lr;
	s5 =	simm.s32 $0xFFFFFFFF;
	p2 =	slt.u32 s8, $0xFFFFF086  }
0x1c: {  	p1 =	slt.u32 s9, $0xF7A;
	s5 =	simm.s32 @!p2 $0x0  }
0x1d: {  	s5 =	simm.s32 @p1 $0x1;
	p0 =	seq.s32 s7, s2  }
0x1e: {  	s7 =	smul.u32 @!p0 $0xF7A, s2;
	p2 =	seq.s32 @!p0 s5, $0x0  }
0x1f: {  	s9 =	smul.u32 $0xF7A, s1;
	s8 =	simm.s32 @!p0 $0x1BF5;
	p2 =	por !p2, p0  }
0x20: {  	[sflag:s8] =	ssyncset.s32 @!p0 $0xFFFFF086;
	s6 =	sadd.s32 @!p0 s3, s7;
	s7 =	simm.s32 @!p0 $0x108  }
0x21: {  	s3 =	sadd.s32 s3, s9;
	s6 =	sadd.s32 @!p0 $0x88, s6;
	s7 =	simm.s32 @p2 $0x1082  }
0x22: {  	[simem:s7], [sflag:s8] =	dma.local @!p0 [hbm:s6], $0xF7A  }
0x23: {  	s9 =	sor.u32 $0xD0000000, s2;
	s6 =	simm.s32 $0x108;
	_ =	swait.ge @!p0 [sflag:s8], $0x0  }
0x24: {  	s3 =	sadd.s32 $0x88, s3;
	s6 =	simm.s32 @!p1 $0x1082;
	[sflag:s4] =	ssyncset.s32 $0xFFFFF086  }
0x25: {  	[simem:s6], [sflag:s4] =	dma.local [hbm:s3], $0xF7A  }
0x26: {  	[smem:$0x3F98] =	sst s1;
	(tag) =	ssettag s2;
	_ =	strace s9  }
0x27: {  	s1 =	sld [smem:$0x3FA8]  }
0x28: {  	s2 =	sld [smem:$0x3FA9]  }
0x29: {  	s4 =	sld [smem:$0x3FAB]  }
0x2a: {  	p0 =	seq.s32 s5, $0x0;
	s5 =	sld [smem:$0x3FAC]  }
0x2b: {  	s6 =	sld [smem:$0x3FAD]  }
0x2c: {  	s7 =	sld [smem:$0x3FAE]  }
0x2d: {  	s3 =	simm.s32 $0x108;
	s8 =	sld [smem:$0x3FAF]  }
0x2e: {  	s3 =	simm.s32 @!p0 $0x1082;
	s9 =	sld [smem:$0x3FB0]  }
0x2f: {  	lr =	sadd.s32 s0, s3;
	s0 =	sld [smem:$0x3FA7]  }
0x30: {  	s3 =	sld [smem:$0x3FAA]  }
0x31: {  	[smem:$0x3FB3] =	sst s10  }
0x32: {  	s10 =	sld [smem:$0x3FB1];
	_ =	sdelay $0x3  }
0x33: {  	p0 =	seq.s32 s10, $0x1;
	s10 =	sld [smem:$0x3FB3];
	_ =	sdelay $0x3  }
0x34: {  	[smem:$0x3FB3] =	sst s10  }
0x35: {  	s10 =	sld [smem:$0x3FB2];
	_ =	sdelay $0x3  }
0x36: {  	p1 =	seq.s32 s10, $0x1;
	s10 =	sld [smem:$0x3FB3];
	_ =	sdelay $0x3  }
0x37: {  	[smem:$0x3FB3] =	sst s10  }
0x38: {  	s10 =	sld [smem:$0x3FB4]  }
0x39: {  	_ = 	snop;
	(pc) =	sbr.ind lr, $3  }
0x3a: {  	_ = 	snop  }
0x3b: {  	_ = 	snop  }
0x3c: {  	p2 =	seq.s32 s10, $0x1;
	s10 =	sld [smem:$0x3FB3]  }
0x3d: {  	_ =	shalt  }
0x3e: {  	_ =	shalt  }
0x3f: {  	_ =	shalt  }
0x40: {  	_ =	shalt  }
0x41: {  	_ =	shalt  }
0x42: {  	_ =	shalt  }
0x43: {  	_ =	shalt  }
0x44: {  	_ =	shalt  }
0x45: {  	_ =	shalt  }
0x46: {  	_ =	shalt  }
0x47: {  	_ =	shalt  }
0x48: {  	_ =	shalt  }
0x49: {  	_ =	shalt  }
0x4a: {  	_ =	shalt  }
0x4b: {  	_ =	shalt  }
0x4c: {  	_ =	shalt  }
0x4d: {  	_ =	shalt  }
0x4e: {  	_ =	shalt  }
0x4f: {  	_ =	shalt  }
0x50: {  	_ =	shalt  }
0x51: {  	_ =	shalt  }
0x52: {  	_ =	shalt  }
0x53: {  	_ =	shalt  }
0x54: {  	_ =	shalt  }
0x55: {  	_ =	shalt  }
0x56: {  	_ =	shalt  }
0x57: {  	_ =	shalt  }
0x58: {  	_ =	shalt  }
0x59: {  	_ =	shalt  }
0x5a: {  	_ =	shalt  }
0x5b: {  	_ =	shalt  }
0x5c: {  	_ =	shalt  }
0x5d: {  	_ =	shalt  }
0x5e: {  	_ =	shalt  }
0x5f: {  	_ =	shalt  }
0x60: {  	_ =	shalt  }
0x61: {  	_ =	shalt  }
0x62: {  	_ =	shalt  }
0x63: {  	_ =	shalt  }
0x64: {  	_ =	shalt  }
0x65: {  	_ =	shalt  }
0x66: {  	_ =	shalt  }
0x67: {  	_ =	shalt  }
0x68: {  	_ =	shalt  }
0x69: {  	_ =	shalt  }
0x6a: {  	_ =	shalt  }
0x6b: {  	_ =	shalt  }
0x6c: {  	_ =	shalt  }
0x6d: {  	_ =	shalt  }
0x6e: {  	_ =	shalt  }
0x6f: {  	_ =	shalt  }
0x70: {  	_ =	shalt  }
0x71: {  	_ =	shalt  }
0x72: {  	_ =	shalt  }
0x73: {  	_ =	shalt  }
0x74: {  	_ =	shalt  }
0x75: {  	_ =	shalt  }
0x76: {  	_ =	shalt  }
0x77: {  	_ =	shalt  }
0x78: {  	_ =	shalt  }
0x79: {  	_ =	shalt  }
0x7a: {  	_ =	shalt  }
0x7b: {  	_ =	shalt  }
0x7c: {  	_ =	shalt  }
0x7d: {  	_ =	shalt  }
0x7e: {  	_ =	shalt  }
0x7f: {  	_ =	shalt  }
0x80: {  	_ =	shalt  }
0x81: {  	_ =	shalt  }
0x82: {  	_ =	shalt  }
0x83: {  	_ =	shalt  }
0x84: {  	_ =	shalt  }
0x85: {  	_ =	shalt  }
0x86: {  	_ =	shalt  }
0x87: {  	_ =	shalt  }
.Lfunc_end0:
.L_simem_size_0:
called_computation.1_lowered:
.L_overlay_start_0:
0x88: {  	s0 =	sld [smem:$0x3FD9]  }
0x89: {  	s1 =	sld [smem:$0x3FFE];
	_ =	sdelay $0x3  }
0x8a: {  	s0 =	sadd.s32 s1, s0  }
0x8b: {  	[smem:$0x3FBF] =	sst s0  }
0x8c: {  	_ = 	snop  }
0x8d: {  	(tm) =	ssettm $0x1  }
0x8e: {  	s15 =	sld [smem:$0x3FFB];
	_ =	sdelay $0x3  }
0x8f: {  	_ =	strace s15  }
0x90: {  	s0 =	sld [smem:$0x3FFC];
	_ =	sdelay $0x3  }
0x91: {  	_ =	strace s0  }
0x92: {  	s0 =	sld [smem:$0x3FFD];
	_ =	sdelay $0x3  }
0x93: {  	_ =	strace s0  }
0x94: {  	_ =	strace $0x8FFFFFFF  }
0x95: {  	s16 =	sld [smem:$0x3FDB];
	_ =	sdelay $0x1  }
0x96: {  	s17 =	simm.s32 $_scs_section_size  }
0x97: {  	s2 =	simm.s32 $_size__tile_overlayer_lowered;
	s3 =	simm.s32 $_tile_overlayer_lowered  }
0x98: {  	s20 =	simm.s32 $0x1BFF;
	s19 =	sshll.u32 s3, $0x1;
	s0 =	sadd.s32 s17, s16  }
0x99: {  	s4 =	simm.s32 $0x0;
	s18 =	sshll.u32 s2, $0x1;
	s2 =	sadd.s32 s19, s0  }
0x9a: {  	[timem:s4], [sflag:s20] =	dma.local [hbm:s2], s18  }
0x9b: {  	_ =	swait.ge [sflag:s20], s18  }
0x9c: {  	s1 =	ssub.s32 $0x0, s18;
	[sflag:s20] =	ssyncset.done $0x0  }
0x9d: {  	[sflag:s20] =	ssyncadd.s32 s1;
	_ =	sdelay $0x1  }
0x9e: {  	s21 =	simm.s32 $0x1B8B  }
0x9f: {  	_ =	swait.ge [sflag:s21], $0x1  }
0xa0: {  	[sflag:s21] =	ssyncset.done $0x0  }
0xa1: {  	s23 =	simm.s32 $0x1B8E;
	s22 =	sld [smem:$0x3FFE];
	[sflag:s21] =	ssyncadd.s32 $0xFFFFFFFF  }
0xa2: {  	s24 =	simm.s32 $execute0_lowered;
	[smem:$0x3FD2] =	sst s23  }
0xa3: {  	s2 =	sshll.u32 s24, $0x1;
	_ =	strace $0x8000004C;
	[dreg:$0x1] =	wrdreg $0xFFFFFFFF  }
0xa4: {  	s25 =	simm.s32 $_size_execute0_lowered;
	s0 =	sadd.s32 s0, s2;
	[dreg:$0x0] =	wrdreg $0x0  }
0xa5: {  	s2 =	sshll.u32 s25, $0x1;
	[dreg:$0x2] =	wrdreg s0  }
0xa6: {  	[dreg:$0x3] =	wrdreg s2  }
0xa7: {  	[dreg:$0x4] =	wrdreg $0xC0  }
0xa8: {  	_ =	task [dreg:s4], $0x5FFFF  }
0xa9: {  	[dreg:$0x1] =	wrdreg $0xFFFFFFFF  }
0xaa: {  	[dreg:$0x0] =	wrdreg $0x60  }
0xab: {  	[dreg:$0x2] =	wrdreg s22  }
0xac: {  	[dreg:$0x3] =	wrdreg $0x9  }
0xad: {  	_ =	task.clear_ibuf [dreg:s4], $0x4FFFF;
	_ =	strace $0x9000004C  }
0xae: {  	s26 =	simm.s32 $0x9;
	_ =	strace $0x8000004E  }
0xaf: {  	_ =	swait.ge [sflag:s26], $0x1  }
0xb0: {  	[sflag:s26] =	ssyncadd.s32 $0xFFFFFFFF  }
0xb1: {  	_ =	strace $0x9000004E  }
0xb2: {  	_ =	sfence  }
0xb3: {  	s28 =	sld [smem:$0x0];
	_ =	sdelay $0x1  }
0xb4: {  	s29 =	srdreg.scid  }
0xb5: {  	s30 =	sshll.u32 s29, $0xD;
	s31 =	sshrl.u32 s29, $0x2  }
0xb6: {  	s1 =	sand.u32 $0x1, s29;
	s2 =	sand.u32 $0x4000, s30;
	s0 =	sadd.s32 s31, s28  }
0xb7: {  	s1 =	sor.u32 s2, s1;
	s0 =	sshll.u32 s0, $0x11  }
0xb8: {  	s0 =	sor.u32 s0, s1  }
0xb9: {  	s0 =	sadd.s32 $0x8F2B, s0  }
0xba: {  	[sflag:s0] =	ssyncadd.remote.s32 $0x1  }
0xbb: {  	_ =	sfence.sel $0xFFFF  }
0xbc: {  	[dreg:$0x0] =	wrdreg $0xFFFFFFFF;
	(pc) =	sbr.abs _section_cstart, $3  }
0xbd: {  	[dreg:$0x1] =	wrdreg $0xFFFFFFFF  }
0xbe: {  	_ =	task.clear_ibuf [dreg:s4], $0x2FFFF;
	_ =	strace $0x9FFFFFFF  }
0xbf: {  	(tm) =	ssettm $0x7FFFFFFF  }
tec
execute0_lowered:
.L_overlay_start_1:
0x0: {  	(tag) =	ssettag $0x1  }
0x1: {  	s0 =	rddreg [dreg:$0x0];
	_ =	strace $0x8000004D;
	s15 =	stileid.u32  }
0x2: {  	s2 =	simm.s32 $0x1;
	s1 =	smin.u32 s15, $0x8;
	s3 =	sshll.u32 s15, $0x1  }
0x3: {  	v1 =	vimm.s32 $0xFFFFFFFF;
	[sflag:s2] =	ssyncpa.u1 $0x0;
	s1 =	sadd.s32 s1, s3  }
0x4: {  	p0 =	slt.u32 s15, $0x8;
	[tilespmem:$0x10] =	vst v1;
	s4 =	smul.u32 $0x1F40, s1;
	s1 =	simm.s32 $0x5DC0  }
0x5: {  	v0 =	vimm.f32 $0.0e+00;
	[tilespmem:$0x20] =	vst v1;
	s1 =	simm.s32 @!p0 $0x3E80  }
0x6: {  	[tilespmem:$0x30] =	vst v0;
	s1 =	sadd.s32 s1, s4  }
0x7: {  	[tilespmem:$0x40] =	vst v0;
	s5 =	smin.u32 s1, $0x4E200  }
0x8: {  	s7 =	simm.s32 $0x2;
	s8 =	simm.s32 $0x8;
	[tilespmem:$0x50] =	vst v0;
	s9 =	ssub.s32 s5, s4  }
0x9: {  	s31 =	simm.s32 $0x9;
	s16 =	simm.s32 $0x0;
	[tilespmem:$0x60] =	vst v1;
	p0 =	sgt.s32 s9, $0x0  }
0xa: {  	s17 =	simm.s32 $0xF0;
	s18 =	simm.s32 $0xFFFFFFFF;
	[tilespmem:$0x70] =	vst v1;
	s9 =	simm.s32 @!p0 $0x0  }
0xb: {  	s19 =	simm.s32 $0xFFFFC280;
	s20 =	simm.s32 $0xFFFFFFFE;
	[tilespmem:$0x80] =	vst v1;
	s30 =	smulhi.u32 $0x10624DD3, s9  }
0xc: {  	s21 =	simm.s32 $0xF;
	s25 =	simm.s32 $0x0;
	s24 =	simm.s32 $0x0;
	v1 =	vimm.s32 $0x0;
	[tilespmem:$0xB0] =	vst v0  }
0xd: {  	s6 =	sadd.s32 $0x95800, s0;
	s15 =	sshllo.u32 s15, $0x1;
	[tilespmem:$0x90] =	vst v1;
	s10 =	sshrl.u32 s30, $0x9  }
0xe: {  	[tilespmem:$0xA0] =	vst v1;
	[sflag:s7] =	ssyncpa.u1 $0x0;
	s7 =	simm.s32 $0x7;
	s11 =	smul.u32 $0x1F40, s10  }
.Ltmp0:
0xf: {  	s13 =	sor.u32 $0x80, s3;
	[sflag:s7] =	ssyncpa.u1 $0x0;
	(pc) =	sbr.rel .LBB2_1-.Ltmp0, $4  }
0x10: {  	s14 =	sor.u32 $0x81, s3;
	[sflag:s8] =	ssyncpa.u1 $0x0;
	p0 =	sne.s32 s9, s11  }
0x11: {  	s23 =	smov.u32 s4;
	s1 =	sadd.s32 $0xBBC00, s0;
	s2 =	simm.s32 @!p0 $0x0  }
0x12: {  	vm0 =	vmmov $0xffff;
	v2 =	vlaneseq.u32;
	[sflag:s31] =	ssyncpa.u1 $0x0;
	s9 =	sadd.s32 $0x9F600, s0;
	s10 =	sadd.s32 s2, s10  }
0x13: {  	vm1 =	vmxor vm1, vm1;
	vm2 =	vmmov $0x1;
	vm3 =	vcmask $0x3F3C;
	p0 =	por $0x0, $0x0;
	s11 =	sadd.s32 $0x1, s10;
	s12 =	sadd.s32 $0x2, s10  }
.LBB2_9:
0x14: {  	p1 =	slt.u32 s24, $0x3  }
0x15: {  	s0 =	simm.s32 @!p1 $0x2  }
0x16: {  	_ =	swait.ge @!p1 [sflag:s0], $0x1F40  }
0x17: {  	[sflag:s0] =	ssyncset.done @!p1 $0x0  }
0x18: {  	[sflag:s0] =	ssyncadd.s32 @!p1 $0xFFFFE0C0;
	s0 =	simm.s32 @!p1 $0x9  }
0x19: {  	_ =	swait.ge @!p1 [sflag:s0], $0x10  }
0x1a: {  	[sflag:s0] =	ssyncset.done @!p1 $0x0  }
0x1b: {  	[sflag:s0] =	ssyncadd.s32 @!p1 $0xFFFFFFF0;
	p1 =	sne.s32 s24, s12  }
.Ltmp1:
0x1c: {  	s2 =	sadd.s32 $0x1F40, s23;
	(pc) =	sbr.rel @!p1 .LBB2_10-.Ltmp1, $4  }
0x1d: {  	s22 =	smov.u32 s4;
	s31 =	sadd.s32 $0x1, s24;
	s17 =	sadd.s32 $0x1F40, s17  }
0x1e: {  	s18 =	sadd.s32 $0x1, s18;
	s25 =	smov.u32 s23;
	p2 =	slt.s32 s2, s5  }
0x1f: {  	p0 =	por !p0, !p0;
	s19 =	sadd.s32 $0x1F40, s19;
	s22 =	smov.u32 @p2 s2  }
0x20: {  	s20 =	sadd.s32 $0x1, s20;
	s23 =	smov.u32 s22;
	s24 =	smov.u32 s31  }
.LBB2_1:
0x21: {  	p1 =	sge.u32 s24, s10  }
0x22: {  	s0 =	smulhi.u32 @!p1 $0xAAAAAAAB, s24;
	_ =	sdelay $0x1  }
0x23: {  	s0 =	sshrl.u32 @!p1 s0, $0x1  }
0x24: {  	s0 =	smul.u32 @!p1 $0x3, s0;
	_ =	sdelay $0x1  }
0x25: {  	s0 =	ssub.s32 @!p1 s24, s0  }
0x26: {  	s0 =	smul.u32 @!p1 $0x7D00, s0;
	_ =	sdelay $0x1  }
0x27: {  	s2 =	sshrl.u32 @!p1 s23, $0x3;
	s0 =	sshrl.u32 @!p1 s0, $0x2  }
0x28: {  	s22 =	sand.u32 @!p1 $0x7, s23;
	s2 =	sadd.s32 @!p1 s6, s2;
	s0 =	sadd.s32 @!p1 $0x100, s0  }
0x29: {  	[tilespmem:s0], [sflag:$0x7] =	stream.linear.gather @!p1 [hbm4b:s2+s22], $0x1F40, $0x38;
	[tilespmem:$0x11A60] =	vst v63  }
0x2a: {  	s0 =	sadd.s32 $0xFFFFFFFF, s24  }
0x2b: {  	p1 =	sge.u32 s0, s10  }
.Ltmp2:
0x2c: {  	_ = 	snop;
	(pc) =	sbr.rel @p1 .LBB2_5-.Ltmp2, $1  }
0x2d: {  	_ =	sdelay $0x3  }
0x2e: {  	s2 =	smulhi.u32 $0xAAAAAAAB, s0;
	_ =	sdelay $0x1  }
0x2f: {  	s2 =	sshrl.u32 s2, $0x1  }
0x30: {  	s2 =	smul.u32 $0x3, s2;
	_ =	sdelay $0x1  }
0x31: {  	s2 =	ssub.s32 s0, s2  }
0x32: {  	s2 =	smul.u32 $0x7D00, s2  }
0x33: {  	_ =	swait.ge [sflag:s7], $0x1F40  }
0x34: {  	[sflag:s7] =	ssyncset.done $0x0;
	s2 =	sshrl.u32 s2, $0x2  }
0x35: {  	[sflag:s7] =	ssyncadd.s32 $0xFFFFE0C0;
	(ifvalue) =	ssetifvalue $0xFFFFFFFF;
	v3 =	vld.msk [tilespmem:s2+$0x100 ss:$0x1], $0xffff;
	_ =	sdelay $0x2  }
0x36: {  	s30 =	smulhi.u32 $0xAAAAAAAB, s18;
	p1 =	sne.s32 s24, $0x1  }
0x37: {  	v4 =	vimm.s32 @!p1 $0x0  }
0x38: {  	s2 =	sshrl.u32 s30, $0x1;
	v4 =	vperm.xlane @!p1 v3, v4  }
0x39: {  	s22 =	sshll.u32 s24, $0x4;
	s2 =	smul.u32 $0xFFFE8900, s2;
	vm4 =	vlt.u32 v3, $0x2800  }
0x3a: {  	s22 =	sand.u32 $0x10, s22;
	v3 =	vnsel vm4, $0xFFFFFFFE, v3;
	vm4 =	vlt.u32 @!p1 v4, $0x2800  }
0x3b: {  	s2 =	sshra.s32 s2, $0x2;
	[tilespmem:s22+$0x60] =	vst v3;
	v3 =	vnsel @!p1 vm4, $0xFFFFFFFE, v4  }
0x3c: {  	s28 =	sadd.s32 s2, s17;
	[tilespmem:$0x80] =	vst @!p1 v3  }
0x3d: {  	v3 =	vld.msk [tilespmem:s28+$0x0 ss:$0x1], $0xffff;
	_ =	sdelay $0x4  }
0x3e: {  	(xrf1) =	vunique.msk.u32 $0xffff, v3;
	_ =	sdelay $0xd  }
0x3f: {  	v4 =	vimm.s32 $0xFFFFFFFF;
	v5, _, _ =	vpop (xrf1)  }
0x40: {  	vm5 =	vne.s32 v3, v4;
	vm4 =	veq.s32 v5, v2  }
0x41: {  	vm6 =	vlt.u32 v3, $0x2800;
	vm4 =	vmand vm5, vm4  }
0x42: {  	vm4 =	vmand vm6, vm4  }
0x43: {  	v4 =	vnsel vm4, $0xFFFFFFFF, v3  }
0x44: {  	s31 =	sand.u32 $0x1, s0  }
0x45: {  	s0 =	simm.s32 $0x1F40;
	p1 =	seq.s32 s31, $0x1  }
0x46: {  	s0 =	simm.s32 @!p1 $0x0  }
0x47: {  	s26 =	sadd.s32 $0x7DF0, s0;
	(ifvalue) =	ssetifvalue $0xFFFFFFFF  }
0x48: {  	v3 =	vperm.xlane v3, v1;
	[tilespmem:s26], [sflag:$0x8] =	stream.indirect_vreg.gather [hbm4b:s1+s16], $0x1, v4, vm0, $0x4038;
	v4 =	vnsel vm6, $0xFFFFFFFE, v4;
	[tilespmem:$0x11A60] =	vst v63  }
0x49: {  	s2 =	simm.s32 $0x0;
	s22 =	sadd.s32 $0xFFFFFFF0, s28;
	[tilespmem:s28+$0x0] =	vst v4  }
.LBB2_3:
0x4a: {  	v4 =	vld.msk [tilespmem:s22+$0x0 ss:$0x1], $0xffff;
	s2 =	sadd.s32 $0x10, s2;
	v5 =	vmov v3;
	s28 =	smov.u32 s22  }
0x4b: {  	p1 =	slt.u32 s2, $0x1F30;
	_ =	sdelay $0x4  }
0x4c: {  	v3 =	vperm.xlane v4, v1;
	(xrf1) =	vunique.msk.u32 $0xffff, v4;
	_ =	sdelay $0xd  }
0x4d: {  	v6, _, _ =	vpop (xrf1)  }
0x4e: {  	vm5 =	vne.s32 v4, v5;
	vm4 =	veq.s32 v6, v2  }
0x4f: {  	vm6 =	vlt.u32 v4, $0x2800;
	vm4 =	vmand vm5, vm4  }
0x50: {  	vm4 =	vmand vm6, vm4  }
0x51: {  	v4 =	vnsel vm4, $0xFFFFFFFF, v4  }
.Ltmp3:
0x52: {  	v5 =	vnsel vm6, $0xFFFFFFFE, v4;
	(pc) =	sbr.rel @p1 .LBB2_3-.Ltmp3, $3  }
0x53: {  	_ =	sdelay $0x1  }
0x54: {  	s22 =	sadd.s32 $0xFFFFFFF0, s22;
	s26 =	sadd.s32 $0xFFFFFFF0, s26;
	(ifvalue) =	ssetifvalue $0xFFFFFFFF  }
0x55: {  	[tilespmem:s26], [sflag:$0x8] =	stream.indirect_vreg.gather [hbm4b:s1+s16], $0x1, v4, vm0, $0x4038;
	[tilespmem:s28+$0x0] =	vst v5  }
0x56: {  	s2 =	sshrl.u32 s25, $0x3  }
0x57: {  	s0 =	sadd.s32 $0x9D40, s0;
	s2 =	sadd.s32 s9, s2  }
0x58: {  	[tilespmem:s0], [sflag:$0x8] =	stream.linear.gather [hbm:s2], $0x1F40, $0x38;
	[tilespmem:$0x11A60] =	vst v63  }
.LBB2_5:
0x59: {  	p1 =	slt.u32 s24, $0x2  }
0x5a: {  	p2 =	sge.u32 @!p1 s24, s12  }
0x5b: {  	p1 =	por p1, p2  }
.Ltmp4:
0x5c: {  	_ = 	snop;
	(pc) =	sbr.rel @p1 .LBB2_9-.Ltmp4, $1  }
0x5d: {  	_ =	sdelay $0x3  }
0x5e: {  	s0 =	sadd.s32 $0xFFFFFFFE, s24  }
0x5f: {  	s2 =	smulhi.u32 $0xAAAAAAAB, s0;
	_ =	sdelay $0x1  }
0x60: {  	s2 =	sshrl.u32 s2, $0x1  }
0x61: {  	s2 =	smul.u32 $0x3, s2;
	_ =	sdelay $0x1  }
0x62: {  	s0 =	ssub.s32 s0, s2  }
0x63: {  	_ =	swait.ge [sflag:s8], $0x3E80;
	s0 =	smul.u32 $0x1F40, s0  }
0x64: {  	p1 =	sne.s32 s24, s11;
	[sflag:s8] =	ssyncset.done $0x0  }
0x65: {  	[sflag:s8] =	ssyncadd.s32 $0xFFFFC180;
	s2 =	sadd.s32 @!p1 $0x203F, s0  }
0x66: {  	[spmem:s14] =	stream.linear.scatter @!p1 [tilespmem:s2], [sflag:$0x1], $0x1, $0x38;
	[tilespmem:$0x11A60] =	vst v63  }
0x67: {  	s2 =	simm.s32 @!p1 $0x1  }
0x68: {  	_ =	swait.ge @!p1 [sflag:s2], $0x1  }
0x69: {  	s22 =	sshll.u32 s24, $0x4;
	[sflag:s2] =	ssyncset.done @!p1 $0x0  }
0x6a: {  	s25 =	sand.u32 $0x10, s22;
	[sflag:s2] =	ssyncadd.s32 @!p1 $0xFFFFFFFF  }
0x6b: {  	s2 =	sxor.u32 $0x10, s25;
	v4 =	vld [tilespmem:s25+$0x10]  }
0x6c: {  	v5 =	vld [tilespmem:s2+$0x60]  }
0x6d: {  	v3 =	vld [tilespmem:$0x80];
	_ =	sdelay $0x2  }
0x6e: {  	(v2sf) =	vpush v4, $0x0  }
0x6f: {  	(v2sf) =	vpush v5, $0x0  }
0x70: {  	(v2sf) =	vpush v3, $0x0;
	_ =	sdelay $0xc  }
0x71: {  	s22 =	spop (v2sf)  }
0x72: {  	s26 =	spop (v2sf)  }
0x73: {  	s28 =	spop (v2sf)  }
0x74: {  	p2 =	seq.s32 s22, s26;
	p3 =	seq.s32 s28, s22  }
0x75: {  	p3 =	por p2, p3  }
0x76: {  	s26 =	sand.u32 $0x1, s24;
	v4 =	vpsel p3, $0xFFFFFFFF, v4  }
0x77: {  	s29 =	smul.u32 $0x1F40, s26;
	[tilespmem:s25+$0x10] =	vst.msk $0x1, v4  }
0x78: {  	v4 =	vld [tilespmem:$0x30]  }
0x79: {  	v5 =	vld [tilespmem:s29+$0x9D40]  }
0x7a: {  	v6 =	vld [tilespmem:s25+$0x40];
	_ =	sdelay $0x3  }
0x7b: {  	vm4 =	vmmov vm1;
	v5 =	vadd.f32 v5, v4  }
0x7c: {  	vm5 =	vmmov vm2;
	vm4 =	vmmov @p2 vm2;
	s22 =	sshll.u32 s26, $0x4;
	v4 =	vadd.f32 v6, v4  }
0x7d: {  	s26 =	sor.u32 $0x11A40, s22;
	vm5 =	vmmov @p3 vm1;
	[tilespmem:s29+$0x9D40] =	vst.msk vm4, v5  }
0x7e: {  	[tilespmem:s26+$0x0] =	vst.msk vm5, v4  }
0x7f: {  	v4 =	vld [tilespmem:s29+$0x7DF0];
	_ =	sdelay $0x3  }
0x80: {  	v5 =	vimm.f32 $0.0e+00  }
0x81: {  	v4 =	vshift.insert v4, v5, s21  }
0x82: {  	s22 =	sor.u32 $0x40, s2  }
0x83: {  	[tilespmem:s22+$0x0] =	vst.msk $0x1, v4  }
0x84: {  	[tilespmem:s29+$0x7DFF] =	vst.msk $0x1, v5  }
0x85: {  	v4 =	vld [tilespmem:s0+$0x2030];
	_ =	sdelay $0x1  }
0x86: {  	s22 =	smulhi.u32 $0xAAAAAAAB, s20;
	s0 =	simm.s32 $0x1  }
0x87: {  	s0 =	simm.s32 @!p0 $0x0  }
0x88: {  	s22 =	sshrl.u32 s22, $0x1;
	s0 =	smul.u32 $0x7D00, s0  }
0x89: {  	s22 =	smul.u32 $0xFFFE8900, s22;
	v4 =	vshift.insert v4, v1, s21  }
0x8a: {  	s0 =	sshrl.u32 s0, $0x2  }
0x8b: {  	s22 =	sshra.s32 s22, $0x2;
	s30 =	sadd.s32 $0x9D40, s0;
	[tilespmem:s2+$0x10] =	vst.msk $0x1, v4  }
0x8c: {  	s22 =	sadd.s32 s22, s19;
	v6 =	vld [tilespmem:s30+$0x0]  }
0x8d: {  	v7 =	vld [tilespmem:s22+$0x0];
	_ =	sdelay $0x3  }
0x8e: {  	v5 =	vadd.f32 v6, v5  }
0x8f: {  	vm4 =	vne.s32 v7, $0xFFFFFFFF  }
0x90: {  	(xrf2) =	vadd.seg.scan.f32 vm4, v5;
	_ =	sdelay $0x3  }
0x91: {  	s31 =	sadd.s32 $0x5EC0, s0;
	v5 =	vperm.xlane v4, v1  }
0x92: {  	v6 =	vld [tilespmem:s31+$0x0]  }
0x93: {  	vm5 =	veq.s32 v7, v3;
	vm6 =	veq.s32 v7, v5  }
0x94: {  	vm7 =	vgt.u32 v7, $0xFFFFFFFD;
	vm6 =	vmor vm6, vm5  }
0x95: {  	vm6 =	vmor vm6, vm7  }
0x96: {  	v9 =	vld [tilespmem:$0xA0];
	v7 =	vsel vm6, $0xFFFFFFFF, v7  }
0x97: {  	v10 =	vld [tilespmem:$0x90];
	v6 =	vsel vm5, $0x0, v6;
	v8, _, _ =	vpop (xrf2)  }
0x98: {  	v6 =	vadd.f32 v8, v6  }
0x99: {  	s0 =	sadd.s32 $0xDBC0, s0  }
0x9a: {  	vm4 =	vmand vm4, vm3;
	[tilespmem:s0+$0x0] =	vst v6;
	(ifvalue) =	ssetifvalue $0xFFFFFFFF  }
0x9b: {  	vm6 =	veq.s32 v9, $0x1;
	[hbm4b:s1+s16] =	stream.indirect_vreg.scatter [tilespmem:s0], [sflag:$0x2], $0x1, v7, vm0, $0x4038;
	v7 =	vsel vm4, $0x0, v8;
	[tilespmem:$0x11A60] =	vst v63  }
0x9c: {  	s2 =	simm.s32 $0x0;
	s22 =	sadd.s32 $0x10, s22;
	vm4 =	vmor vm6, vm5;
	v6 =	vsel vm5, v8, v10;
	v7 =	vshift.insert v7, v0, s21  }
.LBB2_7:
0x9d: {  	v8 =	vld [tilespmem:s22+$0x0];
	s30 =	sadd.s32 $0x10, s30  }
0x9e: {  	s31 =	sadd.s32 $0x10, s31;
	v9 =	vld [tilespmem:s30+$0x0]  }
0x9f: {  	s2 =	sadd.s32 $0x10, s2;
	v10 =	vld [tilespmem:s31+$0x0]  }
0xa0: {  	p2 =	slt.u32 s2, $0x1F30;
	_ =	sdelay $0x2  }
0xa1: {  	v7 =	vadd.f32 v9, v7  }
0xa2: {  	vm5 =	vne.s32 v8, $0xFFFFFFFF  }
0xa3: {  	vm6 =	vmand vm5, vm3;
	(xrf2) =	vadd.seg.scan.f32 vm5, v7;
	_ =	sdelay $0x5  }
0xa4: {  	vm7 =	veq.s32 v8, v5;
	vm5 =	veq.s32 v8, v3  }
0xa5: {  	vm8 =	vgt.u32 v8, $0xFFFFFFFD;
	vm4 =	vmor vm4, vm5;
	vm7 =	vmor vm7, vm5  }
0xa6: {  	vm7 =	vmor vm7, vm8  }
0xa7: {  	v8 =	vsel vm7, $0xFFFFFFFF, v8  }
.Ltmp5:
0xa8: {  	v7 =	vsel vm5, $0x0, v10;
	v9, _, _ =	vpop (xrf2);
	(pc) =	sbr.rel @p2 .LBB2_7-.Ltmp5, $4  }
0xa9: {  	v6 =	vsel vm5, v9, v6;
	v10 =	vadd.f32 v9, v7;
	v7 =	vsel vm6, $0x0, v9  }
0xaa: {  	s0 =	sadd.s32 $0x10, s0;
	v7 =	vshift.insert v7, v0, s21  }
0xab: {  	s22 =	sadd.s32 $0x10, s22;
	[tilespmem:s0+$0x0] =	vst v10;
	(ifvalue) =	ssetifvalue $0xFFFFFFFF  }
0xac: {  	[hbm4b:s1+s16] =	stream.indirect_vreg.scatter [tilespmem:s0], [sflag:$0x2], $0x1, v8, vm0, $0x4038;
	[tilespmem:$0x11A60] =	vst v63  }
0xad: {  	v3 =	vld [tilespmem:s29+$0xFAF0];
	_ =	sdelay $0x4  }
0xae: {  	v3 =	vshift.insert v3, v0, s21  }
0xaf: {  	s0 =	simm.s32 $0x30  }
0xb0: {  	[tilespmem:s0+$0x0] =	vst.msk $0x1, v3  }
0xb1: {  	v3 =	vsel vm4, $0x1, v1;
	[tilespmem:$0x90] =	vst v6  }
0xb2: {  	s0 =	sadd.s32 @!p1 $0xFAFF, s29;
	[tilespmem:$0xA0] =	vst v3  }
0xb3: {  	[spmem:s15] =	stream.linear.scatter @!p1 [tilespmem:s0], [sflag:$0x1], $0x1, $0x38;
	[tilespmem:$0x11A60] =	vst v63  }
0xb4: {  	s0 =	simm.s32 @!p1 $0x1  }
0xb5: {  	v3 =	vmctz.xlane @!p1 vm4;
	_ =	swait.ge @!p1 [sflag:s0], $0x1  }
0xb6: {  	(v2sf) =	vpush @!p1 v4, $0x0  }
0xb7: {  	(v2sf) =	vpush @!p1 v3, $0x0;
	_ =	sdelay $0xd  }
0xb8: {  	s2 =	spop @!p1 (v2sf)  }
0xb9: {  	s22 =	spop @!p1 (v2sf)  }
0xba: {  	p2 =	sne.s32 @!p1 s28, s2;
	p3 =	slt.s32 @!p1 s22, $0xF  }
0xbb: {  	[sflag:s0] =	ssyncset.done @!p1 $0x0;
	p2 =	por p2, p1;
	p3 =	por !p3, p1  }
0xbc: {  	[sflag:s0] =	ssyncadd.s32 @!p1 $0xFFFFFFFF;
	v3 =	vimm.s32 @!p2 $0xFFFFFFFF;
	s22 =	simm.s32 @p3 $0xF  }
0xbd: {  	[tilespmem:$0x80] =	vst @!p2 v3;
	s2 =	sadd.s32 @!p1 $0x90, s22  }
0xbe: {  	[spmem:s3] =	stream.linear.scatter @!p1 [tilespmem:s2], [sflag:$0x1], $0x1, $0x38;
	[tilespmem:$0x11A60] =	vst v63  }
0xbf: {  	_ =	swait.ge @!p1 [sflag:s0], $0x1  }
0xc0: {  	[sflag:s0] =	ssyncset.done @!p1 $0x0  }
0xc1: {  	s2 =	simm.s32 @!p1 $0x80;
	[sflag:s0] =	ssyncadd.s32 @!p1 $0xFFFFFFFF  }
0xc2: {  	[spmem:s13] =	stream.linear.scatter @!p1 [tilespmem:s2], [sflag:$0x1], $0x1, $0x38;
	[tilespmem:$0x11A60] =	vst v63  }
0xc3: {  	_ =	swait.ge @!p1 [sflag:s0], $0x1  }
0xc4: {  	[sflag:s0] =	ssyncset.done @!p1 $0x0  }
0xc5: {  	[sflag:s0] =	ssyncadd.s32 @!p1 $0xFFFFFFFF;
	(ifvalue) =	ssetifvalue $0xFFFFFFFF;
	v3 =	vld [tilespmem:s25+$0x10];
	_ =	sdelay $0x3  }
.Ltmp6:
0xc6: {  	_ = 	snop;
	(pc) =	sbr.rel .LBB2_9-.Ltmp6, $3  }
0xc7: {  	_ =	sdelay $0x1  }
0xc8: {  	(ifvalue) =	ssetifvalue $0xFFFFFFFF  }
0xc9: {  	[hbm4b:s1+s16] =	stream.indirect_vreg.scatter [tilespmem:s26], [sflag:$0x9], $0x1, v3, vm0, $0x4038;
	[tilespmem:$0x11A60] =	vst v63  }
.LBB2_10:
0xca: {  	_ =	sfence.sel $0x180000  }
0xcb: {  	s0 =	simm.s32 $0x7;
	[bflag:$0x0] =	sbarrier.arrive $0xFFFF  }
0xcc: {  	s26 =	simm.s32 $0x8;
	[sflag:s0] =	ssyncpa.u1 $0x1  }
0xcd: {  	s28 =	simm.s32 $0x9;
	[sflag:s26] =	ssyncpa.u1 $0x1  }
0xce: {  	[sflag:s28] =	ssyncpa.u1 $0x1  }
0xcf: {  	_ =	sfence.stream.spmem  }
0xd0: {  	s29 =	simm.s32 $0x3;
	[bflag:$0x0] =	sbarrier.arrive $0xFFFF  }
0xd1: {  	s30 =	simm.s32 $0x4;
	[sflag:s29] =	ssyncpa.u1 $0x1  }
0xd2: {  	s31 =	simm.s32 $0x3C;
	s2 =	stileid.u32;
	[sflag:s30] =	ssyncpa.u1 $0x1  }
0xd3: {  	p0 =	sne.s32 s2, $0x0;
	[sflag:s31] =	ssyncpa.u1 $0x1  }
0xd4: {  	s0 =	simm.s32 @p0 $0x1;
	_ =	sfence @p0  }
0xd5: {  	[sflag:s0] =	ssyncpa.u1 @p0 $0x1;
	s0 =	simm.s32 @p0 $0x2  }
0xd6: {  	[sflag:s0] =	ssyncpa.u1 @p0 $0x1  }
0xd7: {  	_ =	strace @p0 $0x9000004D  }
0xd8: {  	[bflag:$0x2] =	sbarrier.arrive @p0 $0xFFFF  }
0xd9: {  	_ =	shalt @p0  }
.LBB2_11:
0xda: {  	_ =	sfence.stream.spmem;
	s0 =	simm.s32 $0x5  }
0xdb: {  	s2 =	simm.s32 $0x80;
	s3 =	simm.s32 $0xC0;
	[sflag:s0] =	ssyncpa.u1 $0x0  }
0xdc: {  	[tilespmem:s3], [sflag:$0x5] =	stream.linear.gather [spmem:s2], $0x20, $0x38;
	[tilespmem:$0x11A60] =	vst v63  }
0xdd: {  	s2 =	simm.s32 $0x0;
	s3 =	simm.s32 $0xE0  }
0xde: {  	[tilespmem:s3], [sflag:$0x5] =	stream.linear.gather [spmem:s2], $0x20, $0x38;
	[tilespmem:$0x11A60] =	vst v63  }
.Ltmp7:
0xdf: {  	_ = 	snop;
	(pc) =	sbr.rel .LBB2_12-.Ltmp7, $4  }
0xe0: {  	_ =	swait.ge [sflag:s0], $0x40  }
0xe1: {  	[sflag:s0] =	ssyncset.done $0x0  }
0xe2: {  	s31 =	simm.s32 $0x6;
	[sflag:s0] =	ssyncadd.s32 $0xFFFFFFC0  }
0xe3: {  	s4 =	simm.s32 $0x0;
	[sflag:s31] =	ssyncpa.u1 $0x0  }
.LBB2_17:
0xe4: {  	p0 =	sgt.u32 s5, $0x27FF  }
0xe5: {  	s0 =	sshrl.u32 @!p0 s5, $0x3  }
0xe6: {  	s5 =	sand.u32 @!p0 $0x7, s5;
	s6 =	simm.s32 @!p0 $0xB0;
	s0 =	sadd.s32 @!p0 s1, s0  }
0xe7: {  	[tilespmem:s6], [sflag:$0x6] =	stream.linear.gather @!p0 [hbm4b:s0+s5], $0x1, $0x38;
	[tilespmem:$0x11A60] =	vst v63  }
0xe8: {  	s0 =	simm.s32 @!p0 $0x6  }
0xe9: {  	_ =	swait.ge @!p0 [sflag:s0], $0x1  }
0xea: {  	[sflag:s0] =	ssyncset.done @!p0 $0x0  }
0xeb: {  	[sflag:s0] =	ssyncadd.s32 @!p0 $0xFFFFFFFF  }
0xec: {  	v2 =	vmov @!p0 s4;
	v1 =	vld.msk @!p0 [tilespmem:$0xB0], $0x1;
	_ =	sdelay $0x3  }
0xed: {  	s0 =	simm.s32 @!p0 $0xE0  }
0xee: {  	[tilespmem:v2+s0+$0x0], v1 =	vst.idx.ret.add.f32.msk @!p0 $0x1, v1  }
0xef: {  	[tilespmem:s2+$0xC0] =	vst.msk $0x1, v0  }
0xf0: {  	v0 =	vld.msk [tilespmem:s4+$0xE0], $0x1;
	_ =	sdelay $0x4  }
0xf1: {  	[tilespmem:s2+$0xE0] =	vst.msk $0x1, v0;
	s2 =	sadd.s32 $0x1, s2  }
.LBB2_19:
0xf2: {  	s4 =	sadd.s32 $0x1, s4  }
0xf3: {  	p0 =	sne.s32 s4, $0x20  }
.Ltmp8:
0xf4: {  	_ = 	snop;
	(pc) =	sbr.rel @!p0 .LBB2_20-.Ltmp8, $1  }
0xf5: {  	_ =	sdelay $0x3  }
.LBB2_12:
0xf6: {  	v0 =	vld.msk [tilespmem:s4+$0xC0], $0x1;
	_ =	sdelay $0x4  }
0xf7: {  	(v2sf) =	vpush v0, $0x0;
	_ =	sdelay $0xe  }
0xf8: {  	s5 =	spop (v2sf)  }
0xf9: {  	p0 =	seq.s32 s5, $0xFFFFFFFF  }
.Ltmp9:
0xfa: {  	_ = 	snop;
	(pc) =	sbr.rel @p0 .LBB2_19-.Ltmp9, $1  }
0xfb: {  	_ =	sdelay $0x3  }
0xfc: {  	p0 =	slt.s32 s2, $0x1  }
.Ltmp10:
0xfd: {  	_ = 	snop;
	(pc) =	sbr.rel @p0 .LBB2_17-.Ltmp10, $1  }
0xfe: {  	_ =	sdelay $0x3  }
0xff: {  	s0 =	simm.s32 $0xC0;
	p0 =	por $0x0, $0x0  }
0x100: {  	v1 =	vld.msk @!p0 [tilespmem:s0+$0x0], $0x1;
	_ =	sdelay $0x4  }
0x101: {  	(v2sf) =	vpush @!p0 v1, $0x0;
	_ =	sdelay $0xd  }
0x102: {  	p2 =	sne.s32 s2, $0x1  }
.Ltmp11:
0x103: {  	s6 =	spop @!p0 (v2sf);
	(pc) =	sbr.rel @!p2 .LBB2_16-.Ltmp11, $4  }
0x104: {  	p1 =	seq.s32 @!p0 s5, s6  }
0x105: {  	s6 =	simm.s32 $0x0;
	p1 =	por !p1, p0  }
0x106: {  	s8 =	simm.s32 $0xFFFFFFFF;
	s6 =	simm.s32 @p1 $0xFFFFFFFF  }
0x107: {  	s7 =	simm.s32 $0x1;
	s6 =	smov.u32 @p0 s8  }
.LBB2_15:
0x108: {  	s8 =	smov.u32 s6;
	p0 =	sne.s32 s6, $0xFFFFFFFF  }
0x109: {  	s0 =	sadd.s32 $0x1, s0;
	s6 =	smov.u32 s7;
	s7 =	sadd.s32 $0x1, s7  }
0x10a: {  	p1 =	sne.s32 s2, s7;
	v1 =	vld.msk @!p0 [tilespmem:s0+$0x0], $0x1;
	_ =	sdelay $0x4  }
0x10b: {  	(v2sf) =	vpush @!p0 v1, $0x0;
	_ =	sdelay $0xe  }
.Ltmp12:
0x10c: {  	s9 =	spop @!p0 (v2sf);
	(pc) =	sbr.rel @p1 .LBB2_15-.Ltmp12, $4  }
0x10d: {  	p2 =	seq.s32 @!p0 s5, s9  }
0x10e: {  	p2 =	por !p2, p0  }
0x10f: {  	s6 =	simm.s32 @p2 $0xFFFFFFFF  }
0x110: {  	s6 =	smov.u32 @p0 s8  }
.LBB2_16:
0x111: {  	p0 =	sne.s32 s6, $0xFFFFFFFF  }
.Ltmp13:
0x112: {  	_ = 	snop;
	(pc) =	sbr.rel @!p0 .LBB2_17-.Ltmp13, $1  }
0x113: {  	_ =	sdelay $0x3  }
0x114: {  	v0 =	vld.msk [tilespmem:s4+$0xE0], $0x1;
	v1 =	vmov s6  }
.Ltmp14:
0x115: {  	_ = 	snop;
	(pc) =	sbr.rel .LBB2_19-.Ltmp14, $2  }
0x116: {  	_ =	sdelay $0x2  }
0x117: {  	[tilespmem:v1+s3+$0x0], v0 =	vst.idx.ret.add.f32.msk $0x1, v0  }
.LBB2_20:
0x118: {  	p0 =	slt.s32 s2, $0x1  }
.Ltmp15:
0x119: {  	_ = 	snop;
	(pc) =	sbr.rel @p0 .LBB2_24-.Ltmp15, $3  }
0x11a: {  	_ =	sdelay $0x1  }
0x11b: {  	s0 =	simm.s32 $0x6  }
0x11c: {  	s3 =	simm.s32 $0x0;
	[sflag:s0] =	ssyncpa.u1 $0x1  }
0x11d: {  	s0 =	simm.s32 $0xC0  }
0x11e: {  	v0 =	vld.msk [tilespmem:s0+$0x0], $0x1;
	_ =	sdelay $0x4  }
0x11f: {  	(v2sf) =	vpush v0, $0x0;
	_ =	sdelay $0xe  }
0x120: {  	s2 =	sadd.s32 $0xFFFFFFFF, s2;
	s4 =	spop (v2sf)  }
0x121: {  	p1 =	sne.s32 s2, $0x0;
	p0 =	sgt.u32 s4, $0x27FF  }
.Ltmp16:
0x122: {  	s5 =	sshrl.u32 @!p0 s4, $0x3;
	(pc) =	sbr.rel @!p1 .LBB2_23-.Ltmp16, $4  }
0x123: {  	s0 =	simm.s32 $0xE0;
	s4 =	sand.u32 @!p0 $0x7, s4;
	s5 =	sadd.s32 @!p0 s1, s5  }
0x124: {  	[hbm4b:s5+s4] =	stream.linear.scatter @!p0 [tilespmem:s0], [sflag:$0x5], $0x1, $0x38;
	[tilespmem:$0x11A60] =	vst v63  }
0x125: {  	s5 =	simm.s32 $0x0  }
0x126: {  	s4 =	simm.s32 $0xC1;
	s5 =	simm.s32 @!p0 $0x4  }
.LBB2_22:
0x127: {  	v0 =	vld.msk [tilespmem:s4+$0x0], $0x1;
	s2 =	sadd.s32 $0xFFFFFFFF, s2;
	s3 =	sadd.s32 s3, s5  }
0x128: {  	p0 =	sne.s32 s2, $0x0;
	_ =	sdelay $0x3  }
0x129: {  	(v2sf) =	vpush v0, $0x0;
	_ =	sdelay $0xe  }
.Ltmp17:
0x12a: {  	s6 =	spop (v2sf);
	(pc) =	sbr.rel @p0 .LBB2_22-.Ltmp17, $4  }
0x12b: {  	s5 =	simm.s32 $0x0;
	p1 =	sgt.u32 s6, $0x27FF  }
0x12c: {  	s0 =	sadd.s32 $0x1, s0;
	s5 =	simm.s32 @!p1 $0x4;
	s7 =	sshrl.u32 @!p1 s6, $0x3  }
0x12d: {  	s4 =	sadd.s32 $0x1, s4;
	s6 =	sand.u32 @!p1 $0x7, s6;
	s7 =	sadd.s32 @!p1 s1, s7  }
0x12e: {  	[hbm4b:s7+s6] =	stream.linear.scatter @!p1 [tilespmem:s0], [sflag:$0x5], $0x1, $0x38;
	[tilespmem:$0x11A60] =	vst v63  }
.LBB2_23:
0x12f: {  	s0 =	sadd.s32 s3, s5  }
0x130: {  	s3 =	sshrl.u32 s0, $0x2  }
.LBB2_24:
0x131: {  	s0 =	simm.s32 $0x5  }
0x132: {  	_ =	swait.ge [sflag:s0], s3  }
0x133: {  	s1 =	ssub.s32 $0x0, s3;
	[sflag:s0] =	ssyncset.done $0x0  }
0x134: {  	[sflag:s0] =	ssyncadd.s32 s1  }
0x135: {  	[sflag:s0] =	ssyncpa.u1 $0x1  }
0x136: {  	s29 =	simm.s32 $0x1;
	_ =	sfence  }
0x137: {  	s30 =	simm.s32 $0x2;
	[sflag:s29] =	ssyncpa.u1 $0x1  }
0x138: {  	[sflag:s30] =	ssyncpa.u1 $0x1  }
0x139: {  	_ =	strace $0x9000004D  }
0x13a: {  	[bflag:$0x2] =	sbarrier.arrive $0xFFFF  }
0x13b: {  	s31 =	rddreg [dreg:$0x1]  }
0x13c: {  	s0 =	sadd.s32 $0x100000, s31  }
0x13d: {  	[sflag:s0] =	ssyncadd.tile.s32 $0x1;
	_ =	shalt  }
.Lfunc_end2:
_tile_overlayer_lowered:
.L_overlay_start_2:
0x13e: {  	(tag) =	ssettag $0x2  }
0x13f: {  	s0 =	rddreg [dreg:$0x0];
	s2 =	stileid.u32  }
0x140: {  	s1 =	rddreg [dreg:$0x1];
	p0 =	sne.s32 s2, $0x0  }
0x141: {  	s3 =	rddreg [dreg:$0x2];
	[bflag:$0x3] =	sbarrier.arrive $0xFFFF;
	s2 =	simm.s32 @!p0 $0x1C01  }
0x142: {  	[timem:s3], [sflag:s2] =	dma.local @!p0 [hbm:s0], s1  }
0x143: {  	s0 =	simm.s32 @!p0 $0x1  }
0x144: {  	_ =	swait.ge @!p0 [sflag:s0], s1  }
0x145: {  	s1 =	ssub.s32 @!p0 $0x0, s1;
	[sflag:s0] =	ssyncset.done @!p0 $0x0  }
0x146: {  	[sflag:s0] =	ssyncadd.s32 @!p0 s1  }
0x147: {  	[bflag:$0x3] =	sbarrier.arrive $0xFFFF  }
0x148: {  	_ =	shalt  }

// kernel: scatter_offload_async_start.2
scs
__scs_entry_jumppad:
0x0: {  	(pc) =	sbr.rel $0x88, $3  }
0x1: {  	(tag) =	ssettag $0x0;
	lr =	simm.s32 $0x1  }
0x2: {  	[smem:$0x3F98] =	sst lr;
	_ =	strace $0xD0000000  }
0x3: {  	_ = 	snop  }
0x4: {  	_ = 	snop  }
0x5: {  	_ = 	snop  }
0x6: {  	_ = 	snop  }
0x7: {  	_ = 	snop  }
__scs_overlays_trampoline_lowered:
0x8: {  	[smem:$0x3FA7] =	sst s0  }
0x9: {  	[smem:$0x3FA8] =	sst s1  }
0xa: {  	[smem:$0x3FA9] =	sst s2  }
0xb: {  	[smem:$0x3FAA] =	sst s3  }
0xc: {  	[smem:$0x3FAB] =	sst s4  }
0xd: {  	[smem:$0x3FAC] =	sst s5  }
0xe: {  	[smem:$0x3FAD] =	sst s6  }
0xf: {  	[smem:$0x3FAE] =	sst s7  }
0x10: {  	[smem:$0x3FAF] =	sst s8  }
0x11: {  	[smem:$0x3FB0] =	sst s9;
	s0 =	simm.s32 @!p0 $0x0  }
0x12: {  	s1 =	sld [smem:$0x3F96];
	s0 =	simm.s32 @p0 $0x1  }
0x13: {  	[smem:$0x3FB1] =	sst s0;
	s0 =	simm.s32 @!p1 $0x0  }
0x14: {  	s2 =	sld [smem:$0x3F95];
	s0 =	simm.s32 @p1 $0x1  }
0x15: {  	[smem:$0x3FB2] =	sst s0;
	s0 =	simm.s32 @!p2 $0x0  }
0x16: {  	s3 =	sld [smem:$0x3FDB];
	s0 =	simm.s32 @p2 $0x1  }
0x17: {  	s4 =	simm.s32 $0x1BF5;
	[smem:$0x3FB4] =	sst s0  }
0x18: {  	s0 =	sld [smem:$0x3F97];
	_ =	swait.ge [sflag:s4], $0x0  }
0x19: {  	s7 =	sld [smem:$0x3F98]  }
0x1a: {  	s8 =	sadd.s32 $0xFFFFE003, lr  }
0x1b: {  	s9 =	sadd.s32 $0xFFFFFEF7, lr;
	s5 =	simm.s32 $0xFFFFFFFF;
	p2 =	slt.u32 s8, $0xFFFFF086  }
0x1c: {  	p1 =	slt.u32 s9, $0xF7A;
	s5 =	simm.s32 @!p2 $0x0  }
0x1d: {  	s5 =	simm.s32 @p1 $0x1;
	p0 =	seq.s32 s7, s2  }
0x1e: {  	s7 =	smul.u32 @!p0 $0xF7A, s2;
	p2 =	seq.s32 @!p0 s5, $0x0  }
0x1f: {  	s9 =	smul.u32 $0xF7A, s1;
	s8 =	simm.s32 @!p0 $0x1BF5;
	p2 =	por !p2, p0  }
0x20: {  	[sflag:s8] =	ssyncset.s32 @!p0 $0xFFFFF086;
	s6 =	sadd.s32 @!p0 s3, s7;
	s7 =	simm.s32 @!p0 $0x108  }
0x21: {  	s3 =	sadd.s32 s3, s9;
	s6 =	sadd.s32 @!p0 $0x88, s6;
	s7 =	simm.s32 @p2 $0x1082  }
0x22: {  	[simem:s7], [sflag:s8] =	dma.local @!p0 [hbm:s6], $0xF7A  }
0x23: {  	s9 =	sor.u32 $0xD0000000, s2;
	s6 =	simm.s32 $0x108;
	_ =	swait.ge @!p0 [sflag:s8], $0x0  }
0x24: {  	s3 =	sadd.s32 $0x88, s3;
	s6 =	simm.s32 @!p1 $0x1082;
	[sflag:s4] =	ssyncset.s32 $0xFFFFF086  }
0x25: {  	[simem:s6], [sflag:s4] =	dma.local [hbm:s3], $0xF7A  }
0x26: {  	[smem:$0x3F98] =	sst s1;
	(tag) =	ssettag s2;
	_ =	strace s9  }
0x27: {  	s1 =	sld [smem:$0x3FA8]  }
0x28: {  	s2 =	sld [smem:$0x3FA9]  }
0x29: {  	s4 =	sld [smem:$0x3FAB]  }
0x2a: {  	p0 =	seq.s32 s5, $0x0;
	s5 =	sld [smem:$0x3FAC]  }
0x2b: {  	s6 =	sld [smem:$0x3FAD]  }
0x2c: {  	s7 =	sld [smem:$0x3FAE]  }
0x2d: {  	s3 =	simm.s32 $0x108;
	s8 =	sld [smem:$0x3FAF]  }
0x2e: {  	s3 =	simm.s32 @!p0 $0x1082;
	s9 =	sld [smem:$0x3FB0]  }
0x2f: {  	lr =	sadd.s32 s0, s3;
	s0 =	sld [smem:$0x3FA7]  }
0x30: {  	s3 =	sld [smem:$0x3FAA]  }
0x31: {  	[smem:$0x3FB3] =	sst s10  }
0x32: {  	s10 =	sld [smem:$0x3FB1];
	_ =	sdelay $0x3  }
0x33: {  	p0 =	seq.s32 s10, $0x1;
	s10 =	sld [smem:$0x3FB3];
	_ =	sdelay $0x3  }
0x34: {  	[smem:$0x3FB3] =	sst s10  }
0x35: {  	s10 =	sld [smem:$0x3FB2];
	_ =	sdelay $0x3  }
0x36: {  	p1 =	seq.s32 s10, $0x1;
	s10 =	sld [smem:$0x3FB3];
	_ =	sdelay $0x3  }
0x37: {  	[smem:$0x3FB3] =	sst s10  }
0x38: {  	s10 =	sld [smem:$0x3FB4]  }
0x39: {  	_ = 	snop;
	(pc) =	sbr.ind lr, $3  }
0x3a: {  	_ = 	snop  }
0x3b: {  	_ = 	snop  }
0x3c: {  	p2 =	seq.s32 s10, $0x1;
	s10 =	sld [smem:$0x3FB3]  }
0x3d: {  	_ =	shalt  }
0x3e: {  	_ =	shalt  }
0x3f: {  	_ =	shalt  }
0x40: {  	_ =	shalt  }
0x41: {  	_ =	shalt  }
0x42: {  	_ =	shalt  }
0x43: {  	_ =	shalt  }
0x44: {  	_ =	shalt  }
0x45: {  	_ =	shalt  }
0x46: {  	_ =	shalt  }
0x47: {  	_ =	shalt  }
0x48: {  	_ =	shalt  }
0x49: {  	_ =	shalt  }
0x4a: {  	_ =	shalt  }
0x4b: {  	_ =	shalt  }
0x4c: {  	_ =	shalt  }
0x4d: {  	_ =	shalt  }
0x4e: {  	_ =	shalt  }
0x4f: {  	_ =	shalt  }
0x50: {  	_ =	shalt  }
0x51: {  	_ =	shalt  }
0x52: {  	_ =	shalt  }
0x53: {  	_ =	shalt  }
0x54: {  	_ =	shalt  }
0x55: {  	_ =	shalt  }
0x56: {  	_ =	shalt  }
0x57: {  	_ =	shalt  }
0x58: {  	_ =	shalt  }
0x59: {  	_ =	shalt  }
0x5a: {  	_ =	shalt  }
0x5b: {  	_ =	shalt  }
0x5c: {  	_ =	shalt  }
0x5d: {  	_ =	shalt  }
0x5e: {  	_ =	shalt  }
0x5f: {  	_ =	shalt  }
0x60: {  	_ =	shalt  }
0x61: {  	_ =	shalt  }
0x62: {  	_ =	shalt  }
0x63: {  	_ =	shalt  }
0x64: {  	_ =	shalt  }
0x65: {  	_ =	shalt  }
0x66: {  	_ =	shalt  }
0x67: {  	_ =	shalt  }
0x68: {  	_ =	shalt  }
0x69: {  	_ =	shalt  }
0x6a: {  	_ =	shalt  }
0x6b: {  	_ =	shalt  }
0x6c: {  	_ =	shalt  }
0x6d: {  	_ =	shalt  }
0x6e: {  	_ =	shalt  }
0x6f: {  	_ =	shalt  }
0x70: {  	_ =	shalt  }
0x71: {  	_ =	shalt  }
0x72: {  	_ =	shalt  }
0x73: {  	_ =	shalt  }
0x74: {  	_ =	shalt  }
0x75: {  	_ =	shalt  }
0x76: {  	_ =	shalt  }
0x77: {  	_ =	shalt  }
0x78: {  	_ =	shalt  }
0x79: {  	_ =	shalt  }
0x7a: {  	_ =	shalt  }
0x7b: {  	_ =	shalt  }
0x7c: {  	_ =	shalt  }
0x7d: {  	_ =	shalt  }
0x7e: {  	_ =	shalt  }
0x7f: {  	_ =	shalt  }
0x80: {  	_ =	shalt  }
0x81: {  	_ =	shalt  }
0x82: {  	_ =	shalt  }
0x83: {  	_ =	shalt  }
0x84: {  	_ =	shalt  }
0x85: {  	_ =	shalt  }
0x86: {  	_ =	shalt  }
0x87: {  	_ =	shalt  }
.Lfunc_end0:
.L_simem_size_0:
called_computation.2_lowered:
.L_overlay_start_0:
0x88: {  	s2 =	sld [smem:$0x3FD9]  }
0x89: {  	s3 =	sld [smem:$0x3FFE];
	_ =	sdelay $0x1  }
0x8a: {  	s1 =	srdreg.scid  }
0x8b: {  	s0 =	sand.u32 $0x1, s1  }
0x8c: {  	s15 =	sshll.u32 s0, $0xA;
	s2 =	sadd.s32 s3, s2  }
0x8d: {  	s2 =	sadd.s32 s2, s15  }
0x8e: {  	[smem:$0x3FBF] =	sst s2  }
0x8f: {  	_ = 	snop  }
0x90: {  	(tm) =	ssettm $0x1  }
0x91: {  	s16 =	sld [smem:$0x3FFB];
	_ =	sdelay $0x3  }
0x92: {  	_ =	strace s16  }
0x93: {  	s2 =	sld [smem:$0x3FFC];
	_ =	sdelay $0x3  }
0x94: {  	_ =	strace s2  }
0x95: {  	s2 =	sld [smem:$0x3FFD];
	_ =	sdelay $0x3  }
0x96: {  	_ =	strace s2  }
0x97: {  	_ =	strace $0x8FFFFFFF  }
0x98: {  	s17 =	sld [smem:$0x3FDB];
	_ =	sdelay $0x1  }
0x99: {  	s18 =	simm.s32 $_scs_section_size  }
0x9a: {  	s4 =	simm.s32 $_size__tile_overlayer_lowered;
	s5 =	simm.s32 $_tile_overlayer_lowered  }
0x9b: {  	s21 =	simm.s32 $0x1BFF;
	s20 =	sshll.u32 s5, $0x1;
	s2 =	sadd.s32 s18, s17  }
0x9c: {  	s6 =	simm.s32 $0x0;
	s19 =	sshll.u32 s4, $0x1;
	s4 =	sadd.s32 s20, s2  }
0x9d: {  	[timem:s6], [sflag:s21] =	dma.local [hbm:s4], s19  }
0x9e: {  	_ =	swait.ge [sflag:s21], s19  }
0x9f: {  	s3 =	ssub.s32 $0x0, s19;
	[sflag:s21] =	ssyncset.done $0x0  }
0xa0: {  	[sflag:s21] =	ssyncadd.s32 s3;
	_ =	sdelay $0x1  }
0xa1: {  	s22 =	simm.s32 $0x1B8B  }
0xa2: {  	_ =	swait.ge [sflag:s22], $0x1  }
0xa3: {  	[sflag:s22] =	ssyncset.done $0x0  }
0xa4: {  	s23 =	sld [smem:$0x3FFE];
	[sflag:s22] =	ssyncadd.s32 $0xFFFFFFFF  }
0xa5: {  	s25 =	simm.s32 $0x1B8E;
	s24 =	sld [smem:$0x0]  }
0xa6: {  	s26 =	simm.s32 $execute0_lowered;
	[smem:$0x3FD2] =	sst s25  }
0xa7: {  	s5 =	sshll.u32 s26, $0x1;
	_ =	strace $0x8000004F;
	[dreg:$0x1] =	wrdreg $0xFFFFFFFF  }
0xa8: {  	s28 =	simm.s32 $_size_execute0_lowered;
	s2 =	sadd.s32 s2, s5;
	[dreg:$0x0] =	wrdreg $0x0  }
0xa9: {  	s5 =	sshll.u32 s28, $0x1;
	[dreg:$0x2] =	wrdreg s2  }
0xaa: {  	[dreg:$0x3] =	wrdreg s5  }
0xab: {  	[dreg:$0x4] =	wrdreg $0xC0  }
0xac: {  	_ =	task [dreg:s6], $0x5FFFF  }
0xad: {  	[dreg:$0x1] =	wrdreg $0xFFFFFFFF  }
0xae: {  	[dreg:$0x0] =	wrdreg $0x60  }
0xaf: {  	[dreg:$0x2] =	wrdreg s23  }
0xb0: {  	[dreg:$0x3] =	wrdreg s1  }
0xb1: {  	[dreg:$0x4] =	wrdreg s24  }
0xb2: {  	[dreg:$0x5] =	wrdreg $0x9  }
0xb3: {  	_ =	task.clear_ibuf [dreg:s6], $0x6FFFF;
	_ =	strace $0x9000004F  }
0xb4: {  	s29 =	simm.s32 $0x9;
	_ =	strace $0x80000051  }
0xb5: {  	_ =	swait.ge [sflag:s29], $0x1  }
0xb6: {  	[sflag:s29] =	ssyncadd.s32 $0xFFFFFFFF  }
0xb7: {  	_ =	strace $0x90000051  }
0xb8: {  	_ =	sfence  }
0xb9: {  	s30 =	sld [smem:$0x0];
	_ =	sdelay $0x2  }
0xba: {  	s31 =	sshll.u32 s1, $0xD;
	s1 =	sshrl.u32 s1, $0x2  }
0xbb: {  	s3 =	sand.u32 $0x4000, s31;
	s1 =	sadd.s32 s1, s30  }
0xbc: {  	s0 =	sor.u32 s3, s0;
	s1 =	sshll.u32 s1, $0x11  }
0xbd: {  	s0 =	sor.u32 s1, s0  }
0xbe: {  	s0 =	sadd.s32 $0x8F2B, s0  }
0xbf: {  	[sflag:s0] =	ssyncadd.remote.s32 $0x1  }
0xc0: {  	_ =	sfence.sel $0xFFFF  }
0xc1: {  	[dreg:$0x0] =	wrdreg $0xFFFFFFFF;
	(pc) =	sbr.abs _section_cstart, $3  }
0xc2: {  	[dreg:$0x1] =	wrdreg $0xFFFFFFFF  }
0xc3: {  	_ =	task.clear_ibuf [dreg:s6], $0x2FFFF;
	_ =	strace $0x9FFFFFFF  }
0xc4: {  	(tm) =	ssettm $0x7FFFFFFF  }
0xc5: {  	_ =	shalt  }
tec
execute0_lowered:
.L_overlay_start_1:
0x0: {  	(tag) =	ssettag $0x1  }
0x1: {  	s2 =	rddreg [dreg:$0x0]  }
0x2: {  	s3 =	rddreg [dreg:$0x1];
	_ =	strace $0x80000050;
	s0 =	simm.s32 $0x1  }
0x3: {  	s5 =	simm.s32 $0x208;
	v0 =	vimm.s32 $0x0;
	[sflag:s0] =	ssyncpa.u1 $0x0  }
0x4: {  	[tilespmem:s5+$0x70] =	vst v0  }
0x5: {  	[tilespmem:s5+$0x60] =	vst v0  }
0x6: {  	[tilespmem:s5+$0x50] =	vst v0  }
0x7: {  	[tilespmem:s5+$0x40] =	vst v0  }
0x8: {  	s1 =	sadd.s32 $0x1DA00, s2;
	[tilespmem:s5+$0x30] =	vst v0  }
0x9: {  	s0 =	sadd.s32 $0x15A200, s2;
	s6 =	sadd.s32 $0x16DE00, s2;
	[tilespmem:s5+$0x20] =	vst v0  }
0xa: {  	s4 =	sadd.s32 $0x164000, s2;
	s10 =	sand.u32 $0x1, s3;
	s2 =	simm.s32 $0x40;
	[tilespmem:s5+$0x10] =	vst v0  }
.LBB2_1:
0xb: {  	s2 =	sadd.s32 $0x40, s2;
	[tilespmem:s5+$0x0] =	vst v0;
	s5 =	sadd.s32 $0x80, s5  }
0xc: {  	p0 =	slt.u32 s2, $0x3880;
	[tilespmem:s5+$0x70] =	vst v0  }
0xd: {  	[tilespmem:s5+$0x60] =	vst v0  }
.Ltmp0:
0xe: {  	[tilespmem:s5+$0x50] =	vst v0;
	(pc) =	sbr.rel @p0 .LBB2_1-.Ltmp0, $4  }
0xf: {  	[tilespmem:s5+$0x40] =	vst v0  }
0x10: {  	[tilespmem:s5+$0x30] =	vst v0  }
0x11: {  	[tilespmem:s5+$0x20] =	vst v0  }
0x12: {  	[tilespmem:s5+$0x10] =	vst v0  }
0x13: {  	s11 =	stileid.u32  }
0x14: {  	s2 =	smul.u32 $0x59, s11  }
0x15: {  	s3 =	smin.u32 s11, $0x5  }
0x16: {  	s2 =	sadd.s32 s3, s2  }
0x17: {  	p0 =	slt.u32 s11, $0x5;
	s20 =	smul.u32 $0x70, s2;
	s2 =	simm.s32 $0x2760  }
0x18: {  	s2 =	simm.s32 @!p0 $0x26F0  }
0x19: {  	s2 =	sadd.s32 s2, s20  }
0x1a: {  	s8 =	smin.u32 s2, $0x27100  }
0x1b: {  	s26 =	simm.s32 $0x2;
	s2 =	ssub.s32 s8, s20  }
0x1c: {  	s9 =	simm.s32 $0x9;
	s29 =	simm.s32 $0xA;
	p0 =	sgt.s32 s2, $0x0  }
0x1d: {  	s30 =	simm.s32 $0xB;
	s31 =	smul.u32 $0x4E20, s10;
	s2 =	simm.s32 @!p0 $0x0  }
0x1e: {  	[dreg:$0x4] =	wrdreg s10;
	s12 =	simm.s32 $0x1;
	s25 =	smulhi.u32 $0x92492493, s2  }
0x1f: {  	s24 =	simm.s32 $0x0;
	p1 =	por $0x0, $0x0;
	s18 =	simm.s32 $0x80  }
0x20: {  	s19 =	simm.s32 $0x400;
	s17 =	simm.s32 $0xC;
	s3 =	sshrl.u32 s25, $0x6  }
0x21: {  	s21 =	simm.s32 $0x0;
	s23 =	simm.s32 $0x0;
	s28 =	smul.u32 $0x70, s3  }
.Ltmp1:
0x22: {  	[tilespmem:s5+$0x0] =	vst v0;
	v0 =	vimm.s32 $0xFFFFFFFF;
	[sflag:s26] =	ssyncpa.u1 $0x0;
	s16 =	sshll.u32 s11, $0x9;
	(pc) =	sbr.rel .LBB2_3-.Ltmp1, $4  }
0x23: {  	[tilespmem:$0xE408] =	vst v0;
	[sflag:s9] =	ssyncpa.u1 $0x0;
	p0 =	sne.s32 s2, s28;
	s2 =	simm.s32 $0x1  }
0x24: {  	s14 =	sadd.s32 s31, s4;
	[sflag:s29] =	ssyncpa.u1 $0x0;
	s2 =	simm.s32 @!p0 $0x0  }
0x25: {  	s15 =	sadd.s32 s31, s0;
	[sflag:s30] =	ssyncpa.u1 $0x0;
	s13 =	sadd.s32 s2, s3  }
0x26: {  	v0 =	vlaneseq.u32;
	s22 =	smov.u32 s20;
	p0 =	por $0x1, $0x1;
	s11 =	sadd.s32 $0x1, s13  }
.LBB2_24:
0x27: {  	s2 =	sshrl.u32 s4, $0x2  }
.LBB2_26:
0x28: {  	_ =	swait.ge [sflag:s17], s2  }
0x29: {  	s31 =	ssub.s32 $0x0, s2;
	v1 =	vmov s26;
	vm0 =	veq.s32 v0, $0x0;
	[sflag:s17] =	ssyncset.done $0x0  }
0x2a: {  	vm15 =	veq.s32 v0, $0x2;
	v1 =	vsel vm0, s0, v1;
	[sflag:s17] =	ssyncadd.s32 s31  }
0x2b: {  	v1 =	vsel vm15, s24, v1;
	[sflag:s17] =	ssyncpa.u1 $0x1  }
0x2c: {  	[tilespmem:$0xE408] =	vst v1  }
.LBB2_27:
0x2d: {  	s0 =	sadd.s32 $0x70, s22  }
0x2e: {  	s2 =	smov.u32 s20;
	p2 =	slt.s32 s0, s8  }
0x2f: {  	s2 =	smov.u32 @p2 s0;
	p2 =	sne.s32 s23, s11  }
.Ltmp2:
0x30: {  	_ = 	snop;
	(pc) =	sbr.rel @!p2 .LBB2_28-.Ltmp2, $4  }
0x31: {  	_ = 	snop  }
0x32: {  	s24 =	smov.u32 s21  }
0x33: {  	s31 =	sadd.s32 $0x1, s23;
	s21 =	smov.u32 s22;
	p0 =	por !p0, !p0  }
0x34: {  	p1 =	por !p1, !p1;
	s23 =	smov.u32 s31;
	s22 =	smov.u32 s2  }
.LBB2_3:
0x35: {  	p2 =	sge.u32 s23, s13  }
0x36: {  	s0 =	smulhi.u32 @!p2 $0xAAAAAAAB, s23  }
0x37: {  	s2 =	smov.u32 s22;
	p3 =	sgt.s32 @!p2 s22, $0x27090  }
0x38: {  	s3 =	sshra.s32 @!p2 s22, $0x1F;
	p3 =	por !p3, p2;
	s0 =	sshrl.u32 @!p2 s0, $0x1  }
0x39: {  	s3 =	sand.u32 @!p2 s3, s22;
	s2 =	simm.s32 @p3 $0x27090;
	s0 =	smul.u32 @!p2 $0x3, s0  }
0x3a: {  	s2 =	ssub.s32 @!p2 s2, s3  }
0x3b: {  	s2 =	sadd.s32 @!p2 $0xFFFD8F70, s2;
	s0 =	ssub.s32 @!p2 s23, s0  }
0x3c: {  	s3 =	sshll.u32 @!p2 s2, $0x2;
	p3 =	sgt.s32 @!p2 s2, $0x6F;
	s0 =	smul.u32 @!p2 $0x1C0, s0  }
0x3d: {  	s4 =	sand.u32 @!p2 $0x7, s22;
	s2 =	ssub.s32 @!p2 $0x1C0, s3;
	p3 =	por !p3, p2  }
0x3e: {  	s3 =	sshrl.u32 @!p2 s22, $0x3;
	s2 =	sshrl.u32 @!p2 s2, $0x2;
	s0 =	sshrl.u32 @!p2 s0, $0x2  }
0x3f: {  	s3 =	sadd.s32 @!p2 s3, s14;
	s2 =	simm.s32 @!p3 $0x0;
	s0 =	sadd.s32 @!p2 $0x10448, s0  }
0x40: {  	[tilespmem:s0], [sflag:$0xA] =	stream.linear.gather @!p2 [hbm4b:s3+s4], s2, $0x38;
	[tilespmem:$0x1E678] =	vst v63  }
0x41: {  	s2 =	sadd.s32 $0xFFFFFFFF, s23  }
0x42: {  	p2 =	sge.u32 s2, s13  }
0x43: {  	p3 =	sgt.s32 @!p2 s21, $0x27090  }
0x44: {  	s0 =	smov.u32 s21;
	s3 =	sshra.s32 @!p2 s21, $0x1F;
	p3 =	por !p3, p2  }
0x45: {  	s3 =	sand.u32 @!p2 s3, s21;
	s0 =	simm.s32 @p3 $0x27090  }
0x46: {  	s0 =	ssub.s32 @!p2 s0, s3  }
0x47: {  	s0 =	sadd.s32 @!p2 $0xFFFD8F70, s0  }
0x48: {  	s3 =	sshll.u32 @!p2 s0, $0x2  }
0x49: {  	p3 =	sgt.s32 @!p2 s0, $0x6F;
	s0 =	ssub.s32 @!p2 $0x1C0, s3  }
0x4a: {  	p3 =	por !p3, p2;
	s0 =	sshrl.u32 @!p2 s0, $0x2  }
0x4b: {  	s4 =	simm.s32 @!p2 $0xA;
	s3 =	sand.u32 @!p2 $0x1, s2;
	s0 =	simm.s32 @!p3 $0x0  }
0x4c: {  	s3 =	smul.u32 @!p2 $0x1C0, s3;
	_ =	swait.ge @!p2 [sflag:s4], s0  }
0x4d: {  	s5 =	ssub.s32 @!p2 $0x0, s0;
	[sflag:s4] =	ssyncset.done @!p2 $0x0  }
0x4e: {  	s3 =	sshrl.u32 @!p2 s3, $0x2;
	[sflag:s4] =	ssyncadd.s32 @!p2 s5;
	s4 =	sshrl.u32 @!p2 s21, $0x3  }
0x4f: {  	s3 =	sadd.s32 @!p2 $0x10598, s3;
	s5 =	sand.u32 @!p2 $0x7, s21;
	s4 =	sadd.s32 @!p2 s4, s15  }
0x50: {  	[tilespmem:s3], [sflag:$0xB] =	stream.linear.gather @!p2 [hbm4b:s4+s5], s0, $0x38;
	[tilespmem:$0x1E678] =	vst v63  }
0x51: {  	s0 =	ssub.s32 @!p2 $0x27100, s21  }
0x52: {  	p3 =	slt.s32 @!p2 s0, $0x1  }
0x53: {  	p3 =	por p2, p3  }
.Ltmp3:
0x54: {  	_ = 	snop;
	(pc) =	sbr.rel @p3 .LBB2_9-.Ltmp3, $1  }
0x55: {  	_ =	sdelay $0x3  }
0x56: {  	s3 =	smulhi.u32 $0xAAAAAAAB, s2;
	_ =	sdelay $0x1  }
0x57: {  	s3 =	sshrl.u32 s3, $0x1  }
0x58: {  	s3 =	smul.u32 $0x3, s3;
	_ =	sdelay $0x1  }
0x59: {  	s30 =	ssub.s32 s2, s3  }
0x5a: {  	s4 =	simm.s32 $0x1;
	s2 =	smul.u32 $0x1C0, s30  }
.Ltmp4:
0x5b: {  	s4 =	simm.s32 @!p0 $0x0;
	(pc) =	sbr.rel .LBB2_6-.Ltmp4, $4  }
0x5c: {  	s31 =	smul.u32 $0x1C000, s4  }
0x5d: {  	p3 =	slt.s32 @!p2 s0, $0x70;
	s2 =	sshrl.u32 s2, $0x2  }
0x5e: {  	p2 =	por !p3, p2;
	s3 =	sshrl.u32 s31, $0x2;
	s5 =	sadd.s32 $0x10448, s2  }
0x5f: {  	s0 =	simm.s32 @p2 $0x70;
	s4 =	sor.u32 $0x10678, s3;
	s2 =	simm.s32 $0x0;
	v1 =	vmov s5  }
.LBB2_5:
0x60: {  	p2 =	sge.s32 s2, s0  }
.Ltmp5:
0x61: {  	_ = 	snop;
	(pc) =	sbr.rel @p2 .LBB2_9-.Ltmp5, $2  }
0x62: {  	_ =	sdelay $0x2  }
0x63: {  	s4 =	sadd.s32 $0x1000, s4  }
.LBB2_6:
0x64: {  	p2 =	sle.s32 s0, s2  }
.Ltmp6:
0x65: {  	_ = 	snop;
	(pc) =	sbr.rel @p2 .LBB2_5-.Ltmp6, $2  }
0x66: {  	_ =	sdelay $0x2  }
0x67: {  	s5 =	smov.u32 s2;
	s2 =	sadd.s32 $0x10, s2  }
0x68: {  	s3 =	ssub.s32 s0, s5  }
0x69: {  	p2 =	slt.s32 s3, $0x10  }
0x6a: {  	s3 =	simm.s32 @!p2 $0x10  }
0x6b: {  	v2 =	vmov s3  }
0x6c: {  	vm0 =	vgt.s32 v2, v0;
	_ =	sdelay $0x5  }
0x6d: {  	v2 =	vld.idx.msk [tilespmem:v1+s5+$0x0 ss:$0x1], vm0;
	_ =	sdelay $0x2  }
0x6e: {  	p2 =	slt.s32 s2, s0;
	s3 =	smov.u32 s0  }
0x6f: {  	s9 =	smov.u32 s4;
	s25 =	simm.s32 $0x0;
	s3 =	smov.u32 @p2 s2  }
.LBB2_8:
0x70: {  	(v2sf) =	vpush v2, s25;
	_ =	sdelay $0xe  }
0x71: {  	s25 =	sadd.s32 $0x1, s25;
	s10 =	spop (v2sf)  }
0x72: {  	s31 =	sadd.s32 s25, s5;
	s26 =	sshll.u32 s10, $0x8;
	s10 =	sshll.u32 s10, $0x7  }
0x73: {  	p2 =	slt.s32 s31, s3;
	s26 =	sand.u32 $0xFFFFF800, s26;
	s10 =	sand.u32 $0x380, s10  }
.Ltmp7:
0x74: {  	s10 =	sor.u32 s10, s26;
	(pc) =	sbr.rel @p2 .LBB2_8-.Ltmp7, $4  }
0x75: {  	s10 =	sshrl.u32 s10, $0x3  }
0x76: {  	s10 =	sadd.s32 s6, s10  }
0x77: {  	[tilespmem:s9], [sflag:$0x9] =	stream.strided.gather [hbm4b:s10+s18], $0x100, s19, s18, $0x38;
	[tilespmem:$0x1E678] =	vst v63  }
0x78: {  	s9 =	sadd.s32 $0x100, s9  }
.Ltmp8:
0x79: {  	_ = 	snop;
	(pc) =	sbr.rel .LBB2_5-.Ltmp8, $1  }
0x7a: {  	_ =	sdelay $0x3  }
.LBB2_9:
0x7b: {  	p2 =	slt.u32 s23, $0x2  }
.Ltmp9:
0x7c: {  	_ = 	snop;
	(pc) =	sbr.rel @p2 .LBB2_27-.Ltmp9, $1  }
0x7d: {  	_ =	sdelay $0x3  }
0x7e: {  	p2 =	sgt.s32 s24, $0x27090  }
0x7f: {  	s0 =	smov.u32 s24;
	s2 =	sshra.s32 s24, $0x1F;
	s3 =	ssub.s32 $0x27100, s24  }
0x80: {  	s0 =	simm.s32 @!p2 $0x27090;
	s2 =	sand.u32 s2, s24;
	p2 =	slt.s32 s3, $0x70  }
0x81: {  	s0 =	ssub.s32 s0, s2;
	s3 =	simm.s32 @!p2 $0x70  }
0x82: {  	s0 =	sadd.s32 $0xFFFD8F70, s0;
	s9 =	sshll.u32 s3, $0x8  }
0x83: {  	s26 =	simm.s32 $0x9;
	s10 =	sshll.u32 s0, $0x2;
	s2 =	sand.u32 $0x3FFFFF00, s9  }
0x84: {  	p2 =	sgt.s32 s0, $0x6F;
	s25 =	ssub.s32 $0x1C0, s10;
	_ =	swait.ge [sflag:s26], s2  }
0x85: {  	s2 =	ssub.s32 $0x0, s2;
	[sflag:s26] =	ssyncset.done $0x0;
	s0 =	sshrl.u32 s25, $0x2  }
0x86: {  	s29 =	simm.s32 $0xB;
	[sflag:s26] =	ssyncadd.s32 s2;
	s0 =	simm.s32 @p2 $0x0  }
0x87: {  	_ =	swait.ge [sflag:s29], s0  }
0x88: {  	s0 =	ssub.s32 $0x0, s0;
	[sflag:s29] =	ssyncset.done $0x0  }
0x89: {  	[sflag:s29] =	ssyncadd.s32 s0  }
0x8a: {  	v1 =	vld [tilespmem:$0xE408];
	_ =	sdelay $0x4  }
0x8b: {  	(v2sf) =	vpush v1, $0x0  }
0x8c: {  	(v2sf) =	vpush v1, $0x1  }
0x8d: {  	(v2sf) =	vpush v1, $0x2;
	_ =	sdelay $0x3  }
0x8e: {  	s0 =	sadd.s32 $0x70, s24  }
0x8f: {  	s2 =	ssub.s32 $0x4E200, s24;
	p2 =	slt.s32 s8, s0  }
0x90: {  	s0 =	smov.u32 @p2 s8;
	p2 =	sgt.s32 s2, $0x0  }
0x91: {  	s0 =	ssub.s32 s0, s24;
	s2 =	simm.s32 @!p2 $0x0  }
0x92: {  	p2 =	slt.s32 s2, s0  }
0x93: {  	s0 =	smov.u32 @p2 s2  }
0x94: {  	s4 =	simm.s32 $0x1;
	p2 =	slt.s32 s0, $0x1  }
.Ltmp10:
0x95: {  	s4 =	simm.s32 @!p1 $0x0;
	(pc) =	sbr.rel @p2 .LBB2_14-.Ltmp10, $4  }
0x96: {  	s30 =	smul.u32 $0x1C0, s4  }
0x97: {  	s5 =	spop (v2sf)  }
0x98: {  	s31 =	sshrl.u32 s30, $0x2;
	s28 =	spop (v2sf)  }
0x99: {  	s25 =	sadd.s32 $0x10598, s31;
	s24 =	spop (v2sf)  }
0x9a: {  	s2 =	smin.u32 s0, $0x10  }
0x9b: {  	v1 =	vmov s2  }
0x9c: {  	vm1 =	vgt.u32 v1, v0  }
0x9d: {  	p3 =	sgt.s32 s0, $0x10  }
.Ltmp11:
0x9e: {  	_ = 	snop;
	(pc) =	sbr.rel @!p3 .LBB2_13-.Ltmp11, $2  }
0x9f: {  	_ =	sdelay $0x2  }
0xa0: {  	s26 =	simm.s32 $0x10;
	s29 =	sadd.s32 $0xFFFFFFF0, s0;
	s2 =	smov.u32 s25;
	vm0 =	vmmov vm1;
	v1 =	vld.msk [tilespmem:s25+$0x0 ss:$0x1], vm1  }
.LBB2_12:
0xa1: {  	s3 =	smin.u32 s29, $0x10;
	s26 =	sadd.s32 $0x10, s26  }
0xa2: {  	v2 =	vmov s3;
	p3 =	slt.s32 s26, s0  }
0xa3: {  	vm1 =	vgt.u32 v2, v0;
	_ =	sdelay $0x1  }
0xa4: {  	v2 =	vshll.u32 v1, $0x5;
	v1 =	vshll.u32 v1, $0x4  }
.Ltmp12:
0xa5: {  	v2 =	vand.u32 $0xFFFFFF00, v2;
	v1 =	vand.u32 $0x70, v1;
	(pc) =	sbr.rel @p3 .LBB2_12-.Ltmp12, $4  }
0xa6: {  	v1 =	vor.u32 v1, v2  }
0xa7: {  	[tilespmem:s2+$0x0] =	vst.msk vm0, v1;
	s2 =	sadd.s32 $0x10, s2;
	vm0 =	vmmov vm1  }
0xa8: {  	v1 =	vld.msk [tilespmem:s2+$0x0 ss:$0x1], vm1  }
0xa9: {  	s29 =	sadd.s32 $0xFFFFFFF0, s29  }
.LBB2_13:
0xaa: {  	_ =	sdelay $0x3  }
0xab: {  	v2 =	vshll.u32 v1, $0x5;
	v1 =	vshll.u32 v1, $0x4  }
0xac: {  	v2 =	vand.u32 $0xFFFFFF00, v2;
	v1 =	vand.u32 $0x70, v1  }
0xad: {  	v1 =	vor.u32 v1, v2  }
0xae: {  	[tilespmem:s2+$0x0] =	vst.msk vm0, v1  }
.LBB2_14:
0xaf: {  	s2 =	sand.u32 $0x1, s23  }
0xb0: {  	s2 =	smul.u32 $0x70, s2  }
0xb1: {  	p3 =	sne.s32 s28, $0xFFFFFFFF  }
0xb2: {  	v1 =	vld.msk @!p3 [tilespmem:s2+$0x10598], $0x1;
	_ =	sdelay $0x4  }
0xb3: {  	(v2sf) =	vpush @!p3 v1, $0x0;
	_ =	sdelay $0xc  }
.Ltmp13:
0xb4: {  	_ = 	snop;
	(pc) =	sbr.rel @p2 .LBB2_25-.Ltmp13, $4  }
0xb5: {  	_ = 	snop  }
0xb6: {  	s31 =	spop @!p3 (v2sf)  }
0xb7: {  	s24 =	simm.s32 @!p3 $0x0;
	s26 =	smov.u32 s31  }
0xb8: {  	[sflag:s17] =	ssyncpa.u1 $0x0;
	s31 =	smov.u32 @p3 s5;
	s26 =	smov.u32 @p3 s28  }
0xb9: {  	v1 =	vld.msk [tilespmem:s25+$0x0], $0x1;
	_ =	sdelay $0x4  }
0xba: {  	(v2sf) =	vpush v1, $0x0;
	_ =	sdelay $0xe  }
0xbb: {  	s7 =	smov.u32 s11;
	s5 =	spop (v2sf)  }
0xbc: {  	s17 =	smov.u32 s15;
	s2 =	smul.u32 $0x1C000, s4;
	p2 =	seq.s32 s31, s5  }
0xbd: {  	s3 =	smov.u32 s31;
	s29 =	ssub.s32 $0x0, s0;
	p3 =	sgt.s32 @!p2 s31, $0x0  }
0xbe: {  	s30 =	simm.s32 $0x0;
	s2 =	sshrl.u32 s2, $0x2;
	p3 =	por !p3, p2  }
0xbf: {  	s0 =	sadd.s32 $0x1, s29;
	s28 =	sor.u32 $0x106F8, s2;
	s3 =	simm.s32 @p3 $0x0  }
0xc0: {  	s2 =	simm.s32 @!p2 $0x1;
	p3 =	seq.s32 s0, $0x0;
	s3 =	smin.u32 @!p2 s3, $0x4E170  }
.Ltmp14:
0xc1: {  	s4 =	simm.s32 @!p2 $0x7308;
	s9 =	sand.u32 @!p2 $0x7FFF8, s3;
	(pc) =	sbr.rel @p3 .LBB2_17-.Ltmp14, $4  }
0xc2: {  	s10 =	sadd.s32 @!p2 $0x80, s3;
	s11 =	sadd.s32 @!p2 s1, s9;
	s9 =	sand.u32 @!p2 $0x7, s3  }
0xc3: {  	[tilespmem:s4], [sflag:$0x2] =	stream.linear.gather @!p2 [hbm4b:s11+s9], $0x80, $0x38;
	[tilespmem:$0x1E678] =	vst v63  }
0xc4: {  	s15 =	smov.u32 s14;
	s2 =	smov.u32 @p2 s30;
	s4 =	sand.u32 @!p2 $0xFFFF8, s10  }
0xc5: {  	s3 =	simm.s32 @!p2 $0x7388;
	s10 =	sadd.s32 @!p2 s1, s4;
	s4 =	sadd.s32 $0x1, s25  }
.LBB2_16:
0xc6: {  	s11 =	smov.u32 s2  }
0xc7: {  	[tilespmem:s3], [sflag:$0x2] =	stream.linear.gather @!p2 [hbm4b:s10+s9], $0x80, $0x38;
	[tilespmem:$0x1E678] =	vst v63  }
0xc8: {  	s0 =	sadd.s32 $0x1, s0;
	s9 =	smov.u32 s5;
	v1 =	vld.msk [tilespmem:s4+$0x0], $0x1  }
0xc9: {  	p3 =	seq.s32 s0, $0x0;
	_ =	sdelay $0x3  }
0xca: {  	(v2sf) =	vpush v1, $0x0;
	_ =	sdelay $0xe  }
0xcb: {  	s5 =	spop (v2sf)  }
0xcc: {  	p2 =	seq.s32 s9, s5  }
0xcd: {  	p4 =	sgt.s32 @!p2 s9, $0x0;
	s3 =	sshll.u32 @!p2 s2, $0xA;
	s2 =	sadd.s32 @!p2 $0x1, s2  }
0xce: {  	p4 =	por !p4, p2;
	s3 =	sshra.s32 @!p2 s3, $0x2;
	s2 =	smov.u32 @p2 s11  }
0xcf: {  	s9 =	simm.s32 @p4 $0x0;
	s10 =	sadd.s32 @!p2 $0x7308, s3;
	s3 =	sadd.s32 @!p2 $0x7388, s3  }
.Ltmp15:
0xd0: {  	s9 =	smin.u32 @!p2 s9, $0x4E170;
	(pc) =	sbr.rel @!p3 .LBB2_16-.Ltmp15, $4  }
0xd1: {  	s11 =	sand.u32 @!p2 $0x7FFF8, s9;
	s14 =	sadd.s32 @!p2 $0x80, s9  }
0xd2: {  	s9 =	sand.u32 @!p2 $0x7, s9;
	s11 =	sadd.s32 @!p2 s1, s11;
	s14 =	sand.u32 @!p2 $0xFFFF8, s14  }
0xd3: {  	[tilespmem:s10], [sflag:$0x2] =	stream.linear.gather @!p2 [hbm4b:s11+s9], $0x80, $0x38;
	[tilespmem:$0x1E678] =	vst v63  }
0xd4: {  	s4 =	sadd.s32 $0x1, s4;
	s10 =	sadd.s32 @!p2 s1, s14  }
.LBB2_17:
0xd5: {  	[tilespmem:s3], [sflag:$0x2] =	stream.linear.gather @!p2 [hbm4b:s10+s9], $0x80, $0x38;
	[tilespmem:$0x1E678] =	vst v63  }
0xd6: {  	s0 =	sshll.u32 s2, $0x8  }
.Ltmp16:
0xd7: {  	s14 =	simm.s32 $0x2;
	s0 =	sand.u32 $0x3FFFFF00, s0;
	(pc) =	sbr.rel .LBB2_18-.Ltmp16, $4  }
0xd8: {  	_ =	swait.ge [sflag:s14], s0  }
0xd9: {  	s0 =	ssub.s32 $0x0, s0;
	[sflag:s14] =	ssyncset.done $0x0  }
0xda: {  	s4 =	simm.s32 $0x0;
	s11 =	smov.u32 s7;
	[sflag:s14] =	ssyncadd.s32 s0  }
0xdb: {  	s14 =	smov.u32 s15;
	s15 =	smov.u32 s17;
	s17 =	simm.s32 $0xC  }
.LBB2_19:
0xdc: {  	v1 =	vld [tilespmem:s28+$0xFFFFFF80];
	_ =	sdelay $0x4  }
0xdd: {  	[tilespmem:s5+$0x208] =	vst.add.f32.msk $0xffff, v1  }
0xde: {  	v1 =	vld [tilespmem:s28+$0xFFFFFF90];
	_ =	sdelay $0x4  }
0xdf: {  	[tilespmem:s5+$0x218] =	vst.add.f32.msk $0xffff, v1  }
0xe0: {  	v1 =	vld [tilespmem:s28+$0xFFFFFFA0];
	_ =	sdelay $0x4  }
0xe1: {  	[tilespmem:s5+$0x228] =	vst.add.f32.msk $0xffff, v1  }
0xe2: {  	v1 =	vld [tilespmem:s28+$0xFFFFFFB0];
	_ =	sdelay $0x4  }
0xe3: {  	[tilespmem:s5+$0x238] =	vst.add.f32.msk $0xffff, v1  }
0xe4: {  	v1 =	vld [tilespmem:s28+$0xFFFFFFC0];
	_ =	sdelay $0x4  }
0xe5: {  	[tilespmem:s5+$0x248] =	vst.add.f32.msk $0xffff, v1  }
0xe6: {  	v1 =	vld [tilespmem:s28+$0xFFFFFFD0];
	_ =	sdelay $0x4  }
0xe7: {  	[tilespmem:s5+$0x258] =	vst.add.f32.msk $0xffff, v1  }
0xe8: {  	v1 =	vld [tilespmem:s28+$0xFFFFFFE0];
	_ =	sdelay $0x4  }
0xe9: {  	[tilespmem:s5+$0x268] =	vst.add.f32.msk $0xffff, v1  }
0xea: {  	v1 =	vld [tilespmem:s28+$0xFFFFFFF0];
	_ =	sdelay $0x4  }
0xeb: {  	[tilespmem:s5+$0x278] =	vst.add.f32.msk $0xffff, v1  }
0xec: {  	v1 =	vld [tilespmem:s28+$0x0];
	_ =	sdelay $0x4  }
0xed: {  	[tilespmem:s5+$0x288] =	vst.add.f32.msk $0xffff, v1  }
0xee: {  	v1 =	vld [tilespmem:s28+$0x10];
	_ =	sdelay $0x4  }
0xef: {  	[tilespmem:s5+$0x298] =	vst.add.f32.msk $0xffff, v1  }
0xf0: {  	v1 =	vld [tilespmem:s28+$0x20];
	_ =	sdelay $0x4  }
0xf1: {  	[tilespmem:s5+$0x2A8] =	vst.add.f32.msk $0xffff, v1  }
0xf2: {  	v1 =	vld [tilespmem:s28+$0x30];
	_ =	sdelay $0x4  }
0xf3: {  	[tilespmem:s5+$0x2B8] =	vst.add.f32.msk $0xffff, v1  }
0xf4: {  	v1 =	vld [tilespmem:s28+$0x40];
	_ =	sdelay $0x4  }
0xf5: {  	[tilespmem:s5+$0x2C8] =	vst.add.f32.msk $0xffff, v1  }
0xf6: {  	v1 =	vld [tilespmem:s28+$0x50];
	_ =	sdelay $0x4  }
0xf7: {  	[tilespmem:s5+$0x2D8] =	vst.add.f32.msk $0xffff, v1  }
0xf8: {  	v1 =	vld [tilespmem:s28+$0x60];
	_ =	sdelay $0x4  }
0xf9: {  	[tilespmem:s5+$0x2E8] =	vst.add.f32.msk $0xffff, v1  }
0xfa: {  	v1 =	vld [tilespmem:s28+$0x70];
	_ =	sdelay $0x4  }
0xfb: {  	[tilespmem:s5+$0x2F8] =	vst.add.f32.msk $0xffff, v1  }
.LBB2_23:
0xfc: {  	s29 =	sadd.s32 $0x1, s29  }
0xfd: {  	p2 =	seq.s32 s29, $0x0  }
.Ltmp17:
0xfe: {  	_ = 	snop;
	(pc) =	sbr.rel @p2 .LBB2_24-.Ltmp17, $2  }
0xff: {  	_ =	sdelay $0x2  }
0x100: {  	s25 =	sadd.s32 $0x1, s25;
	s28 =	sadd.s32 $0x100, s28;
	s31 =	smov.u32 s0  }
.LBB2_18:
0x101: {  	v1 =	vld.msk [tilespmem:s25+$0x0], $0x1;
	_ =	sdelay $0x4  }
0x102: {  	(v2sf) =	vpush v1, $0x0;
	_ =	sdelay $0xe  }
0x103: {  	s0 =	spop (v2sf)  }
0x104: {  	p2 =	sne.s32 s31, s0  }
.Ltmp18:
0x105: {  	_ = 	snop;
	(pc) =	sbr.rel @!p2 .LBB2_19-.Ltmp18, $3  }
0x106: {  	_ =	sdelay $0x1  }
0x107: {  	s2 =	sshll.u32 s24, $0xA  }
0x108: {  	s5 =	sshra.s32 s2, $0x2  }
0x109: {  	p2 =	seq.s32 s31, s26  }
.Ltmp19:
0x10a: {  	_ = 	snop;
	(pc) =	sbr.rel @!p2 .LBB2_21-.Ltmp19, $1  }
0x10b: {  	_ =	sdelay $0x3  }
.Ltmp20:
0x10c: {  	s2 =	sadd.s32 $0x208, s5;
	(pc) =	sbr.rel .LBB2_22-.Ltmp20, $4  }
0x10d: {  	[spmem:s16] =	stream.linear.scatter [tilespmem:s2], [sflag:$0x1], $0x100, $0x38;
	[tilespmem:$0x1E678] =	vst v63  }
0x10e: {  	_ =	swait.ge [sflag:s12], $0x100  }
0x10f: {  	[sflag:s12] =	ssyncset.done $0x0  }
0x110: {  	[sflag:s12] =	ssyncadd.s32 $0xFFFFFF00  }
.LBB2_21:
0x111: {  	s2 =	sshll.u32 s30, $0xA  }
0x112: {  	s2 =	sshra.s32 s2, $0x2  }
0x113: {  	v1 =	vld [tilespmem:s2+$0x7308];
	_ =	sdelay $0x4  }
0x114: {  	[tilespmem:s5+$0x208] =	vst.add.f32.msk $0xffff, v1  }
0x115: {  	v1 =	vld [tilespmem:s2+$0x7318];
	_ =	sdelay $0x4  }
0x116: {  	[tilespmem:s5+$0x218] =	vst.add.f32.msk $0xffff, v1  }
0x117: {  	v1 =	vld [tilespmem:s2+$0x7328];
	_ =	sdelay $0x4  }
0x118: {  	[tilespmem:s5+$0x228] =	vst.add.f32.msk $0xffff, v1  }
0x119: {  	v1 =	vld [tilespmem:s2+$0x7338];
	_ =	sdelay $0x4  }
0x11a: {  	[tilespmem:s5+$0x238] =	vst.add.f32.msk $0xffff, v1  }
0x11b: {  	v1 =	vld [tilespmem:s2+$0x7348];
	_ =	sdelay $0x4  }
0x11c: {  	[tilespmem:s5+$0x248] =	vst.add.f32.msk $0xffff, v1  }
0x11d: {  	v1 =	vld [tilespmem:s2+$0x7358];
	_ =	sdelay $0x4  }
0x11e: {  	[tilespmem:s5+$0x258] =	vst.add.f32.msk $0xffff, v1  }
0x11f: {  	v1 =	vld [tilespmem:s2+$0x7368];
	_ =	sdelay $0x4  }
0x120: {  	[tilespmem:s5+$0x268] =	vst.add.f32.msk $0xffff, v1  }
0x121: {  	v1 =	vld [tilespmem:s2+$0x7378];
	_ =	sdelay $0x4  }
0x122: {  	[tilespmem:s5+$0x278] =	vst.add.f32.msk $0xffff, v1  }
0x123: {  	v1 =	vld [tilespmem:s2+$0x7388];
	_ =	sdelay $0x4  }
0x124: {  	[tilespmem:s5+$0x288] =	vst.add.f32.msk $0xffff, v1  }
0x125: {  	v1 =	vld [tilespmem:s2+$0x7398];
	_ =	sdelay $0x4  }
0x126: {  	[tilespmem:s5+$0x298] =	vst.add.f32.msk $0xffff, v1  }
0x127: {  	v1 =	vld [tilespmem:s2+$0x73A8];
	_ =	sdelay $0x4  }
0x128: {  	[tilespmem:s5+$0x2A8] =	vst.add.f32.msk $0xffff, v1  }
0x129: {  	v1 =	vld [tilespmem:s2+$0x73B8];
	_ =	sdelay $0x4  }
0x12a: {  	[tilespmem:s5+$0x2B8] =	vst.add.f32.msk $0xffff, v1  }
0x12b: {  	v1 =	vld [tilespmem:s2+$0x73C8];
	_ =	sdelay $0x4  }
0x12c: {  	[tilespmem:s5+$0x2C8] =	vst.add.f32.msk $0xffff, v1  }
0x12d: {  	v1 =	vld [tilespmem:s2+$0x73D8];
	_ =	sdelay $0x4  }
0x12e: {  	[tilespmem:s5+$0x2D8] =	vst.add.f32.msk $0xffff, v1  }
0x12f: {  	v1 =	vld [tilespmem:s2+$0x73E8];
	_ =	sdelay $0x4  }
0x130: {  	[tilespmem:s5+$0x2E8] =	vst.add.f32.msk $0xffff, v1  }
0x131: {  	v1 =	vld [tilespmem:s2+$0x73F8];
	_ =	sdelay $0x2  }
0x132: {  	p2 =	sgt.u32 s31, $0x4E170  }
0x133: {  	s2 =	sand.u32 @!p2 $0x7FFF8, s31  }
0x134: {  	s3 =	sadd.s32 $0x208, s5;
	s9 =	sand.u32 @!p2 $0x7, s31;
	s2 =	sadd.s32 @!p2 s1, s2;
	[tilespmem:s5+$0x2F8] =	vst.add.f32.msk $0xffff, v1  }
0x135: {  	[hbm4b:s2+s9] =	stream.linear.scatter @!p2 [tilespmem:s3], [sflag:$0xC], $0x80, $0x38;
	[tilespmem:$0x1E678] =	vst v63  }
0x136: {  	s2 =	sadd.s32 @!p2 $0x80, s31  }
0x137: {  	s2 =	sand.u32 @!p2 $0xFFFF8, s2  }
0x138: {  	s3 =	sadd.s32 $0x288, s5;
	s2 =	sadd.s32 @!p2 s1, s2  }
0x139: {  	[hbm4b:s2+s9] =	stream.linear.scatter @!p2 [tilespmem:s3], [sflag:$0xC], $0x80, $0x38;
	[tilespmem:$0x1E678] =	vst v63  }
0x13a: {  	s2 =	simm.s32 $0x0  }
0x13b: {  	s2 =	simm.s32 @!p2 $0x400  }
0x13c: {  	s4 =	sadd.s32 s2, s4  }
.LBB2_22:
0x13d: {  	s2 =	sadd.s32 $0x1, s24  }
0x13e: {  	s3 =	sshrl.u32 s2, $0x4  }
0x13f: {  	s3 =	smulhi.u32 $0x24924925, s3  }
0x140: {  	v1 =	vld [tilespmem:s28+$0xFFFFFF80]  }
0x141: {  	s3 =	smul.u32 $0x70, s3;
	_ =	sdelay $0x1  }
0x142: {  	s24 =	ssub.s32 s2, s3  }
0x143: {  	s2 =	sshll.u32 s24, $0x8  }
0x144: {  	[tilespmem:s2+$0x208] =	vst v1  }
0x145: {  	v1 =	vld [tilespmem:s28+$0xFFFFFF90];
	_ =	sdelay $0x4  }
0x146: {  	[tilespmem:s2+$0x218] =	vst v1  }
0x147: {  	v1 =	vld [tilespmem:s28+$0xFFFFFFA0];
	_ =	sdelay $0x4  }
0x148: {  	[tilespmem:s2+$0x228] =	vst v1  }
0x149: {  	v1 =	vld [tilespmem:s28+$0xFFFFFFB0];
	_ =	sdelay $0x4  }
0x14a: {  	[tilespmem:s2+$0x238] =	vst v1  }
0x14b: {  	v1 =	vld [tilespmem:s28+$0xFFFFFFC0];
	_ =	sdelay $0x4  }
0x14c: {  	[tilespmem:s2+$0x248] =	vst v1  }
0x14d: {  	v1 =	vld [tilespmem:s28+$0xFFFFFFD0];
	_ =	sdelay $0x4  }
0x14e: {  	[tilespmem:s2+$0x258] =	vst v1  }
0x14f: {  	v1 =	vld [tilespmem:s28+$0xFFFFFFE0];
	_ =	sdelay $0x4  }
0x150: {  	[tilespmem:s2+$0x268] =	vst v1  }
0x151: {  	v1 =	vld [tilespmem:s28+$0xFFFFFFF0];
	_ =	sdelay $0x4  }
0x152: {  	[tilespmem:s2+$0x278] =	vst v1  }
0x153: {  	v1 =	vld [tilespmem:s28+$0x0];
	_ =	sdelay $0x4  }
0x154: {  	[tilespmem:s2+$0x288] =	vst v1  }
0x155: {  	v1 =	vld [tilespmem:s28+$0x10];
	_ =	sdelay $0x4  }
0x156: {  	[tilespmem:s2+$0x298] =	vst v1  }
0x157: {  	v1 =	vld [tilespmem:s28+$0x20];
	_ =	sdelay $0x4  }
0x158: {  	[tilespmem:s2+$0x2A8] =	vst v1  }
0x159: {  	v1 =	vld [tilespmem:s28+$0x30];
	_ =	sdelay $0x4  }
0x15a: {  	[tilespmem:s2+$0x2B8] =	vst v1  }
0x15b: {  	v1 =	vld [tilespmem:s28+$0x40];
	_ =	sdelay $0x4  }
0x15c: {  	[tilespmem:s2+$0x2C8] =	vst v1  }
0x15d: {  	v1 =	vld [tilespmem:s28+$0x50];
	_ =	sdelay $0x4  }
0x15e: {  	[tilespmem:s2+$0x2D8] =	vst v1  }
0x15f: {  	v1 =	vld [tilespmem:s28+$0x60];
	_ =	sdelay $0x4  }
0x160: {  	[tilespmem:s2+$0x2E8] =	vst v1  }
0x161: {  	v1 =	vld [tilespmem:s28+$0x70]  }
.Ltmp21:
0x162: {  	_ = 	snop;
	(pc) =	sbr.rel .LBB2_23-.Ltmp21, $2  }
0x163: {  	_ =	sdelay $0x2  }
0x164: {  	s30 =	sadd.s32 $0x1, s30;
	[tilespmem:s2+$0x2F8] =	vst v1  }
.LBB2_25:
.Ltmp22:
0x165: {  	(pc) =	sbr.rel .LBB2_26-.Ltmp22, $4  }
0x166: {  	_ = 	snop  }
0x167: {  	s0 =	simm.s32 $0x2  }
0x168: {  	_ =	swait.ge [sflag:s0], $0x0  }
0x169: {  	s2 =	simm.s32 $0x0;
	[sflag:s0] =	ssyncset.done $0x0;
	s0 =	smov.u32 s31  }
.LBB2_28:
0x16a: {  	_ =	sfence.sel $0x180000  }
0x16b: {  	s0 =	simm.s32 $0x9;
	[bflag:$0x0] =	sbarrier.arrive $0xFFFF  }
0x16c: {  	s24 =	simm.s32 $0xA;
	[sflag:s0] =	ssyncpa.u1 $0x1  }
0x16d: {  	s25 =	simm.s32 $0xB;
	[sflag:s24] =	ssyncpa.u1 $0x1  }
0x16e: {  	s26 =	simm.s32 $0x2;
	[sflag:s25] =	ssyncpa.u1 $0x1  }
0x16f: {  	[sflag:s26] =	ssyncpa.u1 $0x1  }
0x170: {  	v0 =	vld [tilespmem:$0xE408];
	_ =	sdelay $0x4  }
0x171: {  	(v2sf) =	vpush v0, $0x0  }
0x172: {  	(v2sf) =	vpush v0, $0x1;
	_ =	sdelay $0x1  }
0x173: {  	(v2sf) =	vpush v0, $0x2;
	_ =	sdelay $0xb  }
0x174: {  	s0 =	spop (v2sf)  }
0x175: {  	s2 =	spop (v2sf)  }
0x176: {  	s3 =	smov.u32 s0;
	p0 =	sne.s32 s0, s2  }
0x177: {  	s4 =	spop (v2sf);
	s3 =	simm.s32 @!p0 $0xFFFFFFFF  }
0x178: {  	v2 =	vimm.s32 $0x1;
	v3 =	vlaneseq.u32;
	p0 =	seq.s32 s4, $0xFFFFFFFF;
	v1 =	vmov s3  }
0x179: {  	s15 =	stileid.u32;
	v0 =	vperm.xlane v0, v2;
	p1 =	sne.s32 @!p0 s0, s2;
	v1 =	vperm.xlane v1, v3  }
0x17a: {  	vm0 =	vcmask $0x3F04;
	s6 =	simm.s32 $0xE408;
	s0 =	simm.s32 @!p0 $0x1;
	p1 =	por !p1, p0  }
0x17b: {  	s3 =	sshll.u32 s15, $0x1;
	s2 =	sshll.u32 @!p0 s4, $0xA;
	s0 =	simm.s32 @p1 $0x0;
	v0 =	vsel vm0, v1, v0  }
0x17c: {  	s5 =	sor.u32 $0x2000, s3;
	s2 =	sshra.s32 @!p0 s2, $0x2;
	s0 =	sor.u32 @!p0 s0, s3;
	[tilespmem:$0xE408] =	vst v0  }
0x17d: {  	[spmem:s5] =	stream.linear.scatter [tilespmem:s6], [sflag:$0x1], $0x2, $0x38;
	[tilespmem:$0x1E678] =	vst v63  }
0x17e: {  	s2 =	sadd.s32 @!p0 $0x208, s2;
	s0 =	sshll.u32 @!p0 s0, $0x8  }
0x17f: {  	[spmem:s0] =	stream.linear.scatter @!p0 [tilespmem:s2], [sflag:$0x1], $0x100, $0x38;
	[tilespmem:$0x1E678] =	vst v63  }
0x180: {  	s0 =	simm.s32 @!p0 $0x102  }
0x181: {  	s28 =	simm.s32 $0x1;
	s0 =	simm.s32 @p0 $0x2  }
0x182: {  	_ =	swait.ge [sflag:s28], s0  }
0x183: {  	s0 =	ssub.s32 $0x0, s0;
	[sflag:s28] =	ssyncset.done $0x0  }
0x184: {  	p0 =	sne.s32 s15, $0x0;
	[sflag:s28] =	ssyncadd.s32 s0  }
.Ltmp23:
0x185: {  	_ =	sfence.stream.spmem;
	(pc) =	sbr.rel @p0 .LBB2_45-.Ltmp23, $4  }
0x186: {  	s29 =	simm.s32 $0x3;
	[bflag:$0x0] =	sbarrier.arrive $0xFFFF  }
0x187: {  	s30 =	simm.s32 $0x4;
	[sflag:s29] =	ssyncpa.u1 $0x1  }
0x188: {  	s31 =	simm.s32 $0x3C;
	[sflag:s30] =	ssyncpa.u1 $0x1  }
0x189: {  	s14 =	rddreg [dreg:$0x4];
	[sflag:s31] =	ssyncpa.u1 $0x1  }
0x18a: {  	_ =	sfence.stream.spmem;
	s0 =	simm.s32 $0x5  }
0x18b: {  	s2 =	simm.s32 $0x2000;
	s3 =	simm.s32 $0xE418;
	[sflag:s0] =	ssyncpa.u1 $0x0  }
0x18c: {  	[tilespmem:s3], [sflag:$0x5] =	stream.linear.gather [spmem:s2], $0x20, $0x38;
	[tilespmem:$0x1E678] =	vst v63  }
0x18d: {  	s26 =	simm.s32 $0x0;
	s28 =	simm.s32 $0xE438  }
0x18e: {  	[tilespmem:s28], [sflag:$0x5] =	stream.linear.gather [spmem:s26], $0x2000, $0x38;
	[tilespmem:$0x1E678] =	vst v63  }
0x18f: {  	_ =	swait.ge [sflag:s0], $0x2020  }
0x190: {  	[sflag:s0] =	ssyncset.done $0x0  }
0x191: {  	s29 =	simm.s32 $0x0;
	[sflag:s0] =	ssyncadd.s32 $0xFFFFDFE0  }
0x192: {  	v0 =	vld.msk [tilespmem:s29+$0xE418], $0x1;
	_ =	sdelay $0x1  }
0x193: {  	s30 =	simm.s32 $0x1  }
0x194: {  	v1 =	vld.msk [tilespmem:s30+$0xE418], $0x1;
	_ =	sdelay $0x1  }
0x195: {  	(v2sf) =	vpush v0, $0x0;
	_ =	sdelay $0x2  }
0x196: {  	(v2sf) =	vpush v1, $0x0;
	_ =	sdelay $0x2  }
0x197: {  	s31 =	simm.s32 $0x2  }
0x198: {  	v0 =	vld.msk [tilespmem:s31+$0xE418], $0x1;
	_ =	sdelay $0x2  }
0x199: {  	s2 =	simm.s32 $0xFFFFFFFF;
	s3 =	simm.s32 $0xFFFFFFFF;
	s0 =	simm.s32 $0xC  }
.LBB2_30:
0x19a: {  	s4 =	smov.u32 s3;
	s5 =	smov.u32 s2  }
0x19b: {  	s2 =	sshra.s32 s0, $0x2;
	p1 =	sne.s32 s0, $0x7C;
	s0 =	sadd.s32 $0x4, s0;
	(v2sf) =	vpush v0, $0x0  }
0x19c: {  	v0 =	vld.msk [tilespmem:s2+$0xE418], $0x1  }
.Ltmp24:
0x19d: {  	(pc) =	sbr.rel @p1 .LBB2_30-.Ltmp24, $4  }
0x19e: {  	s3 =	spop (v2sf)  }
0x19f: {  	p2 =	sne.s32 s5, $0xFFFFFFFF;
	s2 =	smov.u32 s3  }
0x1a0: {  	p3 =	seq.s32 s3, $0xFFFFFFFF;
	s2 =	smov.u32 @p2 s5  }
0x1a1: {  	s3 =	smov.u32 @p3 s4;
	s2 =	smov.u32 @p3 s5  }
0x1a2: {  	(v2sf) =	vpush v0, $0x0;
	_ =	sdelay $0x8  }
0x1a3: {  	s0 =	spop (v2sf)  }
0x1a4: {  	p1 =	sne.s32 s2, $0xFFFFFFFF;
	s9 =	simm.s32 $0x6;
	s4 =	smov.u32 s0  }
0x1a5: {  	s6 =	simm.s32 $0x0;
	p2 =	seq.s32 s0, $0xFFFFFFFF;
	s4 =	smov.u32 @p1 s2  }
0x1a6: {  	s10 =	simm.s32 $0xE308;
	s4 =	smov.u32 @p2 s2;
	s2 =	spop (v2sf)  }
0x1a7: {  	s0 =	smov.u32 @p2 s3;
	p1 =	sne.s32 s4, $0xFFFFFFFF;
	s5 =	smov.u32 s2  }
.Ltmp25:
0x1a8: {  	p2 =	seq.s32 s2, $0xFFFFFFFF;
	s5 =	smov.u32 @p1 s4;
	(pc) =	sbr.rel .LBB2_32-.Ltmp25, $4  }
0x1a9: {  	s11 =	simm.s32 $0xE388;
	s5 =	smov.u32 @p2 s4;
	s7 =	spop (v2sf)  }
0x1aa: {  	s12 =	simm.s32 $0x0;
	p1 =	sne.s32 s5, $0xFFFFFFFF;
	s8 =	smov.u32 s7  }
0x1ab: {  	s2 =	smov.u32 @p2 s0;
	p2 =	seq.s32 s7, $0xFFFFFFFF;
	s8 =	smov.u32 @p1 s5  }
0x1ac: {  	[sflag:s9] =	ssyncpa.u1 $0x0;
	s7 =	smov.u32 @p2 s2;
	s8 =	smov.u32 @p2 s5  }
.LBB2_38:
0x1ad: {  	p1 =	sgt.u32 s0, $0x4E170  }
0x1ae: {  	p2 =	seq.s32 @!p1 s0, s8  }
0x1af: {  	p1 =	por p1, p2  }
0x1b0: {  	p2 =	sne.s32 @!p1 s0, s7  }
0x1b1: {  	p1 =	por p1, !p2  }
0x1b2: {  	s0 =	sshll.u32 @p1 s12, $0xA  }
0x1b3: {  	s2 =	sand.u32 @!p1 $0x7FFF8, s0;
	s3 =	sand.u32 @!p1 $0x7, s0;
	s0 =	sadd.s32 @!p1 $0x80, s0  }
0x1b4: {  	s2 =	sadd.s32 @!p1 s1, s2;
	s0 =	sand.u32 @!p1 $0xFFFF8, s0  }
0x1b5: {  	[tilespmem:s10], [sflag:$0x6] =	stream.linear.gather @!p1 [hbm4b:s2+s3], $0x80, $0x38;
	[tilespmem:$0x1E678] =	vst v63  }
0x1b6: {  	s0 =	sadd.s32 @!p1 s1, s0  }
0x1b7: {  	[tilespmem:s11], [sflag:$0x6] =	stream.linear.gather @!p1 [hbm4b:s0+s3], $0x80, $0x38;
	[tilespmem:$0x1E678] =	vst v63  }
0x1b8: {  	_ =	swait.ge @!p1 [sflag:s9], $0x100  }
0x1b9: {  	[sflag:s9] =	ssyncset.done @!p1 $0x0  }
0x1ba: {  	[sflag:s9] =	ssyncadd.s32 @!p1 $0xFFFFFF00  }
0x1bb: {  	v1 =	vld @!p1 [tilespmem:$0xE308];
	_ =	sdelay $0x2  }
0x1bc: {  	s0 =	sshll.u32 @!p1 s12, $0xA  }
0x1bd: {  	s2 =	sshrl.u32 @!p1 s0, $0x2  }
0x1be: {  	[tilespmem:s2+$0xE438] =	vst.add.f32.msk @!p1 $0xffff, v1  }
0x1bf: {  	v1 =	vld @!p1 [tilespmem:$0xE318];
	_ =	sdelay $0x4  }
0x1c0: {  	[tilespmem:s2+$0xE448] =	vst.add.f32.msk @!p1 $0xffff, v1  }
0x1c1: {  	v1 =	vld @!p1 [tilespmem:$0xE328];
	_ =	sdelay $0x4  }
0x1c2: {  	[tilespmem:s2+$0xE458] =	vst.add.f32.msk @!p1 $0xffff, v1  }
0x1c3: {  	v1 =	vld @!p1 [tilespmem:$0xE338];
	_ =	sdelay $0x4  }
0x1c4: {  	[tilespmem:s2+$0xE468] =	vst.add.f32.msk @!p1 $0xffff, v1  }
0x1c5: {  	v1 =	vld @!p1 [tilespmem:$0xE348];
	_ =	sdelay $0x4  }
0x1c6: {  	[tilespmem:s2+$0xE478] =	vst.add.f32.msk @!p1 $0xffff, v1  }
0x1c7: {  	v1 =	vld @!p1 [tilespmem:$0xE358];
	_ =	sdelay $0x4  }
0x1c8: {  	[tilespmem:s2+$0xE488] =	vst.add.f32.msk @!p1 $0xffff, v1  }
0x1c9: {  	v1 =	vld @!p1 [tilespmem:$0xE368];
	_ =	sdelay $0x4  }
0x1ca: {  	[tilespmem:s2+$0xE498] =	vst.add.f32.msk @!p1 $0xffff, v1  }
0x1cb: {  	v1 =	vld @!p1 [tilespmem:$0xE378];
	_ =	sdelay $0x4  }
0x1cc: {  	[tilespmem:s2+$0xE4A8] =	vst.add.f32.msk @!p1 $0xffff, v1  }
0x1cd: {  	v1 =	vld @!p1 [tilespmem:$0xE388];
	_ =	sdelay $0x4  }
0x1ce: {  	[tilespmem:s2+$0xE4B8] =	vst.add.f32.msk @!p1 $0xffff, v1  }
0x1cf: {  	v1 =	vld @!p1 [tilespmem:$0xE398];
	_ =	sdelay $0x4  }
0x1d0: {  	[tilespmem:s2+$0xE4C8] =	vst.add.f32.msk @!p1 $0xffff, v1  }
0x1d1: {  	v1 =	vld @!p1 [tilespmem:$0xE3A8];
	_ =	sdelay $0x4  }
0x1d2: {  	[tilespmem:s2+$0xE4D8] =	vst.add.f32.msk @!p1 $0xffff, v1  }
0x1d3: {  	v1 =	vld @!p1 [tilespmem:$0xE3B8];
	_ =	sdelay $0x4  }
0x1d4: {  	[tilespmem:s2+$0xE4E8] =	vst.add.f32.msk @!p1 $0xffff, v1  }
0x1d5: {  	v1 =	vld @!p1 [tilespmem:$0xE3C8];
	_ =	sdelay $0x4  }
0x1d6: {  	[tilespmem:s2+$0xE4F8] =	vst.add.f32.msk @!p1 $0xffff, v1  }
0x1d7: {  	v1 =	vld @!p1 [tilespmem:$0xE3D8];
	_ =	sdelay $0x4  }
0x1d8: {  	[tilespmem:s2+$0xE508] =	vst.add.f32.msk @!p1 $0xffff, v1  }
0x1d9: {  	v1 =	vld @!p1 [tilespmem:$0xE3E8];
	_ =	sdelay $0x4  }
0x1da: {  	[tilespmem:s2+$0xE518] =	vst.add.f32.msk @!p1 $0xffff, v1  }
0x1db: {  	v1 =	vld @!p1 [tilespmem:$0xE3F8];
	_ =	sdelay $0x4  }
0x1dc: {  	[tilespmem:s2+$0xE528] =	vst.add.f32.msk @!p1 $0xffff, v1  }
0x1dd: {  	s0 =	sshrl.u32 s0, $0x2;
	[tilespmem:s6+$0xE418] =	vst.msk $0x1, v0  }
0x1de: {  	v0 =	vld [tilespmem:s0+$0xE438];
	_ =	sdelay $0x2  }
0x1df: {  	s31 =	sshll.u32 s6, $0xA  }
0x1e0: {  	s2 =	sshra.s32 s31, $0x2  }
0x1e1: {  	[tilespmem:s2+$0xE438] =	vst v0  }
0x1e2: {  	v0 =	vld [tilespmem:s0+$0xE448];
	_ =	sdelay $0x4  }
0x1e3: {  	[tilespmem:s2+$0xE448] =	vst v0  }
0x1e4: {  	v0 =	vld [tilespmem:s0+$0xE458];
	_ =	sdelay $0x4  }
0x1e5: {  	[tilespmem:s2+$0xE458] =	vst v0  }
0x1e6: {  	v0 =	vld [tilespmem:s0+$0xE468];
	_ =	sdelay $0x4  }
0x1e7: {  	[tilespmem:s2+$0xE468] =	vst v0  }
0x1e8: {  	v0 =	vld [tilespmem:s0+$0xE478];
	_ =	sdelay $0x4  }
0x1e9: {  	[tilespmem:s2+$0xE478] =	vst v0  }
0x1ea: {  	v0 =	vld [tilespmem:s0+$0xE488];
	_ =	sdelay $0x4  }
0x1eb: {  	[tilespmem:s2+$0xE488] =	vst v0  }
0x1ec: {  	v0 =	vld [tilespmem:s0+$0xE498];
	_ =	sdelay $0x4  }
0x1ed: {  	[tilespmem:s2+$0xE498] =	vst v0  }
0x1ee: {  	v0 =	vld [tilespmem:s0+$0xE4A8];
	_ =	sdelay $0x4  }
0x1ef: {  	[tilespmem:s2+$0xE4A8] =	vst v0  }
0x1f0: {  	v0 =	vld [tilespmem:s0+$0xE4B8];
	_ =	sdelay $0x4  }
0x1f1: {  	[tilespmem:s2+$0xE4B8] =	vst v0  }
0x1f2: {  	v0 =	vld [tilespmem:s0+$0xE4C8];
	_ =	sdelay $0x4  }
0x1f3: {  	[tilespmem:s2+$0xE4C8] =	vst v0  }
0x1f4: {  	v0 =	vld [tilespmem:s0+$0xE4D8];
	_ =	sdelay $0x4  }
0x1f5: {  	[tilespmem:s2+$0xE4D8] =	vst v0  }
0x1f6: {  	v0 =	vld [tilespmem:s0+$0xE4E8];
	_ =	sdelay $0x4  }
0x1f7: {  	[tilespmem:s2+$0xE4E8] =	vst v0  }
0x1f8: {  	v0 =	vld [tilespmem:s0+$0xE4F8];
	_ =	sdelay $0x4  }
0x1f9: {  	[tilespmem:s2+$0xE4F8] =	vst v0  }
0x1fa: {  	v0 =	vld [tilespmem:s0+$0xE508];
	_ =	sdelay $0x4  }
0x1fb: {  	[tilespmem:s2+$0xE508] =	vst v0  }
0x1fc: {  	v0 =	vld [tilespmem:s0+$0xE518];
	_ =	sdelay $0x4  }
0x1fd: {  	[tilespmem:s2+$0xE518] =	vst v0  }
0x1fe: {  	v0 =	vld [tilespmem:s0+$0xE528];
	_ =	sdelay $0x4  }
0x1ff: {  	s6 =	sadd.s32 $0x1, s6;
	[tilespmem:s2+$0xE528] =	vst v0  }
.LBB2_39:
0x200: {  	s12 =	sadd.s32 $0x1, s12  }
0x201: {  	p1 =	sne.s32 s12, $0x20  }
.Ltmp26:
0x202: {  	_ = 	snop;
	(pc) =	sbr.rel @!p1 .LBB2_40-.Ltmp26, $1  }
0x203: {  	_ =	sdelay $0x3  }
.LBB2_32:
0x204: {  	v0 =	vld.msk [tilespmem:s12+$0xE418], $0x1;
	_ =	sdelay $0x4  }
0x205: {  	(v2sf) =	vpush v0, $0x0;
	_ =	sdelay $0xe  }
0x206: {  	s0 =	spop (v2sf)  }
0x207: {  	p1 =	seq.s32 s0, $0xFFFFFFFF  }
.Ltmp27:
0x208: {  	_ = 	snop;
	(pc) =	sbr.rel @p1 .LBB2_39-.Ltmp27, $1  }
0x209: {  	_ =	sdelay $0x3  }
0x20a: {  	p1 =	slt.s32 s6, $0x1  }
.Ltmp28:
0x20b: {  	_ = 	snop;
	(pc) =	sbr.rel @p1 .LBB2_38-.Ltmp28, $1  }
0x20c: {  	_ =	sdelay $0x3  }
0x20d: {  	s4 =	simm.s32 $0xE418;
	p1 =	por $0x0, $0x0  }
0x20e: {  	v1 =	vld.msk @!p1 [tilespmem:s4+$0x0], $0x1;
	_ =	sdelay $0x4  }
0x20f: {  	(v2sf) =	vpush @!p1 v1, $0x0;
	_ =	sdelay $0xd  }
0x210: {  	p3 =	sne.s32 s6, $0x1  }
.Ltmp29:
0x211: {  	s2 =	spop @!p1 (v2sf);
	(pc) =	sbr.rel @!p3 .LBB2_36-.Ltmp29, $4  }
0x212: {  	p2 =	seq.s32 @!p1 s0, s2  }
0x213: {  	s5 =	simm.s32 $0x0;
	p2 =	por !p2, p1  }
0x214: {  	s2 =	simm.s32 $0xFFFFFFFF;
	s5 =	simm.s32 @p2 $0xFFFFFFFF  }
0x215: {  	s13 =	simm.s32 $0x1;
	s5 =	smov.u32 @p1 s2  }
.LBB2_35:
0x216: {  	s2 =	smov.u32 s5;
	p1 =	sne.s32 s5, $0xFFFFFFFF  }
0x217: {  	s4 =	sadd.s32 $0x1, s4;
	s5 =	smov.u32 s13;
	s13 =	sadd.s32 $0x1, s13  }
0x218: {  	p2 =	sne.s32 s6, s13;
	v1 =	vld.msk @!p1 [tilespmem:s4+$0x0], $0x1;
	_ =	sdelay $0x4  }
0x219: {  	(v2sf) =	vpush @!p1 v1, $0x0;
	_ =	sdelay $0xe  }
.Ltmp30:
0x21a: {  	s3 =	spop @!p1 (v2sf);
	(pc) =	sbr.rel @p2 .LBB2_35-.Ltmp30, $4  }
0x21b: {  	p3 =	seq.s32 @!p1 s0, s3  }
0x21c: {  	p3 =	por !p3, p1  }
0x21d: {  	s5 =	simm.s32 @p3 $0xFFFFFFFF  }
0x21e: {  	s5 =	smov.u32 @p1 s2  }
.LBB2_36:
0x21f: {  	p1 =	seq.s32 s5, $0xFFFFFFFF  }
.Ltmp31:
0x220: {  	_ = 	snop;
	(pc) =	sbr.rel @p1 .LBB2_38-.Ltmp31, $1  }
0x221: {  	_ =	sdelay $0x3  }
0x222: {  	s0 =	sshll.u32 s12, $0x8  }
0x223: {  	s0 =	sand.u32 $0x3FFFFF00, s0  }
0x224: {  	v0 =	vld [tilespmem:s0+$0xE438];
	_ =	sdelay $0x2  }
0x225: {  	s2 =	sshll.u32 s5, $0xA  }
0x226: {  	s2 =	sshra.s32 s2, $0x2  }
0x227: {  	[tilespmem:s2+$0xE438] =	vst.add.f32.msk $0xffff, v0  }
0x228: {  	v0 =	vld [tilespmem:s0+$0xE448];
	_ =	sdelay $0x4  }
0x229: {  	[tilespmem:s2+$0xE448] =	vst.add.f32.msk $0xffff, v0  }
0x22a: {  	v0 =	vld [tilespmem:s0+$0xE458];
	_ =	sdelay $0x4  }
0x22b: {  	[tilespmem:s2+$0xE458] =	vst.add.f32.msk $0xffff, v0  }
0x22c: {  	v0 =	vld [tilespmem:s0+$0xE468];
	_ =	sdelay $0x4  }
0x22d: {  	[tilespmem:s2+$0xE468] =	vst.add.f32.msk $0xffff, v0  }
0x22e: {  	v0 =	vld [tilespmem:s0+$0xE478];
	_ =	sdelay $0x4  }
0x22f: {  	[tilespmem:s2+$0xE478] =	vst.add.f32.msk $0xffff, v0  }
0x230: {  	v0 =	vld [tilespmem:s0+$0xE488];
	_ =	sdelay $0x4  }
0x231: {  	[tilespmem:s2+$0xE488] =	vst.add.f32.msk $0xffff, v0  }
0x232: {  	v0 =	vld [tilespmem:s0+$0xE498];
	_ =	sdelay $0x4  }
0x233: {  	[tilespmem:s2+$0xE498] =	vst.add.f32.msk $0xffff, v0  }
0x234: {  	v0 =	vld [tilespmem:s0+$0xE4A8];
	_ =	sdelay $0x4  }
0x235: {  	[tilespmem:s2+$0xE4A8] =	vst.add.f32.msk $0xffff, v0  }
0x236: {  	v0 =	vld [tilespmem:s0+$0xE4B8];
	_ =	sdelay $0x4  }
0x237: {  	[tilespmem:s2+$0xE4B8] =	vst.add.f32.msk $0xffff, v0  }
0x238: {  	v0 =	vld [tilespmem:s0+$0xE4C8];
	_ =	sdelay $0x4  }
0x239: {  	[tilespmem:s2+$0xE4C8] =	vst.add.f32.msk $0xffff, v0  }
0x23a: {  	v0 =	vld [tilespmem:s0+$0xE4D8];
	_ =	sdelay $0x4  }
0x23b: {  	[tilespmem:s2+$0xE4D8] =	vst.add.f32.msk $0xffff, v0  }
0x23c: {  	v0 =	vld [tilespmem:s0+$0xE4E8];
	_ =	sdelay $0x4  }
0x23d: {  	[tilespmem:s2+$0xE4E8] =	vst.add.f32.msk $0xffff, v0  }
0x23e: {  	v0 =	vld [tilespmem:s0+$0xE4F8];
	_ =	sdelay $0x4  }
0x23f: {  	[tilespmem:s2+$0xE4F8] =	vst.add.f32.msk $0xffff, v0  }
0x240: {  	v0 =	vld [tilespmem:s0+$0xE508];
	_ =	sdelay $0x4  }
0x241: {  	[tilespmem:s2+$0xE508] =	vst.add.f32.msk $0xffff, v0  }
0x242: {  	v0 =	vld [tilespmem:s0+$0xE518];
	_ =	sdelay $0x4  }
0x243: {  	[tilespmem:s2+$0xE518] =	vst.add.f32.msk $0xffff, v0  }
0x244: {  	v0 =	vld [tilespmem:s0+$0xE528]  }
.Ltmp32:
0x245: {  	_ = 	snop;
	(pc) =	sbr.rel .LBB2_39-.Ltmp32, $2  }
0x246: {  	_ =	sdelay $0x2  }
0x247: {  	[tilespmem:s2+$0xE528] =	vst.add.f32.msk $0xffff, v0  }
.LBB2_40:
0x248: {  	s0 =	simm.s32 $0x6;
	p1 =	seq.s32 s6, $0x0  }
0x249: {  	[sflag:s0] =	ssyncpa.u1 $0x1;
	v0 =	vimm.s32 @p1 $0xFFFFFFFF  }
0x24a: {  	s0 =	sadd.s32 $0xFFFFFFFF, s6;
	[tilespmem:$0x10438] =	vst @p1 v0  }
0x24b: {  	v0 =	vld.msk @!p1 [tilespmem:s0+$0xE418], $0x1;
	_ =	sdelay $0x1  }
0x24c: {  	v1 =	vld.msk @!p1 [tilespmem:$0xE418], $0x1;
	_ =	sdelay $0x2  }
0x24d: {  	p2 =	seq.s32 @!p1 s0, $0x0;
	v0 =	vbroadcast @!p1 v0, $0x0  }
0x24e: {  	vm0 =	vmmov @!p1 $0x1;
	p2 =	por !p2, p1  }
0x24f: {  	v1 =	vnsel @!p1 vm0, $0xFFFFFFFF, v1;
	vm0 =	vcmask @!p1 $0x308;
	v0 =	vpsel !p2, $0xFFFFFFFF, v0  }
0x250: {  	p2 =	sne.s32 @!p1 s8, s7;
	v0 =	vsel @!p1 vm0, v1, v0  }
0x251: {  	s2 =	simm.s32 @!p1 $0xE438;
	s3 =	simm.s32 @!p1 $0x0;
	p3 =	por !p2, p1;
	[tilespmem:$0x10438] =	vst @!p1 v0  }
0x252: {  	[spmem:s3] =	stream.linear.scatter @!p1 [tilespmem:s2], [sflag:$0x1], $0x100, $0x38;
	[tilespmem:$0x1E678] =	vst v63  }
0x253: {  	s2 =	sshll.u32 @!p3 s0, $0xA  }
0x254: {  	s2 =	sshra.s32 @!p3 s2, $0x2  }
0x255: {  	s3 =	simm.s32 @!p3 $0x100;
	s2 =	sadd.s32 @!p3 $0xE438, s2  }
0x256: {  	[spmem:s3] =	stream.linear.scatter @!p3 [tilespmem:s2], [sflag:$0x1], $0x100, $0x38;
	[tilespmem:$0x1E678] =	vst v63  }
0x257: {  	s2 =	simm.s32 @!p3 $0x1  }
0x258: {  	_ =	swait.ge @!p3 [sflag:s2], $0x200  }
0x259: {  	p1 =	por p2, p1;
	[sflag:s2] =	ssyncset.done @!p3 $0x0  }
0x25a: {  	[sflag:s2] =	ssyncadd.s32 @!p3 $0xFFFFFE00;
	s2 =	simm.s32 @!p1 $0x1  }
0x25b: {  	_ =	swait.ge @!p1 [sflag:s2], $0x100  }
0x25c: {  	s29 =	simm.s32 $0x10438;
	[sflag:s2] =	ssyncset.done @!p1 $0x0  }
0x25d: {  	s30 =	simm.s32 $0x2000;
	s31 =	simm.s32 $0x1;
	[sflag:s2] =	ssyncadd.s32 @!p1 $0xFFFFFF00  }
0x25e: {  	[spmem:s30] =	stream.linear.scatter [tilespmem:s29], [sflag:$0x1], $0x10, $0x38;
	[tilespmem:$0x1E678] =	vst v63  }
0x25f: {  	_ =	swait.ge [sflag:s31], $0x10  }
0x260: {  	[sflag:s31] =	ssyncset.done $0x0  }
0x261: {  	p1 =	seq.s32 s14, $0x0;
	s9 =	rddreg [dreg:$0x1];
	[sflag:s31] =	ssyncadd.s32 $0xFFFFFFF0  }
0x262: {  	s3 =	sshll.u32 @p1 s9, $0xE;
	s8 =	rddreg [dreg:$0x2]  }
0x263: {  	s2 =	sadd.s32 @p1 $0x15C3C, s3;
	s3 =	sshll.u32 @p1 s8, $0x11  }
0x264: {  	_ =	sfence.stream.spmem;
	s2 =	sor.u32 @p1 s3, s2  }
0x265: {  	[sflag:s2] =	ssyncadd.remote.s32 @p1 $0x1;
	s2 =	simm.s32 @p1 $0x4  }
0x266: {  	s4 =	simm.s32 @!p1 $0x3C;
	s3 =	sand.u32 $0xFFFFFFFE, s9;
	_ =	swait.ge @p1 [sflag:s2], $0x42  }
0x267: {  	s5 =	simm.s32 @!p1 $0x0;
	s3 =	sadd.s32 @!p1 $0x4, s3;
	[sflag:s2] =	ssyncset.done @p1 $0x0  }
0x268: {  	s7 =	simm.s32 @!p1 $0x200;
	[sflag:s2] =	ssyncadd.s32 @p1 $0xFFFFFFBE;
	s2 =	sshll.u32 @!p1 s3, $0x1A  }
0x269: {  	s3 =	sshll.u32 @!p1 s3, $0xD;
	s2 =	sor.u32 @!p1 s2, s8;
	_ =	swait.eq @!p1 [sflag:s4], $0x1  }
0x26a: {  	s3 =	sor.u32 @!p1 $0x1C04, s3;
	s4 =	simm.s32 @!p1 $0x1C03;
	s2 =	sor.u32 @!p1 $0x80004000, s2  }
0x26b: {  	[spmem:s7], [sflag:s3] =	dma.general @!p1 [spmem:s5], [sflag:s4], length:$0x40, [dreg:$0x0], stride_count:$0x0, ici_dest:s2, dma_misc:DstOpCode:WRITE  }
0x26c: {  	p2 =	slt.s32 s0, $0x2;
	s5 =	simm.s32 @!p1 $0x400;
	s7 =	simm.s32 @!p1 $0x402  }
0x26d: {  	[spmem:s7], [sflag:s3] =	dma.general @!p1 [spmem:s5], [sflag:s4], length:$0x2, [dreg:$0x0], stride_count:$0x0, ici_dest:s2, dma_misc:DstOpCode:WRITE  }
.Ltmp33:
0x26e: {  	s2 =	simm.s32 @!p1 $0x3;
	(pc) =	sbr.rel @p2 .LBB2_44-.Ltmp33, $4  }
0x26f: {  	s3 =	sshll.u32 @!p1 s9, $0xE;
	_ =	swait.ge @!p1 [sflag:s2], $0x42  }
0x270: {  	s4 =	sshll.u32 @!p1 s8, $0x11;
	s3 =	sadd.s32 @!p1 $0x11C3C, s3;
	[sflag:s2] =	ssyncset.done @!p1 $0x0  }
0x271: {  	[sflag:s2] =	ssyncadd.s32 @!p1 $0xFFFFFFBE;
	s2 =	sor.u32 @!p1 s4, s3  }
0x272: {  	s0 =	simm.s32 $0x0;
	[sflag:s2] =	ssyncadd.remote.s32 @!p1 $0xFFFFFFFF  }
0x273: {  	s0 =	simm.s32 $0xE419  }
0x274: {  	v0 =	vld.msk [tilespmem:s0+$0x0], $0x1;
	_ =	sdelay $0x4  }
0x275: {  	(v2sf) =	vpush v0, $0x0;
	_ =	sdelay $0xd  }
0x276: {  	s31 =	sadd.s32 $0xFFFFFFFE, s6  }
0x277: {  	s6 =	simm.s32 $0x0;
	s0 =	sadd.s32 $0xFFFFFFFF, s31;
	s2 =	spop (v2sf)  }
0x278: {  	s3 =	simm.s32 $0xE538;
	p1 =	sne.s32 s0, $0x0;
	p2 =	sgt.u32 s2, $0x4E170  }
.Ltmp34:
0x279: {  	s4 =	simm.s32 $0xE638;
	s5 =	sand.u32 @!p2 $0x7FFF8, s2;
	(pc) =	sbr.rel @!p1 .LBB2_43-.Ltmp34, $4  }
0x27a: {  	s7 =	sadd.s32 @!p2 $0x80, s2;
	s2 =	sand.u32 @!p2 $0x7, s2;
	s6 =	simm.s32 @!p2 $0x400  }
0x27b: {  	s5 =	sadd.s32 @!p2 s1, s5;
	s7 =	sand.u32 @!p2 $0xFFFF8, s7;
	s6 =	sadd.s32 $0x0, s6  }
0x27c: {  	[hbm4b:s5+s2] =	stream.linear.scatter @!p2 [tilespmem:s3], [sflag:$0x5], $0x80, $0x38;
	[tilespmem:$0x1E678] =	vst v63  }
0x27d: {  	s5 =	simm.s32 $0xE41A;
	s3 =	simm.s32 @!p2 $0xE5B8;
	s7 =	sadd.s32 @!p2 s1, s7  }
.LBB2_42:
0x27e: {  	[hbm4b:s7+s2] =	stream.linear.scatter @!p2 [tilespmem:s3], [sflag:$0x5], $0x80, $0x38;
	[tilespmem:$0x1E678] =	vst v63  }
0x27f: {  	s0 =	sadd.s32 $0xFFFFFFFF, s0;
	s3 =	smov.u32 s4;
	v0 =	vld.msk [tilespmem:s5+$0x0], $0x1  }
0x280: {  	p1 =	sne.s32 s0, $0x0;
	_ =	sdelay $0x3  }
0x281: {  	(v2sf) =	vpush v0, $0x0;
	_ =	sdelay $0xe  }
0x282: {  	s4 =	sadd.s32 $0x100, s4;
	s8 =	simm.s32 $0x0;
	s2 =	spop (v2sf)  }
.Ltmp35:
0x283: {  	s5 =	sadd.s32 $0x1, s5;
	p2 =	sgt.u32 s2, $0x4E170;
	(pc) =	sbr.rel @p1 .LBB2_42-.Ltmp35, $4  }
0x284: {  	s8 =	simm.s32 @!p2 $0x400;
	s7 =	sand.u32 @!p2 $0x7FFF8, s2;
	s9 =	sadd.s32 @!p2 $0x80, s2  }
0x285: {  	s2 =	sand.u32 @!p2 $0x7, s2;
	s7 =	sadd.s32 @!p2 s1, s7;
	s9 =	sand.u32 @!p2 $0xFFFF8, s9  }
0x286: {  	[hbm4b:s7+s2] =	stream.linear.scatter @!p2 [tilespmem:s3], [sflag:$0x5], $0x80, $0x38;
	[tilespmem:$0x1E678] =	vst v63  }
0x287: {  	s6 =	sadd.s32 s6, s8;
	s3 =	sadd.s32 @!p2 $0x80, s3;
	s7 =	sadd.s32 @!p2 s1, s9  }
.LBB2_43:
0x288: {  	[hbm4b:s7+s2] =	stream.linear.scatter @!p2 [tilespmem:s3], [sflag:$0x5], $0x80, $0x38;
	[tilespmem:$0x1E678] =	vst v63  }
0x289: {  	s0 =	sshrl.u32 s6, $0x2  }
.LBB2_44:
0x28a: {  	s2 =	simm.s32 $0x5  }
0x28b: {  	_ =	swait.ge [sflag:s2], s0  }
0x28c: {  	s31 =	ssub.s32 $0x0, s0;
	[sflag:s2] =	ssyncset.done $0x0  }
0x28d: {  	[sflag:s2] =	ssyncadd.s32 s31  }
0x28e: {  	[sflag:s2] =	ssyncpa.u1 $0x1  }
.LBB2_45:
0x28f: {  	s0 =	sor.u32 s14, s15  }
0x290: {  	p1 =	sne.s32 s0, $0x0  }
.Ltmp36:
0x291: {  	_ = 	snop;
	(pc) =	sbr.rel @p1 .LBB2_60-.Ltmp36, $3  }
0x292: {  	_ =	sdelay $0x1  }
0x293: {  	[bflag:$0x0] =	sbarrier.arrive $0xFFFF  }
0x294: {  	_ =	sfence  }
0x295: {  	s0 =	simm.s32 $0x7  }
0x296: {  	s2 =	simm.s32 $0x2000;
	s3 =	simm.s32 $0xE418;
	[sflag:s0] =	ssyncpa.u1 $0x0  }
0x297: {  	[tilespmem:s3], [sflag:$0x7] =	stream.linear.gather [spmem:s2], $0x20, $0x38;
	[tilespmem:$0x1E678] =	vst v63  }
0x298: {  	s30 =	simm.s32 $0xE438;
	s2 =	simm.s32 $0x0  }
0x299: {  	[tilespmem:s30], [sflag:$0x7] =	stream.linear.gather [spmem:s2], $0x2000, $0x38;
	[tilespmem:$0x1E678] =	vst v63  }
.Ltmp37:
0x29a: {  	_ = 	snop;
	(pc) =	sbr.rel .LBB2_47-.Ltmp37, $4  }
0x29b: {  	_ =	swait.ge [sflag:s0], $0x2020  }
0x29c: {  	[sflag:s0] =	ssyncset.done $0x0  }
0x29d: {  	s31 =	simm.s32 $0x8;
	[sflag:s0] =	ssyncadd.s32 $0xFFFFDFE0  }
0x29e: {  	s3 =	simm.s32 $0x0;
	[sflag:s31] =	ssyncpa.u1 $0x0  }
.LBB2_53:
0x29f: {  	p1 =	slt.u32 s0, $0x4E171  }
0x2a0: {  	s4 =	sand.u32 @p1 $0x7FFF8, s0;
	s5 =	sand.u32 @p1 $0x7, s0;
	s0 =	sadd.s32 @p1 $0x80, s0  }
0x2a1: {  	s6 =	simm.s32 @p1 $0xE308;
	s4 =	sadd.s32 @p1 s1, s4;
	s0 =	sand.u32 @p1 $0xFFFF8, s0  }
0x2a2: {  	[tilespmem:s6], [sflag:$0x8] =	stream.linear.gather @p1 [hbm4b:s4+s5], $0x80, $0x38;
	[tilespmem:$0x1E678] =	vst v63  }
0x2a3: {  	s0 =	sadd.s32 @p1 s1, s0;
	s4 =	simm.s32 @p1 $0xE388  }
0x2a4: {  	[tilespmem:s4], [sflag:$0x8] =	stream.linear.gather @p1 [hbm4b:s0+s5], $0x80, $0x38;
	[tilespmem:$0x1E678] =	vst v63  }
0x2a5: {  	s0 =	simm.s32 @p1 $0x8  }
0x2a6: {  	_ =	swait.ge @p1 [sflag:s0], $0x100  }
0x2a7: {  	[sflag:s0] =	ssyncset.done @p1 $0x0  }
0x2a8: {  	[sflag:s0] =	ssyncadd.s32 @p1 $0xFFFFFF00  }
0x2a9: {  	v1 =	vld @p1 [tilespmem:$0xE308];
	_ =	sdelay $0x2  }
0x2aa: {  	s0 =	sshll.u32 @p1 s3, $0xA  }
0x2ab: {  	s4 =	sshrl.u32 @p1 s0, $0x2  }
0x2ac: {  	[tilespmem:s4+$0xE438] =	vst.add.f32.msk @p1 $0xffff, v1  }
0x2ad: {  	v1 =	vld @p1 [tilespmem:$0xE318];
	_ =	sdelay $0x4  }
0x2ae: {  	[tilespmem:s4+$0xE448] =	vst.add.f32.msk @p1 $0xffff, v1  }
0x2af: {  	v1 =	vld @p1 [tilespmem:$0xE328];
	_ =	sdelay $0x4  }
0x2b0: {  	[tilespmem:s4+$0xE458] =	vst.add.f32.msk @p1 $0xffff, v1  }
0x2b1: {  	v1 =	vld @p1 [tilespmem:$0xE338];
	_ =	sdelay $0x4  }
0x2b2: {  	[tilespmem:s4+$0xE468] =	vst.add.f32.msk @p1 $0xffff, v1  }
0x2b3: {  	v1 =	vld @p1 [tilespmem:$0xE348];
	_ =	sdelay $0x4  }
0x2b4: {  	[tilespmem:s4+$0xE478] =	vst.add.f32.msk @p1 $0xffff, v1  }
0x2b5: {  	v1 =	vld @p1 [tilespmem:$0xE358];
	_ =	sdelay $0x4  }
0x2b6: {  	[tilespmem:s4+$0xE488] =	vst.add.f32.msk @p1 $0xffff, v1  }
0x2b7: {  	v1 =	vld @p1 [tilespmem:$0xE368];
	_ =	sdelay $0x4  }
0x2b8: {  	[tilespmem:s4+$0xE498] =	vst.add.f32.msk @p1 $0xffff, v1  }
0x2b9: {  	v1 =	vld @p1 [tilespmem:$0xE378];
	_ =	sdelay $0x4  }
0x2ba: {  	[tilespmem:s4+$0xE4A8] =	vst.add.f32.msk @p1 $0xffff, v1  }
0x2bb: {  	v1 =	vld @p1 [tilespmem:$0xE388];
	_ =	sdelay $0x4  }
0x2bc: {  	[tilespmem:s4+$0xE4B8] =	vst.add.f32.msk @p1 $0xffff, v1  }
0x2bd: {  	v1 =	vld @p1 [tilespmem:$0xE398];
	_ =	sdelay $0x4  }
0x2be: {  	[tilespmem:s4+$0xE4C8] =	vst.add.f32.msk @p1 $0xffff, v1  }
0x2bf: {  	v1 =	vld @p1 [tilespmem:$0xE3A8];
	_ =	sdelay $0x4  }
0x2c0: {  	[tilespmem:s4+$0xE4D8] =	vst.add.f32.msk @p1 $0xffff, v1  }
0x2c1: {  	v1 =	vld @p1 [tilespmem:$0xE3B8];
	_ =	sdelay $0x4  }
0x2c2: {  	[tilespmem:s4+$0xE4E8] =	vst.add.f32.msk @p1 $0xffff, v1  }
0x2c3: {  	v1 =	vld @p1 [tilespmem:$0xE3C8];
	_ =	sdelay $0x4  }
0x2c4: {  	[tilespmem:s4+$0xE4F8] =	vst.add.f32.msk @p1 $0xffff, v1  }
0x2c5: {  	v1 =	vld @p1 [tilespmem:$0xE3D8];
	_ =	sdelay $0x4  }
0x2c6: {  	[tilespmem:s4+$0xE508] =	vst.add.f32.msk @p1 $0xffff, v1  }
0x2c7: {  	v1 =	vld @p1 [tilespmem:$0xE3E8];
	_ =	sdelay $0x4  }
0x2c8: {  	[tilespmem:s4+$0xE518] =	vst.add.f32.msk @p1 $0xffff, v1  }
0x2c9: {  	v1 =	vld @p1 [tilespmem:$0xE3F8];
	_ =	sdelay $0x3  }
0x2ca: {  	s5 =	sshll.u32 @!p1 s3, $0xA  }
0x2cb: {  	s5 =	smov.u32 @p1 s0;
	[tilespmem:s4+$0xE528] =	vst.add.f32.msk @p1 $0xffff, v1  }
0x2cc: {  	s0 =	sshrl.u32 s5, $0x2;
	[tilespmem:s2+$0xE418] =	vst.msk $0x1, v0  }
0x2cd: {  	v0 =	vld [tilespmem:s0+$0xE438];
	_ =	sdelay $0x2  }
0x2ce: {  	s31 =	sshll.u32 s2, $0xA  }
0x2cf: {  	s4 =	sshra.s32 s31, $0x2  }
0x2d0: {  	[tilespmem:s4+$0xE438] =	vst v0  }
0x2d1: {  	v0 =	vld [tilespmem:s0+$0xE448];
	_ =	sdelay $0x4  }
0x2d2: {  	[tilespmem:s4+$0xE448] =	vst v0  }
0x2d3: {  	v0 =	vld [tilespmem:s0+$0xE458];
	_ =	sdelay $0x4  }
0x2d4: {  	[tilespmem:s4+$0xE458] =	vst v0  }
0x2d5: {  	v0 =	vld [tilespmem:s0+$0xE468];
	_ =	sdelay $0x4  }
0x2d6: {  	[tilespmem:s4+$0xE468] =	vst v0  }
0x2d7: {  	v0 =	vld [tilespmem:s0+$0xE478];
	_ =	sdelay $0x4  }
0x2d8: {  	[tilespmem:s4+$0xE478] =	vst v0  }
0x2d9: {  	v0 =	vld [tilespmem:s0+$0xE488];
	_ =	sdelay $0x4  }
0x2da: {  	[tilespmem:s4+$0xE488] =	vst v0  }
0x2db: {  	v0 =	vld [tilespmem:s0+$0xE498];
	_ =	sdelay $0x4  }
0x2dc: {  	[tilespmem:s4+$0xE498] =	vst v0  }
0x2dd: {  	v0 =	vld [tilespmem:s0+$0xE4A8];
	_ =	sdelay $0x4  }
0x2de: {  	[tilespmem:s4+$0xE4A8] =	vst v0  }
0x2df: {  	v0 =	vld [tilespmem:s0+$0xE4B8];
	_ =	sdelay $0x4  }
0x2e0: {  	[tilespmem:s4+$0xE4B8] =	vst v0  }
0x2e1: {  	v0 =	vld [tilespmem:s0+$0xE4C8];
	_ =	sdelay $0x4  }
0x2e2: {  	[tilespmem:s4+$0xE4C8] =	vst v0  }
0x2e3: {  	v0 =	vld [tilespmem:s0+$0xE4D8];
	_ =	sdelay $0x4  }
0x2e4: {  	[tilespmem:s4+$0xE4D8] =	vst v0  }
0x2e5: {  	v0 =	vld [tilespmem:s0+$0xE4E8];
	_ =	sdelay $0x4  }
0x2e6: {  	[tilespmem:s4+$0xE4E8] =	vst v0  }
0x2e7: {  	v0 =	vld [tilespmem:s0+$0xE4F8];
	_ =	sdelay $0x4  }
0x2e8: {  	[tilespmem:s4+$0xE4F8] =	vst v0  }
0x2e9: {  	v0 =	vld [tilespmem:s0+$0xE508];
	_ =	sdelay $0x4  }
0x2ea: {  	[tilespmem:s4+$0xE508] =	vst v0  }
0x2eb: {  	v0 =	vld [tilespmem:s0+$0xE518];
	_ =	sdelay $0x4  }
0x2ec: {  	[tilespmem:s4+$0xE518] =	vst v0  }
0x2ed: {  	v0 =	vld [tilespmem:s0+$0xE528];
	_ =	sdelay $0x4  }
0x2ee: {  	s2 =	sadd.s32 $0x1, s2;
	[tilespmem:s4+$0xE528] =	vst v0  }
.LBB2_54:
0x2ef: {  	s3 =	sadd.s32 $0x1, s3  }
0x2f0: {  	p1 =	sne.s32 s3, $0x20  }
.Ltmp38:
0x2f1: {  	_ = 	snop;
	(pc) =	sbr.rel @!p1 .LBB2_55-.Ltmp38, $1  }
0x2f2: {  	_ =	sdelay $0x3  }
.LBB2_47:
0x2f3: {  	v0 =	vld.msk [tilespmem:s3+$0xE418], $0x1;
	_ =	sdelay $0x4  }
0x2f4: {  	(v2sf) =	vpush v0, $0x0;
	_ =	sdelay $0xe  }
0x2f5: {  	s0 =	spop (v2sf)  }
0x2f6: {  	p1 =	seq.s32 s0, $0xFFFFFFFF  }
.Ltmp39:
0x2f7: {  	_ = 	snop;
	(pc) =	sbr.rel @p1 .LBB2_54-.Ltmp39, $1  }
0x2f8: {  	_ =	sdelay $0x3  }
0x2f9: {  	p1 =	slt.s32 s2, $0x1  }
.Ltmp40:
0x2fa: {  	_ = 	snop;
	(pc) =	sbr.rel @p1 .LBB2_53-.Ltmp40, $1  }
0x2fb: {  	_ =	sdelay $0x3  }
0x2fc: {  	s4 =	simm.s32 $0xE418;
	p1 =	por $0x0, $0x0  }
0x2fd: {  	v1 =	vld.msk @!p1 [tilespmem:s4+$0x0], $0x1;
	_ =	sdelay $0x4  }
0x2fe: {  	(v2sf) =	vpush @!p1 v1, $0x0;
	_ =	sdelay $0xd  }
0x2ff: {  	p3 =	sne.s32 s2, $0x1  }
.Ltmp41:
0x300: {  	s5 =	spop @!p1 (v2sf);
	(pc) =	sbr.rel @!p3 .LBB2_51-.Ltmp41, $4  }
0x301: {  	p2 =	seq.s32 @!p1 s0, s5  }
0x302: {  	s5 =	simm.s32 $0x0;
	p2 =	por !p2, p1  }
0x303: {  	s7 =	simm.s32 $0xFFFFFFFF;
	s5 =	simm.s32 @p2 $0xFFFFFFFF  }
0x304: {  	s6 =	simm.s32 $0x1;
	s5 =	smov.u32 @p1 s7  }
.LBB2_50:
0x305: {  	s7 =	smov.u32 s5;
	p1 =	sne.s32 s5, $0xFFFFFFFF  }
0x306: {  	s4 =	sadd.s32 $0x1, s4;
	s5 =	smov.u32 s6;
	s6 =	sadd.s32 $0x1, s6  }
0x307: {  	p2 =	sne.s32 s2, s6;
	v1 =	vld.msk @!p1 [tilespmem:s4+$0x0], $0x1;
	_ =	sdelay $0x4  }
0x308: {  	(v2sf) =	vpush @!p1 v1, $0x0;
	_ =	sdelay $0xe  }
.Ltmp42:
0x309: {  	s8 =	spop @!p1 (v2sf);
	(pc) =	sbr.rel @p2 .LBB2_50-.Ltmp42, $4  }
0x30a: {  	p3 =	seq.s32 @!p1 s0, s8  }
0x30b: {  	p3 =	por !p3, p1  }
0x30c: {  	s5 =	simm.s32 @p3 $0xFFFFFFFF  }
0x30d: {  	s5 =	smov.u32 @p1 s7  }
.LBB2_51:
0x30e: {  	p1 =	seq.s32 s5, $0xFFFFFFFF  }
.Ltmp43:
0x30f: {  	_ = 	snop;
	(pc) =	sbr.rel @p1 .LBB2_53-.Ltmp43, $1  }
0x310: {  	_ =	sdelay $0x3  }
0x311: {  	s0 =	sshll.u32 s3, $0x8  }
0x312: {  	s0 =	sand.u32 $0x3FFFFF00, s0  }
0x313: {  	v0 =	vld [tilespmem:s0+$0xE438];
	_ =	sdelay $0x2  }
0x314: {  	s4 =	sshll.u32 s5, $0xA  }
0x315: {  	s4 =	sshra.s32 s4, $0x2  }
0x316: {  	[tilespmem:s4+$0xE438] =	vst.add.f32.msk $0xffff, v0  }
0x317: {  	v0 =	vld [tilespmem:s0+$0xE448];
	_ =	sdelay $0x4  }
0x318: {  	[tilespmem:s4+$0xE448] =	vst.add.f32.msk $0xffff, v0  }
0x319: {  	v0 =	vld [tilespmem:s0+$0xE458];
	_ =	sdelay $0x4  }
0x31a: {  	[tilespmem:s4+$0xE458] =	vst.add.f32.msk $0xffff, v0  }
0x31b: {  	v0 =	vld [tilespmem:s0+$0xE468];
	_ =	sdelay $0x4  }
0x31c: {  	[tilespmem:s4+$0xE468] =	vst.add.f32.msk $0xffff, v0  }
0x31d: {  	v0 =	vld [tilespmem:s0+$0xE478];
	_ =	sdelay $0x4  }
0x31e: {  	[tilespmem:s4+$0xE478] =	vst.add.f32.msk $0xffff, v0  }
0x31f: {  	v0 =	vld [tilespmem:s0+$0xE488];
	_ =	sdelay $0x4  }
0x320: {  	[tilespmem:s4+$0xE488] =	vst.add.f32.msk $0xffff, v0  }
0x321: {  	v0 =	vld [tilespmem:s0+$0xE498];
	_ =	sdelay $0x4  }
0x322: {  	[tilespmem:s4+$0xE498] =	vst.add.f32.msk $0xffff, v0  }
0x323: {  	v0 =	vld [tilespmem:s0+$0xE4A8];
	_ =	sdelay $0x4  }
0x324: {  	[tilespmem:s4+$0xE4A8] =	vst.add.f32.msk $0xffff, v0  }
0x325: {  	v0 =	vld [tilespmem:s0+$0xE4B8];
	_ =	sdelay $0x4  }
0x326: {  	[tilespmem:s4+$0xE4B8] =	vst.add.f32.msk $0xffff, v0  }
0x327: {  	v0 =	vld [tilespmem:s0+$0xE4C8];
	_ =	sdelay $0x4  }
0x328: {  	[tilespmem:s4+$0xE4C8] =	vst.add.f32.msk $0xffff, v0  }
0x329: {  	v0 =	vld [tilespmem:s0+$0xE4D8];
	_ =	sdelay $0x4  }
0x32a: {  	[tilespmem:s4+$0xE4D8] =	vst.add.f32.msk $0xffff, v0  }
0x32b: {  	v0 =	vld [tilespmem:s0+$0xE4E8];
	_ =	sdelay $0x4  }
0x32c: {  	[tilespmem:s4+$0xE4E8] =	vst.add.f32.msk $0xffff, v0  }
0x32d: {  	v0 =	vld [tilespmem:s0+$0xE4F8];
	_ =	sdelay $0x4  }
0x32e: {  	[tilespmem:s4+$0xE4F8] =	vst.add.f32.msk $0xffff, v0  }
0x32f: {  	v0 =	vld [tilespmem:s0+$0xE508];
	_ =	sdelay $0x4  }
0x330: {  	[tilespmem:s4+$0xE508] =	vst.add.f32.msk $0xffff, v0  }
0x331: {  	v0 =	vld [tilespmem:s0+$0xE518];
	_ =	sdelay $0x4  }
0x332: {  	[tilespmem:s4+$0xE518] =	vst.add.f32.msk $0xffff, v0  }
0x333: {  	v0 =	vld [tilespmem:s0+$0xE528]  }
.Ltmp44:
0x334: {  	_ = 	snop;
	(pc) =	sbr.rel .LBB2_54-.Ltmp44, $2  }
0x335: {  	_ =	sdelay $0x2  }
0x336: {  	[tilespmem:s4+$0xE528] =	vst.add.f32.msk $0xffff, v0  }
.LBB2_55:
0x337: {  	p1 =	slt.s32 s2, $0x1  }
.Ltmp45:
0x338: {  	_ = 	snop;
	(pc) =	sbr.rel @p1 .LBB2_59-.Ltmp45, $3  }
0x339: {  	_ =	sdelay $0x1  }
0x33a: {  	s0 =	simm.s32 $0x8  }
0x33b: {  	s4 =	simm.s32 $0x0;
	[sflag:s0] =	ssyncpa.u1 $0x1  }
0x33c: {  	s0 =	simm.s32 $0xE418  }
0x33d: {  	v0 =	vld.msk [tilespmem:s0+$0x0], $0x1;
	_ =	sdelay $0x4  }
0x33e: {  	(v2sf) =	vpush v0, $0x0;
	_ =	sdelay $0xe  }
0x33f: {  	s0 =	sadd.s32 $0xFFFFFFFF, s2;
	s3 =	spop (v2sf)  }
0x340: {  	s6 =	simm.s32 $0xE438;
	p1 =	sne.s32 s0, $0x0;
	p2 =	sgt.u32 s3, $0x4E170  }
.Ltmp46:
0x341: {  	s2 =	simm.s32 $0xE538;
	s5 =	sand.u32 @!p2 $0x7FFF8, s3;
	(pc) =	sbr.rel @!p1 .LBB2_58-.Ltmp46, $4  }
0x342: {  	s7 =	sadd.s32 @!p2 $0x80, s3;
	s4 =	simm.s32 @!p2 $0x400;
	s8 =	sadd.s32 @!p2 s1, s5  }
0x343: {  	s5 =	sand.u32 @!p2 $0x7, s3;
	s3 =	simm.s32 $0xE419;
	s7 =	sand.u32 @!p2 $0xFFFF8, s7  }
0x344: {  	[hbm4b:s8+s5] =	stream.linear.scatter @!p2 [tilespmem:s6], [sflag:$0x7], $0x80, $0x38;
	[tilespmem:$0x1E678] =	vst v63  }
0x345: {  	s4 =	sadd.s32 $0x0, s4;
	s6 =	simm.s32 @!p2 $0xE4B8;
	s7 =	sadd.s32 @!p2 s1, s7  }
.LBB2_57:
0x346: {  	[hbm4b:s7+s5] =	stream.linear.scatter @!p2 [tilespmem:s6], [sflag:$0x7], $0x80, $0x38;
	[tilespmem:$0x1E678] =	vst v63  }
0x347: {  	s0 =	sadd.s32 $0xFFFFFFFF, s0;
	s6 =	smov.u32 s2;
	v0 =	vld.msk [tilespmem:s3+$0x0], $0x1  }
0x348: {  	p1 =	sne.s32 s0, $0x0;
	_ =	sdelay $0x3  }
0x349: {  	(v2sf) =	vpush v0, $0x0;
	_ =	sdelay $0xe  }
0x34a: {  	s2 =	sadd.s32 $0x100, s2;
	s8 =	simm.s32 $0x0;
	s5 =	spop (v2sf)  }
.Ltmp47:
0x34b: {  	s3 =	sadd.s32 $0x1, s3;
	p2 =	sgt.u32 s5, $0x4E170;
	(pc) =	sbr.rel @p1 .LBB2_57-.Ltmp47, $4  }
0x34c: {  	s8 =	simm.s32 @!p2 $0x400;
	s7 =	sand.u32 @!p2 $0x7FFF8, s5;
	s9 =	sadd.s32 @!p2 $0x80, s5  }
0x34d: {  	s5 =	sand.u32 @!p2 $0x7, s5;
	s7 =	sadd.s32 @!p2 s1, s7;
	s9 =	sand.u32 @!p2 $0xFFFF8, s9  }
0x34e: {  	[hbm4b:s7+s5] =	stream.linear.scatter @!p2 [tilespmem:s6], [sflag:$0x7], $0x80, $0x38;
	[tilespmem:$0x1E678] =	vst v63  }
0x34f: {  	s4 =	sadd.s32 s4, s8;
	s6 =	sadd.s32 @!p2 $0x80, s6;
	s7 =	sadd.s32 @!p2 s1, s9  }
.LBB2_58:
0x350: {  	[hbm4b:s7+s5] =	stream.linear.scatter @!p2 [tilespmem:s6], [sflag:$0x7], $0x80, $0x38;
	[tilespmem:$0x1E678] =	vst v63  }
0x351: {  	s4 =	sshrl.u32 s4, $0x2  }
.LBB2_59:
0x352: {  	s0 =	simm.s32 $0x7  }
0x353: {  	_ =	swait.ge [sflag:s0], s4  }
0x354: {  	s1 =	ssub.s32 $0x0, s4;
	[sflag:s0] =	ssyncset.done $0x0  }
0x355: {  	[sflag:s0] =	ssyncadd.s32 s1  }
0x356: {  	[sflag:s0] =	ssyncpa.u1 $0x1  }
.LBB2_60:
0x357: {  	_ =	sfence;
	s0 =	simm.s32 $0x1  }
0x358: {  	[sflag:s0] =	ssyncpa.u1 $0x1  }
0x359: {  	_ =	strace $0x90000050  }
0x35a: {  	[bflag:$0x2] =	sbarrier.arrive $0xFFFF  }
0x35b: {  	s0 =	rddreg [dreg:$0x3]  }
0x35c: {  	s0 =	sadd.s32 @!p0 $0x100000, s0  }
0x35d: {  	[sflag:s0] =	ssyncadd.tile.s32 @!p0 $0x1;
	_ =	shalt  }
.Lfunc_end2:
_tile_overlayer_lowered:
.L_overlay_start_2:
0x35e: {  	(tag) =	ssettag $0x2  }
0x35f: {  	s0 =	rddreg [dreg:$0x0];
	s2 =	stileid.u32  }
0x360: {  	s1 =	rddreg [dreg:$0x1];
	p0 =	sne.s32 s2, $0x0  }
0x361: {  	s3 =	rddreg [dreg:$0x2];
	[bflag:$0x3] =	sbarrier.arrive $0xFFFF;
	s2 =	simm.s32 @!p0 $0x1C01  }
0x362: {  	[timem:s3], [sflag:s2] =	dma.local @!p0 [hbm:s0], s1  }
0x363: {  	s0 =	simm.s32 @!p0 $0x1  }
0x364: {  	_ =	swait.ge @!p0 [sflag:s0], s1  }
0x365: {  	s1 =	ssub.s32 @!p0 $0x0, s1;
	[sflag:s0] =	ssyncset.done @!p0 $0x0  }
0x366: {  	[sflag:s0] =	ssyncadd.s32 @!p0 s1  }
0x367: {  	[bflag:$0x3] =	sbarrier.arrive $0xFFFF  }
0x368: {  	_ =	shalt  }

// kernel: scatter_offload_async_start
scs
__scs_entry_jumppad:
0x0: {  	(pc) =	sbr.rel $0x88, $3  }
0x1: {  	(tag) =	ssettag $0x0;
	lr =	simm.s32 $0x1  }
0x2: {  	[smem:$0x3F98] =	sst lr;
	_ =	strace $0xD0000000  }
0x3: {  	_ = 	snop  }
0x4: {  	_ = 	snop  }
0x5: {  	_ = 	snop  }
0x6: {  	_ = 	snop  }
0x7: {  	_ = 	snop  }
__scs_overlays_trampoline_lowered:
0x8: {  	[smem:$0x3FA7] =	sst s0  }
0x9: {  	[smem:$0x3FA8] =	sst s1  }
0xa: {  	[smem:$0x3FA9] =	sst s2  }
0xb: {  	[smem:$0x3FAA] =	sst s3  }
0xc: {  	[smem:$0x3FAB] =	sst s4  }
0xd: {  	[smem:$0x3FAC] =	sst s5  }
0xe: {  	[smem:$0x3FAD] =	sst s6  }
0xf: {  	[smem:$0x3FAE] =	sst s7  }
0x10: {  	[smem:$0x3FAF] =	sst s8  }
0x11: {  	[smem:$0x3FB0] =	sst s9;
	s0 =	simm.s32 @!p0 $0x0  }
0x12: {  	s1 =	sld [smem:$0x3F96];
	s0 =	simm.s32 @p0 $0x1  }
0x13: {  	[smem:$0x3FB1] =	sst s0;
	s0 =	simm.s32 @!p1 $0x0  }
0x14: {  	s2 =	sld [smem:$0x3F95];
	s0 =	simm.s32 @p1 $0x1  }
0x15: {  	[smem:$0x3FB2] =	sst s0;
	s0 =	simm.s32 @!p2 $0x0  }
0x16: {  	s3 =	sld [smem:$0x3FDB];
	s0 =	simm.s32 @p2 $0x1  }
0x17: {  	s4 =	simm.s32 $0x1BF5;
	[smem:$0x3FB4] =	sst s0  }
0x18: {  	s0 =	sld [smem:$0x3F97];
	_ =	swait.ge [sflag:s4], $0x0  }
0x19: {  	s7 =	sld [smem:$0x3F98]  }
0x1a: {  	s8 =	sadd.s32 $0xFFFFE003, lr  }
0x1b: {  	s9 =	sadd.s32 $0xFFFFFEF7, lr;
	s5 =	simm.s32 $0xFFFFFFFF;
	p2 =	slt.u32 s8, $0xFFFFF086  }
0x1c: {  	p1 =	slt.u32 s9, $0xF7A;
	s5 =	simm.s32 @!p2 $0x0  }
0x1d: {  	s5 =	simm.s32 @p1 $0x1;
	p0 =	seq.s32 s7, s2  }
0x1e: {  	s7 =	smul.u32 @!p0 $0xF7A, s2;
	p2 =	seq.s32 @!p0 s5, $0x0  }
0x1f: {  	s9 =	smul.u32 $0xF7A, s1;
	s8 =	simm.s32 @!p0 $0x1BF5;
	p2 =	por !p2, p0  }
0x20: {  	[sflag:s8] =	ssyncset.s32 @!p0 $0xFFFFF086;
	s6 =	sadd.s32 @!p0 s3, s7;
	s7 =	simm.s32 @!p0 $0x108  }
0x21: {  	s3 =	sadd.s32 s3, s9;
	s6 =	sadd.s32 @!p0 $0x88, s6;
	s7 =	simm.s32 @p2 $0x1082  }
0x22: {  	[simem:s7], [sflag:s8] =	dma.local @!p0 [hbm:s6], $0xF7A  }
0x23: {  	s9 =	sor.u32 $0xD0000000, s2;
	s6 =	simm.s32 $0x108;
	_ =	swait.ge @!p0 [sflag:s8], $0x0  }
0x24: {  	s3 =	sadd.s32 $0x88, s3;
	s6 =	simm.s32 @!p1 $0x1082;
	[sflag:s4] =	ssyncset.s32 $0xFFFFF086  }
0x25: {  	[simem:s6], [sflag:s4] =	dma.local [hbm:s3], $0xF7A  }
0x26: {  	[smem:$0x3F98] =	sst s1;
	(tag) =	ssettag s2;
	_ =	strace s9  }
0x27: {  	s1 =	sld [smem:$0x3FA8]  }
0x28: {  	s2 =	sld [smem:$0x3FA9]  }
0x29: {  	s4 =	sld [smem:$0x3FAB]  }
0x2a: {  	p0 =	seq.s32 s5, $0x0;
	s5 =	sld [smem:$0x3FAC]  }
0x2b: {  	s6 =	sld [smem:$0x3FAD]  }
0x2c: {  	s7 =	sld [smem:$0x3FAE]  }
0x2d: {  	s3 =	simm.s32 $0x108;
	s8 =	sld [smem:$0x3FAF]  }
0x2e: {  	s3 =	simm.s32 @!p0 $0x1082;
	s9 =	sld [smem:$0x3FB0]  }
0x2f: {  	lr =	sadd.s32 s0, s3;
	s0 =	sld [smem:$0x3FA7]  }
0x30: {  	s3 =	sld [smem:$0x3FAA]  }
0x31: {  	[smem:$0x3FB3] =	sst s10  }
0x32: {  	s10 =	sld [smem:$0x3FB1];
	_ =	sdelay $0x3  }
0x33: {  	p0 =	seq.s32 s10, $0x1;
	s10 =	sld [smem:$0x3FB3];
	_ =	sdelay $0x3  }
0x34: {  	[smem:$0x3FB3] =	sst s10  }
0x35: {  	s10 =	sld [smem:$0x3FB2];
	_ =	sdelay $0x3  }
0x36: {  	p1 =	seq.s32 s10, $0x1;
	s10 =	sld [smem:$0x3FB3];
	_ =	sdelay $0x3  }
0x37: {  	[smem:$0x3FB3] =	sst s10  }
0x38: {  	s10 =	sld [smem:$0x3FB4]  }
0x39: {  	_ = 	snop;
	(pc) =	sbr.ind lr, $3  }
0x3a: {  	_ = 	snop  }
0x3b: {  	_ = 	snop  }
0x3c: {  	p2 =	seq.s32 s10, $0x1;
	s10 =	sld [smem:$0x3FB3]  }
0x3d: {  	_ =	shalt  }
0x3e: {  	_ =	shalt  }
0x3f: {  	_ =	shalt  }
0x40: {  	_ =	shalt  }
0x41: {  	_ =	shalt  }
0x42: {  	_ =	shalt  }
0x43: {  	_ =	shalt  }
0x44: {  	_ =	shalt  }
0x45: {  	_ =	shalt  }
0x46: {  	_ =	shalt  }
0x47: {  	_ =	shalt  }
0x48: {  	_ =	shalt  }
0x49: {  	_ =	shalt  }
0x4a: {  	_ =	shalt  }
0x4b: {  	_ =	shalt  }
0x4c: {  	_ =	shalt  }
0x4d: {  	_ =	shalt  }
0x4e: {  	_ =	shalt  }
0x4f: {  	_ =	shalt  }
0x50: {  	_ =	shalt  }
0x51: {  	_ =	shalt  }
0x52: {  	_ =	shalt  }
0x53: {  	_ =	shalt  }
0x54: {  	_ =	shalt  }
0x55: {  	_ =	shalt  }
0x56: {  	_ =	shalt  }
0x57: {  	_ =	shalt  }
0x58: {  	_ =	shalt  }
0x59: {  	_ =	shalt  }
0x5a: {  	_ =	shalt  }
0x5b: {  	_ =	shalt  }
0x5c: {  	_ =	shalt  }
0x5d: {  	_ =	shalt  }
0x5e: {  	_ =	shalt  }
0x5f: {  	_ =	shalt  }
0x60: {  	_ =	shalt  }
0x61: {  	_ =	shalt  }
0x62: {  	_ =	shalt  }
0x63: {  	_ =	shalt  }
0x64: {  	_ =	shalt  }
0x65: {  	_ =	shalt  }
0x66: {  	_ =	shalt  }
0x67: {  	_ =	shalt  }
0x68: {  	_ =	shalt  }
0x69: {  	_ =	shalt  }
0x6a: {  	_ =	shalt  }
0x6b: {  	_ =	shalt  }
0x6c: {  	_ =	shalt  }
0x6d: {  	_ =	shalt  }
0x6e: {  	_ =	shalt  }
0x6f: {  	_ =	shalt  }
0x70: {  	_ =	shalt  }
0x71: {  	_ =	shalt  }
0x72: {  	_ =	shalt  }
0x73: {  	_ =	shalt  }
0x74: {  	_ =	shalt  }
0x75: {  	_ =	shalt  }
0x76: {  	_ =	shalt  }
0x77: {  	_ =	shalt  }
0x78: {  	_ =	shalt  }
0x79: {  	_ =	shalt  }
0x7a: {  	_ =	shalt  }
0x7b: {  	_ =	shalt  }
0x7c: {  	_ =	shalt  }
0x7d: {  	_ =	shalt  }
0x7e: {  	_ =	shalt  }
0x7f: {  	_ =	shalt  }
0x80: {  	_ =	shalt  }
0x81: {  	_ =	shalt  }
0x82: {  	_ =	shalt  }
0x83: {  	_ =	shalt  }
0x84: {  	_ =	shalt  }
0x85: {  	_ =	shalt  }
0x86: {  	_ =	shalt  }
0x87: {  	_ =	shalt  }
.Lfunc_end0:
.L_simem_size_0:
called_computation_lowered:
.L_overlay_start_0:
0x88: {  	s0 =	sld [smem:$0x3FD9]  }
0x89: {  	s1 =	sld [smem:$0x3FFE];
	_ =	sdelay $0x3  }
0x8a: {  	s0 =	sadd.s32 s1, s0  }
0x8b: {  	[smem:$0x3FBF] =	sst s0  }
0x8c: {  	_ = 	snop  }
0x8d: {  	s0 =	sld [smem:$0x3FD0];
	_ =	sdelay $0x2  }
0x8e: {  	s2 =	simm.s32 $0xB;
	s12 =	simm.s32 $0x10  }
0x8f: {  	[smem:s12], [sflag:s2] =	dma.local [hbm:s0], $0x1  }
0x90: {  	_ =	swait.eq [sflag:s2], $0x1  }
0x91: {  	[sflag:s2] =	ssyncset.done $0x0  }
0x92: {  	s13 =	sld [smem:$0x10];
	[sflag:s2] =	ssyncadd.s32 $0xFFFFFFFF  }
0x93: {  	s14 =	sld [smem:$0x11];
	(tm) =	ssettm $0x1  }
0x94: {  	s15 =	sld [smem:$0x3FFB];
	_ =	sdelay $0x3  }
0x95: {  	_ =	strace s15  }
0x96: {  	s0 =	sld [smem:$0x3FFC];
	_ =	sdelay $0x3  }
0x97: {  	_ =	strace s0  }
0x98: {  	s0 =	sld [smem:$0x3FFD];
	_ =	sdelay $0x3  }
0x99: {  	_ =	strace s0  }
0x9a: {  	_ =	strace $0x8FFFFFFF  }
0x9b: {  	s16 =	sld [smem:$0x3FDB];
	_ =	sdelay $0x1  }
0x9c: {  	s3 =	simm.s32 $_scs_section_size  }
0x9d: {  	s4 =	simm.s32 $_size__tile_overlayer_lowered;
	s5 =	simm.s32 $_tile_overlayer_lowered  }
0x9e: {  	s6 =	simm.s32 $0x1BFF;
	s17 =	sshll.u32 s5, $0x1;
	s3 =	sadd.s32 s3, s16  }
0x9f: {  	s18 =	simm.s32 $0x0;
	s4 =	sshll.u32 s4, $0x1;
	s5 =	sadd.s32 s17, s3  }
0xa0: {  	[timem:s18], [sflag:s6] =	dma.local [hbm:s5], s4  }
0xa1: {  	_ =	swait.ge [sflag:s6], s4  }
0xa2: {  	s4 =	ssub.s32 $0x0, s4;
	[sflag:s6] =	ssyncset.done $0x0  }
0xa3: {  	[sflag:s6] =	ssyncadd.s32 s4;
	_ =	sdelay $0x1  }
0xa4: {  	s19 =	simm.s32 $0x1B8B  }
0xa5: {  	_ =	swait.ge [sflag:s19], $0x1  }
0xa6: {  	[sflag:s19] =	ssyncset.done $0x0  }
0xa7: {  	s21 =	simm.s32 $0x1B8E;
	s20 =	sld [smem:$0x3FFE];
	[sflag:s19] =	ssyncadd.s32 $0xFFFFFFFF  }
0xa8: {  	s22 =	simm.s32 $execute0_lowered;
	[smem:$0x3FD2] =	sst s21  }
0xa9: {  	s5 =	sshll.u32 s22, $0x1;
	_ =	strace $0x80000046;
	[dreg:$0x1] =	wrdreg $0xFFFFFFFF  }
0xaa: {  	s23 =	simm.s32 $_size_execute0_lowered;
	s5 =	sadd.s32 s3, s5;
	[dreg:$0x0] =	wrdreg $0x0  }
0xab: {  	s6 =	sshll.u32 s23, $0x1;
	[dreg:$0x2] =	wrdreg s5  }
0xac: {  	[dreg:$0x3] =	wrdreg s6  }
0xad: {  	[dreg:$0x4] =	wrdreg $0xC0  }
0xae: {  	s24 =	simm.s32 $execute1_lowered;
	_ =	task [dreg:s18], $0x5FFFF  }
0xaf: {  	s5 =	sshll.u32 s24, $0x1;
	[dreg:$0x1] =	wrdreg $0xFFFFFFFF  }
0xb0: {  	s3 =	sadd.s32 s3, s5;
	[dreg:$0x0] =	wrdreg $0x60  }
0xb1: {  	[dreg:$0x2] =	wrdreg s3  }
0xb2: {  	[dreg:$0x3] =	wrdreg s20  }
0xb3: {  	[dreg:$0x4] =	wrdreg $0x9  }
0xb4: {  	_ =	task.clear_ibuf [dreg:s18], $0x5FFFF;
	_ =	strace $0x90000046  }
0xb5: {  	s25 =	simm.s32 $0x9;
	_ =	strace $0x80000048  }
0xb6: {  	_ =	swait.ge [sflag:s25], $0x1  }
0xb7: {  	[sflag:s25] =	ssyncadd.s32 $0xFFFFFFFF  }
0xb8: {  	_ =	strace $0x90000048  }
0xb9: {  	_ =	strace $0x80000049;
	[dreg:$0x1] =	wrdreg $0xFFFFFFFF  }
0xba: {  	[dreg:$0x0] =	wrdreg $0x2030  }
0xbb: {  	[dreg:$0x2] =	wrdreg s20  }
0xbc: {  	[dreg:$0x3] =	wrdreg s14  }
0xbd: {  	[dreg:$0x4] =	wrdreg s13  }
0xbe: {  	[dreg:$0x5] =	wrdreg $0xA  }
0xbf: {  	_ =	task.clear_ibuf [dreg:s18], $0x6FFFF;
	_ =	strace $0x90000049  }
0xc0: {  	s26 =	simm.s32 $0xA;
	_ =	strace $0x8000004B  }
0xc1: {  	_ =	swait.ge [sflag:s26], $0x1  }
0xc2: {  	[sflag:s26] =	ssyncadd.s32 $0xFFFFFFFF  }
0xc3: {  	_ =	strace $0x9000004B  }
0xc4: {  	_ =	sfence  }
0xc5: {  	s28 =	sld [smem:$0x0];
	_ =	sdelay $0x1  }
0xc6: {  	s29 =	srdreg.scid  }
0xc7: {  	s30 =	sshll.u32 s29, $0xD;
	s31 =	sshrl.u32 s29, $0x2  }
0xc8: {  	s2 =	sand.u32 $0x1, s29;
	s3 =	sand.u32 $0x4000, s30;
	s1 =	sadd.s32 s31, s28  }
0xc9: {  	s2 =	sor.u32 s3, s2;
	s1 =	sshll.u32 s1, $0x11  }
0xca: {  	s1 =	sor.u32 s1, s2  }
0xcb: {  	s1 =	sadd.s32 $0x8F2B, s1  }
0xcc: {  	[sflag:s1] =	ssyncadd.remote.s32 $0x1  }
0xcd: {  	_ =	sfence.sel $0xFFFF  }
0xce: {  	[dreg:$0x0] =	wrdreg $0xFFFFFFFF;
	(pc) =	sbr.abs _section_cstart, $3  }
0xcf: {  	[dreg:$0x1] =	wrdreg $0xFFFFFFFF  }
0xd0: {  	_ =	task.clear_ibuf [dreg:s18], $0x2FFFF;
	_ =	strace $0x9FFFFFFF  }
0xd1: {  	(tm) =	ssettm $0x7FFFFFFF  }
tec
execute0_lowered:
.L_overlay_start_1:
0x0: {  	(tag) =	ssettag $0x1  }
0x1: {  	s2 =	rddreg [dreg:$0x0]  }
0x2: {  	s4 =	rddreg [dreg:$0x1]  }
0x3: {  	s0 =	rddreg [dreg:$0x2];
	s3 =	stileid.u32  }
0x4: {  	[bflag:$0x3] =	sbarrier.arrive $0xFFFF;
	s1 =	simm.s32 $_size_execute1_lowered;
	p0 =	sne.s32 s3, $0x0  }
0x5: {  	s1 =	sshll.u32 s1, $0x1;
	s5 =	simm.s32 @!p0 $0x1C3F;
	s6 =	simm.s32 @!p0 $0x4060  }
0x6: {  	[timem:s6], [sflag:s5] =	dma.local @!p0 [hbm:s2], s1  }
0x7: {  	s2 =	smul.u32 $0x280, s3  }
.Ltmp0:
0x8: {  	s31 =	simm.s32 $0x2;
	s7 =	simm.s32 $0x280;
	(pc) =	sbr.rel .LBB2_1-.Ltmp0, $4  }
0x9: {  	s8 =	simm.s32 $0x780;
	s10 =	simm.s32 $0x0;
	s9 =	simm.s32 $0x0  }
0xa: {  	s3 =	simm.s32 $0x1;
	_ =	strace $0x80000047;
	s30 =	sshrl.u32 s2, $0x3  }
0xb: {  	s6 =	simm.s32 $0x0;
	[sflag:s3] =	ssyncpa.u1 $0x0;
	s5 =	sadd.s32 s30, s4  }
0xc: {  	s4 =	sadd.s32 $0xBC200, s4;
	[sflag:s31] =	ssyncpa.u1 $0x0;
	s5 =	sadd.s32 $0xBBC00, s5  }
.LBB2_8:
0xd: {  	p1 =	seq.s32 s9, $0x2  }
.Ltmp1:
0xe: {  	_ = 	snop;
	(pc) =	sbr.rel @p1 .LBB2_10-.Ltmp1, $1  }
0xf: {  	_ =	sdelay $0x3  }
.LBB2_9:
0x10: {  	s9 =	sadd.s32 $0x1, s9;
	s10 =	smov.u32 s2  }
.LBB2_1:
0x11: {  	p1 =	sne.s32 s9, $0x0  }
.Ltmp2:
0x12: {  	_ = 	snop;
	(pc) =	sbr.rel @!p1 .LBB2_2-.Ltmp2, $1  }
0x13: {  	_ =	sdelay $0x3  }
0x14: {  	s11 =	sand.u32 $0x1, s9  }
0x15: {  	p1 =	seq.s32 s11, $0x0  }
.Ltmp3:
0x16: {  	_ = 	snop;
	(pc) =	sbr.rel @p1 .LBB2_8-.Ltmp3, $1  }
0x17: {  	_ =	sdelay $0x3  }
0x18: {  	_ =	swait.ge [sflag:s3], $0x280  }
0x19: {  	[sflag:s3] =	ssyncset.done $0x0  }
0x1a: {  	s11 =	simm.s32 $0x0;
	p1 =	por $0x1, $0x1;
	[sflag:s3] =	ssyncadd.s32 $0xFFFFFD80  }
.LBB2_5:
0x1b: {  	v0 =	vld [tilespmem:s11+$0x280]  }
0x1c: {  	v1 =	vld [tilespmem:s11+$0x290]  }
0x1d: {  	v2 =	vld [tilespmem:s11+$0x2A0]  }
0x1e: {  	v3 =	vld [tilespmem:s11+$0x2B0]  }
0x1f: {  	v4 =	vld [tilespmem:s11+$0x2C0]  }
0x20: {  	v53 =	vld [tilespmem:s11+$0x2D0];
	[tilespmem:s11+$0x780] =	vst v0  }
0x21: {  	v54 =	vld [tilespmem:s11+$0x2E0];
	[tilespmem:s11+$0x790] =	vst v1  }
0x22: {  	v55 =	vld [tilespmem:s11+$0x2F0];
	[tilespmem:s11+$0x7A0] =	vst v2  }
0x23: {  	v56 =	vld [tilespmem:s11+$0x300];
	[tilespmem:s11+$0x7B0] =	vst v3  }
0x24: {  	v57 =	vld [tilespmem:s11+$0x310];
	[tilespmem:s11+$0x7C0] =	vst v4  }
0x25: {  	v58 =	vld [tilespmem:s11+$0x320];
	[tilespmem:s11+$0x7D0] =	vst v53  }
0x26: {  	v59 =	vld [tilespmem:s11+$0x330];
	[tilespmem:s11+$0x7E0] =	vst v54  }
0x27: {  	v60 =	vld [tilespmem:s11+$0x340];
	[tilespmem:s11+$0x7F0] =	vst v55  }
0x28: {  	v61 =	vld [tilespmem:s11+$0x350];
	[tilespmem:s11+$0x800] =	vst v56  }
0x29: {  	v62 =	vld [tilespmem:s11+$0x360];
	[tilespmem:s11+$0x810] =	vst v57  }
0x2a: {  	v63 =	vld [tilespmem:s11+$0x370];
	p2 =	por p1, p1;
	[tilespmem:s11+$0x820] =	vst v58  }
.Ltmp4:
0x2b: {  	[tilespmem:s11+$0x830] =	vst v59;
	(pc) =	sbr.rel @p2 .LBB2_5-.Ltmp4, $4  }
0x2c: {  	[tilespmem:s11+$0x840] =	vst v60  }
0x2d: {  	[tilespmem:s11+$0x850] =	vst v61  }
0x2e: {  	s12 =	simm.s32 $0x1F0;
	s13 =	simm.s32 $0x980;
	[tilespmem:s11+$0x860] =	vst v62  }
0x2f: {  	s14 =	simm.s32 $0x480;
	p1 =	por $0x0, $0x0;
	[tilespmem:s11+$0x870] =	vst v63;
	s11 =	simm.s32 $0x100  }
.LBB2_6:
0x30: {  	s12 =	sadd.s32 $0x10, s12  }
0x31: {  	v0 =	vld [tilespmem:s14+$0x0];
	p1 =	slt.u32 s12, $0x270  }
.Ltmp5:
0x32: {  	_ = 	snop;
	(pc) =	sbr.rel @p1 .LBB2_6-.Ltmp5, $2  }
0x33: {  	_ =	sdelay $0x2  }
0x34: {  	s14 =	sadd.s32 $0x10, s14;
	[tilespmem:s13+$0x0] =	vst v0;
	s13 =	sadd.s32 $0x10, s13  }
.Ltmp6:
0x35: {  	(pc) =	sbr.rel .LBB2_8-.Ltmp6, $4  }
0x36: {  	_ = 	snop  }
0x37: {  	s10 =	sshrl.u32 s10, $0x3  }
0x38: {  	s10 =	sadd.s32 s4, s10  }
0x39: {  	[hbm4b:s10+s6] =	stream.linear.scatter [tilespmem:s8], [sflag:$0x2], $0x280, $0x38;
	[tilespmem:$0xA00] =	vst v63  }
.LBB2_2:
.Ltmp7:
0x3a: {  	(pc) =	sbr.rel .LBB2_9-.Ltmp7, $2  }
0x3b: {  	_ =	sdelay $0x2  }
0x3c: {  	[tilespmem:s7], [sflag:$0x1] =	stream.linear.gather [hbm4b:s5+s6], $0x280, $0x38;
	[tilespmem:$0xA00] =	vst v63  }
.LBB2_10:
0x3d: {  	s2 =	simm.s32 $0x2  }
0x3e: {  	_ =	swait.ge [sflag:s2], $0x280  }
0x3f: {  	[sflag:s2] =	ssyncset.done $0x0  }
0x40: {  	[sflag:s2] =	ssyncadd.s32 $0xFFFFFD80  }
0x41: {  	_ =	sfence.sel $0x180000  }
0x42: {  	s3 =	simm.s32 $0x1;
	[bflag:$0x0] =	sbarrier.arrive $0xFFFF  }
0x43: {  	[sflag:s3] =	ssyncpa.u1 $0x1  }
0x44: {  	[sflag:s2] =	ssyncpa.u1 $0x1  }
0x45: {  	_ =	strace $0x90000047  }
0x46: {  	s0 =	sadd.s32 @!p0 $0x100000, s0;
	[bflag:$0x2] =	sbarrier.arrive $0xFFFF  }
0x47: {  	[sflag:s0] =	ssyncadd.tile.s32 @!p0 $0x1;
	s0 =	simm.s32 @!p0 $0x3F  }
0x48: {  	_ =	swait.ge @!p0 [sflag:s0], s1  }
0x49: {  	s1 =	ssub.s32 @!p0 $0x0, s1;
	[sflag:s0] =	ssyncset.done @!p0 $0x0  }
0x4a: {  	[sflag:s0] =	ssyncadd.s32 @!p0 s1  }
0x4b: {  	[bflag:$0x3] =	sbarrier.arrive $0xFFFF  }
0x4c: {  	_ =	shalt  }
.Lfunc_end2:
execute1_lowered:
.L_overlay_start_2:
0x4d: {  	(tag) =	ssettag $0x2  }
0x4e: {  	s0 =	rddreg [dreg:$0x0]  }
0x4f: {  	s3 =	rddreg [dreg:$0x1];
	_ =	strace $0x8000004A;
	s15 =	stileid.u32  }
0x50: {  	s2 =	simm.s32 $0x1;
	s1 =	smin.u32 s15, $0x8;
	s5 =	sshll.u32 s15, $0x1  }
0x51: {  	[sflag:s2] =	ssyncpa.u1 $0x0;
	s1 =	sadd.s32 s1, s5  }
0x52: {  	v1 =	vimm.s32 $0xFFFFFFFF;
	p0 =	slt.u32 s15, $0x8;
	s6 =	smul.u32 $0x1F40, s1;
	s1 =	simm.s32 $0x5DC0  }
0x53: {  	[tilespmem:$0x10] =	vst v1;
	s1 =	simm.s32 @!p0 $0x3E80  }
0x54: {  	v0 =	vimm.f32 $0.0e+00;
	[tilespmem:$0x20] =	vst v1;
	s1 =	sadd.s32 s1, s6  }
0x55: {  	[tilespmem:$0x30] =	vst v0;
	s7 =	smin.u32 s1, $0x4E200  }
0x56: {  	s8 =	simm.s32 $0x2;
	[tilespmem:$0x40] =	vst v0;
	s1 =	ssub.s32 s7, s6  }
0x57: {  	s9 =	simm.s32 $0x8;
	s31 =	simm.s32 $0x9;
	[tilespmem:$0x50] =	vst v0;
	p0 =	sgt.s32 s1, $0x0  }
0x58: {  	s16 =	simm.s32 $0x0;
	s17 =	simm.s32 $0xF0;
	[tilespmem:$0x60] =	vst v1;
	s1 =	simm.s32 @!p0 $0x0  }
0x59: {  	s18 =	simm.s32 $0xFFFFFFFF;
	s19 =	simm.s32 $0xFFFFC280;
	[tilespmem:$0x70] =	vst v1;
	s4 =	smulhi.u32 $0x10624DD3, s1  }
0x5a: {  	s20 =	simm.s32 $0xFFFFFFFE;
	s21 =	simm.s32 $0xF;
	s22 =	simm.s32 $0x30;
	[tilespmem:$0x80] =	vst v1  }
0x5b: {  	s25 =	simm.s32 $0x0;
	s24 =	simm.s32 $0x0;
	v1 =	vimm.s32 $0x0;
	[tilespmem:$0xB0] =	vst v0;
	s4 =	sshrl.u32 s4, $0x9  }
0x5c: {  	s15 =	sshllo.u32 s15, $0x1;
	s13 =	sor.u32 $0x80, s5;
	[tilespmem:$0x90] =	vst v1;
	s10 =	smul.u32 $0x1F40, s4  }
.Ltmp8:
0x5d: {  	[tilespmem:$0xA0] =	vst v1;
	[sflag:s8] =	ssyncpa.u1 $0x0;
	s8 =	simm.s32 $0x7;
	(pc) =	sbr.rel .LBB3_1-.Ltmp8, $4  }
0x5e: {  	s14 =	sor.u32 $0x81, s5;
	[sflag:s8] =	ssyncpa.u1 $0x0;
	p0 =	sne.s32 s1, s10  }
0x5f: {  	[sflag:s9] =	ssyncpa.u1 $0x0;
	s23 =	smov.u32 s6;
	s2 =	simm.s32 @!p0 $0x0  }
0x60: {  	vm0 =	vmmov $0xffff;
	v2 =	vlaneseq.u32;
	[sflag:s31] =	ssyncpa.u1 $0x0;
	s1 =	sadd.s32 $0xBC200, s0;
	s10 =	sadd.s32 s2, s4  }
0x61: {  	vm1 =	vmxor vm1, vm1;
	vm2 =	vmmov $0x1;
	vm3 =	vcmask $0x3F3C;
	p0 =	por $0x0, $0x0;
	s11 =	sadd.s32 $0x1, s10;
	s12 =	sadd.s32 $0x2, s10  }
.LBB3_9:
0x62: {  	p1 =	slt.u32 s24, $0x3  }
0x63: {  	s0 =	simm.s32 @!p1 $0x2  }
0x64: {  	_ =	swait.ge @!p1 [sflag:s0], $0x1F40  }
0x65: {  	[sflag:s0] =	ssyncset.done @!p1 $0x0  }
0x66: {  	[sflag:s0] =	ssyncadd.s32 @!p1 $0xFFFFE0C0;
	s0 =	simm.s32 @!p1 $0x9  }
0x67: {  	_ =	swait.ge @!p1 [sflag:s0], $0x10  }
0x68: {  	[sflag:s0] =	ssyncset.done @!p1 $0x0  }
0x69: {  	[sflag:s0] =	ssyncadd.s32 @!p1 $0xFFFFFFF0;
	p1 =	sne.s32 s24, s12  }
.Ltmp9:
0x6a: {  	s2 =	sadd.s32 $0x1F40, s23;
	(pc) =	sbr.rel @!p1 .LBB3_10-.Ltmp9, $4  }
0x6b: {  	s4 =	smov.u32 s6;
	s31 =	sadd.s32 $0x1, s24;
	s17 =	sadd.s32 $0x1F40, s17  }
0x6c: {  	s18 =	sadd.s32 $0x1, s18;
	s25 =	smov.u32 s23;
	p2 =	slt.s32 s2, s7  }
0x6d: {  	p0 =	por !p0, !p0;
	s19 =	sadd.s32 $0x1F40, s19;
	s4 =	smov.u32 @p2 s2  }
0x6e: {  	s20 =	sadd.s32 $0x1, s20;
	s23 =	smov.u32 s4;
	s24 =	smov.u32 s31  }
.LBB3_1:
0x6f: {  	p1 =	sge.u32 s24, s10  }
0x70: {  	s0 =	smulhi.u32 @!p1 $0xAAAAAAAB, s24;
	_ =	sdelay $0x1  }
0x71: {  	s0 =	sshrl.u32 @!p1 s0, $0x1  }
0x72: {  	s0 =	smul.u32 @!p1 $0x3, s0;
	_ =	sdelay $0x1  }
0x73: {  	s0 =	ssub.s32 @!p1 s24, s0  }
0x74: {  	s0 =	smul.u32 @!p1 $0x7D00, s0;
	_ =	sdelay $0x1  }
0x75: {  	s2 =	sshrl.u32 @!p1 s23, $0x3;
	s0 =	sshrl.u32 @!p1 s0, $0x2  }
0x76: {  	s4 =	sand.u32 @!p1 $0x7, s23;
	s2 =	sadd.s32 @!p1 s3, s2;
	s0 =	sadd.s32 @!p1 $0x100, s0  }
0x77: {  	[tilespmem:s0], [sflag:$0x7] =	stream.linear.gather @!p1 [hbm4b:s2+s4], $0x1F40, $0x38;
	[tilespmem:$0x11A60] =	vst v63  }
0x78: {  	s0 =	sadd.s32 $0xFFFFFFFF, s24  }
0x79: {  	p1 =	sge.u32 s0, s10  }
.Ltmp10:
0x7a: {  	_ = 	snop;
	(pc) =	sbr.rel @p1 .LBB3_5-.Ltmp10, $1  }
0x7b: {  	_ =	sdelay $0x3  }
0x7c: {  	s2 =	smulhi.u32 $0xAAAAAAAB, s0;
	_ =	sdelay $0x1  }
0x7d: {  	s2 =	sshrl.u32 s2, $0x1  }
0x7e: {  	s2 =	smul.u32 $0x3, s2;
	_ =	sdelay $0x1  }
0x7f: {  	s2 =	ssub.s32 s0, s2  }
0x80: {  	s2 =	smul.u32 $0x7D00, s2  }
0x81: {  	_ =	swait.ge [sflag:s8], $0x1F40  }
0x82: {  	[sflag:s8] =	ssyncset.done $0x0;
	s2 =	sshrl.u32 s2, $0x2  }
0x83: {  	[sflag:s8] =	ssyncadd.s32 $0xFFFFE0C0;
	(ifvalue) =	ssetifvalue $0xFFFFFFFF;
	v3 =	vld.msk [tilespmem:s2+$0x100 ss:$0x1], $0xffff;
	_ =	sdelay $0x2  }
0x84: {  	s30 =	smulhi.u32 $0xAAAAAAAB, s18;
	p1 =	sne.s32 s24, $0x1  }
0x85: {  	v4 =	vimm.s32 @!p1 $0x0  }
0x86: {  	s2 =	sshrl.u32 s30, $0x1;
	v4 =	vperm.xlane @!p1 v3, v4  }
0x87: {  	s4 =	sshll.u32 s24, $0x4;
	s2 =	smul.u32 $0xFFFE8900, s2;
	vm4 =	vlt.u32 v3, $0x2800  }
0x88: {  	s4 =	sand.u32 $0x10, s4;
	v3 =	vnsel vm4, $0xFFFFFFFE, v3;
	vm4 =	vlt.u32 @!p1 v4, $0x2800  }
0x89: {  	s2 =	sshra.s32 s2, $0x2;
	[tilespmem:s4+$0x60] =	vst v3;
	v3 =	vnsel @!p1 vm4, $0xFFFFFFFE, v4  }
0x8a: {  	s28 =	sadd.s32 s2, s17;
	[tilespmem:$0x80] =	vst @!p1 v3  }
0x8b: {  	v3 =	vld.msk [tilespmem:s28+$0x0 ss:$0x1], $0xffff;
	_ =	sdelay $0x4  }
0x8c: {  	(xrf1) =	vunique.msk.u32 $0xffff, v3;
	_ =	sdelay $0xd  }
0x8d: {  	v4 =	vimm.s32 $0xFFFFFFFF;
	v5, _, _ =	vpop (xrf1)  }
0x8e: {  	vm5 =	vne.s32 v3, v4;
	vm4 =	veq.s32 v5, v2  }
0x8f: {  	vm6 =	vlt.u32 v3, $0x2800;
	vm4 =	vmand vm5, vm4  }
0x90: {  	vm4 =	vmand vm6, vm4  }
0x91: {  	v4 =	vnsel vm4, $0xFFFFFFFF, v3  }
0x92: {  	s31 =	sand.u32 $0x1, s0  }
0x93: {  	s0 =	simm.s32 $0x1F40;
	p1 =	seq.s32 s31, $0x1  }
0x94: {  	s0 =	simm.s32 @!p1 $0x0  }
0x95: {  	s26 =	sadd.s32 $0x7DF0, s0;
	(ifvalue) =	ssetifvalue $0xFFFFFFFF  }
0x96: {  	v3 =	vperm.xlane v3, v1;
	[tilespmem:s26], [sflag:$0x8] =	stream.indirect_vreg.gather [hbm4b:s1+s16], $0x1, v4, vm0, $0x4038;
	v4 =	vnsel vm6, $0xFFFFFFFE, v4;
	[tilespmem:$0x11A60] =	vst v63  }
0x97: {  	s2 =	simm.s32 $0x0;
	s4 =	sadd.s32 $0xFFFFFFF0, s28;
	[tilespmem:s28+$0x0] =	vst v4  }
.LBB3_3:
0x98: {  	v4 =	vld.msk [tilespmem:s4+$0x0 ss:$0x1], $0xffff;
	s2 =	sadd.s32 $0x10, s2;
	v5 =	vmov v3;
	s28 =	smov.u32 s4  }
0x99: {  	p1 =	slt.u32 s2, $0x1F30;
	_ =	sdelay $0x4  }
0x9a: {  	v3 =	vperm.xlane v4, v1;
	(xrf1) =	vunique.msk.u32 $0xffff, v4;
	_ =	sdelay $0xd  }
0x9b: {  	v6, _, _ =	vpop (xrf1)  }
0x9c: {  	vm5 =	vne.s32 v4, v5;
	vm4 =	veq.s32 v6, v2  }
0x9d: {  	vm6 =	vlt.u32 v4, $0x2800;
	vm4 =	vmand vm5, vm4  }
0x9e: {  	vm4 =	vmand vm6, vm4  }
0x9f: {  	v4 =	vnsel vm4, $0xFFFFFFFF, v4  }
.Ltmp11:
0xa0: {  	v5 =	vnsel vm6, $0xFFFFFFFE, v4;
	(pc) =	sbr.rel @p1 .LBB3_3-.Ltmp11, $3  }
0xa1: {  	_ =	sdelay $0x1  }
0xa2: {  	s4 =	sadd.s32 $0xFFFFFFF0, s4;
	s26 =	sadd.s32 $0xFFFFFFF0, s26;
	(ifvalue) =	ssetifvalue $0xFFFFFFFF  }
0xa3: {  	[tilespmem:s26], [sflag:$0x8] =	stream.indirect_vreg.gather [hbm4b:s1+s16], $0x1, v4, vm0, $0x4038;
	[tilespmem:s28+$0x0] =	vst v5  }
0xa4: {  	s2 =	sshrl.u32 s25, $0x3;
	s4 =	rddreg [dreg:$0x2]  }
0xa5: {  	s0 =	sadd.s32 $0x9D40, s0;
	s2 =	sadd.s32 s4, s2  }
0xa6: {  	[tilespmem:s0], [sflag:$0x8] =	stream.linear.gather [hbm:s2], $0x1F40, $0x38;
	[tilespmem:$0x11A60] =	vst v63  }
.LBB3_5:
0xa7: {  	p1 =	slt.u32 s24, $0x2  }
0xa8: {  	p2 =	sge.u32 @!p1 s24, s12  }
0xa9: {  	p1 =	por p1, p2  }
.Ltmp12:
0xaa: {  	_ = 	snop;
	(pc) =	sbr.rel @p1 .LBB3_9-.Ltmp12, $1  }
0xab: {  	_ =	sdelay $0x3  }
0xac: {  	s0 =	sadd.s32 $0xFFFFFFFE, s24  }
0xad: {  	s2 =	smulhi.u32 $0xAAAAAAAB, s0;
	_ =	sdelay $0x1  }
0xae: {  	s2 =	sshrl.u32 s2, $0x1  }
0xaf: {  	s2 =	smul.u32 $0x3, s2;
	_ =	sdelay $0x1  }
0xb0: {  	s0 =	ssub.s32 s0, s2  }
0xb1: {  	_ =	swait.ge [sflag:s9], $0x3E80;
	s0 =	smul.u32 $0x1F40, s0  }
0xb2: {  	p1 =	sne.s32 s24, s11;
	[sflag:s9] =	ssyncset.done $0x0  }
0xb3: {  	[sflag:s9] =	ssyncadd.s32 $0xFFFFC180;
	s2 =	sadd.s32 @!p1 $0x203F, s0  }
0xb4: {  	[spmem:s14] =	stream.linear.scatter @!p1 [tilespmem:s2], [sflag:$0x1], $0x1, $0x38;
	[tilespmem:$0x11A60] =	vst v63  }
0xb5: {  	s2 =	simm.s32 @!p1 $0x1  }
0xb6: {  	_ =	swait.ge @!p1 [sflag:s2], $0x1  }
0xb7: {  	s4 =	sshll.u32 s24, $0x4;
	[sflag:s2] =	ssyncset.done @!p1 $0x0  }
0xb8: {  	s25 =	sand.u32 $0x10, s4;
	[sflag:s2] =	ssyncadd.s32 @!p1 $0xFFFFFFFF  }
0xb9: {  	s2 =	sxor.u32 $0x10, s25;
	v4 =	vld [tilespmem:s25+$0x10]  }
0xba: {  	v5 =	vld [tilespmem:s2+$0x60]  }
0xbb: {  	v3 =	vld [tilespmem:$0x80];
	_ =	sdelay $0x2  }
0xbc: {  	(v2sf) =	vpush v4, $0x0  }
0xbd: {  	(v2sf) =	vpush v5, $0x0  }
0xbe: {  	(v2sf) =	vpush v3, $0x0;
	_ =	sdelay $0xc  }
0xbf: {  	s4 =	spop (v2sf)  }
0xc0: {  	s26 =	spop (v2sf)  }
0xc1: {  	s28 =	spop (v2sf)  }
0xc2: {  	p2 =	seq.s32 s4, s26;
	p3 =	seq.s32 s28, s4  }
0xc3: {  	p3 =	por p2, p3  }
0xc4: {  	s26 =	sand.u32 $0x1, s24;
	v4 =	vpsel p3, $0xFFFFFFFF, v4  }
0xc5: {  	s29 =	smul.u32 $0x1F40, s26;
	[tilespmem:s25+$0x10] =	vst.msk $0x1, v4  }
0xc6: {  	v4 =	vld [tilespmem:$0x30]  }
0xc7: {  	v5 =	vld [tilespmem:s29+$0x9D40]  }
0xc8: {  	v6 =	vld [tilespmem:s25+$0x40];
	_ =	sdelay $0x3  }
0xc9: {  	vm4 =	vmmov vm1;
	v5 =	vadd.f32 v5, v4  }
0xca: {  	vm5 =	vmmov vm2;
	vm4 =	vmmov @p2 vm2;
	s4 =	sshll.u32 s26, $0x4;
	v4 =	vadd.f32 v6, v4  }
0xcb: {  	s26 =	sor.u32 $0x11A40, s4;
	vm5 =	vmmov @p3 vm1;
	[tilespmem:s29+$0x9D40] =	vst.msk vm4, v5  }
0xcc: {  	[tilespmem:s26+$0x0] =	vst.msk vm5, v4  }
0xcd: {  	v4 =	vld [tilespmem:s29+$0x7DF0];
	_ =	sdelay $0x3  }
0xce: {  	v5 =	vimm.f32 $0.0e+00  }
0xcf: {  	v4 =	vshift.insert v4, v5, s21  }
0xd0: {  	s4 =	sor.u32 $0x40, s2  }
0xd1: {  	[tilespmem:s4+$0x0] =	vst.msk $0x1, v4  }
0xd2: {  	[tilespmem:s29+$0x7DFF] =	vst.msk $0x1, v5  }
0xd3: {  	v4 =	vld [tilespmem:s0+$0x2030];
	_ =	sdelay $0x1  }
0xd4: {  	s4 =	smulhi.u32 $0xAAAAAAAB, s20;
	s0 =	simm.s32 $0x1  }
0xd5: {  	s0 =	simm.s32 @!p0 $0x0  }
0xd6: {  	s4 =	sshrl.u32 s4, $0x1;
	s0 =	smul.u32 $0x7D00, s0  }
0xd7: {  	s4 =	smul.u32 $0xFFFE8900, s4;
	v4 =	vshift.insert v4, v1, s21  }
0xd8: {  	s0 =	sshrl.u32 s0, $0x2  }
0xd9: {  	s4 =	sshra.s32 s4, $0x2;
	s30 =	sadd.s32 $0x9D40, s0;
	[tilespmem:s2+$0x10] =	vst.msk $0x1, v4  }
0xda: {  	s4 =	sadd.s32 s4, s19;
	v6 =	vld [tilespmem:s30+$0x0]  }
0xdb: {  	v7 =	vld [tilespmem:s4+$0x0];
	_ =	sdelay $0x3  }
0xdc: {  	v5 =	vadd.f32 v6, v5  }
0xdd: {  	vm4 =	vne.s32 v7, $0xFFFFFFFF  }
0xde: {  	(xrf2) =	vadd.seg.scan.f32 vm4, v5;
	_ =	sdelay $0x3  }
0xdf: {  	s31 =	sadd.s32 $0x5EC0, s0;
	v5 =	vperm.xlane v4, v1  }
0xe0: {  	v6 =	vld [tilespmem:s31+$0x0]  }
0xe1: {  	vm5 =	veq.s32 v7, v3;
	vm6 =	veq.s32 v7, v5  }
0xe2: {  	vm7 =	vgt.u32 v7, $0xFFFFFFFD;
	vm6 =	vmor vm6, vm5  }
0xe3: {  	vm6 =	vmor vm6, vm7  }
0xe4: {  	v9 =	vld [tilespmem:$0xA0];
	v7 =	vsel vm6, $0xFFFFFFFF, v7  }
0xe5: {  	v10 =	vld [tilespmem:$0x90];
	v6 =	vsel vm5, $0x0, v6;
	v8, _, _ =	vpop (xrf2)  }
0xe6: {  	v6 =	vadd.f32 v8, v6  }
0xe7: {  	s0 =	sadd.s32 $0xDBC0, s0  }
0xe8: {  	vm4 =	vmand vm4, vm3;
	[tilespmem:s0+$0x0] =	vst v6;
	(ifvalue) =	ssetifvalue $0xFFFFFFFF  }
0xe9: {  	vm6 =	veq.s32 v9, $0x1;
	[hbm4b:s1+s16] =	stream.indirect_vreg.scatter [tilespmem:s0], [sflag:$0x2], $0x1, v7, vm0, $0x4038;
	v7 =	vsel vm4, $0x0, v8;
	[tilespmem:$0x11A60] =	vst v63  }
0xea: {  	s2 =	simm.s32 $0x0;
	s4 =	sadd.s32 $0x10, s4;
	vm4 =	vmor vm6, vm5;
	v6 =	vsel vm5, v8, v10;
	v7 =	vshift.insert v7, v0, s21  }
.LBB3_7:
0xeb: {  	v8 =	vld [tilespmem:s4+$0x0];
	s30 =	sadd.s32 $0x10, s30  }
0xec: {  	s31 =	sadd.s32 $0x10, s31;
	v9 =	vld [tilespmem:s30+$0x0]  }
0xed: {  	s2 =	sadd.s32 $0x10, s2;
	v10 =	vld [tilespmem:s31+$0x0]  }
0xee: {  	p2 =	slt.u32 s2, $0x1F30;
	_ =	sdelay $0x2  }
0xef: {  	v7 =	vadd.f32 v9, v7  }
0xf0: {  	vm5 =	vne.s32 v8, $0xFFFFFFFF  }
0xf1: {  	vm6 =	vmand vm5, vm3;
	(xrf2) =	vadd.seg.scan.f32 vm5, v7;
	_ =	sdelay $0x5  }
0xf2: {  	vm7 =	veq.s32 v8, v5;
	vm5 =	veq.s32 v8, v3  }
0xf3: {  	vm8 =	vgt.u32 v8, $0xFFFFFFFD;
	vm4 =	vmor vm4, vm5;
	vm7 =	vmor vm7, vm5  }
0xf4: {  	vm7 =	vmor vm7, vm8  }
0xf5: {  	v8 =	vsel vm7, $0xFFFFFFFF, v8  }
.Ltmp13:
0xf6: {  	v7 =	vsel vm5, $0x0, v10;
	v9, _, _ =	vpop (xrf2);
	(pc) =	sbr.rel @p2 .LBB3_7-.Ltmp13, $4  }
0xf7: {  	v6 =	vsel vm5, v9, v6;
	v10 =	vadd.f32 v9, v7;
	v7 =	vsel vm6, $0x0, v9  }
0xf8: {  	s0 =	sadd.s32 $0x10, s0;
	v7 =	vshift.insert v7, v0, s21  }
0xf9: {  	s4 =	sadd.s32 $0x10, s4;
	[tilespmem:s0+$0x0] =	vst v10;
	(ifvalue) =	ssetifvalue $0xFFFFFFFF  }
0xfa: {  	[hbm4b:s1+s16] =	stream.indirect_vreg.scatter [tilespmem:s0], [sflag:$0x2], $0x1, v8, vm0, $0x4038;
	[tilespmem:$0x11A60] =	vst v63  }
0xfb: {  	v3 =	vld [tilespmem:s29+$0xFAF0];
	_ =	sdelay $0x4  }
0xfc: {  	v3 =	vshift.insert v3, v0, s21;
	_ =	sdelay $0x1  }
0xfd: {  	[tilespmem:s22+$0x0] =	vst.msk $0x1, v3  }
0xfe: {  	v3 =	vsel vm4, $0x1, v1;
	[tilespmem:$0x90] =	vst v6  }
0xff: {  	s0 =	sadd.s32 @!p1 $0xFAFF, s29;
	[tilespmem:$0xA0] =	vst v3  }
0x100: {  	[spmem:s15] =	stream.linear.scatter @!p1 [tilespmem:s0], [sflag:$0x1], $0x1, $0x38;
	[tilespmem:$0x11A60] =	vst v63  }
0x101: {  	s0 =	simm.s32 @!p1 $0x1  }
0x102: {  	v3 =	vmctz.xlane @!p1 vm4;
	_ =	swait.ge @!p1 [sflag:s0], $0x1  }
0x103: {  	(v2sf) =	vpush @!p1 v4, $0x0  }
0x104: {  	(v2sf) =	vpush @!p1 v3, $0x0;
	_ =	sdelay $0xd  }
0x105: {  	s2 =	spop @!p1 (v2sf)  }
0x106: {  	s4 =	spop @!p1 (v2sf)  }
0x107: {  	p2 =	sne.s32 @!p1 s28, s2;
	p3 =	slt.s32 @!p1 s4, $0xF  }
0x108: {  	[sflag:s0] =	ssyncset.done @!p1 $0x0;
	p2 =	por p2, p1;
	p3 =	por !p3, p1  }
0x109: {  	[sflag:s0] =	ssyncadd.s32 @!p1 $0xFFFFFFFF;
	v3 =	vimm.s32 @!p2 $0xFFFFFFFF;
	s4 =	simm.s32 @p3 $0xF  }
0x10a: {  	[tilespmem:$0x80] =	vst @!p2 v3;
	s2 =	sadd.s32 @!p1 $0x90, s4  }
0x10b: {  	[spmem:s5] =	stream.linear.scatter @!p1 [tilespmem:s2], [sflag:$0x1], $0x1, $0x38;
	[tilespmem:$0x11A60] =	vst v63  }
0x10c: {  	_ =	swait.ge @!p1 [sflag:s0], $0x1  }
0x10d: {  	[sflag:s0] =	ssyncset.done @!p1 $0x0  }
0x10e: {  	s2 =	simm.s32 @!p1 $0x80;
	[sflag:s0] =	ssyncadd.s32 @!p1 $0xFFFFFFFF  }
0x10f: {  	[spmem:s13] =	stream.linear.scatter @!p1 [tilespmem:s2], [sflag:$0x1], $0x1, $0x38;
	[tilespmem:$0x11A60] =	vst v63  }
0x110: {  	_ =	swait.ge @!p1 [sflag:s0], $0x1  }
0x111: {  	[sflag:s0] =	ssyncset.done @!p1 $0x0  }
0x112: {  	[sflag:s0] =	ssyncadd.s32 @!p1 $0xFFFFFFFF;
	(ifvalue) =	ssetifvalue $0xFFFFFFFF;
	v3 =	vld [tilespmem:s25+$0x10];
	_ =	sdelay $0x3  }
.Ltmp14:
0x113: {  	_ = 	snop;
	(pc) =	sbr.rel .LBB3_9-.Ltmp14, $3  }
0x114: {  	_ =	sdelay $0x1  }
0x115: {  	(ifvalue) =	ssetifvalue $0xFFFFFFFF  }
0x116: {  	[hbm4b:s1+s16] =	stream.indirect_vreg.scatter [tilespmem:s26], [sflag:$0x9], $0x1, v3, vm0, $0x4038;
	[tilespmem:$0x11A60] =	vst v63  }
.LBB3_10:
0x117: {  	_ =	sfence.sel $0x180000  }
0x118: {  	s0 =	simm.s32 $0x7;
	[bflag:$0x0] =	sbarrier.arrive $0xFFFF  }
0x119: {  	s26 =	simm.s32 $0x8;
	[sflag:s0] =	ssyncpa.u1 $0x1  }
0x11a: {  	s28 =	simm.s32 $0x9;
	[sflag:s26] =	ssyncpa.u1 $0x1  }
0x11b: {  	[sflag:s28] =	ssyncpa.u1 $0x1  }
0x11c: {  	_ =	sfence.stream.spmem  }
0x11d: {  	s29 =	simm.s32 $0x3;
	[bflag:$0x0] =	sbarrier.arrive $0xFFFF  }
0x11e: {  	s30 =	simm.s32 $0x4;
	[sflag:s29] =	ssyncpa.u1 $0x1  }
0x11f: {  	s31 =	simm.s32 $0x3C;
	s2 =	stileid.u32;
	[sflag:s30] =	ssyncpa.u1 $0x1  }
0x120: {  	p0 =	sne.s32 s2, $0x0;
	[sflag:s31] =	ssyncpa.u1 $0x1  }
0x121: {  	s0 =	simm.s32 @p0 $0x1;
	_ =	sfence @p0  }
0x122: {  	[sflag:s0] =	ssyncpa.u1 @p0 $0x1;
	s0 =	simm.s32 @p0 $0x2  }
0x123: {  	[sflag:s0] =	ssyncpa.u1 @p0 $0x1  }
0x124: {  	_ =	strace @p0 $0x9000004A  }
0x125: {  	[bflag:$0x2] =	sbarrier.arrive @p0 $0xFFFF  }
0x126: {  	_ =	shalt @p0  }
.LBB3_11:
0x127: {  	_ =	sfence.stream.spmem;
	s0 =	simm.s32 $0x5  }
0x128: {  	s2 =	simm.s32 $0x80;
	s3 =	simm.s32 $0xC0;
	[sflag:s0] =	ssyncpa.u1 $0x0  }
0x129: {  	[tilespmem:s3], [sflag:$0x5] =	stream.linear.gather [spmem:s2], $0x20, $0x38;
	[tilespmem:$0x11A60] =	vst v63  }
0x12a: {  	s2 =	simm.s32 $0x0;
	s3 =	simm.s32 $0xE0  }
0x12b: {  	[tilespmem:s3], [sflag:$0x5] =	stream.linear.gather [spmem:s2], $0x20, $0x38;
	[tilespmem:$0x11A60] =	vst v63  }
.Ltmp15:
0x12c: {  	_ = 	snop;
	(pc) =	sbr.rel .LBB3_12-.Ltmp15, $4  }
0x12d: {  	_ =	swait.ge [sflag:s0], $0x40  }
0x12e: {  	[sflag:s0] =	ssyncset.done $0x0  }
0x12f: {  	s31 =	simm.s32 $0x6;
	[sflag:s0] =	ssyncadd.s32 $0xFFFFFFC0  }
0x130: {  	s4 =	simm.s32 $0x0;
	[sflag:s31] =	ssyncpa.u1 $0x0  }
.LBB3_17:
0x131: {  	p0 =	sgt.u32 s5, $0x27FF  }
0x132: {  	s0 =	sshrl.u32 @!p0 s5, $0x3  }
0x133: {  	s5 =	sand.u32 @!p0 $0x7, s5;
	s6 =	simm.s32 @!p0 $0xB0;
	s0 =	sadd.s32 @!p0 s1, s0  }
0x134: {  	[tilespmem:s6], [sflag:$0x6] =	stream.linear.gather @!p0 [hbm4b:s0+s5], $0x1, $0x38;
	[tilespmem:$0x11A60] =	vst v63  }
0x135: {  	s0 =	simm.s32 @!p0 $0x6  }
0x136: {  	_ =	swait.ge @!p0 [sflag:s0], $0x1  }
0x137: {  	[sflag:s0] =	ssyncset.done @!p0 $0x0  }
0x138: {  	[sflag:s0] =	ssyncadd.s32 @!p0 $0xFFFFFFFF  }
0x139: {  	v2 =	vmov @!p0 s4;
	v1 =	vld.msk @!p0 [tilespmem:$0xB0], $0x1;
	_ =	sdelay $0x3  }
0x13a: {  	s0 =	simm.s32 @!p0 $0xE0  }
0x13b: {  	[tilespmem:v2+s0+$0x0], v1 =	vst.idx.ret.add.f32.msk @!p0 $0x1, v1  }
0x13c: {  	[tilespmem:s2+$0xC0] =	vst.msk $0x1, v0  }
0x13d: {  	v0 =	vld.msk [tilespmem:s4+$0xE0], $0x1;
	_ =	sdelay $0x4  }
0x13e: {  	[tilespmem:s2+$0xE0] =	vst.msk $0x1, v0;
	s2 =	sadd.s32 $0x1, s2  }
.LBB3_19:
0x13f: {  	s4 =	sadd.s32 $0x1, s4  }
0x140: {  	p0 =	sne.s32 s4, $0x20  }
.Ltmp16:
0x141: {  	_ = 	snop;
	(pc) =	sbr.rel @!p0 .LBB3_20-.Ltmp16, $1  }
0x142: {  	_ =	sdelay $0x3  }
.LBB3_12:
0x143: {  	v0 =	vld.msk [tilespmem:s4+$0xC0], $0x1;
	_ =	sdelay $0x4  }
0x144: {  	(v2sf) =	vpush v0, $0x0;
	_ =	sdelay $0xe  }
0x145: {  	s5 =	spop (v2sf)  }
0x146: {  	p0 =	seq.s32 s5, $0xFFFFFFFF  }
.Ltmp17:
0x147: {  	_ = 	snop;
	(pc) =	sbr.rel @p0 .LBB3_19-.Ltmp17, $1  }
0x148: {  	_ =	sdelay $0x3  }
0x149: {  	p0 =	slt.s32 s2, $0x1  }
.Ltmp18:
0x14a: {  	_ = 	snop;
	(pc) =	sbr.rel @p0 .LBB3_17-.Ltmp18, $1  }
0x14b: {  	_ =	sdelay $0x3  }
0x14c: {  	s0 =	simm.s32 $0xC0;
	p0 =	por $0x0, $0x0  }
0x14d: {  	v1 =	vld.msk @!p0 [tilespmem:s0+$0x0], $0x1;
	_ =	sdelay $0x4  }
0x14e: {  	(v2sf) =	vpush @!p0 v1, $0x0;
	_ =	sdelay $0xd  }
0x14f: {  	p2 =	sne.s32 s2, $0x1  }
.Ltmp19:
0x150: {  	s6 =	spop @!p0 (v2sf);
	(pc) =	sbr.rel @!p2 .LBB3_16-.Ltmp19, $4  }
0x151: {  	p1 =	seq.s32 @!p0 s5, s6  }
0x152: {  	s6 =	simm.s32 $0x0;
	p1 =	por !p1, p0  }
0x153: {  	s8 =	simm.s32 $0xFFFFFFFF;
	s6 =	simm.s32 @p1 $0xFFFFFFFF  }
0x154: {  	s7 =	simm.s32 $0x1;
	s6 =	smov.u32 @p0 s8  }
.LBB3_15:
0x155: {  	s8 =	smov.u32 s6;
	p0 =	sne.s32 s6, $0xFFFFFFFF  }
0x156: {  	s0 =	sadd.s32 $0x1, s0;
	s6 =	smov.u32 s7;
	s7 =	sadd.s32 $0x1, s7  }
0x157: {  	p1 =	sne.s32 s2, s7;
	v1 =	vld.msk @!p0 [tilespmem:s0+$0x0], $0x1;
	_ =	sdelay $0x4  }
0x158: {  	(v2sf) =	vpush @!p0 v1, $0x0;
	_ =	sdelay $0xe  }
.Ltmp20:
0x159: {  	s9 =	spop @!p0 (v2sf);
	(pc) =	sbr.rel @p1 .LBB3_15-.Ltmp20, $4  }
0x15a: {  	p2 =	seq.s32 @!p0 s5, s9  }
0x15b: {  	p2 =	por !p2, p0  }
0x15c: {  	s6 =	simm.s32 @p2 $0xFFFFFFFF  }
0x15d: {  	s6 =	smov.u32 @p0 s8  }
.LBB3_16:
0x15e: {  	p0 =	sne.s32 s6, $0xFFFFFFFF  }
.Ltmp21:
0x15f: {  	_ = 	snop;
	(pc) =	sbr.rel @!p0 .LBB3_17-.Ltmp21, $1  }
0x160: {  	_ =	sdelay $0x3  }
0x161: {  	v0 =	vld.msk [tilespmem:s4+$0xE0], $0x1;
	v1 =	vmov s6  }
.Ltmp22:
0x162: {  	_ = 	snop;
	(pc) =	sbr.rel .LBB3_19-.Ltmp22, $2  }
0x163: {  	_ =	sdelay $0x2  }
0x164: {  	[tilespmem:v1+s3+$0x0], v0 =	vst.idx.ret.add.f32.msk $0x1, v0  }
.LBB3_20:
0x165: {  	p0 =	slt.s32 s2, $0x1  }
.Ltmp23:
0x166: {  	_ = 	snop;
	(pc) =	sbr.rel @p0 .LBB3_24-.Ltmp23, $3  }
0x167: {  	_ =	sdelay $0x1  }
0x168: {  	s0 =	simm.s32 $0x6  }
0x169: {  	s3 =	simm.s32 $0x0;
	[sflag:s0] =	ssyncpa.u1 $0x1  }
0x16a: {  	s0 =	simm.s32 $0xC0  }
0x16b: {  	v0 =	vld.msk [tilespmem:s0+$0x0], $0x1;
	_ =	sdelay $0x4  }
0x16c: {  	(v2sf) =	vpush v0, $0x0;
	_ =	sdelay $0xe  }
0x16d: {  	s2 =	sadd.s32 $0xFFFFFFFF, s2;
	s4 =	spop (v2sf)  }
0x16e: {  	p1 =	sne.s32 s2, $0x0;
	p0 =	sgt.u32 s4, $0x27FF  }
.Ltmp24:
0x16f: {  	s5 =	sshrl.u32 @!p0 s4, $0x3;
	(pc) =	sbr.rel @!p1 .LBB3_23-.Ltmp24, $4  }
0x170: {  	s0 =	simm.s32 $0xE0;
	s4 =	sand.u32 @!p0 $0x7, s4;
	s5 =	sadd.s32 @!p0 s1, s5  }
0x171: {  	[hbm4b:s5+s4] =	stream.linear.scatter @!p0 [tilespmem:s0], [sflag:$0x5], $0x1, $0x38;
	[tilespmem:$0x11A60] =	vst v63  }
0x172: {  	s5 =	simm.s32 $0x0  }
0x173: {  	s4 =	simm.s32 $0xC1;
	s5 =	simm.s32 @!p0 $0x4  }
.LBB3_22:
0x174: {  	v0 =	vld.msk [tilespmem:s4+$0x0], $0x1;
	s2 =	sadd.s32 $0xFFFFFFFF, s2;
	s3 =	sadd.s32 s3, s5  }
0x175: {  	p0 =	sne.s32 s2, $0x0;
	_ =	sdelay $0x3  }
0x176: {  	(v2sf) =	vpush v0, $0x0;
	_ =	sdelay $0xe  }
.Ltmp25:
0x177: {  	s6 =	spop (v2sf);
	(pc) =	sbr.rel @p0 .LBB3_22-.Ltmp25, $4  }
0x178: {  	s5 =	simm.s32 $0x0;
	p1 =	sgt.u32 s6, $0x27FF  }
0x179: {  	s0 =	sadd.s32 $0x1, s0;
	s5 =	simm.s32 @!p1 $0x4;
	s7 =	sshrl.u32 @!p1 s6, $0x3  }
0x17a: {  	s4 =	sadd.s32 $0x1, s4;
	s6 =	sand.u32 @!p1 $0x7, s6;
	s7 =	sadd.s32 @!p1 s1, s7  }
0x17b: {  	[hbm4b:s7+s6] =	stream.linear.scatter @!p1 [tilespmem:s0], [sflag:$0x5], $0x1, $0x38;
	[tilespmem:$0x11A60] =	vst v63  }
.LBB3_23:
0x17c: {  	s0 =	sadd.s32 s3, s5  }
0x17d: {  	s3 =	sshrl.u32 s0, $0x2  }
.LBB3_24:
0x17e: {  	s0 =	simm.s32 $0x5  }
0x17f: {  	_ =	swait.ge [sflag:s0], s3  }
0x180: {  	s1 =	ssub.s32 $0x0, s3;
	[sflag:s0] =	ssyncset.done $0x0  }
0x181: {  	[sflag:s0] =	ssyncadd.s32 s1  }
0x182: {  	[sflag:s0] =	ssyncpa.u1 $0x1  }
0x183: {  	s29 =	simm.s32 $0x1;
	_ =	sfence  }
0x184: {  	s30 =	simm.s32 $0x2;
	[sflag:s29] =	ssyncpa.u1 $0x1  }
0x185: {  	[sflag:s30] =	ssyncpa.u1 $0x1  }
0x186: {  	_ =	strace $0x9000004A  }
0x187: {  	[bflag:$0x2] =	sbarrier.arrive $0xFFFF  }
0x188: {  	s31 =	rddreg [dreg:$0x3]  }
0x189: {  	s0 =	sadd.s32 $0x100000, s31  }
0x18a: {  	[sflag:s0] =	ssyncadd.tile.s32 $0x1;
	_ =	shalt  }
.Lfunc_end3:
_tile_overlayer_lowered:
.L_overlay_start_3:
0x18b: {  	(tag) =	ssettag $0x3  }
0x18c: {  	s0 =	rddreg [dreg:$0x0];
	s2 =	stileid.u32  }
0x18d: {  	s1 =	rddreg [dreg:$0x1];
	p0 =	sne.s32 s2, $0x0  }
0x18e: {  	s3 =	rddreg [dreg:$0x2];
	[bflag:$0x3] =	sbarrier.arrive $0xFFFF;
	s2 =	simm.s32 @!p0 $0x1C01  }
0x18f: {  	[timem:s3], [sflag:s2] =	dma.local @!p0 [hbm:s0], s1  }
0x190: {  	s0 =	simm.s32 @!p0 $0x1  }
0x191: {  	_ =	swait.ge @!p0 [sflag:s0], s1  }
0x192: {  	s1 =	ssub.s32 @!p0 $0x0, s1;
	[sflag:s0] =	ssyncset.done @!p0 $0x0  }
0x193: {  	[sflag:s0] =	ssyncadd.s32 @!p0 s1  }
0x194: {  	[bflag:$0x3] =	sbarrier.arrive $0xFFFF  }
0x195: {  	_ =	shalt  }

</sc_bundles>
